<compile_context>
chip_gen: v7x
topology: tpu7x:2x2x1
jax: 0.10.2.dev20260603
libtpu: 0.0.44.dev20260713+nightly
codegen_flags: <defaults>
</compile_context>

<pallas_src>
import functools

import jax
import jax.numpy as jnp
from jax import lax
from jax.experimental import pallas as pl
from jax.experimental.pallas import tpu as pltpu
from jax.experimental.pallas import tpu_sc as plsc

N = 10000
E = 320000
NPAD = 10240
ROWS_PT = NPAD // 16
NGRP = ROWS_PT // 16
NC = 2
NS = 16
NW = NC * NS
EPW = E // NW
CHUNK = 128
NCHF = EPW // CHUNK
TAIL = EPW - NCHF * CHUNK
HCH = 80
NHC = EPW // HCH
HROWS = ROWS_PT // 2
NBUF = 6

_MESH = plsc.VectorSubcoreMesh(core_axis_name="c", subcore_axis_name="s")
_SC_PARAMS = pltpu.CompilerParams(use_tc_tiling_on_sc=False,
                                  needs_layout_passes=False)


def _fast_rsqrt(x):
    i = plsc.bitcast(x, jnp.int32)
    i = 0x5F3759DF - lax.shift_right_logical(i, 1)
    y = plsc.bitcast(i, jnp.float32)
    xh = 0.5 * x
    for _ in range(3):
        y = y * (1.5 - xh * y * y)
    return jnp.where(x > 0.0, y, 0.0)


def _zero_acc(zeros_hbm, acc_sh, row0):
    pltpu.sync_copy(zeros_hbm.at[pl.ds(row0, ROWS_PT)],
                    acc_sh.at[pl.ds(row0, ROWS_PT)])


def _agg_pipeline(table_hbm, sidx_v, didx_v, rows_v, acc_sh, gsem, ssem):
    def sidx(j):
        return sidx_v.at[pl.ds(j * CHUNK, CHUNK)]

    def didx(j):
        return didx_v.at[pl.ds(j * CHUNK, CHUNK)]

    for b in range(NBUF - 1):
        pltpu.async_copy(table_hbm.at[sidx(b)], rows_v.at[b], gsem.at[b])

    def body(j, carry):
        b = lax.rem(j, NBUF)
        pltpu.make_async_copy(table_hbm.at[sidx(j)], rows_v.at[b],
                              gsem.at[b]).wait()
        pltpu.async_copy(rows_v.at[b], acc_sh.at[didx(j)],
                         ssem.at[b], add=True)
        g = j + NBUF - 1
        bg = lax.rem(g, NBUF)

        @pl.when(jnp.logical_and(j >= 1, g < NCHF))
        def _wait_prev_scatter():
            pltpu.make_async_copy(rows_v.at[bg], acc_sh.at[didx(0)],
                                  ssem.at[bg]).wait()

        @pl.when(g < NCHF)
        def _issue_gather():
            pltpu.async_copy(table_hbm.at[sidx(g)], rows_v.at[bg],
                             gsem.at[bg])

        return carry

    lax.fori_loop(0, NCHF, body, 0)
    for k in range(NBUF):
        b = (NCHF - NBUF + k) % NBUF
        pltpu.make_async_copy(rows_v.at[b], acc_sh.at[didx(0)],
                              ssem.at[b]).wait()
    toff = NCHF * CHUNK
    pltpu.async_copy(table_hbm.at[sidx_v.at[pl.ds(toff, TAIL)]],
                     rows_v.at[0, pl.ds(0, TAIL)], gsem.at[0])
    pltpu.make_async_copy(table_hbm.at[sidx_v.at[pl.ds(toff, TAIL)]],
                          rows_v.at[0, pl.ds(0, TAIL)], gsem.at[0]).wait()
    pltpu.sync_copy(rows_v.at[0, pl.ds(0, TAIL)],
                    acc_sh.at[didx_v.at[pl.ds(toff, TAIL)]], add=True)



def _sca_body(z_hbm, ei_hbm, zeros_hbm,
              s1_out, y1_out, dinv_out,
              sidx_v, didx_v, hist_v, red_v, zrow_v, dinv32_v, dinv_v,
              rows_v, hist_sh, acc_sh, gsem, ssem):
    cid = lax.axis_index("c")
    sid = lax.axis_index("s")
    wid = 2 * sid + cid
    row0 = sid * ROWS_PT

    def zero_hist(i, c):
        for u in range(8):
            hist_v[pl.ds(i * 128 + u * 16, 16)] = jnp.zeros((16,), jnp.float32)
        return c

    lax.fori_loop(0, NPAD // 128, zero_hist, 0)
    ones16 = jnp.ones((16,), jnp.float32)

    def mk_hist_row(buf):
        def hist_row(i, c):
            for u in range(5):
                for k in range(HCH // 16):
                    idx16 = buf[pl.ds((i * 5 + u) * HCH + k * 16, 16)]
                    plsc.addupdate_scatter(hist_v, [idx16], ones16)
            return c
        return hist_row

    with jax.named_scope("p1_hist"):
        pltpu.async_copy(ei_hbm.at[1, pl.ds(2 * sid * EPW, EPW)],
                         didx_v, gsem.at[0])
        pltpu.async_copy(ei_hbm.at[1, pl.ds((2 * sid + 1) * EPW, EPW)],
                         sidx_v, gsem.at[1])
        pltpu.async_copy(z_hbm.at[pl.ds(row0, HROWS), pl.ds(0, 32)],
                         zrow_v, gsem.at[2])
        pltpu.make_async_copy(ei_hbm.at[1, pl.ds(2 * sid * EPW, EPW)],
                              didx_v, gsem.at[0]).wait()
        lax.fori_loop(0, NHC // 5, mk_hist_row(didx_v), 0)
        pltpu.make_async_copy(ei_hbm.at[1, pl.ds(2 * sid * EPW, EPW)],
                              sidx_v, gsem.at[1]).wait()
        lax.fori_loop(0, NHC // 5, mk_hist_row(sidx_v), 0)
        pltpu.sync_copy(hist_v, hist_sh.at[sid])
        plsc.subcore_barrier()
        pltpu.sync_copy(hist_sh.at[:, pl.ds(row0, ROWS_PT)], red_v)

    def reduce_grp(g, c):
        acc = jnp.zeros((16,), jnp.float32)
        for k in range(NS):
            acc = acc + red_v[k, pl.ds(g * 16, 16)]
        dinv_v[pl.ds(g * 16, 16)] = _fast_rsqrt(acc)
        return c

    with jax.named_scope("p2_reduce"):
        lax.fori_loop(0, NGRP, reduce_grp, 0)

    for half in range(2):
        hbase = half * HROWS

        def scale_row(i, c):
            for u in range(4):
                r = i * 4 + u
                idxr = jnp.broadcast_to(hbase + r, (16,)).astype(jnp.int32)
                dv = plsc.load_gather(dinv_v, [idxr])
                zrow_v[r, pl.ds(0, 16)] = zrow_v[r, pl.ds(0, 16)] * dv
                zrow_v[r, pl.ds(16, 16)] = zrow_v[r, pl.ds(16, 16)] * dv
                dinv32_v[r, pl.ds(0, 16)] = dv
                dinv32_v[r, pl.ds(16, 16)] = dv
            return c

        with jax.named_scope("p2_scale"):
            pltpu.make_async_copy(
                z_hbm.at[pl.ds(row0 + hbase, HROWS), pl.ds(0, 32)],
                zrow_v, gsem.at[2]).wait()
            lax.fori_loop(0, HROWS // 4, scale_row, 0)
        pltpu.sync_copy(
            zrow_v, y1_out.at[pl.ds(cid * NPAD + row0 + hbase, HROWS)])
        if half == 0:
            pltpu.async_copy(z_hbm.at[pl.ds(row0 + HROWS, HROWS), pl.ds(0, 32)],
                             zrow_v, gsem.at[2])

        @pl.when(cid == 0)
        def _dump_dinv():
            pltpu.sync_copy(dinv32_v, dinv_out.at[pl.ds(row0 + hbase, HROWS),
                                                  pl.ds(0, 32)])

    _zero_acc(zeros_hbm, acc_sh, row0)
    pltpu.sync_copy(ei_hbm.at[0, pl.ds(wid * EPW, EPW)], sidx_v)
    pltpu.sync_copy(ei_hbm.at[1, pl.ds(wid * EPW, EPW)], didx_v)
    off16 = jnp.broadcast_to(cid * NPAD, (16,)).astype(jnp.int32)

    def offset_chunk(j, c):
        for k in range(HCH // 16):
            sl = pl.ds(j * HCH + k * 16, 16)
            sidx_v[sl] = sidx_v[sl] + off16
        return c

    lax.fori_loop(0, NHC, offset_chunk, 0)
    plsc.subcore_barrier()

    with jax.named_scope("p3_agg"):
        _agg_pipeline(y1_out, sidx_v, didx_v, rows_v, acc_sh, gsem, ssem)
    plsc.subcore_barrier()
    pltpu.sync_copy(acc_sh.at[pl.ds(row0, ROWS_PT)],
                    s1_out.at[pl.ds(row0, ROWS_PT), pl.ds(cid * 32, 32)])


_sca_call = functools.partial(
    pl.kernel,
    out_type=(
        jax.ShapeDtypeStruct((NPAD, 128), jnp.float32),
        jax.ShapeDtypeStruct((NC * NPAD, 32), jnp.float32),
        jax.ShapeDtypeStruct((NPAD, 128), jnp.float32),
    ),
    mesh=_MESH,
    compiler_params=_SC_PARAMS,
    scratch_types=[
        pltpu.VMEM((EPW,), jnp.int32),
        pltpu.VMEM((EPW,), jnp.int32),
        pltpu.VMEM((NPAD,), jnp.float32),
        pltpu.VMEM((NS, ROWS_PT), jnp.float32),
        pltpu.VMEM((HROWS, 32), jnp.float32),
        pltpu.VMEM((HROWS, 32), jnp.float32),
        pltpu.VMEM((ROWS_PT,), jnp.float32),
        pltpu.VMEM((NBUF, CHUNK, 32), jnp.float32),
        pltpu.VMEM_SHARED((NS, NPAD), jnp.float32),
        pltpu.VMEM_SHARED((NPAD, 32), jnp.float32),
        pltpu.SemaphoreType.DMA((NBUF,)),
        pltpu.SemaphoreType.DMA((NBUF,)),
    ],
)(_sca_body)



def _scb_body(s1p_hbm, dinv_hbm, b1_hbm, ei_hbm, zeros_hbm,
              s2_out, y2_out,
              sidx_v, didx_v, s0row_v, s1row_v, dinv32_v, b1_v,
              rows_v, acc_sh, gsem, ssem):
    cid = lax.axis_index("c")
    sid = lax.axis_index("s")
    wid = 2 * sid + cid
    row0 = sid * ROWS_PT

    pltpu.sync_copy(b1_hbm, b1_v)

    def mid_row(i, c):
        for u in range(4):
            r = i * 4 + u
            for k in range(2):
                sl = pl.ds(k * 16, 16)
                s = s0row_v[r, sl] + s1row_v[r, sl]
                dv = dinv32_v[r, sl]
                h = jnp.maximum(dv * s + b1_v[sl], 0.0)
                s0row_v[r, sl] = dv * h
        return c

    with jax.named_scope("q1_mid"):
        pltpu.async_copy(ei_hbm.at[0, pl.ds(wid * EPW, EPW)], sidx_v,
                         gsem.at[3])
        pltpu.async_copy(ei_hbm.at[1, pl.ds(wid * EPW, EPW)], didx_v,
                         gsem.at[4])
        for half in range(2):
            hbase = half * HROWS
            rsl = pl.ds(row0 + hbase, HROWS)
            pltpu.async_copy(s1p_hbm.at[rsl, pl.ds(0, 32)],
                             s0row_v, gsem.at[0])
            pltpu.async_copy(s1p_hbm.at[rsl, pl.ds(32, 32)],
                             s1row_v, gsem.at[1])
            pltpu.async_copy(dinv_hbm.at[rsl, pl.ds(0, 32)],
                             dinv32_v, gsem.at[2])
            pltpu.make_async_copy(s1p_hbm.at[rsl, pl.ds(0, 32)],
                                  s0row_v, gsem.at[0]).wait()
            pltpu.make_async_copy(s1p_hbm.at[rsl, pl.ds(32, 32)],
                                  s1row_v, gsem.at[1]).wait()
            pltpu.make_async_copy(dinv_hbm.at[rsl, pl.ds(0, 32)],
                                  dinv32_v, gsem.at[2]).wait()
            lax.fori_loop(0, HROWS // 4, mid_row, 0)
            pltpu.sync_copy(
                s0row_v, y2_out.at[pl.ds(cid * NPAD + row0 + hbase, HROWS)])

    _zero_acc(zeros_hbm, acc_sh, row0)
    pltpu.make_async_copy(ei_hbm.at[0, pl.ds(wid * EPW, EPW)], sidx_v,
                          gsem.at[3]).wait()
    pltpu.make_async_copy(ei_hbm.at[1, pl.ds(wid * EPW, EPW)], didx_v,
                          gsem.at[4]).wait()
    off16 = jnp.broadcast_to(cid * NPAD, (16,)).astype(jnp.int32)

    def offset_chunk(j, c):
        for k in range(HCH // 16):
            sl = pl.ds(j * HCH + k * 16, 16)
            sidx_v[sl] = sidx_v[sl] + off16
        return c

    lax.fori_loop(0, NHC, offset_chunk, 0)
    plsc.subcore_barrier()

    with jax.named_scope("q2_agg"):
        _agg_pipeline(y2_out, sidx_v, didx_v, rows_v, acc_sh, gsem, ssem)
    plsc.subcore_barrier()
    pltpu.sync_copy(acc_sh.at[pl.ds(row0, ROWS_PT)],
                    s2_out.at[pl.ds(row0, ROWS_PT), pl.ds(cid * 32, 32)])


_scb_call = functools.partial(
    pl.kernel,
    out_type=(
        jax.ShapeDtypeStruct((NPAD, 128), jnp.float32),
        jax.ShapeDtypeStruct((NC * NPAD, 32), jnp.float32),
    ),
    mesh=_MESH,
    compiler_params=_SC_PARAMS,
    scratch_types=[
        pltpu.VMEM((EPW,), jnp.int32),
        pltpu.VMEM((EPW,), jnp.int32),
        pltpu.VMEM((HROWS, 32), jnp.float32),
        pltpu.VMEM((HROWS, 32), jnp.float32),
        pltpu.VMEM((HROWS, 32), jnp.float32),
        pltpu.VMEM((32,), jnp.float32),
        pltpu.VMEM((NBUF, CHUNK, 32), jnp.float32),
        pltpu.VMEM_SHARED((NPAD, 32), jnp.float32),
        pltpu.SemaphoreType.DMA((NBUF,)),
        pltpu.SemaphoreType.DMA((NBUF,)),
    ],
)(_scb_body)



def _mm_body(x_ref, w_ref, z_ref):
    z = jnp.dot(x_ref[...], w_ref[...], preferred_element_type=jnp.float32)
    z = jnp.concatenate([z, jnp.zeros((NPAD - N, 32), jnp.float32)], axis=0)
    z_ref[...] = jnp.concatenate(
        [z, jnp.zeros((NPAD, 96), jnp.float32)], axis=1)


_mm_call = pl.pallas_call(
    _mm_body,
    out_shape=jax.ShapeDtypeStruct((NPAD, 128), jnp.float32),
)


def _out_body(s2p_ref, dinv_ref, wmu_ref, bmu_ref, wls_ref, bls_ref,
              mu_ref, ls_ref):
    s2p = s2p_ref[:N]
    agg = dinv_ref[:N, 0:32] * (s2p[:, 0:32] + s2p[:, 32:64])
    mu_ref[...] = jnp.dot(agg, wmu_ref[...],
                          preferred_element_type=jnp.float32) + bmu_ref[...]
    ls_ref[...] = jnp.dot(agg, wls_ref[...],
                          preferred_element_type=jnp.float32) + bls_ref[...]


_out_call = pl.pallas_call(
    _out_body,
    out_shape=(
        jax.ShapeDtypeStruct((N, 16), jnp.float32),
        jax.ShapeDtypeStruct((N, 16), jnp.float32),
    ),
)



def kernel(x, edge_index, W1, b1, Wmu, bmu, Wls, bls):
    ei = edge_index.astype(jnp.int32)
    zeros32 = jnp.zeros((NPAD, 32), jnp.float32)

    z = _mm_call(x, W1)
    s1p, _y1, dinv32 = _sca_call(z, ei, zeros32)
    s2p, _y2 = _scb_call(s1p, dinv32, b1, ei, zeros32)
    mu, ls = _out_call(s2p, dinv32, Wmu, bmu.reshape(1, 16),
                       Wls, bls.reshape(1, 16))
    return (mu, ls)

# --- scband reference (transcript-rebuilt; emitter-appended) ---
"""Pipeline reference for scband-variational-gcnencoder-61718680044348 (READ-ONLY COPY).

The authoritative reference and input builder live on the scoring server;
editing this copy changes nothing except your own understanding.
"""

import jax, jax.numpy as jnp
import numpy as np

N_NODES = 10000
N_EDGES = 320000
IN_CH = 128
OUT_CH = 16
HID = 2 * OUT_CH


def setup_inputs(seed: int = 0) -> dict:
    key = jax.random.key(seed)
    ks = jax.random.split(key, 8)
    x = jax.random.normal(ks[0], (N_NODES, IN_CH), dtype=jnp.float32)
    edge_index = jax.random.randint(ks[1], (2, N_EDGES), 0, N_NODES, dtype=jnp.int64 if jax.config.jax_enable_x64 else jnp.int32)
    # learned parameters (glorot-ish init)
    W1 = jax.random.normal(ks[2], (IN_CH, HID), dtype=jnp.float32) * (1.0 / np.sqrt(IN_CH))
    b1 = jnp.zeros((HID,), dtype=jnp.float32)
    Wmu = jax.random.normal(ks[3], (HID, OUT_CH), dtype=jnp.float32) * (1.0 / np.sqrt(HID))
    bmu = jnp.zeros((OUT_CH,), dtype=jnp.float32)
    Wls = jax.random.normal(ks[4], (HID, OUT_CH), dtype=jnp.float32) * (1.0 / np.sqrt(HID))
    bls = jnp.zeros((OUT_CH,), dtype=jnp.float32)
    return {"x": x, "edge_index": edge_index, "W1": W1, "b1": b1, "Wmu": Wmu, "bmu": bmu, "Wls": Wls, "bls": bls}


def _gcn_conv(x, edge_index, W, b, norm):
    # PyG GCNConv with add_self_loops=False:
    #   out[dst] += norm[e] * (x @ W)[src];  out += b
    src = edge_index[0]
    dst = edge_index[1]
    h = x @ W
    msg = jnp.take(h, src, axis=0) * norm[:, None]
    out = jnp.zeros((x.shape[0], W.shape[1]), dtype=h.dtype).at[dst].add(msg)
    return out + b


def _gcn_norm(edge_index, n_nodes):
    src = edge_index[0]
    dst = edge_index[1]
    deg = jnp.zeros((n_nodes,), dtype=jnp.float32).at[dst].add(1.0)
    dinv = jnp.where(deg > 0, 1.0 / jnp.sqrt(jnp.maximum(deg, 1e-12)), 0.0)
    return dinv[src] * dinv[dst]


def reference(x, edge_index, W1, b1, Wmu, bmu, Wls, bls):
    norm = _gcn_norm(edge_index, x.shape[0])
    h = _gcn_conv(x, edge_index, W1, b1, norm)
    h = jax.nn.relu(h)
    mu = _gcn_conv(h, edge_index, Wmu, bmu, norm)
    logstd = _gcn_conv(h, edge_index, Wls, bls, norm)
    return (mu, logstd)

if __name__ == "__main__":
    import jax
    _d = setup_inputs()
    print(jax.jit(kernel)(*tuple(_d.values())))

</pallas_src>

<mosaic_0001>
#map = affine_map<(d0, d1) -> (0, 0)>
#map1 = affine_map<(d0, d1) -> (0)>
module attributes {stable_mosaic.version = 14 : i64} {
  func.func @_scb_body(%arg0: i32, %arg1: i32, %arg2: memref<10240x128xf32, #tpu.memory_space<hbm>>, %arg3: memref<10240x128xf32, #tpu.memory_space<hbm>>, %arg4: memref<32xf32, #tpu.memory_space<hbm>>, %arg5: memref<2x320000xi32, #tpu.memory_space<hbm>>, %arg6: memref<10240x32xf32, #tpu.memory_space<hbm>>, %arg7: memref<10240x128xf32, #tpu.memory_space<hbm>>, %arg8: memref<20480x32xf32, #tpu.memory_space<hbm>>, %arg9: memref<10000xi32, #tpu.memory_space<vmem>>, %arg10: memref<10000xi32, #tpu.memory_space<vmem>>, %arg11: memref<320x32xf32, #tpu.memory_space<vmem>>, %arg12: memref<320x32xf32, #tpu.memory_space<vmem>>, %arg13: memref<320x32xf32, #tpu.memory_space<vmem>>, %arg14: memref<32xf32, #tpu.memory_space<vmem>>, %arg15: memref<6x128x32xf32, #tpu.memory_space<vmem>>, %arg16: memref<10240x32xf32, #tpu.memory_space<vmem_shared>>, %arg17: memref<6x!tpu.dma_semaphore, #tpu.memory_space<semaphore_mem>>, %arg18: memref<6x!tpu.dma_semaphore, #tpu.memory_space<semaphore_mem>>) attributes {dimension_semantics = [#tpu.dimension_semantics<core_parallel>, #tpu.dimension_semantics<subcore_parallel>], iteration_bounds = array<i64: 2, 16>, scalar_prefetch = 0 : i64, scratch_operands = 10 : i64, tpu.core_type = #tpu.core_type<sc_vector_subcore>, window_params = [{transform_indices = #map}, {transform_indices = #map}, {transform_indices = #map1}, {transform_indices = #map}, {transform_indices = #map}, {transform_indices = #map}, {transform_indices = #map}]} {
    %mul3A = arith.constant 2 : i32
    %mul3A_0 = arith.muli %mul3A, %arg1 : i32
    %add3A = arith.addi %mul3A_0, %arg0 : i32
    %mul3A_1 = arith.constant 640 : i32
    %mul3A_2 = arith.muli %arg1, %mul3A_1 : i32
    "tpu.region"() ({
      %run_scoped3A_336 = tpu.sem_alloc : memref<!tpu.dma_semaphore, #tpu.memory_space<semaphore_mem>>
      tpu.enqueue_dma source(%arg4 : memref<32xf32, #tpu.memory_space<hbm>>) target(%arg14 : memref<32xf32, #tpu.memory_space<vmem>>) target_semaphore(%run_scoped3A_336 : memref<!tpu.dma_semaphore, #tpu.memory_space<semaphore_mem>>)
      tpu.wait_dma2 semaphore(%run_scoped3A_336 : memref<!tpu.dma_semaphore, #tpu.memory_space<semaphore_mem>>) src(%arg4 : memref<32xf32, #tpu.memory_space<hbm>>) dst(%arg14 : memref<32xf32, #tpu.memory_space<vmem>>)
      tpu.yield
    }) : () -> ()
    "tpu.trace_start"() <{level = 10 : i32, message = "q1_mid"}> : () -> ()
    %mul3A_3 = arith.constant 10000 : i32
    %mul3A_4 = arith.muli %add3A, %mul3A_3 : i32
    %dma_start3A = arith.constant 0 : i32
    %dma_start3A_5 = arith.constant 3 : i32
    %dma_start3A_6 = tpu.memref_slice %arg5[%dma_start3A, %mul3A_4] : memref<2x320000xi32, #tpu.memory_space<hbm>> -> memref<1x10000xi32, #tpu.memory_space<hbm>>
    %dma_start3A_7 = tpu.memref_squeeze %dma_start3A_6 : memref<1x10000xi32, #tpu.memory_space<hbm>> -> memref<10000xi32, #tpu.memory_space<hbm>>
    %dma_start3A_8 = tpu.memref_slice %arg17[%dma_start3A_5] : memref<6x!tpu.dma_semaphore, #tpu.memory_space<semaphore_mem>> -> memref<1x!tpu.dma_semaphore, #tpu.memory_space<semaphore_mem>>
    %dma_start3A_9 = tpu.memref_squeeze %dma_start3A_8 : memref<1x!tpu.dma_semaphore, #tpu.memory_space<semaphore_mem>> -> memref<!tpu.dma_semaphore, #tpu.memory_space<semaphore_mem>>
    %dma_start3A_10 = tpu.memref_slice %arg5[%dma_start3A, %mul3A_4] : memref<2x320000xi32, #tpu.memory_space<hbm>> -> memref<1x10000xi32, #tpu.memory_space<hbm>>
    %dma_start3A_11 = tpu.memref_squeeze %dma_start3A_10 : memref<1x10000xi32, #tpu.memory_space<hbm>> -> memref<10000xi32, #tpu.memory_space<hbm>>
    tpu.enqueue_dma source(%dma_start3A_11 : memref<10000xi32, #tpu.memory_space<hbm>>) target(%arg9 : memref<10000xi32, #tpu.memory_space<vmem>>) target_semaphore(%dma_start3A_9 : memref<!tpu.dma_semaphore, #tpu.memory_space<semaphore_mem>>)
    %mul3A_12 = arith.constant 10000 : i32
    %mul3A_13 = arith.muli %add3A, %mul3A_12 : i32
    %dma_start3A_14 = arith.constant 1 : i32
    %dma_start3A_15 = arith.constant 4 : i32
    %dma_start3A_16 = tpu.memref_slice %arg5[%dma_start3A_14, %mul3A_13] : memref<2x320000xi32, #tpu.memory_space<hbm>> -> memref<1x10000xi32, #tpu.memory_space<hbm>>
    %dma_start3A_17 = tpu.memref_squeeze %dma_start3A_16 : memref<1x10000xi32, #tpu.memory_space<hbm>> -> memref<10000xi32, #tpu.memory_space<hbm>>
    %dma_start3A_18 = tpu.memref_slice %arg17[%dma_start3A_15] : memref<6x!tpu.dma_semaphore, #tpu.memory_space<semaphore_mem>> -> memref<1x!tpu.dma_semaphore, #tpu.memory_space<semaphore_mem>>
    %dma_start3A_19 = tpu.memref_squeeze %dma_start3A_18 : memref<1x!tpu.dma_semaphore, #tpu.memory_space<semaphore_mem>> -> memref<!tpu.dma_semaphore, #tpu.memory_space<semaphore_mem>>
    %dma_start3A_20 = tpu.memref_slice %arg5[%dma_start3A_14, %mul3A_13] : memref<2x320000xi32, #tpu.memory_space<hbm>> -> memref<1x10000xi32, #tpu.memory_space<hbm>>
    %dma_start3A_21 = tpu.memref_squeeze %dma_start3A_20 : memref<1x10000xi32, #tpu.memory_space<hbm>> -> memref<10000xi32, #tpu.memory_space<hbm>>
    tpu.enqueue_dma source(%dma_start3A_21 : memref<10000xi32, #tpu.memory_space<hbm>>) target(%arg10 : memref<10000xi32, #tpu.memory_space<vmem>>) target_semaphore(%dma_start3A_19 : memref<!tpu.dma_semaphore, #tpu.memory_space<semaphore_mem>>)
    %add3A_22 = arith.constant 0 : i32
    %add3A_23 = arith.addi %mul3A_2, %add3A_22 : i32
    %dma_start3A_24 = arith.constant 0 : i32
    %dma_start3A_25 = arith.constant 0 : i32
    %dma_start3A_26 = tpu.memref_slice %arg2[%add3A_23, %dma_start3A_25] : memref<10240x128xf32, #tpu.memory_space<hbm>> -> memref<320x32xf32, #tpu.memory_space<hbm>>
    %dma_start3A_27 = tpu.memref_slice %arg17[%dma_start3A_24] : memref<6x!tpu.dma_semaphore, #tpu.memory_space<semaphore_mem>> -> memref<1x!tpu.dma_semaphore, #tpu.memory_space<semaphore_mem>>
    %dma_start3A_28 = tpu.memref_squeeze %dma_start3A_27 : memref<1x!tpu.dma_semaphore, #tpu.memory_space<semaphore_mem>> -> memref<!tpu.dma_semaphore, #tpu.memory_space<semaphore_mem>>
    %dma_start3A_29 = arith.constant 0 : i32
    %dma_start3A_30 = tpu.memref_slice %arg2[%add3A_23, %dma_start3A_29] : memref<10240x128xf32, #tpu.memory_space<hbm>> -> memref<320x32xf32, #tpu.memory_space<hbm>>
    tpu.enqueue_dma source(%dma_start3A_30 : memref<320x32xf32, #tpu.memory_space<hbm>>) target(%arg11 : memref<320x32xf32, #tpu.memory_space<vmem>>) target_semaphore(%dma_start3A_28 : memref<!tpu.dma_semaphore, #tpu.memory_space<semaphore_mem>>)
    %dma_start3A_31 = arith.constant 1 : i32
    %dma_start3A_32 = arith.constant 32 : i32
    %dma_start3A_33 = tpu.memref_slice %arg2[%add3A_23, %dma_start3A_32] : memref<10240x128xf32, #tpu.memory_space<hbm>> -> memref<320x32xf32, #tpu.memory_space<hbm>>
    %dma_start3A_34 = tpu.memref_slice %arg17[%dma_start3A_31] : memref<6x!tpu.dma_semaphore, #tpu.memory_space<semaphore_mem>> -> memref<1x!tpu.dma_semaphore, #tpu.memory_space<semaphore_mem>>
    %dma_start3A_35 = tpu.memref_squeeze %dma_start3A_34 : memref<1x!tpu.dma_semaphore, #tpu.memory_space<semaphore_mem>> -> memref<!tpu.dma_semaphore, #tpu.memory_space<semaphore_mem>>
    %dma_start3A_36 = arith.constant 32 : i32
    %dma_start3A_37 = tpu.memref_slice %arg2[%add3A_23, %dma_start3A_36] : memref<10240x128xf32, #tpu.memory_space<hbm>> -> memref<320x32xf32, #tpu.memory_space<hbm>>
    tpu.enqueue_dma source(%dma_start3A_37 : memref<320x32xf32, #tpu.memory_space<hbm>>) target(%arg12 : memref<320x32xf32, #tpu.memory_space<vmem>>) target_semaphore(%dma_start3A_35 : memref<!tpu.dma_semaphore, #tpu.memory_space<semaphore_mem>>)
    %dma_start3A_38 = arith.constant 2 : i32
    %dma_start3A_39 = arith.constant 0 : i32
    %dma_start3A_40 = tpu.memref_slice %arg3[%add3A_23, %dma_start3A_39] : memref<10240x128xf32, #tpu.memory_space<hbm>> -> memref<320x32xf32, #tpu.memory_space<hbm>>
    %dma_start3A_41 = tpu.memref_slice %arg17[%dma_start3A_38] : memref<6x!tpu.dma_semaphore, #tpu.memory_space<semaphore_mem>> -> memref<1x!tpu.dma_semaphore, #tpu.memory_space<semaphore_mem>>
    %dma_start3A_42 = tpu.memref_squeeze %dma_start3A_41 : memref<1x!tpu.dma_semaphore, #tpu.memory_space<semaphore_mem>> -> memref<!tpu.dma_semaphore, #tpu.memory_space<semaphore_mem>>
    %dma_start3A_43 = arith.constant 0 : i32
    %dma_start3A_44 = tpu.memref_slice %arg3[%add3A_23, %dma_start3A_43] : memref<10240x128xf32, #tpu.memory_space<hbm>> -> memref<320x32xf32, #tpu.memory_space<hbm>>
    tpu.enqueue_dma source(%dma_start3A_44 : memref<320x32xf32, #tpu.memory_space<hbm>>) target(%arg13 : memref<320x32xf32, #tpu.memory_space<vmem>>) target_semaphore(%dma_start3A_42 : memref<!tpu.dma_semaphore, #tpu.memory_space<semaphore_mem>>)
    %dma_wait3A = arith.constant 0 : i32
    %dma_wait3A_45 = arith.constant 0 : i32
    %dma_wait3A_46 = tpu.memref_slice %arg2[%add3A_23, %dma_wait3A_45] : memref<10240x128xf32, #tpu.memory_space<hbm>> -> memref<320x32xf32, #tpu.memory_space<hbm>>
    %dma_wait3A_47 = tpu.memref_slice %arg17[%dma_wait3A] : memref<6x!tpu.dma_semaphore, #tpu.memory_space<semaphore_mem>> -> memref<1x!tpu.dma_semaphore, #tpu.memory_space<semaphore_mem>>
    %dma_wait3A_48 = tpu.memref_squeeze %dma_wait3A_47 : memref<1x!tpu.dma_semaphore, #tpu.memory_space<semaphore_mem>> -> memref<!tpu.dma_semaphore, #tpu.memory_space<semaphore_mem>>
    %dma_wait3A_49 = arith.constant 0 : i32
    %dma_wait3A_50 = tpu.memref_slice %arg2[%add3A_23, %dma_wait3A_49] : memref<10240x128xf32, #tpu.memory_space<hbm>> -> memref<320x32xf32, #tpu.memory_space<hbm>>
    tpu.wait_dma2 semaphore(%dma_wait3A_48 : memref<!tpu.dma_semaphore, #tpu.memory_space<semaphore_mem>>) src(%dma_wait3A_50 : memref<320x32xf32, #tpu.memory_space<hbm>>) dst(%arg11 : memref<320x32xf32, #tpu.memory_space<vmem>>)
    %dma_wait3A_51 = arith.constant 1 : i32
    %dma_wait3A_52 = arith.constant 32 : i32
    %dma_wait3A_53 = tpu.memref_slice %arg2[%add3A_23, %dma_wait3A_52] : memref<10240x128xf32, #tpu.memory_space<hbm>> -> memref<320x32xf32, #tpu.memory_space<hbm>>
    %dma_wait3A_54 = tpu.memref_slice %arg17[%dma_wait3A_51] : memref<6x!tpu.dma_semaphore, #tpu.memory_space<semaphore_mem>> -> memref<1x!tpu.dma_semaphore, #tpu.memory_space<semaphore_mem>>
    %dma_wait3A_55 = tpu.memref_squeeze %dma_wait3A_54 : memref<1x!tpu.dma_semaphore, #tpu.memory_space<semaphore_mem>> -> memref<!tpu.dma_semaphore, #tpu.memory_space<semaphore_mem>>
    %dma_wait3A_56 = arith.constant 32 : i32
    %dma_wait3A_57 = tpu.memref_slice %arg2[%add3A_23, %dma_wait3A_56] : memref<10240x128xf32, #tpu.memory_space<hbm>> -> memref<320x32xf32, #tpu.memory_space<hbm>>
    tpu.wait_dma2 semaphore(%dma_wait3A_55 : memref<!tpu.dma_semaphore, #tpu.memory_space<semaphore_mem>>) src(%dma_wait3A_57 : memref<320x32xf32, #tpu.memory_space<hbm>>) dst(%arg12 : memref<320x32xf32, #tpu.memory_space<vmem>>)
    %dma_wait3A_58 = arith.constant 2 : i32
    %dma_wait3A_59 = arith.constant 0 : i32
    %dma_wait3A_60 = tpu.memref_slice %arg3[%add3A_23, %dma_wait3A_59] : memref<10240x128xf32, #tpu.memory_space<hbm>> -> memref<320x32xf32, #tpu.memory_space<hbm>>
    %dma_wait3A_61 = tpu.memref_slice %arg17[%dma_wait3A_58] : memref<6x!tpu.dma_semaphore, #tpu.memory_space<semaphore_mem>> -> memref<1x!tpu.dma_semaphore, #tpu.memory_space<semaphore_mem>>
    %dma_wait3A_62 = tpu.memref_squeeze %dma_wait3A_61 : memref<1x!tpu.dma_semaphore, #tpu.memory_space<semaphore_mem>> -> memref<!tpu.dma_semaphore, #tpu.memory_space<semaphore_mem>>
    %dma_wait3A_63 = arith.constant 0 : i32
    %dma_wait3A_64 = tpu.memref_slice %arg3[%add3A_23, %dma_wait3A_63] : memref<10240x128xf32, #tpu.memory_space<hbm>> -> memref<320x32xf32, #tpu.memory_space<hbm>>
    tpu.wait_dma2 semaphore(%dma_wait3A_62 : memref<!tpu.dma_semaphore, #tpu.memory_space<semaphore_mem>>) src(%dma_wait3A_64 : memref<320x32xf32, #tpu.memory_space<hbm>>) dst(%arg13 : memref<320x32xf32, #tpu.memory_space<vmem>>)
    %scan3A = arith.constant 0 : i32
    %scan3A_65 = arith.constant 0 : i32
    %scan3A_66 = arith.constant 80 : i32
    %scan3A_67 = arith.addi %scan3A_65, %scan3A_66 : i32
    %scan3A_68 = arith.constant 1 : i32
    scf.for %scan3A_336 = %scan3A_65 to %scan3A_67 step %scan3A_68  : i32 {
      %mul3A_337 = arith.constant 4 : i32
      %mul3A_338 = arith.muli %scan3A_336, %mul3A_337 : i32
      %add3A_339 = arith.constant 0 : i32
      %add3A_340 = arith.addi %mul3A_338, %add3A_339 : i32
      %get3A = arith.index_cast %add3A_340 : i32 to index
      %get3A_341 = arith.constant 0 : index
      %get3A_342 = tpu.vector_load %arg11[%get3A, %get3A_341] {strides = array<i32>} : memref<320x32xf32, #tpu.memory_space<vmem>>, vector<16xf32>,
      %get3A_343 = arith.index_cast %add3A_340 : i32 to index
      %get3A_344 = arith.constant 0 : index
      %get3A_345 = tpu.vector_load %arg12[%get3A_343, %get3A_344] {strides = array<i32>} : memref<320x32xf32, #tpu.memory_space<vmem>>, vector<16xf32>,
      %add3A_346 = arith.addf %get3A_342, %get3A_345 : vector<16xf32>
      %get3A_347 = arith.index_cast %add3A_340 : i32 to index
      %get3A_348 = arith.constant 0 : index
      %get3A_349 = tpu.vector_load %arg13[%get3A_347, %get3A_348] {strides = array<i32>} : memref<320x32xf32, #tpu.memory_space<vmem>>, vector<16xf32>,
      %mul3A_350 = arith.mulf %get3A_349, %add3A_346 : vector<16xf32>
      %get3A_351 = arith.constant 0 : index
      %get3A_352 = tpu.vector_load %arg14[%get3A_351] {strides = array<i32>} : memref<32xf32, #tpu.memory_space<vmem>>, vector<16xf32>,
      %add3A_353 = arith.addf %mul3A_350, %get3A_352 : vector<16xf32>
      %max3A = arith.constant 0.000000e+00 : f32
      %max3A_354 = vector.broadcast %max3A : f32 to vector<16xf32>
      %max3A_355 = arith.maximumf %add3A_353, %max3A_354 : vector<16xf32>
      %mul3A_356 = arith.mulf %get3A_349, %max3A_355 : vector<16xf32>
      %swap3A = arith.index_cast %add3A_340 : i32 to index
      %swap3A_357 = arith.constant 0 : index
      %swap3A_358 = tpu.vector_load %arg11[%swap3A, %swap3A_357] {strides = array<i32>} : memref<320x32xf32, #tpu.memory_space<vmem>>, vector<16xf32>,
      tpu.vector_store %arg11[%swap3A, %swap3A_357], %mul3A_356 {strides = array<i32>} : memref<320x32xf32, #tpu.memory_space<vmem>>, vector<16xf32>,
      %get3A_359 = arith.index_cast %add3A_340 : i32 to index
      %get3A_360 = arith.constant 16 : index
      %get3A_361 = tpu.vector_load %arg11[%get3A_359, %get3A_360] {strides = array<i32>} : memref<320x32xf32, #tpu.memory_space<vmem>>, vector<16xf32>,
      %get3A_362 = arith.index_cast %add3A_340 : i32 to index
      %get3A_363 = arith.constant 16 : index
      %get3A_364 = tpu.vector_load %arg12[%get3A_362, %get3A_363] {strides = array<i32>} : memref<320x32xf32, #tpu.memory_space<vmem>>, vector<16xf32>,
      %add3A_365 = arith.addf %get3A_361, %get3A_364 : vector<16xf32>
      %get3A_366 = arith.index_cast %add3A_340 : i32 to index
      %get3A_367 = arith.constant 16 : index
      %get3A_368 = tpu.vector_load %arg13[%get3A_366, %get3A_367] {strides = array<i32>} : memref<320x32xf32, #tpu.memory_space<vmem>>, vector<16xf32>,
      %mul3A_369 = arith.mulf %get3A_368, %add3A_365 : vector<16xf32>
      %get3A_370 = arith.constant 16 : index
      %get3A_371 = tpu.vector_load %arg14[%get3A_370] {strides = array<i32>} : memref<32xf32, #tpu.memory_space<vmem>>, vector<16xf32>,
      %add3A_372 = arith.addf %mul3A_369, %get3A_371 : vector<16xf32>
      %max3A_373 = arith.constant 0.000000e+00 : f32
      %max3A_374 = vector.broadcast %max3A_373 : f32 to vector<16xf32>
      %max3A_375 = arith.maximumf %add3A_372, %max3A_374 : vector<16xf32>
      %mul3A_376 = arith.mulf %get3A_368, %max3A_375 : vector<16xf32>
      %swap3A_377 = arith.index_cast %add3A_340 : i32 to index
      %swap3A_378 = arith.constant 16 : index
      %swap3A_379 = tpu.vector_load %arg11[%swap3A_377, %swap3A_378] {strides = array<i32>} : memref<320x32xf32, #tpu.memory_space<vmem>>, vector<16xf32>,
      tpu.vector_store %arg11[%swap3A_377, %swap3A_378], %mul3A_376 {strides = array<i32>} : memref<320x32xf32, #tpu.memory_space<vmem>>, vector<16xf32>,
      %mul3A_380 = arith.constant 4 : i32
      %mul3A_381 = arith.muli %scan3A_336, %mul3A_380 : i32
      %add3A_382 = arith.constant 1 : i32
      %add3A_383 = arith.addi %mul3A_381, %add3A_382 : i32
      %get3A_384 = arith.index_cast %add3A_383 : i32 to index
      %get3A_385 = arith.constant 0 : index
      %get3A_386 = tpu.vector_load %arg11[%get3A_384, %get3A_385] {strides = array<i32>} : memref<320x32xf32, #tpu.memory_space<vmem>>, vector<16xf32>,
      %get3A_387 = arith.index_cast %add3A_383 : i32 to index
      %get3A_388 = arith.constant 0 : index
      %get3A_389 = tpu.vector_load %arg12[%get3A_387, %get3A_388] {strides = array<i32>} : memref<320x32xf32, #tpu.memory_space<vmem>>, vector<16xf32>,
      %add3A_390 = arith.addf %get3A_386, %get3A_389 : vector<16xf32>
      %get3A_391 = arith.index_cast %add3A_383 : i32 to index
      %get3A_392 = arith.constant 0 : index
      %get3A_393 = tpu.vector_load %arg13[%get3A_391, %get3A_392] {strides = array<i32>} : memref<320x32xf32, #tpu.memory_space<vmem>>, vector<16xf32>,
      %mul3A_394 = arith.mulf %get3A_393, %add3A_390 : vector<16xf32>
      %get3A_395 = arith.constant 0 : index
      %get3A_396 = tpu.vector_load %arg14[%get3A_395] {strides = array<i32>} : memref<32xf32, #tpu.memory_space<vmem>>, vector<16xf32>,
      %add3A_397 = arith.addf %mul3A_394, %get3A_396 : vector<16xf32>
      %max3A_398 = arith.constant 0.000000e+00 : f32
      %max3A_399 = vector.broadcast %max3A_398 : f32 to vector<16xf32>
      %max3A_400 = arith.maximumf %add3A_397, %max3A_399 : vector<16xf32>
      %mul3A_401 = arith.mulf %get3A_393, %max3A_400 : vector<16xf32>
      %swap3A_402 = arith.index_cast %add3A_383 : i32 to index
      %swap3A_403 = arith.constant 0 : index
      %swap3A_404 = tpu.vector_load %arg11[%swap3A_402, %swap3A_403] {strides = array<i32>} : memref<320x32xf32, #tpu.memory_space<vmem>>, vector<16xf32>,
      tpu.vector_store %arg11[%swap3A_402, %swap3A_403], %mul3A_401 {strides = array<i32>} : memref<320x32xf32, #tpu.memory_space<vmem>>, vector<16xf32>,
      %get3A_405 = arith.index_cast %add3A_383 : i32 to index
      %get3A_406 = arith.constant 16 : index
      %get3A_407 = tpu.vector_load %arg11[%get3A_405, %get3A_406] {strides = array<i32>} : memref<320x32xf32, #tpu.memory_space<vmem>>, vector<16xf32>,
      %get3A_408 = arith.index_cast %add3A_383 : i32 to index
      %get3A_409 = arith.constant 16 : index
      %get3A_410 = tpu.vector_load %arg12[%get3A_408, %get3A_409] {strides = array<i32>} : memref<320x32xf32, #tpu.memory_space<vmem>>, vector<16xf32>,
      %add3A_411 = arith.addf %get3A_407, %get3A_410 : vector<16xf32>
      %get3A_412 = arith.index_cast %add3A_383 : i32 to index
      %get3A_413 = arith.constant 16 : index
      %get3A_414 = tpu.vector_load %arg13[%get3A_412, %get3A_413] {strides = array<i32>} : memref<320x32xf32, #tpu.memory_space<vmem>>, vector<16xf32>,
      %mul3A_415 = arith.mulf %get3A_414, %add3A_411 : vector<16xf32>
      %get3A_416 = arith.constant 16 : index
      %get3A_417 = tpu.vector_load %arg14[%get3A_416] {strides = array<i32>} : memref<32xf32, #tpu.memory_space<vmem>>, vector<16xf32>,
      %add3A_418 = arith.addf %mul3A_415, %get3A_417 : vector<16xf32>
      %max3A_419 = arith.constant 0.000000e+00 : f32
      %max3A_420 = vector.broadcast %max3A_419 : f32 to vector<16xf32>
      %max3A_421 = arith.maximumf %add3A_418, %max3A_420 : vector<16xf32>
      %mul3A_422 = arith.mulf %get3A_414, %max3A_421 : vector<16xf32>
      %swap3A_423 = arith.index_cast %add3A_383 : i32 to index
      %swap3A_424 = arith.constant 16 : index
      %swap3A_425 = tpu.vector_load %arg11[%swap3A_423, %swap3A_424] {strides = array<i32>} : memref<320x32xf32, #tpu.memory_space<vmem>>, vector<16xf32>,
      tpu.vector_store %arg11[%swap3A_423, %swap3A_424], %mul3A_422 {strides = array<i32>} : memref<320x32xf32, #tpu.memory_space<vmem>>, vector<16xf32>,
      %mul3A_426 = arith.constant 4 : i32
      %mul3A_427 = arith.muli %scan3A_336, %mul3A_426 : i32
      %add3A_428 = arith.constant 2 : i32
      %add3A_429 = arith.addi %mul3A_427, %add3A_428 : i32
      %get3A_430 = arith.index_cast %add3A_429 : i32 to index
      %get3A_431 = arith.constant 0 : index
      %get3A_432 = tpu.vector_load %arg11[%get3A_430, %get3A_431] {strides = array<i32>} : memref<320x32xf32, #tpu.memory_space<vmem>>, vector<16xf32>,
      %get3A_433 = arith.index_cast %add3A_429 : i32 to index
      %get3A_434 = arith.constant 0 : index
      %get3A_435 = tpu.vector_load %arg12[%get3A_433, %get3A_434] {strides = array<i32>} : memref<320x32xf32, #tpu.memory_space<vmem>>, vector<16xf32>,
      %add3A_436 = arith.addf %get3A_432, %get3A_435 : vector<16xf32>
      %get3A_437 = arith.index_cast %add3A_429 : i32 to index
      %get3A_438 = arith.constant 0 : index
      %get3A_439 = tpu.vector_load %arg13[%get3A_437, %get3A_438] {strides = array<i32>} : memref<320x32xf32, #tpu.memory_space<vmem>>, vector<16xf32>,
      %mul3A_440 = arith.mulf %get3A_439, %add3A_436 : vector<16xf32>
      %get3A_441 = arith.constant 0 : index
      %get3A_442 = tpu.vector_load %arg14[%get3A_441] {strides = array<i32>} : memref<32xf32, #tpu.memory_space<vmem>>, vector<16xf32>,
      %add3A_443 = arith.addf %mul3A_440, %get3A_442 : vector<16xf32>
      %max3A_444 = arith.constant 0.000000e+00 : f32
      %max3A_445 = vector.broadcast %max3A_444 : f32 to vector<16xf32>
      %max3A_446 = arith.maximumf %add3A_443, %max3A_445 : vector<16xf32>
      %mul3A_447 = arith.mulf %get3A_439, %max3A_446 : vector<16xf32>
      %swap3A_448 = arith.index_cast %add3A_429 : i32 to index
      %swap3A_449 = arith.constant 0 : index
      %swap3A_450 = tpu.vector_load %arg11[%swap3A_448, %swap3A_449] {strides = array<i32>} : memref<320x32xf32, #tpu.memory_space<vmem>>, vector<16xf32>,
      tpu.vector_store %arg11[%swap3A_448, %swap3A_449], %mul3A_447 {strides = array<i32>} : memref<320x32xf32, #tpu.memory_space<vmem>>, vector<16xf32>,
      %get3A_451 = arith.index_cast %add3A_429 : i32 to index
      %get3A_452 = arith.constant 16 : index
      %get3A_453 = tpu.vector_load %arg11[%get3A_451, %get3A_452] {strides = array<i32>} : memref<320x32xf32, #tpu.memory_space<vmem>>, vector<16xf32>,
      %get3A_454 = arith.index_cast %add3A_429 : i32 to index
      %get3A_455 = arith.constant 16 : index
      %get3A_456 = tpu.vector_load %arg12[%get3A_454, %get3A_455] {strides = array<i32>} : memref<320x32xf32, #tpu.memory_space<vmem>>, vector<16xf32>,
      %add3A_457 = arith.addf %get3A_453, %get3A_456 : vector<16xf32>
      %get3A_458 = arith.index_cast %add3A_429 : i32 to index
      %get3A_459 = arith.constant 16 : index
      %get3A_460 = tpu.vector_load %arg13[%get3A_458, %get3A_459] {strides = array<i32>} : memref<320x32xf32, #tpu.memory_space<vmem>>, vector<16xf32>,
      %mul3A_461 = arith.mulf %get3A_460, %add3A_457 : vector<16xf32>
      %get3A_462 = arith.constant 16 : index
      %get3A_463 = tpu.vector_load %arg14[%get3A_462] {strides = array<i32>} : memref<32xf32, #tpu.memory_space<vmem>>, vector<16xf32>,
      %add3A_464 = arith.addf %mul3A_461, %get3A_463 : vector<16xf32>
      %max3A_465 = arith.constant 0.000000e+00 : f32
      %max3A_466 = vector.broadcast %max3A_465 : f32 to vector<16xf32>
      %max3A_467 = arith.maximumf %add3A_464, %max3A_466 : vector<16xf32>
      %mul3A_468 = arith.mulf %get3A_460, %max3A_467 : vector<16xf32>
      %swap3A_469 = arith.index_cast %add3A_429 : i32 to index
      %swap3A_470 = arith.constant 16 : index
      %swap3A_471 = tpu.vector_load %arg11[%swap3A_469, %swap3A_470] {strides = array<i32>} : memref<320x32xf32, #tpu.memory_space<vmem>>, vector<16xf32>,
      tpu.vector_store %arg11[%swap3A_469, %swap3A_470], %mul3A_468 {strides = array<i32>} : memref<320x32xf32, #tpu.memory_space<vmem>>, vector<16xf32>,
      %mul3A_472 = arith.constant 4 : i32
      %mul3A_473 = arith.muli %scan3A_336, %mul3A_472 : i32
      %add3A_474 = arith.constant 3 : i32
      %add3A_475 = arith.addi %mul3A_473, %add3A_474 : i32
      %get3A_476 = arith.index_cast %add3A_475 : i32 to index
      %get3A_477 = arith.constant 0 : index
      %get3A_478 = tpu.vector_load %arg11[%get3A_476, %get3A_477] {strides = array<i32>} : memref<320x32xf32, #tpu.memory_space<vmem>>, vector<16xf32>,
      %get3A_479 = arith.index_cast %add3A_475 : i32 to index
      %get3A_480 = arith.constant 0 : index
      %get3A_481 = tpu.vector_load %arg12[%get3A_479, %get3A_480] {strides = array<i32>} : memref<320x32xf32, #tpu.memory_space<vmem>>, vector<16xf32>,
      %add3A_482 = arith.addf %get3A_478, %get3A_481 : vector<16xf32>
      %get3A_483 = arith.index_cast %add3A_475 : i32 to index
      %get3A_484 = arith.constant 0 : index
      %get3A_485 = tpu.vector_load %arg13[%get3A_483, %get3A_484] {strides = array<i32>} : memref<320x32xf32, #tpu.memory_space<vmem>>, vector<16xf32>,
      %mul3A_486 = arith.mulf %get3A_485, %add3A_482 : vector<16xf32>
      %get3A_487 = arith.constant 0 : index
      %get3A_488 = tpu.vector_load %arg14[%get3A_487] {strides = array<i32>} : memref<32xf32, #tpu.memory_space<vmem>>, vector<16xf32>,
      %add3A_489 = arith.addf %mul3A_486, %get3A_488 : vector<16xf32>
      %max3A_490 = arith.constant 0.000000e+00 : f32
      %max3A_491 = vector.broadcast %max3A_490 : f32 to vector<16xf32>
      %max3A_492 = arith.maximumf %add3A_489, %max3A_491 : vector<16xf32>
      %mul3A_493 = arith.mulf %get3A_485, %max3A_492 : vector<16xf32>
      %swap3A_494 = arith.index_cast %add3A_475 : i32 to index
      %swap3A_495 = arith.constant 0 : index
      %swap3A_496 = tpu.vector_load %arg11[%swap3A_494, %swap3A_495] {strides = array<i32>} : memref<320x32xf32, #tpu.memory_space<vmem>>, vector<16xf32>,
      tpu.vector_store %arg11[%swap3A_494, %swap3A_495], %mul3A_493 {strides = array<i32>} : memref<320x32xf32, #tpu.memory_space<vmem>>, vector<16xf32>,
      %get3A_497 = arith.index_cast %add3A_475 : i32 to index
      %get3A_498 = arith.constant 16 : index
      %get3A_499 = tpu.vector_load %arg11[%get3A_497, %get3A_498] {strides = array<i32>} : memref<320x32xf32, #tpu.memory_space<vmem>>, vector<16xf32>,
      %get3A_500 = arith.index_cast %add3A_475 : i32 to index
      %get3A_501 = arith.constant 16 : index
      %get3A_502 = tpu.vector_load %arg12[%get3A_500, %get3A_501] {strides = array<i32>} : memref<320x32xf32, #tpu.memory_space<vmem>>, vector<16xf32>,
      %add3A_503 = arith.addf %get3A_499, %get3A_502 : vector<16xf32>
      %get3A_504 = arith.index_cast %add3A_475 : i32 to index
      %get3A_505 = arith.constant 16 : index
      %get3A_506 = tpu.vector_load %arg13[%get3A_504, %get3A_505] {strides = array<i32>} : memref<320x32xf32, #tpu.memory_space<vmem>>, vector<16xf32>,
      %mul3A_507 = arith.mulf %get3A_506, %add3A_503 : vector<16xf32>
      %get3A_508 = arith.constant 16 : index
      %get3A_509 = tpu.vector_load %arg14[%get3A_508] {strides = array<i32>} : memref<32xf32, #tpu.memory_space<vmem>>, vector<16xf32>,
      %add3A_510 = arith.addf %mul3A_507, %get3A_509 : vector<16xf32>
      %max3A_511 = arith.constant 0.000000e+00 : f32
      %max3A_512 = vector.broadcast %max3A_511 : f32 to vector<16xf32>
      %max3A_513 = arith.maximumf %add3A_510, %max3A_512 : vector<16xf32>
      %mul3A_514 = arith.mulf %get3A_506, %max3A_513 : vector<16xf32>
      %swap3A_515 = arith.index_cast %add3A_475 : i32 to index
      %swap3A_516 = arith.constant 16 : index
      %swap3A_517 = tpu.vector_load %arg11[%swap3A_515, %swap3A_516] {strides = array<i32>} : memref<320x32xf32, #tpu.memory_space<vmem>>, vector<16xf32>,
      tpu.vector_store %arg11[%swap3A_515, %swap3A_516], %mul3A_514 {strides = array<i32>} : memref<320x32xf32, #tpu.memory_space<vmem>>, vector<16xf32>,
    }
    %scan3A_69 = arith.constant 80 : i32
    %mul3A_70 = arith.constant 10240 : i32
    %mul3A_71 = arith.muli %arg0, %mul3A_70 : i32
    %add3A_72 = arith.addi %mul3A_71, %mul3A_2 : i32
    %add3A_73 = arith.constant 0 : i32
    %add3A_74 = arith.addi %add3A_72, %add3A_73 : i32
    "tpu.region"() ({
      %run_scoped3A_336 = tpu.sem_alloc : memref<!tpu.dma_semaphore, #tpu.memory_space<semaphore_mem>>
      %dma_start3A_337 = arith.constant 0 : i32
      %dma_start3A_338 = tpu.memref_slice %arg8[%add3A_74, %dma_start3A_337] : memref<20480x32xf32, #tpu.memory_space<hbm>> -> memref<320x32xf32, #tpu.memory_space<hbm>>
      %dma_start3A_339 = arith.constant 0 : i32
      %dma_start3A_340 = tpu.memref_slice %arg8[%add3A_74, %dma_start3A_339] : memref<20480x32xf32, #tpu.memory_space<hbm>> -> memref<320x32xf32, #tpu.memory_space<hbm>>
      tpu.enqueue_dma source(%arg11 : memref<320x32xf32, #tpu.memory_space<vmem>>) target(%dma_start3A_340 : memref<320x32xf32, #tpu.memory_space<hbm>>) target_semaphore(%run_scoped3A_336 : memref<!tpu.dma_semaphore, #tpu.memory_space<semaphore_mem>>)
      %dma_wait3A_341 = arith.constant 0 : i32
      %dma_wait3A_342 = tpu.memref_slice %arg8[%add3A_74, %dma_wait3A_341] : memref<20480x32xf32, #tpu.memory_space<hbm>> -> memref<320x32xf32, #tpu.memory_space<hbm>>
      %dma_wait3A_343 = arith.constant 0 : i32
      %dma_wait3A_344 = tpu.memref_slice %arg8[%add3A_74, %dma_wait3A_343] : memref<20480x32xf32, #tpu.memory_space<hbm>> -> memref<320x32xf32, #tpu.memory_space<hbm>>
      tpu.wait_dma2 semaphore(%run_scoped3A_336 : memref<!tpu.dma_semaphore, #tpu.memory_space<semaphore_mem>>) src(%arg11 : memref<320x32xf32, #tpu.memory_space<vmem>>) dst(%dma_wait3A_344 : memref<320x32xf32, #tpu.memory_space<hbm>>)
      tpu.yield
    }) : () -> ()
    %add3A_75 = arith.constant 320 : i32
    %add3A_76 = arith.addi %mul3A_2, %add3A_75 : i32
    %dma_start3A_77 = arith.constant 0 : i32
    %dma_start3A_78 = arith.constant 0 : i32
    %dma_start3A_79 = tpu.memref_slice %arg2[%add3A_76, %dma_start3A_78] : memref<10240x128xf32, #tpu.memory_space<hbm>> -> memref<320x32xf32, #tpu.memory_space<hbm>>
    %dma_start3A_80 = tpu.memref_slice %arg17[%dma_start3A_77] : memref<6x!tpu.dma_semaphore, #tpu.memory_space<semaphore_mem>> -> memref<1x!tpu.dma_semaphore, #tpu.memory_space<semaphore_mem>>
    %dma_start3A_81 = tpu.memref_squeeze %dma_start3A_80 : memref<1x!tpu.dma_semaphore, #tpu.memory_space<semaphore_mem>> -> memref<!tpu.dma_semaphore, #tpu.memory_space<semaphore_mem>>
    %dma_start3A_82 = arith.constant 0 : i32
    %dma_start3A_83 = tpu.memref_slice %arg2[%add3A_76, %dma_start3A_82] : memref<10240x128xf32, #tpu.memory_space<hbm>> -> memref<320x32xf32, #tpu.memory_space<hbm>>
    tpu.enqueue_dma source(%dma_start3A_83 : memref<320x32xf32, #tpu.memory_space<hbm>>) target(%arg11 : memref<320x32xf32, #tpu.memory_space<vmem>>) target_semaphore(%dma_start3A_81 : memref<!tpu.dma_semaphore, #tpu.memory_space<semaphore_mem>>)
    %dma_start3A_84 = arith.constant 1 : i32
    %dma_start3A_85 = arith.constant 32 : i32
    %dma_start3A_86 = tpu.memref_slice %arg2[%add3A_76, %dma_start3A_85] : memref<10240x128xf32, #tpu.memory_space<hbm>> -> memref<320x32xf32, #tpu.memory_space<hbm>>
    %dma_start3A_87 = tpu.memref_slice %arg17[%dma_start3A_84] : memref<6x!tpu.dma_semaphore, #tpu.memory_space<semaphore_mem>> -> memref<1x!tpu.dma_semaphore, #tpu.memory_space<semaphore_mem>>
    %dma_start3A_88 = tpu.memref_squeeze %dma_start3A_87 : memref<1x!tpu.dma_semaphore, #tpu.memory_space<semaphore_mem>> -> memref<!tpu.dma_semaphore, #tpu.memory_space<semaphore_mem>>
    %dma_start3A_89 = arith.constant 32 : i32
    %dma_start3A_90 = tpu.memref_slice %arg2[%add3A_76, %dma_start3A_89] : memref<10240x128xf32, #tpu.memory_space<hbm>> -> memref<320x32xf32, #tpu.memory_space<hbm>>
    tpu.enqueue_dma source(%dma_start3A_90 : memref<320x32xf32, #tpu.memory_space<hbm>>) target(%arg12 : memref<320x32xf32, #tpu.memory_space<vmem>>) target_semaphore(%dma_start3A_88 : memref<!tpu.dma_semaphore, #tpu.memory_space<semaphore_mem>>)
    %dma_start3A_91 = arith.constant 2 : i32
    %dma_start3A_92 = arith.constant 0 : i32
    %dma_start3A_93 = tpu.memref_slice %arg3[%add3A_76, %dma_start3A_92] : memref<10240x128xf32, #tpu.memory_space<hbm>> -> memref<320x32xf32, #tpu.memory_space<hbm>>
    %dma_start3A_94 = tpu.memref_slice %arg17[%dma_start3A_91] : memref<6x!tpu.dma_semaphore, #tpu.memory_space<semaphore_mem>> -> memref<1x!tpu.dma_semaphore, #tpu.memory_space<semaphore_mem>>
    %dma_start3A_95 = tpu.memref_squeeze %dma_start3A_94 : memref<1x!tpu.dma_semaphore, #tpu.memory_space<semaphore_mem>> -> memref<!tpu.dma_semaphore, #tpu.memory_space<semaphore_mem>>
    %dma_start3A_96 = arith.constant 0 : i32
    %dma_start3A_97 = tpu.memref_slice %arg3[%add3A_76, %dma_start3A_96] : memref<10240x128xf32, #tpu.memory_space<hbm>> -> memref<320x32xf32, #tpu.memory_space<hbm>>
    tpu.enqueue_dma source(%dma_start3A_97 : memref<320x32xf32, #tpu.memory_space<hbm>>) target(%arg13 : memref<320x32xf32, #tpu.memory_space<vmem>>) target_semaphore(%dma_start3A_95 : memref<!tpu.dma_semaphore, #tpu.memory_space<semaphore_mem>>)
    %dma_wait3A_98 = arith.constant 0 : i32
    %dma_wait3A_99 = arith.constant 0 : i32
    %dma_wait3A_100 = tpu.memref_slice %arg2[%add3A_76, %dma_wait3A_99] : memref<10240x128xf32, #tpu.memory_space<hbm>> -> memref<320x32xf32, #tpu.memory_space<hbm>>
    %dma_wait3A_101 = tpu.memref_slice %arg17[%dma_wait3A_98] : memref<6x!tpu.dma_semaphore, #tpu.memory_space<semaphore_mem>> -> memref<1x!tpu.dma_semaphore, #tpu.memory_space<semaphore_mem>>
    %dma_wait3A_102 = tpu.memref_squeeze %dma_wait3A_101 : memref<1x!tpu.dma_semaphore, #tpu.memory_space<semaphore_mem>> -> memref<!tpu.dma_semaphore, #tpu.memory_space<semaphore_mem>>
    %dma_wait3A_103 = arith.constant 0 : i32
    %dma_wait3A_104 = tpu.memref_slice %arg2[%add3A_76, %dma_wait3A_103] : memref<10240x128xf32, #tpu.memory_space<hbm>> -> memref<320x32xf32, #tpu.memory_space<hbm>>
    tpu.wait_dma2 semaphore(%dma_wait3A_102 : memref<!tpu.dma_semaphore, #tpu.memory_space<semaphore_mem>>) src(%dma_wait3A_104 : memref<320x32xf32, #tpu.memory_space<hbm>>) dst(%arg11 : memref<320x32xf32, #tpu.memory_space<vmem>>)
    %dma_wait3A_105 = arith.constant 1 : i32
    %dma_wait3A_106 = arith.constant 32 : i32
    %dma_wait3A_107 = tpu.memref_slice %arg2[%add3A_76, %dma_wait3A_106] : memref<10240x128xf32, #tpu.memory_space<hbm>> -> memref<320x32xf32, #tpu.memory_space<hbm>>
    %dma_wait3A_108 = tpu.memref_slice %arg17[%dma_wait3A_105] : memref<6x!tpu.dma_semaphore, #tpu.memory_space<semaphore_mem>> -> memref<1x!tpu.dma_semaphore, #tpu.memory_space<semaphore_mem>>
    %dma_wait3A_109 = tpu.memref_squeeze %dma_wait3A_108 : memref<1x!tpu.dma_semaphore, #tpu.memory_space<semaphore_mem>> -> memref<!tpu.dma_semaphore, #tpu.memory_space<semaphore_mem>>
    %dma_wait3A_110 = arith.constant 32 : i32
    %dma_wait3A_111 = tpu.memref_slice %arg2[%add3A_76, %dma_wait3A_110] : memref<10240x128xf32, #tpu.memory_space<hbm>> -> memref<320x32xf32, #tpu.memory_space<hbm>>
    tpu.wait_dma2 semaphore(%dma_wait3A_109 : memref<!tpu.dma_semaphore, #tpu.memory_space<semaphore_mem>>) src(%dma_wait3A_111 : memref<320x32xf32, #tpu.memory_space<hbm>>) dst(%arg12 : memref<320x32xf32, #tpu.memory_space<vmem>>)
    %dma_wait3A_112 = arith.constant 2 : i32
    %dma_wait3A_113 = arith.constant 0 : i32
    %dma_wait3A_114 = tpu.memref_slice %arg3[%add3A_76, %dma_wait3A_113] : memref<10240x128xf32, #tpu.memory_space<hbm>> -> memref<320x32xf32, #tpu.memory_space<hbm>>
    %dma_wait3A_115 = tpu.memref_slice %arg17[%dma_wait3A_112] : memref<6x!tpu.dma_semaphore, #tpu.memory_space<semaphore_mem>> -> memref<1x!tpu.dma_semaphore, #tpu.memory_space<semaphore_mem>>
    %dma_wait3A_116 = tpu.memref_squeeze %dma_wait3A_115 : memref<1x!tpu.dma_semaphore, #tpu.memory_space<semaphore_mem>> -> memref<!tpu.dma_semaphore, #tpu.memory_space<semaphore_mem>>
    %dma_wait3A_117 = arith.constant 0 : i32
    %dma_wait3A_118 = tpu.memref_slice %arg3[%add3A_76, %dma_wait3A_117] : memref<10240x128xf32, #tpu.memory_space<hbm>> -> memref<320x32xf32, #tpu.memory_space<hbm>>
    tpu.wait_dma2 semaphore(%dma_wait3A_116 : memref<!tpu.dma_semaphore, #tpu.memory_space<semaphore_mem>>) src(%dma_wait3A_118 : memref<320x32xf32, #tpu.memory_space<hbm>>) dst(%arg13 : memref<320x32xf32, #tpu.memory_space<vmem>>)
    %scan3A_119 = arith.constant 0 : i32
    %scan3A_120 = arith.constant 0 : i32
    %scan3A_121 = arith.constant 80 : i32
    %scan3A_122 = arith.addi %scan3A_120, %scan3A_121 : i32
    %scan3A_123 = arith.constant 1 : i32
    scf.for %scan3A_336 = %scan3A_120 to %scan3A_122 step %scan3A_123  : i32 {
      %mul3A_337 = arith.constant 4 : i32
      %mul3A_338 = arith.muli %scan3A_336, %mul3A_337 : i32
      %add3A_339 = arith.constant 0 : i32
      %add3A_340 = arith.addi %mul3A_338, %add3A_339 : i32
      %get3A = arith.index_cast %add3A_340 : i32 to index
      %get3A_341 = arith.constant 0 : index
      %get3A_342 = tpu.vector_load %arg11[%get3A, %get3A_341] {strides = array<i32>} : memref<320x32xf32, #tpu.memory_space<vmem>>, vector<16xf32>,
      %get3A_343 = arith.index_cast %add3A_340 : i32 to index
      %get3A_344 = arith.constant 0 : index
      %get3A_345 = tpu.vector_load %arg12[%get3A_343, %get3A_344] {strides = array<i32>} : memref<320x32xf32, #tpu.memory_space<vmem>>, vector<16xf32>,
      %add3A_346 = arith.addf %get3A_342, %get3A_345 : vector<16xf32>
      %get3A_347 = arith.index_cast %add3A_340 : i32 to index
      %get3A_348 = arith.constant 0 : index
      %get3A_349 = tpu.vector_load %arg13[%get3A_347, %get3A_348] {strides = array<i32>} : memref<320x32xf32, #tpu.memory_space<vmem>>, vector<16xf32>,
      %mul3A_350 = arith.mulf %get3A_349, %add3A_346 : vector<16xf32>
      %get3A_351 = arith.constant 0 : index
      %get3A_352 = tpu.vector_load %arg14[%get3A_351] {strides = array<i32>} : memref<32xf32, #tpu.memory_space<vmem>>, vector<16xf32>,
      %add3A_353 = arith.addf %mul3A_350, %get3A_352 : vector<16xf32>
      %max3A = arith.constant 0.000000e+00 : f32
      %max3A_354 = vector.broadcast %max3A : f32 to vector<16xf32>
      %max3A_355 = arith.maximumf %add3A_353, %max3A_354 : vector<16xf32>
      %mul3A_356 = arith.mulf %get3A_349, %max3A_355 : vector<16xf32>
      %swap3A = arith.index_cast %add3A_340 : i32 to index
      %swap3A_357 = arith.constant 0 : index
      %swap3A_358 = tpu.vector_load %arg11[%swap3A, %swap3A_357] {strides = array<i32>} : memref<320x32xf32, #tpu.memory_space<vmem>>, vector<16xf32>,
      tpu.vector_store %arg11[%swap3A, %swap3A_357], %mul3A_356 {strides = array<i32>} : memref<320x32xf32, #tpu.memory_space<vmem>>, vector<16xf32>,
      %get3A_359 = arith.index_cast %add3A_340 : i32 to index
      %get3A_360 = arith.constant 16 : index
      %get3A_361 = tpu.vector_load %arg11[%get3A_359, %get3A_360] {strides = array<i32>} : memref<320x32xf32, #tpu.memory_space<vmem>>, vector<16xf32>,
      %get3A_362 = arith.index_cast %add3A_340 : i32 to index
      %get3A_363 = arith.constant 16 : index
      %get3A_364 = tpu.vector_load %arg12[%get3A_362, %get3A_363] {strides = array<i32>} : memref<320x32xf32, #tpu.memory_space<vmem>>, vector<16xf32>,
      %add3A_365 = arith.addf %get3A_361, %get3A_364 : vector<16xf32>
      %get3A_366 = arith.index_cast %add3A_340 : i32 to index
      %get3A_367 = arith.constant 16 : index
      %get3A_368 = tpu.vector_load %arg13[%get3A_366, %get3A_367] {strides = array<i32>} : memref<320x32xf32, #tpu.memory_space<vmem>>, vector<16xf32>,
      %mul3A_369 = arith.mulf %get3A_368, %add3A_365 : vector<16xf32>
      %get3A_370 = arith.constant 16 : index
      %get3A_371 = tpu.vector_load %arg14[%get3A_370] {strides = array<i32>} : memref<32xf32, #tpu.memory_space<vmem>>, vector<16xf32>,
      %add3A_372 = arith.addf %mul3A_369, %get3A_371 : vector<16xf32>
      %max3A_373 = arith.constant 0.000000e+00 : f32
      %max3A_374 = vector.broadcast %max3A_373 : f32 to vector<16xf32>
      %max3A_375 = arith.maximumf %add3A_372, %max3A_374 : vector<16xf32>
      %mul3A_376 = arith.mulf %get3A_368, %max3A_375 : vector<16xf32>
      %swap3A_377 = arith.index_cast %add3A_340 : i32 to index
      %swap3A_378 = arith.constant 16 : index
      %swap3A_379 = tpu.vector_load %arg11[%swap3A_377, %swap3A_378] {strides = array<i32>} : memref<320x32xf32, #tpu.memory_space<vmem>>, vector<16xf32>,
      tpu.vector_store %arg11[%swap3A_377, %swap3A_378], %mul3A_376 {strides = array<i32>} : memref<320x32xf32, #tpu.memory_space<vmem>>, vector<16xf32>,
      %mul3A_380 = arith.constant 4 : i32
      %mul3A_381 = arith.muli %scan3A_336, %mul3A_380 : i32
      %add3A_382 = arith.constant 1 : i32
      %add3A_383 = arith.addi %mul3A_381, %add3A_382 : i32
      %get3A_384 = arith.index_cast %add3A_383 : i32 to index
      %get3A_385 = arith.constant 0 : index
      %get3A_386 = tpu.vector_load %arg11[%get3A_384, %get3A_385] {strides = array<i32>} : memref<320x32xf32, #tpu.memory_space<vmem>>, vector<16xf32>,
      %get3A_387 = arith.index_cast %add3A_383 : i32 to index
      %get3A_388 = arith.constant 0 : index
      %get3A_389 = tpu.vector_load %arg12[%get3A_387, %get3A_388] {strides = array<i32>} : memref<320x32xf32, #tpu.memory_space<vmem>>, vector<16xf32>,
      %add3A_390 = arith.addf %get3A_386, %get3A_389 : vector<16xf32>
      %get3A_391 = arith.index_cast %add3A_383 : i32 to index
      %get3A_392 = arith.constant 0 : index
      %get3A_393 = tpu.vector_load %arg13[%get3A_391, %get3A_392] {strides = array<i32>} : memref<320x32xf32, #tpu.memory_space<vmem>>, vector<16xf32>,
      %mul3A_394 = arith.mulf %get3A_393, %add3A_390 : vector<16xf32>
      %get3A_395 = arith.constant 0 : index
      %get3A_396 = tpu.vector_load %arg14[%get3A_395] {strides = array<i32>} : memref<32xf32, #tpu.memory_space<vmem>>, vector<16xf32>,
      %add3A_397 = arith.addf %mul3A_394, %get3A_396 : vector<16xf32>
      %max3A_398 = arith.constant 0.000000e+00 : f32
      %max3A_399 = vector.broadcast %max3A_398 : f32 to vector<16xf32>
      %max3A_400 = arith.maximumf %add3A_397, %max3A_399 : vector<16xf32>
      %mul3A_401 = arith.mulf %get3A_393, %max3A_400 : vector<16xf32>
      %swap3A_402 = arith.index_cast %add3A_383 : i32 to index
      %swap3A_403 = arith.constant 0 : index
      %swap3A_404 = tpu.vector_load %arg11[%swap3A_402, %swap3A_403] {strides = array<i32>} : memref<320x32xf32, #tpu.memory_space<vmem>>, vector<16xf32>,
      tpu.vector_store %arg11[%swap3A_402, %swap3A_403], %mul3A_401 {strides = array<i32>} : memref<320x32xf32, #tpu.memory_space<vmem>>, vector<16xf32>,
      %get3A_405 = arith.index_cast %add3A_383 : i32 to index
      %get3A_406 = arith.constant 16 : index
      %get3A_407 = tpu.vector_load %arg11[%get3A_405, %get3A_406] {strides = array<i32>} : memref<320x32xf32, #tpu.memory_space<vmem>>, vector<16xf32>,
      %get3A_408 = arith.index_cast %add3A_383 : i32 to index
      %get3A_409 = arith.constant 16 : index
      %get3A_410 = tpu.vector_load %arg12[%get3A_408, %get3A_409] {strides = array<i32>} : memref<320x32xf32, #tpu.memory_space<vmem>>, vector<16xf32>,
      %add3A_411 = arith.addf %get3A_407, %get3A_410 : vector<16xf32>
      %get3A_412 = arith.index_cast %add3A_383 : i32 to index
      %get3A_413 = arith.constant 16 : index
      %get3A_414 = tpu.vector_load %arg13[%get3A_412, %get3A_413] {strides = array<i32>} : memref<320x32xf32, #tpu.memory_space<vmem>>, vector<16xf32>,
      %mul3A_415 = arith.mulf %get3A_414, %add3A_411 : vector<16xf32>
      %get3A_416 = arith.constant 16 : index
      %get3A_417 = tpu.vector_load %arg14[%get3A_416] {strides = array<i32>} : memref<32xf32, #tpu.memory_space<vmem>>, vector<16xf32>,
      %add3A_418 = arith.addf %mul3A_415, %get3A_417 : vector<16xf32>
      %max3A_419 = arith.constant 0.000000e+00 : f32
      %max3A_420 = vector.broadcast %max3A_419 : f32 to vector<16xf32>
      %max3A_421 = arith.maximumf %add3A_418, %max3A_420 : vector<16xf32>
      %mul3A_422 = arith.mulf %get3A_414, %max3A_421 : vector<16xf32>
      %swap3A_423 = arith.index_cast %add3A_383 : i32 to index
      %swap3A_424 = arith.constant 16 : index
      %swap3A_425 = tpu.vector_load %arg11[%swap3A_423, %swap3A_424] {strides = array<i32>} : memref<320x32xf32, #tpu.memory_space<vmem>>, vector<16xf32>,
      tpu.vector_store %arg11[%swap3A_423, %swap3A_424], %mul3A_422 {strides = array<i32>} : memref<320x32xf32, #tpu.memory_space<vmem>>, vector<16xf32>,
      %mul3A_426 = arith.constant 4 : i32
      %mul3A_427 = arith.muli %scan3A_336, %mul3A_426 : i32
      %add3A_428 = arith.constant 2 : i32
      %add3A_429 = arith.addi %mul3A_427, %add3A_428 : i32
      %get3A_430 = arith.index_cast %add3A_429 : i32 to index
      %get3A_431 = arith.constant 0 : index
      %get3A_432 = tpu.vector_load %arg11[%get3A_430, %get3A_431] {strides = array<i32>} : memref<320x32xf32, #tpu.memory_space<vmem>>, vector<16xf32>,
      %get3A_433 = arith.index_cast %add3A_429 : i32 to index
      %get3A_434 = arith.constant 0 : index
      %get3A_435 = tpu.vector_load %arg12[%get3A_433, %get3A_434] {strides = array<i32>} : memref<320x32xf32, #tpu.memory_space<vmem>>, vector<16xf32>,
      %add3A_436 = arith.addf %get3A_432, %get3A_435 : vector<16xf32>
      %get3A_437 = arith.index_cast %add3A_429 : i32 to index
      %get3A_438 = arith.constant 0 : index
      %get3A_439 = tpu.vector_load %arg13[%get3A_437, %get3A_438] {strides = array<i32>} : memref<320x32xf32, #tpu.memory_space<vmem>>, vector<16xf32>,
      %mul3A_440 = arith.mulf %get3A_439, %add3A_436 : vector<16xf32>
      %get3A_441 = arith.constant 0 : index
      %get3A_442 = tpu.vector_load %arg14[%get3A_441] {strides = array<i32>} : memref<32xf32, #tpu.memory_space<vmem>>, vector<16xf32>,
      %add3A_443 = arith.addf %mul3A_440, %get3A_442 : vector<16xf32>
      %max3A_444 = arith.constant 0.000000e+00 : f32
      %max3A_445 = vector.broadcast %max3A_444 : f32 to vector<16xf32>
      %max3A_446 = arith.maximumf %add3A_443, %max3A_445 : vector<16xf32>
      %mul3A_447 = arith.mulf %get3A_439, %max3A_446 : vector<16xf32>
      %swap3A_448 = arith.index_cast %add3A_429 : i32 to index
      %swap3A_449 = arith.constant 0 : index
      %swap3A_450 = tpu.vector_load %arg11[%swap3A_448, %swap3A_449] {strides = array<i32>} : memref<320x32xf32, #tpu.memory_space<vmem>>, vector<16xf32>,
      tpu.vector_store %arg11[%swap3A_448, %swap3A_449], %mul3A_447 {strides = array<i32>} : memref<320x32xf32, #tpu.memory_space<vmem>>, vector<16xf32>,
      %get3A_451 = arith.index_cast %add3A_429 : i32 to index
      %get3A_452 = arith.constant 16 : index
      %get3A_453 = tpu.vector_load %arg11[%get3A_451, %get3A_452] {strides = array<i32>} : memref<320x32xf32, #tpu.memory_space<vmem>>, vector<16xf32>,
      %get3A_454 = arith.index_cast %add3A_429 : i32 to index
      %get3A_455 = arith.constant 16 : index
      %get3A_456 = tpu.vector_load %arg12[%get3A_454, %get3A_455] {strides = array<i32>} : memref<320x32xf32, #tpu.memory_space<vmem>>, vector<16xf32>,
      %add3A_457 = arith.addf %get3A_453, %get3A_456 : vector<16xf32>
      %get3A_458 = arith.index_cast %add3A_429 : i32 to index
      %get3A_459 = arith.constant 16 : index
      %get3A_460 = tpu.vector_load %arg13[%get3A_458, %get3A_459] {strides = array<i32>} : memref<320x32xf32, #tpu.memory_space<vmem>>, vector<16xf32>,
      %mul3A_461 = arith.mulf %get3A_460, %add3A_457 : vector<16xf32>
      %get3A_462 = arith.constant 16 : index
      %get3A_463 = tpu.vector_load %arg14[%get3A_462] {strides = array<i32>} : memref<32xf32, #tpu.memory_space<vmem>>, vector<16xf32>,
      %add3A_464 = arith.addf %mul3A_461, %get3A_463 : vector<16xf32>
      %max3A_465 = arith.constant 0.000000e+00 : f32
      %max3A_466 = vector.broadcast %max3A_465 : f32 to vector<16xf32>
      %max3A_467 = arith.maximumf %add3A_464, %max3A_466 : vector<16xf32>
      %mul3A_468 = arith.mulf %get3A_460, %max3A_467 : vector<16xf32>
      %swap3A_469 = arith.index_cast %add3A_429 : i32 to index
      %swap3A_470 = arith.constant 16 : index
      %swap3A_471 = tpu.vector_load %arg11[%swap3A_469, %swap3A_470] {strides = array<i32>} : memref<320x32xf32, #tpu.memory_space<vmem>>, vector<16xf32>,
      tpu.vector_store %arg11[%swap3A_469, %swap3A_470], %mul3A_468 {strides = array<i32>} : memref<320x32xf32, #tpu.memory_space<vmem>>, vector<16xf32>,
      %mul3A_472 = arith.constant 4 : i32
      %mul3A_473 = arith.muli %scan3A_336, %mul3A_472 : i32
      %add3A_474 = arith.constant 3 : i32
      %add3A_475 = arith.addi %mul3A_473, %add3A_474 : i32
      %get3A_476 = arith.index_cast %add3A_475 : i32 to index
      %get3A_477 = arith.constant 0 : index
      %get3A_478 = tpu.vector_load %arg11[%get3A_476, %get3A_477] {strides = array<i32>} : memref<320x32xf32, #tpu.memory_space<vmem>>, vector<16xf32>,
      %get3A_479 = arith.index_cast %add3A_475 : i32 to index
      %get3A_480 = arith.constant 0 : index
      %get3A_481 = tpu.vector_load %arg12[%get3A_479, %get3A_480] {strides = array<i32>} : memref<320x32xf32, #tpu.memory_space<vmem>>, vector<16xf32>,
      %add3A_482 = arith.addf %get3A_478, %get3A_481 : vector<16xf32>
      %get3A_483 = arith.index_cast %add3A_475 : i32 to index
      %get3A_484 = arith.constant 0 : index
      %get3A_485 = tpu.vector_load %arg13[%get3A_483, %get3A_484] {strides = array<i32>} : memref<320x32xf32, #tpu.memory_space<vmem>>, vector<16xf32>,
      %mul3A_486 = arith.mulf %get3A_485, %add3A_482 : vector<16xf32>
      %get3A_487 = arith.constant 0 : index
      %get3A_488 = tpu.vector_load %arg14[%get3A_487] {strides = array<i32>} : memref<32xf32, #tpu.memory_space<vmem>>, vector<16xf32>,
      %add3A_489 = arith.addf %mul3A_486, %get3A_488 : vector<16xf32>
      %max3A_490 = arith.constant 0.000000e+00 : f32
      %max3A_491 = vector.broadcast %max3A_490 : f32 to vector<16xf32>
      %max3A_492 = arith.maximumf %add3A_489, %max3A_491 : vector<16xf32>
      %mul3A_493 = arith.mulf %get3A_485, %max3A_492 : vector<16xf32>
      %swap3A_494 = arith.index_cast %add3A_475 : i32 to index
      %swap3A_495 = arith.constant 0 : index
      %swap3A_496 = tpu.vector_load %arg11[%swap3A_494, %swap3A_495] {strides = array<i32>} : memref<320x32xf32, #tpu.memory_space<vmem>>, vector<16xf32>,
      tpu.vector_store %arg11[%swap3A_494, %swap3A_495], %mul3A_493 {strides = array<i32>} : memref<320x32xf32, #tpu.memory_space<vmem>>, vector<16xf32>,
      %get3A_497 = arith.index_cast %add3A_475 : i32 to index
      %get3A_498 = arith.constant 16 : index
      %get3A_499 = tpu.vector_load %arg11[%get3A_497, %get3A_498] {strides = array<i32>} : memref<320x32xf32, #tpu.memory_space<vmem>>, vector<16xf32>,
      %get3A_500 = arith.index_cast %add3A_475 : i32 to index
      %get3A_501 = arith.constant 16 : index
      %get3A_502 = tpu.vector_load %arg12[%get3A_500, %get3A_501] {strides = array<i32>} : memref<320x32xf32, #tpu.memory_space<vmem>>, vector<16xf32>,
      %add3A_503 = arith.addf %get3A_499, %get3A_502 : vector<16xf32>
      %get3A_504 = arith.index_cast %add3A_475 : i32 to index
      %get3A_505 = arith.constant 16 : index
      %get3A_506 = tpu.vector_load %arg13[%get3A_504, %get3A_505] {strides = array<i32>} : memref<320x32xf32, #tpu.memory_space<vmem>>, vector<16xf32>,
      %mul3A_507 = arith.mulf %get3A_506, %add3A_503 : vector<16xf32>
      %get3A_508 = arith.constant 16 : index
      %get3A_509 = tpu.vector_load %arg14[%get3A_508] {strides = array<i32>} : memref<32xf32, #tpu.memory_space<vmem>>, vector<16xf32>,
      %add3A_510 = arith.addf %mul3A_507, %get3A_509 : vector<16xf32>
      %max3A_511 = arith.constant 0.000000e+00 : f32
      %max3A_512 = vector.broadcast %max3A_511 : f32 to vector<16xf32>
      %max3A_513 = arith.maximumf %add3A_510, %max3A_512 : vector<16xf32>
      %mul3A_514 = arith.mulf %get3A_506, %max3A_513 : vector<16xf32>
      %swap3A_515 = arith.index_cast %add3A_475 : i32 to index
      %swap3A_516 = arith.constant 16 : index
      %swap3A_517 = tpu.vector_load %arg11[%swap3A_515, %swap3A_516] {strides = array<i32>} : memref<320x32xf32, #tpu.memory_space<vmem>>, vector<16xf32>,
      tpu.vector_store %arg11[%swap3A_515, %swap3A_516], %mul3A_514 {strides = array<i32>} : memref<320x32xf32, #tpu.memory_space<vmem>>, vector<16xf32>,
    }
    %scan3A_124 = arith.constant 80 : i32
    %mul3A_125 = arith.constant 10240 : i32
    %mul3A_126 = arith.muli %arg0, %mul3A_125 : i32
    %add3A_127 = arith.addi %mul3A_126, %mul3A_2 : i32
    %add3A_128 = arith.constant 320 : i32
    %add3A_129 = arith.addi %add3A_127, %add3A_128 : i32
    "tpu.region"() ({
      %run_scoped3A_336 = tpu.sem_alloc : memref<!tpu.dma_semaphore, #tpu.memory_space<semaphore_mem>>
      %dma_start3A_337 = arith.constant 0 : i32
      %dma_start3A_338 = tpu.memref_slice %arg8[%add3A_129, %dma_start3A_337] : memref<20480x32xf32, #tpu.memory_space<hbm>> -> memref<320x32xf32, #tpu.memory_space<hbm>>
      %dma_start3A_339 = arith.constant 0 : i32
      %dma_start3A_340 = tpu.memref_slice %arg8[%add3A_129, %dma_start3A_339] : memref<20480x32xf32, #tpu.memory_space<hbm>> -> memref<320x32xf32, #tpu.memory_space<hbm>>
      tpu.enqueue_dma source(%arg11 : memref<320x32xf32, #tpu.memory_space<vmem>>) target(%dma_start3A_340 : memref<320x32xf32, #tpu.memory_space<hbm>>) target_semaphore(%run_scoped3A_336 : memref<!tpu.dma_semaphore, #tpu.memory_space<semaphore_mem>>)
      %dma_wait3A_341 = arith.constant 0 : i32
      %dma_wait3A_342 = tpu.memref_slice %arg8[%add3A_129, %dma_wait3A_341] : memref<20480x32xf32, #tpu.memory_space<hbm>> -> memref<320x32xf32, #tpu.memory_space<hbm>>
      %dma_wait3A_343 = arith.constant 0 : i32
      %dma_wait3A_344 = tpu.memref_slice %arg8[%add3A_129, %dma_wait3A_343] : memref<20480x32xf32, #tpu.memory_space<hbm>> -> memref<320x32xf32, #tpu.memory_space<hbm>>
      tpu.wait_dma2 semaphore(%run_scoped3A_336 : memref<!tpu.dma_semaphore, #tpu.memory_space<semaphore_mem>>) src(%arg11 : memref<320x32xf32, #tpu.memory_space<vmem>>) dst(%dma_wait3A_344 : memref<320x32xf32, #tpu.memory_space<hbm>>)
      tpu.yield
    }) : () -> ()
    "tpu.trace_stop"() : () -> ()
    "tpu.region"() ({
      %run_scoped3A_336 = tpu.sem_alloc : memref<!tpu.dma_semaphore, #tpu.memory_space<semaphore_mem>>
      %dma_start3A_337 = arith.constant 0 : i32
      %dma_start3A_338 = tpu.memref_slice %arg16[%mul3A_2, %dma_start3A_337] : memref<10240x32xf32, #tpu.memory_space<vmem_shared>> -> memref<640x32xf32, #tpu.memory_space<vmem_shared>>
      %dma_start3A_339 = arith.constant 0 : i32
      %dma_start3A_340 = tpu.memref_slice %arg6[%mul3A_2, %dma_start3A_339] : memref<10240x32xf32, #tpu.memory_space<hbm>> -> memref<640x32xf32, #tpu.memory_space<hbm>>
      tpu.enqueue_dma source(%dma_start3A_340 : memref<640x32xf32, #tpu.memory_space<hbm>>) target(%dma_start3A_338 : memref<640x32xf32, #tpu.memory_space<vmem_shared>>) target_semaphore(%run_scoped3A_336 : memref<!tpu.dma_semaphore, #tpu.memory_space<semaphore_mem>>)
      %dma_wait3A_341 = arith.constant 0 : i32
      %dma_wait3A_342 = tpu.memref_slice %arg16[%mul3A_2, %dma_wait3A_341] : memref<10240x32xf32, #tpu.memory_space<vmem_shared>> -> memref<640x32xf32, #tpu.memory_space<vmem_shared>>
      %dma_wait3A_343 = arith.constant 0 : i32
      %dma_wait3A_344 = tpu.memref_slice %arg6[%mul3A_2, %dma_wait3A_343] : memref<10240x32xf32, #tpu.memory_space<hbm>> -> memref<640x32xf32, #tpu.memory_space<hbm>>
      tpu.wait_dma2 semaphore(%run_scoped3A_336 : memref<!tpu.dma_semaphore, #tpu.memory_space<semaphore_mem>>) src(%dma_wait3A_344 : memref<640x32xf32, #tpu.memory_space<hbm>>) dst(%dma_wait3A_342 : memref<640x32xf32, #tpu.memory_space<vmem_shared>>)
      tpu.yield
    }) : () -> ()
    %mul3A_130 = arith.constant 10000 : i32
    %mul3A_131 = arith.muli %add3A, %mul3A_130 : i32
    %dma_wait3A_132 = arith.constant 0 : i32
    %dma_wait3A_133 = arith.constant 3 : i32
    %dma_wait3A_134 = tpu.memref_slice %arg5[%dma_wait3A_132, %mul3A_131] : memref<2x320000xi32, #tpu.memory_space<hbm>> -> memref<1x10000xi32, #tpu.memory_space<hbm>>
    %dma_wait3A_135 = tpu.memref_squeeze %dma_wait3A_134 : memref<1x10000xi32, #tpu.memory_space<hbm>> -> memref<10000xi32, #tpu.memory_space<hbm>>
    %dma_wait3A_136 = tpu.memref_slice %arg17[%dma_wait3A_133] : memref<6x!tpu.dma_semaphore, #tpu.memory_space<semaphore_mem>> -> memref<1x!tpu.dma_semaphore, #tpu.memory_space<semaphore_mem>>
    %dma_wait3A_137 = tpu.memref_squeeze %dma_wait3A_136 : memref<1x!tpu.dma_semaphore, #tpu.memory_space<semaphore_mem>> -> memref<!tpu.dma_semaphore, #tpu.memory_space<semaphore_mem>>
    %dma_wait3A_138 = tpu.memref_slice %arg5[%dma_wait3A_132, %mul3A_131] : memref<2x320000xi32, #tpu.memory_space<hbm>> -> memref<1x10000xi32, #tpu.memory_space<hbm>>
    %dma_wait3A_139 = tpu.memref_squeeze %dma_wait3A_138 : memref<1x10000xi32, #tpu.memory_space<hbm>> -> memref<10000xi32, #tpu.memory_space<hbm>>
    tpu.wait_dma2 semaphore(%dma_wait3A_137 : memref<!tpu.dma_semaphore, #tpu.memory_space<semaphore_mem>>) src(%dma_wait3A_139 : memref<10000xi32, #tpu.memory_space<hbm>>) dst(%arg9 : memref<10000xi32, #tpu.memory_space<vmem>>)
    %mul3A_140 = arith.constant 10000 : i32
    %mul3A_141 = arith.muli %add3A, %mul3A_140 : i32
    %dma_wait3A_142 = arith.constant 1 : i32
    %dma_wait3A_143 = arith.constant 4 : i32
    %dma_wait3A_144 = tpu.memref_slice %arg5[%dma_wait3A_142, %mul3A_141] : memref<2x320000xi32, #tpu.memory_space<hbm>> -> memref<1x10000xi32, #tpu.memory_space<hbm>>
    %dma_wait3A_145 = tpu.memref_squeeze %dma_wait3A_144 : memref<1x10000xi32, #tpu.memory_space<hbm>> -> memref<10000xi32, #tpu.memory_space<hbm>>
    %dma_wait3A_146 = tpu.memref_slice %arg17[%dma_wait3A_143] : memref<6x!tpu.dma_semaphore, #tpu.memory_space<semaphore_mem>> -> memref<1x!tpu.dma_semaphore, #tpu.memory_space<semaphore_mem>>
    %dma_wait3A_147 = tpu.memref_squeeze %dma_wait3A_146 : memref<1x!tpu.dma_semaphore, #tpu.memory_space<semaphore_mem>> -> memref<!tpu.dma_semaphore, #tpu.memory_space<semaphore_mem>>
    %dma_wait3A_148 = tpu.memref_slice %arg5[%dma_wait3A_142, %mul3A_141] : memref<2x320000xi32, #tpu.memory_space<hbm>> -> memref<1x10000xi32, #tpu.memory_space<hbm>>
    %dma_wait3A_149 = tpu.memref_squeeze %dma_wait3A_148 : memref<1x10000xi32, #tpu.memory_space<hbm>> -> memref<10000xi32, #tpu.memory_space<hbm>>
    tpu.wait_dma2 semaphore(%dma_wait3A_147 : memref<!tpu.dma_semaphore, #tpu.memory_space<semaphore_mem>>) src(%dma_wait3A_149 : memref<10000xi32, #tpu.memory_space<hbm>>) dst(%arg10 : memref<10000xi32, #tpu.memory_space<vmem>>)
    %mul3A_150 = arith.constant 10240 : i32
    %mul3A_151 = arith.muli %arg0, %mul3A_150 : i32
    %broadcast_in_dim3A = vector.broadcast %mul3A_151 : i32 to vector<16xi32>
    %scan3A_152 = arith.constant 0 : i32
    %scan3A_153 = arith.constant 0 : i32
    %scan3A_154 = arith.constant 125 : i32
    %scan3A_155 = arith.addi %scan3A_153, %scan3A_154 : i32
    %scan3A_156 = arith.constant 1 : i32
    scf.for %scan3A_336 = %scan3A_153 to %scan3A_155 step %scan3A_156  : i32 {
      %mul3A_337 = arith.constant 80 : i32
      %mul3A_338 = arith.muli %scan3A_336, %mul3A_337 : i32
      %add3A_339 = arith.constant 0 : i32
      %add3A_340 = arith.addi %mul3A_338, %add3A_339 : i32
      %get3A = arith.index_cast %add3A_340 : i32 to index
      %get3A_341 = tpu.vector_load %arg9[%get3A] {strides = array<i32>} : memref<10000xi32, #tpu.memory_space<vmem>>, vector<16xi32>,
      %add3A_342 = arith.addi %get3A_341, %broadcast_in_dim3A : vector<16xi32>
      %swap3A = arith.index_cast %add3A_340 : i32 to index
      %swap3A_343 = tpu.vector_load %arg9[%swap3A] {strides = array<i32>} : memref<10000xi32, #tpu.memory_space<vmem>>, vector<16xi32>,
      tpu.vector_store %arg9[%swap3A], %add3A_342 {strides = array<i32>} : memref<10000xi32, #tpu.memory_space<vmem>>, vector<16xi32>,
      %mul3A_344 = arith.constant 80 : i32
      %mul3A_345 = arith.muli %scan3A_336, %mul3A_344 : i32
      %add3A_346 = arith.constant 16 : i32
      %add3A_347 = arith.addi %mul3A_345, %add3A_346 : i32
      %get3A_348 = arith.index_cast %add3A_347 : i32 to index
      %get3A_349 = tpu.vector_load %arg9[%get3A_348] {strides = array<i32>} : memref<10000xi32, #tpu.memory_space<vmem>>, vector<16xi32>,
      %add3A_350 = arith.addi %get3A_349, %broadcast_in_dim3A : vector<16xi32>
      %swap3A_351 = arith.index_cast %add3A_347 : i32 to index
      %swap3A_352 = tpu.vector_load %arg9[%swap3A_351] {strides = array<i32>} : memref<10000xi32, #tpu.memory_space<vmem>>, vector<16xi32>,
      tpu.vector_store %arg9[%swap3A_351], %add3A_350 {strides = array<i32>} : memref<10000xi32, #tpu.memory_space<vmem>>, vector<16xi32>,
      %mul3A_353 = arith.constant 80 : i32
      %mul3A_354 = arith.muli %scan3A_336, %mul3A_353 : i32
      %add3A_355 = arith.constant 32 : i32
      %add3A_356 = arith.addi %mul3A_354, %add3A_355 : i32
      %get3A_357 = arith.index_cast %add3A_356 : i32 to index
      %get3A_358 = tpu.vector_load %arg9[%get3A_357] {strides = array<i32>} : memref<10000xi32, #tpu.memory_space<vmem>>, vector<16xi32>,
      %add3A_359 = arith.addi %get3A_358, %broadcast_in_dim3A : vector<16xi32>
      %swap3A_360 = arith.index_cast %add3A_356 : i32 to index
      %swap3A_361 = tpu.vector_load %arg9[%swap3A_360] {strides = array<i32>} : memref<10000xi32, #tpu.memory_space<vmem>>, vector<16xi32>,
      tpu.vector_store %arg9[%swap3A_360], %add3A_359 {strides = array<i32>} : memref<10000xi32, #tpu.memory_space<vmem>>, vector<16xi32>,
      %mul3A_362 = arith.constant 80 : i32
      %mul3A_363 = arith.muli %scan3A_336, %mul3A_362 : i32
      %add3A_364 = arith.constant 48 : i32
      %add3A_365 = arith.addi %mul3A_363, %add3A_364 : i32
      %get3A_366 = arith.index_cast %add3A_365 : i32 to index
      %get3A_367 = tpu.vector_load %arg9[%get3A_366] {strides = array<i32>} : memref<10000xi32, #tpu.memory_space<vmem>>, vector<16xi32>,
      %add3A_368 = arith.addi %get3A_367, %broadcast_in_dim3A : vector<16xi32>
      %swap3A_369 = arith.index_cast %add3A_365 : i32 to index
      %swap3A_370 = tpu.vector_load %arg9[%swap3A_369] {strides = array<i32>} : memref<10000xi32, #tpu.memory_space<vmem>>, vector<16xi32>,
      tpu.vector_store %arg9[%swap3A_369], %add3A_368 {strides = array<i32>} : memref<10000xi32, #tpu.memory_space<vmem>>, vector<16xi32>,
      %mul3A_371 = arith.constant 80 : i32
      %mul3A_372 = arith.muli %scan3A_336, %mul3A_371 : i32
      %add3A_373 = arith.constant 64 : i32
      %add3A_374 = arith.addi %mul3A_372, %add3A_373 : i32
      %get3A_375 = arith.index_cast %add3A_374 : i32 to index
      %get3A_376 = tpu.vector_load %arg9[%get3A_375] {strides = array<i32>} : memref<10000xi32, #tpu.memory_space<vmem>>, vector<16xi32>,
      %add3A_377 = arith.addi %get3A_376, %broadcast_in_dim3A : vector<16xi32>
      %swap3A_378 = arith.index_cast %add3A_374 : i32 to index
      %swap3A_379 = tpu.vector_load %arg9[%swap3A_378] {strides = array<i32>} : memref<10000xi32, #tpu.memory_space<vmem>>, vector<16xi32>,
      tpu.vector_store %arg9[%swap3A_378], %add3A_377 {strides = array<i32>} : memref<10000xi32, #tpu.memory_space<vmem>>, vector<16xi32>,
    }
    %scan3A_157 = arith.constant 125 : i32
    %barrier3A = arith.constant 0 : index
    tpu.barrier barrier_id(%barrier3A)
    %dma_start3A_158 = arith.constant 0 : i32
    %dma_start3A_159 = arith.constant 0 : i32
    "tpu.trace_start"() <{level = 10 : i32, message = "q2_agg"}> : () -> ()
    %dma_start3A_160 = arith.constant 0 : i32
    %dma_start3A_161 = arith.constant 0 : i32
    %dma_start3A_162 = tpu.memref_slice %arg15[%dma_start3A_158, %dma_start3A_160, %dma_start3A_161] : memref<6x128x32xf32, #tpu.memory_space<vmem>> -> memref<1x128x32xf32, #tpu.memory_space<vmem>>
    %dma_start3A_163 = tpu.memref_squeeze %dma_start3A_162 : memref<1x128x32xf32, #tpu.memory_space<vmem>> -> memref<128x32xf32, #tpu.memory_space<vmem>>
    %dma_start3A_164 = arith.constant 0 : i32
    %dma_start3A_165 = tpu.memref_slice %arg9[%dma_start3A_164] : memref<10000xi32, #tpu.memory_space<vmem>> -> memref<128xi32, #tpu.memory_space<vmem>>
    %dma_start3A_166 = arith.constant 0 : i32
    %dma_start3A_167 = arith.constant 0 : i32
    %dma_start3A_168 = tpu.memref_slice %arg8[%dma_start3A_166, %dma_start3A_167] : memref<20480x32xf32, #tpu.memory_space<hbm>> -> memref<20480x32xf32, #tpu.memory_space<hbm>>
    %dma_start3A_169 = tpu.memref_slice %arg17[%dma_start3A_159] : memref<6x!tpu.dma_semaphore, #tpu.memory_space<semaphore_mem>> -> memref<1x!tpu.dma_semaphore, #tpu.memory_space<semaphore_mem>>
    %dma_start3A_170 = tpu.memref_squeeze %dma_start3A_169 : memref<1x!tpu.dma_semaphore, #tpu.memory_space<semaphore_mem>> -> memref<!tpu.dma_semaphore, #tpu.memory_space<semaphore_mem>>
    tpu.enqueue_indirect_dma source(%dma_start3A_168 : memref<20480x32xf32, #tpu.memory_space<hbm>>) target(%dma_start3A_163 : memref<128x32xf32, #tpu.memory_space<vmem>>) offsets(%dma_start3A_165 : memref<128xi32, #tpu.memory_space<vmem>>) semaphore(%dma_start3A_170 : memref<!tpu.dma_semaphore, #tpu.memory_space<semaphore_mem>>)
    %dma_start3A_171 = arith.constant 1 : i32
    %dma_start3A_172 = arith.constant 1 : i32
    %dma_start3A_173 = arith.constant 0 : i32
    %dma_start3A_174 = arith.constant 0 : i32
    %dma_start3A_175 = tpu.memref_slice %arg15[%dma_start3A_171, %dma_start3A_173, %dma_start3A_174] : memref<6x128x32xf32, #tpu.memory_space<vmem>> -> memref<1x128x32xf32, #tpu.memory_space<vmem>>
    %dma_start3A_176 = tpu.memref_squeeze %dma_start3A_175 : memref<1x128x32xf32, #tpu.memory_space<vmem>> -> memref<128x32xf32, #tpu.memory_space<vmem>>
    %dma_start3A_177 = arith.constant 128 : i32
    %dma_start3A_178 = tpu.memref_slice %arg9[%dma_start3A_177] : memref<10000xi32, #tpu.memory_space<vmem>> -> memref<128xi32, #tpu.memory_space<vmem>>
    %dma_start3A_179 = arith.constant 0 : i32
    %dma_start3A_180 = arith.constant 0 : i32
    %dma_start3A_181 = tpu.memref_slice %arg8[%dma_start3A_179, %dma_start3A_180] : memref<20480x32xf32, #tpu.memory_space<hbm>> -> memref<20480x32xf32, #tpu.memory_space<hbm>>
    %dma_start3A_182 = tpu.memref_slice %arg17[%dma_start3A_172] : memref<6x!tpu.dma_semaphore, #tpu.memory_space<semaphore_mem>> -> memref<1x!tpu.dma_semaphore, #tpu.memory_space<semaphore_mem>>
    %dma_start3A_183 = tpu.memref_squeeze %dma_start3A_182 : memref<1x!tpu.dma_semaphore, #tpu.memory_space<semaphore_mem>> -> memref<!tpu.dma_semaphore, #tpu.memory_space<semaphore_mem>>
    tpu.enqueue_indirect_dma source(%dma_start3A_181 : memref<20480x32xf32, #tpu.memory_space<hbm>>) target(%dma_start3A_176 : memref<128x32xf32, #tpu.memory_space<vmem>>) offsets(%dma_start3A_178 : memref<128xi32, #tpu.memory_space<vmem>>) semaphore(%dma_start3A_183 : memref<!tpu.dma_semaphore, #tpu.memory_space<semaphore_mem>>)
    %dma_start3A_184 = arith.constant 2 : i32
    %dma_start3A_185 = arith.constant 2 : i32
    %dma_start3A_186 = arith.constant 0 : i32
    %dma_start3A_187 = arith.constant 0 : i32
    %dma_start3A_188 = tpu.memref_slice %arg15[%dma_start3A_184, %dma_start3A_186, %dma_start3A_187] : memref<6x128x32xf32, #tpu.memory_space<vmem>> -> memref<1x128x32xf32, #tpu.memory_space<vmem>>
    %dma_start3A_189 = tpu.memref_squeeze %dma_start3A_188 : memref<1x128x32xf32, #tpu.memory_space<vmem>> -> memref<128x32xf32, #tpu.memory_space<vmem>>
    %dma_start3A_190 = arith.constant 256 : i32
    %dma_start3A_191 = tpu.memref_slice %arg9[%dma_start3A_190] : memref<10000xi32, #tpu.memory_space<vmem>> -> memref<128xi32, #tpu.memory_space<vmem>>
    %dma_start3A_192 = arith.constant 0 : i32
    %dma_start3A_193 = arith.constant 0 : i32
    %dma_start3A_194 = tpu.memref_slice %arg8[%dma_start3A_192, %dma_start3A_193] : memref<20480x32xf32, #tpu.memory_space<hbm>> -> memref<20480x32xf32, #tpu.memory_space<hbm>>
    %dma_start3A_195 = tpu.memref_slice %arg17[%dma_start3A_185] : memref<6x!tpu.dma_semaphore, #tpu.memory_space<semaphore_mem>> -> memref<1x!tpu.dma_semaphore, #tpu.memory_space<semaphore_mem>>
    %dma_start3A_196 = tpu.memref_squeeze %dma_start3A_195 : memref<1x!tpu.dma_semaphore, #tpu.memory_space<semaphore_mem>> -> memref<!tpu.dma_semaphore, #tpu.memory_space<semaphore_mem>>
    tpu.enqueue_indirect_dma source(%dma_start3A_194 : memref<20480x32xf32, #tpu.memory_space<hbm>>) target(%dma_start3A_189 : memref<128x32xf32, #tpu.memory_space<vmem>>) offsets(%dma_start3A_191 : memref<128xi32, #tpu.memory_space<vmem>>) semaphore(%dma_start3A_196 : memref<!tpu.dma_semaphore, #tpu.memory_space<semaphore_mem>>)
    %dma_start3A_197 = arith.constant 3 : i32
    %dma_start3A_198 = arith.constant 3 : i32
    %dma_start3A_199 = arith.constant 0 : i32
    %dma_start3A_200 = arith.constant 0 : i32
    %dma_start3A_201 = tpu.memref_slice %arg15[%dma_start3A_197, %dma_start3A_199, %dma_start3A_200] : memref<6x128x32xf32, #tpu.memory_space<vmem>> -> memref<1x128x32xf32, #tpu.memory_space<vmem>>
    %dma_start3A_202 = tpu.memref_squeeze %dma_start3A_201 : memref<1x128x32xf32, #tpu.memory_space<vmem>> -> memref<128x32xf32, #tpu.memory_space<vmem>>
    %dma_start3A_203 = arith.constant 384 : i32
    %dma_start3A_204 = tpu.memref_slice %arg9[%dma_start3A_203] : memref<10000xi32, #tpu.memory_space<vmem>> -> memref<128xi32, #tpu.memory_space<vmem>>
    %dma_start3A_205 = arith.constant 0 : i32
    %dma_start3A_206 = arith.constant 0 : i32
    %dma_start3A_207 = tpu.memref_slice %arg8[%dma_start3A_205, %dma_start3A_206] : memref<20480x32xf32, #tpu.memory_space<hbm>> -> memref<20480x32xf32, #tpu.memory_space<hbm>>
    %dma_start3A_208 = tpu.memref_slice %arg17[%dma_start3A_198] : memref<6x!tpu.dma_semaphore, #tpu.memory_space<semaphore_mem>> -> memref<1x!tpu.dma_semaphore, #tpu.memory_space<semaphore_mem>>
    %dma_start3A_209 = tpu.memref_squeeze %dma_start3A_208 : memref<1x!tpu.dma_semaphore, #tpu.memory_space<semaphore_mem>> -> memref<!tpu.dma_semaphore, #tpu.memory_space<semaphore_mem>>
    tpu.enqueue_indirect_dma source(%dma_start3A_207 : memref<20480x32xf32, #tpu.memory_space<hbm>>) target(%dma_start3A_202 : memref<128x32xf32, #tpu.memory_space<vmem>>) offsets(%dma_start3A_204 : memref<128xi32, #tpu.memory_space<vmem>>) semaphore(%dma_start3A_209 : memref<!tpu.dma_semaphore, #tpu.memory_space<semaphore_mem>>)
    %dma_start3A_210 = arith.constant 4 : i32
    %dma_start3A_211 = arith.constant 4 : i32
    %dma_start3A_212 = arith.constant 0 : i32
    %dma_start3A_213 = arith.constant 0 : i32
    %dma_start3A_214 = tpu.memref_slice %arg15[%dma_start3A_210, %dma_start3A_212, %dma_start3A_213] : memref<6x128x32xf32, #tpu.memory_space<vmem>> -> memref<1x128x32xf32, #tpu.memory_space<vmem>>
    %dma_start3A_215 = tpu.memref_squeeze %dma_start3A_214 : memref<1x128x32xf32, #tpu.memory_space<vmem>> -> memref<128x32xf32, #tpu.memory_space<vmem>>
    %dma_start3A_216 = arith.constant 512 : i32
    %dma_start3A_217 = tpu.memref_slice %arg9[%dma_start3A_216] : memref<10000xi32, #tpu.memory_space<vmem>> -> memref<128xi32, #tpu.memory_space<vmem>>
    %dma_start3A_218 = arith.constant 0 : i32
    %dma_start3A_219 = arith.constant 0 : i32
    %dma_start3A_220 = tpu.memref_slice %arg8[%dma_start3A_218, %dma_start3A_219] : memref<20480x32xf32, #tpu.memory_space<hbm>> -> memref<20480x32xf32, #tpu.memory_space<hbm>>
    %dma_start3A_221 = tpu.memref_slice %arg17[%dma_start3A_211] : memref<6x!tpu.dma_semaphore, #tpu.memory_space<semaphore_mem>> -> memref<1x!tpu.dma_semaphore, #tpu.memory_space<semaphore_mem>>
    %dma_start3A_222 = tpu.memref_squeeze %dma_start3A_221 : memref<1x!tpu.dma_semaphore, #tpu.memory_space<semaphore_mem>> -> memref<!tpu.dma_semaphore, #tpu.memory_space<semaphore_mem>>
    tpu.enqueue_indirect_dma source(%dma_start3A_220 : memref<20480x32xf32, #tpu.memory_space<hbm>>) target(%dma_start3A_215 : memref<128x32xf32, #tpu.memory_space<vmem>>) offsets(%dma_start3A_217 : memref<128xi32, #tpu.memory_space<vmem>>) semaphore(%dma_start3A_222 : memref<!tpu.dma_semaphore, #tpu.memory_space<semaphore_mem>>)
    %scan3A_223 = arith.constant 0 : i32
    %scan3A_224 = arith.constant 0 : i32
    %scan3A_225 = arith.constant 78 : i32
    %scan3A_226 = arith.addi %scan3A_224, %scan3A_225 : i32
    %scan3A_227 = arith.constant 1 : i32
    scf.for %scan3A_336 = %scan3A_224 to %scan3A_226 step %scan3A_227  : i32 {
      %rem3A = arith.constant 6 : i32
      %rem3A_337 = arith.remsi %scan3A_336, %rem3A : i32
      %mul3A_338 = arith.constant 128 : i32
      %mul3A_339 = arith.muli %scan3A_336, %mul3A_338 : i32
      %dma_wait3A_340 = arith.constant 0 : i32
      %dma_wait3A_341 = arith.constant 0 : i32
      %dma_wait3A_342 = tpu.memref_slice %arg15[%rem3A_337, %dma_wait3A_340, %dma_wait3A_341] : memref<6x128x32xf32, #tpu.memory_space<vmem>> -> memref<1x128x32xf32, #tpu.memory_space<vmem>>
      %dma_wait3A_343 = tpu.memref_squeeze %dma_wait3A_342 : memref<1x128x32xf32, #tpu.memory_space<vmem>> -> memref<128x32xf32, #tpu.memory_space<vmem>>
      %dma_wait3A_344 = tpu.memref_slice %arg9[%mul3A_339] : memref<10000xi32, #tpu.memory_space<vmem>> -> memref<128xi32, #tpu.memory_space<vmem>>
      %dma_wait3A_345 = arith.constant 0 : i32
      %dma_wait3A_346 = arith.constant 0 : i32
      %dma_wait3A_347 = tpu.memref_slice %arg8[%dma_wait3A_345, %dma_wait3A_346] : memref<20480x32xf32, #tpu.memory_space<hbm>> -> memref<20480x32xf32, #tpu.memory_space<hbm>>
      %dma_wait3A_348 = tpu.memref_slice %arg17[%rem3A_337] : memref<6x!tpu.dma_semaphore, #tpu.memory_space<semaphore_mem>> -> memref<1x!tpu.dma_semaphore, #tpu.memory_space<semaphore_mem>>
      %dma_wait3A_349 = tpu.memref_squeeze %dma_wait3A_348 : memref<1x!tpu.dma_semaphore, #tpu.memory_space<semaphore_mem>> -> memref<!tpu.dma_semaphore, #tpu.memory_space<semaphore_mem>>
      tpu.wait_indirect_dma semaphore(%dma_wait3A_349 : memref<!tpu.dma_semaphore, #tpu.memory_space<semaphore_mem>>) src(%dma_wait3A_347 : memref<20480x32xf32, #tpu.memory_space<hbm>>) dst(%dma_wait3A_343 : memref<128x32xf32, #tpu.memory_space<vmem>>)
      %mul3A_350 = arith.constant 128 : i32
      %mul3A_351 = arith.muli %scan3A_336, %mul3A_350 : i32
      %dma_start3A_352 = arith.constant 0 : i32
      %dma_start3A_353 = arith.constant 0 : i32
      %dma_start3A_354 = tpu.memref_slice %arg15[%rem3A_337, %dma_start3A_352, %dma_start3A_353] : memref<6x128x32xf32, #tpu.memory_space<vmem>> -> memref<1x128x32xf32, #tpu.memory_space<vmem>>
      %dma_start3A_355 = tpu.memref_squeeze %dma_start3A_354 : memref<1x128x32xf32, #tpu.memory_space<vmem>> -> memref<128x32xf32, #tpu.memory_space<vmem>>
      %dma_start3A_356 = tpu.memref_slice %arg10[%mul3A_351] : memref<10000xi32, #tpu.memory_space<vmem>> -> memref<128xi32, #tpu.memory_space<vmem>>
      %dma_start3A_357 = arith.constant 0 : i32
      %dma_start3A_358 = arith.constant 0 : i32
      %dma_start3A_359 = tpu.memref_slice %arg16[%dma_start3A_357, %dma_start3A_358] : memref<10240x32xf32, #tpu.memory_space<vmem_shared>> -> memref<10240x32xf32, #tpu.memory_space<vmem_shared>>
      %dma_start3A_360 = tpu.memref_slice %arg18[%rem3A_337] : memref<6x!tpu.dma_semaphore, #tpu.memory_space<semaphore_mem>> -> memref<1x!tpu.dma_semaphore, #tpu.memory_space<semaphore_mem>>
      %dma_start3A_361 = tpu.memref_squeeze %dma_start3A_360 : memref<1x!tpu.dma_semaphore, #tpu.memory_space<semaphore_mem>> -> memref<!tpu.dma_semaphore, #tpu.memory_space<semaphore_mem>>
      tpu.enqueue_indirect_dma source(%dma_start3A_355 : memref<128x32xf32, #tpu.memory_space<vmem>>) target(%dma_start3A_359 : memref<10240x32xf32, #tpu.memory_space<vmem_shared>>) offsets(%dma_start3A_356 : memref<128xi32, #tpu.memory_space<vmem>>) semaphore(%dma_start3A_361 : memref<!tpu.dma_semaphore, #tpu.memory_space<semaphore_mem>>) {add = true}
      %add3A_362 = arith.constant 6 : i32
      %add3A_363 = arith.addi %scan3A_336, %add3A_362 : i32
      %sub3A = arith.constant 1 : i32
      %sub3A_364 = arith.subi %add3A_363, %sub3A : i32
      %rem3A_365 = arith.constant 6 : i32
      %rem3A_366 = arith.remsi %sub3A_364, %rem3A_365 : i32
      %ge3A = arith.constant 1 : i32
      %ge3A_367 = arith.cmpi sge, %scan3A_336, %ge3A : i32
      %lt3A = arith.constant 78 : i32
      %lt3A_368 = arith.cmpi slt, %sub3A_364, %lt3A : i32
      %and3A = arith.andi %ge3A_367, %lt3A_368 : i1
      %convert_element_type3A = arith.extui %and3A : i1 to i32
      %cond3A = arith.constant 0 : i32
      %cond3A_369 = arith.cmpi ne, %convert_element_type3A, %cond3A : i32
      scf.if %cond3A_369 {
        %dma_wait3A_375 = arith.constant 0 : i32
        %dma_wait3A_376 = arith.constant 0 : i32
        %dma_wait3A_377 = tpu.memref_slice %arg15[%rem3A_366, %dma_wait3A_375, %dma_wait3A_376] : memref<6x128x32xf32, #tpu.memory_space<vmem>> -> memref<1x128x32xf32, #tpu.memory_space<vmem>>
        %dma_wait3A_378 = tpu.memref_squeeze %dma_wait3A_377 : memref<1x128x32xf32, #tpu.memory_space<vmem>> -> memref<128x32xf32, #tpu.memory_space<vmem>>
        %dma_wait3A_379 = arith.constant 0 : i32
        %dma_wait3A_380 = tpu.memref_slice %arg10[%dma_wait3A_379] : memref<10000xi32, #tpu.memory_space<vmem>> -> memref<128xi32, #tpu.memory_space<vmem>>
        %dma_wait3A_381 = arith.constant 0 : i32
        %dma_wait3A_382 = arith.constant 0 : i32
        %dma_wait3A_383 = tpu.memref_slice %arg16[%dma_wait3A_381, %dma_wait3A_382] : memref<10240x32xf32, #tpu.memory_space<vmem_shared>> -> memref<10240x32xf32, #tpu.memory_space<vmem_shared>>
        %dma_wait3A_384 = tpu.memref_slice %arg18[%rem3A_366] : memref<6x!tpu.dma_semaphore, #tpu.memory_space<semaphore_mem>> -> memref<1x!tpu.dma_semaphore, #tpu.memory_space<semaphore_mem>>
        %dma_wait3A_385 = tpu.memref_squeeze %dma_wait3A_384 : memref<1x!tpu.dma_semaphore, #tpu.memory_space<semaphore_mem>> -> memref<!tpu.dma_semaphore, #tpu.memory_space<semaphore_mem>>
        tpu.wait_indirect_dma semaphore(%dma_wait3A_385 : memref<!tpu.dma_semaphore, #tpu.memory_space<semaphore_mem>>) src(%dma_wait3A_378 : memref<128x32xf32, #tpu.memory_space<vmem>>) dst(%dma_wait3A_383 : memref<10240x32xf32, #tpu.memory_space<vmem_shared>>)
      } else {
      }
      %lt3A_370 = arith.constant 78 : i32
      %lt3A_371 = arith.cmpi slt, %sub3A_364, %lt3A_370 : i32
      %convert_element_type3A_372 = arith.extui %lt3A_371 : i1 to i32
      %cond3A_373 = arith.constant 0 : i32
      %cond3A_374 = arith.cmpi ne, %convert_element_type3A_372, %cond3A_373 : i32
      scf.if %cond3A_374 {
        %mul3A_375 = arith.constant 128 : i32
        %mul3A_376 = arith.muli %sub3A_364, %mul3A_375 : i32
        %dma_start3A_377 = arith.constant 0 : i32
        %dma_start3A_378 = arith.constant 0 : i32
        %dma_start3A_379 = tpu.memref_slice %arg15[%rem3A_366, %dma_start3A_377, %dma_start3A_378] : memref<6x128x32xf32, #tpu.memory_space<vmem>> -> memref<1x128x32xf32, #tpu.memory_space<vmem>>
        %dma_start3A_380 = tpu.memref_squeeze %dma_start3A_379 : memref<1x128x32xf32, #tpu.memory_space<vmem>> -> memref<128x32xf32, #tpu.memory_space<vmem>>
        %dma_start3A_381 = tpu.memref_slice %arg9[%mul3A_376] : memref<10000xi32, #tpu.memory_space<vmem>> -> memref<128xi32, #tpu.memory_space<vmem>>
        %dma_start3A_382 = arith.constant 0 : i32
        %dma_start3A_383 = arith.constant 0 : i32
        %dma_start3A_384 = tpu.memref_slice %arg8[%dma_start3A_382, %dma_start3A_383] : memref<20480x32xf32, #tpu.memory_space<hbm>> -> memref<20480x32xf32, #tpu.memory_space<hbm>>
        %dma_start3A_385 = tpu.memref_slice %arg17[%rem3A_366] : memref<6x!tpu.dma_semaphore, #tpu.memory_space<semaphore_mem>> -> memref<1x!tpu.dma_semaphore, #tpu.memory_space<semaphore_mem>>
        %dma_start3A_386 = tpu.memref_squeeze %dma_start3A_385 : memref<1x!tpu.dma_semaphore, #tpu.memory_space<semaphore_mem>> -> memref<!tpu.dma_semaphore, #tpu.memory_space<semaphore_mem>>
        tpu.enqueue_indirect_dma source(%dma_start3A_384 : memref<20480x32xf32, #tpu.memory_space<hbm>>) target(%dma_start3A_380 : memref<128x32xf32, #tpu.memory_space<vmem>>) offsets(%dma_start3A_381 : memref<128xi32, #tpu.memory_space<vmem>>) semaphore(%dma_start3A_386 : memref<!tpu.dma_semaphore, #tpu.memory_space<semaphore_mem>>)
      } else {
      }
    }
    %scan3A_228 = arith.constant 78 : i32
    %dma_wait3A_229 = arith.constant 0 : i32
    %dma_wait3A_230 = arith.constant 0 : i32
    %dma_wait3A_231 = arith.constant 0 : i32
    %dma_wait3A_232 = arith.constant 0 : i32
    %dma_wait3A_233 = tpu.memref_slice %arg15[%dma_wait3A_229, %dma_wait3A_231, %dma_wait3A_232] : memref<6x128x32xf32, #tpu.memory_space<vmem>> -> memref<1x128x32xf32, #tpu.memory_space<vmem>>
    %dma_wait3A_234 = tpu.memref_squeeze %dma_wait3A_233 : memref<1x128x32xf32, #tpu.memory_space<vmem>> -> memref<128x32xf32, #tpu.memory_space<vmem>>
    %dma_wait3A_235 = arith.constant 0 : i32
    %dma_wait3A_236 = tpu.memref_slice %arg10[%dma_wait3A_235] : memref<10000xi32, #tpu.memory_space<vmem>> -> memref<128xi32, #tpu.memory_space<vmem>>
    %dma_wait3A_237 = arith.constant 0 : i32
    %dma_wait3A_238 = arith.constant 0 : i32
    %dma_wait3A_239 = tpu.memref_slice %arg16[%dma_wait3A_237, %dma_wait3A_238] : memref<10240x32xf32, #tpu.memory_space<vmem_shared>> -> memref<10240x32xf32, #tpu.memory_space<vmem_shared>>
    %dma_wait3A_240 = tpu.memref_slice %arg18[%dma_wait3A_230] : memref<6x!tpu.dma_semaphore, #tpu.memory_space<semaphore_mem>> -> memref<1x!tpu.dma_semaphore, #tpu.memory_space<semaphore_mem>>
    %dma_wait3A_241 = tpu.memref_squeeze %dma_wait3A_240 : memref<1x!tpu.dma_semaphore, #tpu.memory_space<semaphore_mem>> -> memref<!tpu.dma_semaphore, #tpu.memory_space<semaphore_mem>>
    tpu.wait_indirect_dma semaphore(%dma_wait3A_241 : memref<!tpu.dma_semaphore, #tpu.memory_space<semaphore_mem>>) src(%dma_wait3A_234 : memref<128x32xf32, #tpu.memory_space<vmem>>) dst(%dma_wait3A_239 : memref<10240x32xf32, #tpu.memory_space<vmem_shared>>)
    %dma_wait3A_242 = arith.constant 1 : i32
    %dma_wait3A_243 = arith.constant 1 : i32
    %dma_wait3A_244 = arith.constant 0 : i32
    %dma_wait3A_245 = arith.constant 0 : i32
    %dma_wait3A_246 = tpu.memref_slice %arg15[%dma_wait3A_242, %dma_wait3A_244, %dma_wait3A_245] : memref<6x128x32xf32, #tpu.memory_space<vmem>> -> memref<1x128x32xf32, #tpu.memory_space<vmem>>
    %dma_wait3A_247 = tpu.memref_squeeze %dma_wait3A_246 : memref<1x128x32xf32, #tpu.memory_space<vmem>> -> memref<128x32xf32, #tpu.memory_space<vmem>>
    %dma_wait3A_248 = arith.constant 0 : i32
    %dma_wait3A_249 = tpu.memref_slice %arg10[%dma_wait3A_248] : memref<10000xi32, #tpu.memory_space<vmem>> -> memref<128xi32, #tpu.memory_space<vmem>>
    %dma_wait3A_250 = arith.constant 0 : i32
    %dma_wait3A_251 = arith.constant 0 : i32
    %dma_wait3A_252 = tpu.memref_slice %arg16[%dma_wait3A_250, %dma_wait3A_251] : memref<10240x32xf32, #tpu.memory_space<vmem_shared>> -> memref<10240x32xf32, #tpu.memory_space<vmem_shared>>
    %dma_wait3A_253 = tpu.memref_slice %arg18[%dma_wait3A_243] : memref<6x!tpu.dma_semaphore, #tpu.memory_space<semaphore_mem>> -> memref<1x!tpu.dma_semaphore, #tpu.memory_space<semaphore_mem>>
    %dma_wait3A_254 = tpu.memref_squeeze %dma_wait3A_253 : memref<1x!tpu.dma_semaphore, #tpu.memory_space<semaphore_mem>> -> memref<!tpu.dma_semaphore, #tpu.memory_space<semaphore_mem>>
    tpu.wait_indirect_dma semaphore(%dma_wait3A_254 : memref<!tpu.dma_semaphore, #tpu.memory_space<semaphore_mem>>) src(%dma_wait3A_247 : memref<128x32xf32, #tpu.memory_space<vmem>>) dst(%dma_wait3A_252 : memref<10240x32xf32, #tpu.memory_space<vmem_shared>>)
    %dma_wait3A_255 = arith.constant 2 : i32
    %dma_wait3A_256 = arith.constant 2 : i32
    %dma_wait3A_257 = arith.constant 0 : i32
    %dma_wait3A_258 = arith.constant 0 : i32
    %dma_wait3A_259 = tpu.memref_slice %arg15[%dma_wait3A_255, %dma_wait3A_257, %dma_wait3A_258] : memref<6x128x32xf32, #tpu.memory_space<vmem>> -> memref<1x128x32xf32, #tpu.memory_space<vmem>>
    %dma_wait3A_260 = tpu.memref_squeeze %dma_wait3A_259 : memref<1x128x32xf32, #tpu.memory_space<vmem>> -> memref<128x32xf32, #tpu.memory_space<vmem>>
    %dma_wait3A_261 = arith.constant 0 : i32
    %dma_wait3A_262 = tpu.memref_slice %arg10[%dma_wait3A_261] : memref<10000xi32, #tpu.memory_space<vmem>> -> memref<128xi32, #tpu.memory_space<vmem>>
    %dma_wait3A_263 = arith.constant 0 : i32
    %dma_wait3A_264 = arith.constant 0 : i32
    %dma_wait3A_265 = tpu.memref_slice %arg16[%dma_wait3A_263, %dma_wait3A_264] : memref<10240x32xf32, #tpu.memory_space<vmem_shared>> -> memref<10240x32xf32, #tpu.memory_space<vmem_shared>>
    %dma_wait3A_266 = tpu.memref_slice %arg18[%dma_wait3A_256] : memref<6x!tpu.dma_semaphore, #tpu.memory_space<semaphore_mem>> -> memref<1x!tpu.dma_semaphore, #tpu.memory_space<semaphore_mem>>
    %dma_wait3A_267 = tpu.memref_squeeze %dma_wait3A_266 : memref<1x!tpu.dma_semaphore, #tpu.memory_space<semaphore_mem>> -> memref<!tpu.dma_semaphore, #tpu.memory_space<semaphore_mem>>
    tpu.wait_indirect_dma semaphore(%dma_wait3A_267 : memref<!tpu.dma_semaphore, #tpu.memory_space<semaphore_mem>>) src(%dma_wait3A_260 : memref<128x32xf32, #tpu.memory_space<vmem>>) dst(%dma_wait3A_265 : memref<10240x32xf32, #tpu.memory_space<vmem_shared>>)
    %dma_wait3A_268 = arith.constant 3 : i32
    %dma_wait3A_269 = arith.constant 3 : i32
    %dma_wait3A_270 = arith.constant 0 : i32
    %dma_wait3A_271 = arith.constant 0 : i32
    %dma_wait3A_272 = tpu.memref_slice %arg15[%dma_wait3A_268, %dma_wait3A_270, %dma_wait3A_271] : memref<6x128x32xf32, #tpu.memory_space<vmem>> -> memref<1x128x32xf32, #tpu.memory_space<vmem>>
    %dma_wait3A_273 = tpu.memref_squeeze %dma_wait3A_272 : memref<1x128x32xf32, #tpu.memory_space<vmem>> -> memref<128x32xf32, #tpu.memory_space<vmem>>
    %dma_wait3A_274 = arith.constant 0 : i32
    %dma_wait3A_275 = tpu.memref_slice %arg10[%dma_wait3A_274] : memref<10000xi32, #tpu.memory_space<vmem>> -> memref<128xi32, #tpu.memory_space<vmem>>
    %dma_wait3A_276 = arith.constant 0 : i32
    %dma_wait3A_277 = arith.constant 0 : i32
    %dma_wait3A_278 = tpu.memref_slice %arg16[%dma_wait3A_276, %dma_wait3A_277] : memref<10240x32xf32, #tpu.memory_space<vmem_shared>> -> memref<10240x32xf32, #tpu.memory_space<vmem_shared>>
    %dma_wait3A_279 = tpu.memref_slice %arg18[%dma_wait3A_269] : memref<6x!tpu.dma_semaphore, #tpu.memory_space<semaphore_mem>> -> memref<1x!tpu.dma_semaphore, #tpu.memory_space<semaphore_mem>>
    %dma_wait3A_280 = tpu.memref_squeeze %dma_wait3A_279 : memref<1x!tpu.dma_semaphore, #tpu.memory_space<semaphore_mem>> -> memref<!tpu.dma_semaphore, #tpu.memory_space<semaphore_mem>>
    tpu.wait_indirect_dma semaphore(%dma_wait3A_280 : memref<!tpu.dma_semaphore, #tpu.memory_space<semaphore_mem>>) src(%dma_wait3A_273 : memref<128x32xf32, #tpu.memory_space<vmem>>) dst(%dma_wait3A_278 : memref<10240x32xf32, #tpu.memory_space<vmem_shared>>)
    %dma_wait3A_281 = arith.constant 4 : i32
    %dma_wait3A_282 = arith.constant 4 : i32
    %dma_wait3A_283 = arith.constant 0 : i32
    %dma_wait3A_284 = arith.constant 0 : i32
    %dma_wait3A_285 = tpu.memref_slice %arg15[%dma_wait3A_281, %dma_wait3A_283, %dma_wait3A_284] : memref<6x128x32xf32, #tpu.memory_space<vmem>> -> memref<1x128x32xf32, #tpu.memory_space<vmem>>
    %dma_wait3A_286 = tpu.memref_squeeze %dma_wait3A_285 : memref<1x128x32xf32, #tpu.memory_space<vmem>> -> memref<128x32xf32, #tpu.memory_space<vmem>>
    %dma_wait3A_287 = arith.constant 0 : i32
    %dma_wait3A_288 = tpu.memref_slice %arg10[%dma_wait3A_287] : memref<10000xi32, #tpu.memory_space<vmem>> -> memref<128xi32, #tpu.memory_space<vmem>>
    %dma_wait3A_289 = arith.constant 0 : i32
    %dma_wait3A_290 = arith.constant 0 : i32
    %dma_wait3A_291 = tpu.memref_slice %arg16[%dma_wait3A_289, %dma_wait3A_290] : memref<10240x32xf32, #tpu.memory_space<vmem_shared>> -> memref<10240x32xf32, #tpu.memory_space<vmem_shared>>
    %dma_wait3A_292 = tpu.memref_slice %arg18[%dma_wait3A_282] : memref<6x!tpu.dma_semaphore, #tpu.memory_space<semaphore_mem>> -> memref<1x!tpu.dma_semaphore, #tpu.memory_space<semaphore_mem>>
    %dma_wait3A_293 = tpu.memref_squeeze %dma_wait3A_292 : memref<1x!tpu.dma_semaphore, #tpu.memory_space<semaphore_mem>> -> memref<!tpu.dma_semaphore, #tpu.memory_space<semaphore_mem>>
    tpu.wait_indirect_dma semaphore(%dma_wait3A_293 : memref<!tpu.dma_semaphore, #tpu.memory_space<semaphore_mem>>) src(%dma_wait3A_286 : memref<128x32xf32, #tpu.memory_space<vmem>>) dst(%dma_wait3A_291 : memref<10240x32xf32, #tpu.memory_space<vmem_shared>>)
    %dma_wait3A_294 = arith.constant 5 : i32
    %dma_wait3A_295 = arith.constant 5 : i32
    %dma_wait3A_296 = arith.constant 0 : i32
    %dma_wait3A_297 = arith.constant 0 : i32
    %dma_wait3A_298 = tpu.memref_slice %arg15[%dma_wait3A_294, %dma_wait3A_296, %dma_wait3A_297] : memref<6x128x32xf32, #tpu.memory_space<vmem>> -> memref<1x128x32xf32, #tpu.memory_space<vmem>>
    %dma_wait3A_299 = tpu.memref_squeeze %dma_wait3A_298 : memref<1x128x32xf32, #tpu.memory_space<vmem>> -> memref<128x32xf32, #tpu.memory_space<vmem>>
    %dma_wait3A_300 = arith.constant 0 : i32
    %dma_wait3A_301 = tpu.memref_slice %arg10[%dma_wait3A_300] : memref<10000xi32, #tpu.memory_space<vmem>> -> memref<128xi32, #tpu.memory_space<vmem>>
    %dma_wait3A_302 = arith.constant 0 : i32
    %dma_wait3A_303 = arith.constant 0 : i32
    %dma_wait3A_304 = tpu.memref_slice %arg16[%dma_wait3A_302, %dma_wait3A_303] : memref<10240x32xf32, #tpu.memory_space<vmem_shared>> -> memref<10240x32xf32, #tpu.memory_space<vmem_shared>>
    %dma_wait3A_305 = tpu.memref_slice %arg18[%dma_wait3A_295] : memref<6x!tpu.dma_semaphore, #tpu.memory_space<semaphore_mem>> -> memref<1x!tpu.dma_semaphore, #tpu.memory_space<semaphore_mem>>
    %dma_wait3A_306 = tpu.memref_squeeze %dma_wait3A_305 : memref<1x!tpu.dma_semaphore, #tpu.memory_space<semaphore_mem>> -> memref<!tpu.dma_semaphore, #tpu.memory_space<semaphore_mem>>
    tpu.wait_indirect_dma semaphore(%dma_wait3A_306 : memref<!tpu.dma_semaphore, #tpu.memory_space<semaphore_mem>>) src(%dma_wait3A_299 : memref<128x32xf32, #tpu.memory_space<vmem>>) dst(%dma_wait3A_304 : memref<10240x32xf32, #tpu.memory_space<vmem_shared>>)
    %dma_start3A_307 = arith.constant 0 : i32
    %dma_start3A_308 = arith.constant 0 : i32
    %dma_start3A_309 = arith.constant 0 : i32
    %dma_start3A_310 = arith.constant 0 : i32
    %dma_start3A_311 = tpu.memref_slice %arg15[%dma_start3A_307, %dma_start3A_309, %dma_start3A_310] : memref<6x128x32xf32, #tpu.memory_space<vmem>> -> memref<1x16x32xf32, #tpu.memory_space<vmem>>
    %dma_start3A_312 = tpu.memref_squeeze %dma_start3A_311 : memref<1x16x32xf32, #tpu.memory_space<vmem>> -> memref<16x32xf32, #tpu.memory_space<vmem>>
    %dma_start3A_313 = arith.constant 9984 : i32
    %dma_start3A_314 = tpu.memref_slice %arg9[%dma_start3A_313] : memref<10000xi32, #tpu.memory_space<vmem>> -> memref<16xi32, #tpu.memory_space<vmem>>
    %dma_start3A_315 = arith.constant 0 : i32
    %dma_start3A_316 = arith.constant 0 : i32
    %dma_start3A_317 = tpu.memref_slice %arg8[%dma_start3A_315, %dma_start3A_316] : memref<20480x32xf32, #tpu.memory_space<hbm>> -> memref<20480x32xf32, #tpu.memory_space<hbm>>
    %dma_start3A_318 = tpu.memref_slice %arg17[%dma_start3A_308] : memref<6x!tpu.dma_semaphore, #tpu.memory_space<semaphore_mem>> -> memref<1x!tpu.dma_semaphore, #tpu.memory_space<semaphore_mem>>
    %dma_start3A_319 = tpu.memref_squeeze %dma_start3A_318 : memref<1x!tpu.dma_semaphore, #tpu.memory_space<semaphore_mem>> -> memref<!tpu.dma_semaphore, #tpu.memory_space<semaphore_mem>>
    tpu.enqueue_indirect_dma source(%dma_start3A_317 : memref<20480x32xf32, #tpu.memory_space<hbm>>) target(%dma_start3A_312 : memref<16x32xf32, #tpu.memory_space<vmem>>) offsets(%dma_start3A_314 : memref<16xi32, #tpu.memory_space<vmem>>) semaphore(%dma_start3A_319 : memref<!tpu.dma_semaphore, #tpu.memory_space<semaphore_mem>>)
    %dma_wait3A_320 = arith.constant 0 : i32
    %dma_wait3A_321 = arith.constant 0 : i32
    %dma_wait3A_322 = arith.constant 0 : i32
    %dma_wait3A_323 = arith.constant 0 : i32
    %dma_wait3A_324 = tpu.memref_slice %arg15[%dma_wait3A_320, %dma_wait3A_322, %dma_wait3A_323] : memref<6x128x32xf32, #tpu.memory_space<vmem>> -> memref<1x16x32xf32, #tpu.memory_space<vmem>>
    %dma_wait3A_325 = tpu.memref_squeeze %dma_wait3A_324 : memref<1x16x32xf32, #tpu.memory_space<vmem>> -> memref<16x32xf32, #tpu.memory_space<vmem>>
    %dma_wait3A_326 = arith.constant 9984 : i32
    %dma_wait3A_327 = tpu.memref_slice %arg9[%dma_wait3A_326] : memref<10000xi32, #tpu.memory_space<vmem>> -> memref<16xi32, #tpu.memory_space<vmem>>
    %dma_wait3A_328 = arith.constant 0 : i32
    %dma_wait3A_329 = arith.constant 0 : i32
    %dma_wait3A_330 = tpu.memref_slice %arg8[%dma_wait3A_328, %dma_wait3A_329] : memref<20480x32xf32, #tpu.memory_space<hbm>> -> memref<20480x32xf32, #tpu.memory_space<hbm>>
    %dma_wait3A_331 = tpu.memref_slice %arg17[%dma_wait3A_321] : memref<6x!tpu.dma_semaphore, #tpu.memory_space<semaphore_mem>> -> memref<1x!tpu.dma_semaphore, #tpu.memory_space<semaphore_mem>>
    %dma_wait3A_332 = tpu.memref_squeeze %dma_wait3A_331 : memref<1x!tpu.dma_semaphore, #tpu.memory_space<semaphore_mem>> -> memref<!tpu.dma_semaphore, #tpu.memory_space<semaphore_mem>>
    tpu.wait_indirect_dma semaphore(%dma_wait3A_332 : memref<!tpu.dma_semaphore, #tpu.memory_space<semaphore_mem>>) src(%dma_wait3A_330 : memref<20480x32xf32, #tpu.memory_space<hbm>>) dst(%dma_wait3A_325 : memref<16x32xf32, #tpu.memory_space<vmem>>)
    %run_scoped3A = arith.constant 0 : i32
    "tpu.region"() ({
      %run_scoped3A_336 = tpu.sem_alloc : memref<!tpu.dma_semaphore, #tpu.memory_space<semaphore_mem>>
      %dma_start3A_337 = arith.constant 0 : i32
      %dma_start3A_338 = arith.constant 0 : i32
      %dma_start3A_339 = tpu.memref_slice %arg15[%run_scoped3A, %dma_start3A_337, %dma_start3A_338] : memref<6x128x32xf32, #tpu.memory_space<vmem>> -> memref<1x16x32xf32, #tpu.memory_space<vmem>>
      %dma_start3A_340 = tpu.memref_squeeze %dma_start3A_339 : memref<1x16x32xf32, #tpu.memory_space<vmem>> -> memref<16x32xf32, #tpu.memory_space<vmem>>
      %dma_start3A_341 = arith.constant 9984 : i32
      %dma_start3A_342 = tpu.memref_slice %arg10[%dma_start3A_341] : memref<10000xi32, #tpu.memory_space<vmem>> -> memref<16xi32, #tpu.memory_space<vmem>>
      %dma_start3A_343 = arith.constant 0 : i32
      %dma_start3A_344 = arith.constant 0 : i32
      %dma_start3A_345 = tpu.memref_slice %arg16[%dma_start3A_343, %dma_start3A_344] : memref<10240x32xf32, #tpu.memory_space<vmem_shared>> -> memref<10240x32xf32, #tpu.memory_space<vmem_shared>>
      tpu.enqueue_indirect_dma source(%dma_start3A_340 : memref<16x32xf32, #tpu.memory_space<vmem>>) target(%dma_start3A_345 : memref<10240x32xf32, #tpu.memory_space<vmem_shared>>) offsets(%dma_start3A_342 : memref<16xi32, #tpu.memory_space<vmem>>) semaphore(%run_scoped3A_336 : memref<!tpu.dma_semaphore, #tpu.memory_space<semaphore_mem>>) {add = true}
      %dma_wait3A_346 = arith.constant 0 : i32
      %dma_wait3A_347 = arith.constant 0 : i32
      %dma_wait3A_348 = tpu.memref_slice %arg15[%run_scoped3A, %dma_wait3A_346, %dma_wait3A_347] : memref<6x128x32xf32, #tpu.memory_space<vmem>> -> memref<1x16x32xf32, #tpu.memory_space<vmem>>
      %dma_wait3A_349 = tpu.memref_squeeze %dma_wait3A_348 : memref<1x16x32xf32, #tpu.memory_space<vmem>> -> memref<16x32xf32, #tpu.memory_space<vmem>>
      %dma_wait3A_350 = arith.constant 9984 : i32
      %dma_wait3A_351 = tpu.memref_slice %arg10[%dma_wait3A_350] : memref<10000xi32, #tpu.memory_space<vmem>> -> memref<16xi32, #tpu.memory_space<vmem>>
      %dma_wait3A_352 = arith.constant 0 : i32
      %dma_wait3A_353 = arith.constant 0 : i32
      %dma_wait3A_354 = tpu.memref_slice %arg16[%dma_wait3A_352, %dma_wait3A_353] : memref<10240x32xf32, #tpu.memory_space<vmem_shared>> -> memref<10240x32xf32, #tpu.memory_space<vmem_shared>>
      tpu.wait_indirect_dma semaphore(%run_scoped3A_336 : memref<!tpu.dma_semaphore, #tpu.memory_space<semaphore_mem>>) src(%dma_wait3A_349 : memref<16x32xf32, #tpu.memory_space<vmem>>) dst(%dma_wait3A_354 : memref<10240x32xf32, #tpu.memory_space<vmem_shared>>)
      tpu.yield
    }) : () -> ()
    "tpu.trace_stop"() : () -> ()
    %barrier3A_333 = arith.constant 0 : index
    tpu.barrier barrier_id(%barrier3A_333)
    %mul3A_334 = arith.constant 32 : i32
    %mul3A_335 = arith.muli %arg0, %mul3A_334 : i32
    "tpu.region"() ({
      %run_scoped3A_336 = tpu.sem_alloc : memref<!tpu.dma_semaphore, #tpu.memory_space<semaphore_mem>>
      %dma_start3A_337 = tpu.memref_slice %arg7[%mul3A_2, %mul3A_335] : memref<10240x128xf32, #tpu.memory_space<hbm>> -> memref<640x32xf32, #tpu.memory_space<hbm>>
      %dma_start3A_338 = arith.constant 0 : i32
      %dma_start3A_339 = tpu.memref_slice %arg16[%mul3A_2, %dma_start3A_338] : memref<10240x32xf32, #tpu.memory_space<vmem_shared>> -> memref<640x32xf32, #tpu.memory_space<vmem_shared>>
      tpu.enqueue_dma source(%dma_start3A_339 : memref<640x32xf32, #tpu.memory_space<vmem_shared>>) target(%dma_start3A_337 : memref<640x32xf32, #tpu.memory_space<hbm>>) target_semaphore(%run_scoped3A_336 : memref<!tpu.dma_semaphore, #tpu.memory_space<semaphore_mem>>)
      %dma_wait3A_340 = tpu.memref_slice %arg7[%mul3A_2, %mul3A_335] : memref<10240x128xf32, #tpu.memory_space<hbm>> -> memref<640x32xf32, #tpu.memory_space<hbm>>
      %dma_wait3A_341 = arith.constant 0 : i32
      %dma_wait3A_342 = tpu.memref_slice %arg16[%mul3A_2, %dma_wait3A_341] : memref<10240x32xf32, #tpu.memory_space<vmem_shared>> -> memref<640x32xf32, #tpu.memory_space<vmem_shared>>
      tpu.wait_dma2 semaphore(%run_scoped3A_336 : memref<!tpu.dma_semaphore, #tpu.memory_space<semaphore_mem>>) src(%dma_wait3A_342 : memref<640x32xf32, #tpu.memory_space<vmem_shared>>) dst(%dma_wait3A_340 : memref<640x32xf32, #tpu.memory_space<hbm>>)
      tpu.yield
    }) : () -> ()
    return
  }
}

#map = affine_map<(d0, d1) -> (0, 0)>
module attributes {stable_mosaic.version = 14 : i64} {
  func.func @_sca_body(%arg0: i32, %arg1: i32, %arg2: memref<10240x128xf32, #tpu.memory_space<hbm>>, %arg3: memref<2x320000xi32, #tpu.memory_space<hbm>>, %arg4: memref<10240x32xf32, #tpu.memory_space<hbm>>, %arg5: memref<10240x128xf32, #tpu.memory_space<hbm>>, %arg6: memref<20480x32xf32, #tpu.memory_space<hbm>>, %arg7: memref<10240x128xf32, #tpu.memory_space<hbm>>, %arg8: memref<10000xi32, #tpu.memory_space<vmem>>, %arg9: memref<10000xi32, #tpu.memory_space<vmem>>, %arg10: memref<10240xf32, #tpu.memory_space<vmem>>, %arg11: memref<16x640xf32, #tpu.memory_space<vmem>>, %arg12: memref<320x32xf32, #tpu.memory_space<vmem>>, %arg13: memref<320x32xf32, #tpu.memory_space<vmem>>, %arg14: memref<640xf32, #tpu.memory_space<vmem>>, %arg15: memref<6x128x32xf32, #tpu.memory_space<vmem>>, %arg16: memref<16x10240xf32, #tpu.memory_space<vmem_shared>>, %arg17: memref<10240x32xf32, #tpu.memory_space<vmem_shared>>, %arg18: memref<6x!tpu.dma_semaphore, #tpu.memory_space<semaphore_mem>>, %arg19: memref<6x!tpu.dma_semaphore, #tpu.memory_space<semaphore_mem>>) attributes {dimension_semantics = [#tpu.dimension_semantics<core_parallel>, #tpu.dimension_semantics<subcore_parallel>], iteration_bounds = array<i64: 2, 16>, scalar_prefetch = 0 : i64, scratch_operands = 12 : i64, tpu.core_type = #tpu.core_type<sc_vector_subcore>, window_params = [{transform_indices = #map}, {transform_indices = #map}, {transform_indices = #map}, {transform_indices = #map}, {transform_indices = #map}, {transform_indices = #map}]} {
    %mul3A = arith.constant 2 : i32
    %mul3A_0 = arith.muli %mul3A, %arg1 : i32
    %add3A = arith.addi %mul3A_0, %arg0 : i32
    %mul3A_1 = arith.constant 640 : i32
    %mul3A_2 = arith.muli %arg1, %mul3A_1 : i32
    %scan3A = arith.constant 0 : i32
    %scan3A_3 = arith.constant 0 : i32
    %scan3A_4 = arith.constant 80 : i32
    %scan3A_5 = arith.addi %scan3A_3, %scan3A_4 : i32
    %scan3A_6 = arith.constant 1 : i32
    scf.for %scan3A_332 = %scan3A_3 to %scan3A_5 step %scan3A_6  : i32 {
      %broadcast_in_dim3A_333 = arith.constant 0.000000e+00 : f32
      %broadcast_in_dim3A_334 = vector.broadcast %broadcast_in_dim3A_333 : f32 to vector<16xf32>
      %mul3A_335 = arith.constant 128 : i32
      %mul3A_336 = arith.muli %scan3A_332, %mul3A_335 : i32
      %add3A_337 = arith.constant 0 : i32
      %add3A_338 = arith.addi %mul3A_336, %add3A_337 : i32
      %swap3A = arith.index_cast %add3A_338 : i32 to index
      %swap3A_339 = tpu.vector_load %arg10[%swap3A] {strides = array<i32>} : memref<10240xf32, #tpu.memory_space<vmem>>, vector<16xf32>,
      tpu.vector_store %arg10[%swap3A], %broadcast_in_dim3A_334 {strides = array<i32>} : memref<10240xf32, #tpu.memory_space<vmem>>, vector<16xf32>,
      %broadcast_in_dim3A_340 = arith.constant 0.000000e+00 : f32
      %broadcast_in_dim3A_341 = vector.broadcast %broadcast_in_dim3A_340 : f32 to vector<16xf32>
      %mul3A_342 = arith.constant 128 : i32
      %mul3A_343 = arith.muli %scan3A_332, %mul3A_342 : i32
      %add3A_344 = arith.constant 16 : i32
      %add3A_345 = arith.addi %mul3A_343, %add3A_344 : i32
      %swap3A_346 = arith.index_cast %add3A_345 : i32 to index
      %swap3A_347 = tpu.vector_load %arg10[%swap3A_346] {strides = array<i32>} : memref<10240xf32, #tpu.memory_space<vmem>>, vector<16xf32>,
      tpu.vector_store %arg10[%swap3A_346], %broadcast_in_dim3A_341 {strides = array<i32>} : memref<10240xf32, #tpu.memory_space<vmem>>, vector<16xf32>,
      %broadcast_in_dim3A_348 = arith.constant 0.000000e+00 : f32
      %broadcast_in_dim3A_349 = vector.broadcast %broadcast_in_dim3A_348 : f32 to vector<16xf32>
      %mul3A_350 = arith.constant 128 : i32
      %mul3A_351 = arith.muli %scan3A_332, %mul3A_350 : i32
      %add3A_352 = arith.constant 32 : i32
      %add3A_353 = arith.addi %mul3A_351, %add3A_352 : i32
      %swap3A_354 = arith.index_cast %add3A_353 : i32 to index
      %swap3A_355 = tpu.vector_load %arg10[%swap3A_354] {strides = array<i32>} : memref<10240xf32, #tpu.memory_space<vmem>>, vector<16xf32>,
      tpu.vector_store %arg10[%swap3A_354], %broadcast_in_dim3A_349 {strides = array<i32>} : memref<10240xf32, #tpu.memory_space<vmem>>, vector<16xf32>,
      %broadcast_in_dim3A_356 = arith.constant 0.000000e+00 : f32
      %broadcast_in_dim3A_357 = vector.broadcast %broadcast_in_dim3A_356 : f32 to vector<16xf32>
      %mul3A_358 = arith.constant 128 : i32
      %mul3A_359 = arith.muli %scan3A_332, %mul3A_358 : i32
      %add3A_360 = arith.constant 48 : i32
      %add3A_361 = arith.addi %mul3A_359, %add3A_360 : i32
      %swap3A_362 = arith.index_cast %add3A_361 : i32 to index
      %swap3A_363 = tpu.vector_load %arg10[%swap3A_362] {strides = array<i32>} : memref<10240xf32, #tpu.memory_space<vmem>>, vector<16xf32>,
      tpu.vector_store %arg10[%swap3A_362], %broadcast_in_dim3A_357 {strides = array<i32>} : memref<10240xf32, #tpu.memory_space<vmem>>, vector<16xf32>,
      %broadcast_in_dim3A_364 = arith.constant 0.000000e+00 : f32
      %broadcast_in_dim3A_365 = vector.broadcast %broadcast_in_dim3A_364 : f32 to vector<16xf32>
      %mul3A_366 = arith.constant 128 : i32
      %mul3A_367 = arith.muli %scan3A_332, %mul3A_366 : i32
      %add3A_368 = arith.constant 64 : i32
      %add3A_369 = arith.addi %mul3A_367, %add3A_368 : i32
      %swap3A_370 = arith.index_cast %add3A_369 : i32 to index
      %swap3A_371 = tpu.vector_load %arg10[%swap3A_370] {strides = array<i32>} : memref<10240xf32, #tpu.memory_space<vmem>>, vector<16xf32>,
      tpu.vector_store %arg10[%swap3A_370], %broadcast_in_dim3A_365 {strides = array<i32>} : memref<10240xf32, #tpu.memory_space<vmem>>, vector<16xf32>,
      %broadcast_in_dim3A_372 = arith.constant 0.000000e+00 : f32
      %broadcast_in_dim3A_373 = vector.broadcast %broadcast_in_dim3A_372 : f32 to vector<16xf32>
      %mul3A_374 = arith.constant 128 : i32
      %mul3A_375 = arith.muli %scan3A_332, %mul3A_374 : i32
      %add3A_376 = arith.constant 80 : i32
      %add3A_377 = arith.addi %mul3A_375, %add3A_376 : i32
      %swap3A_378 = arith.index_cast %add3A_377 : i32 to index
      %swap3A_379 = tpu.vector_load %arg10[%swap3A_378] {strides = array<i32>} : memref<10240xf32, #tpu.memory_space<vmem>>, vector<16xf32>,
      tpu.vector_store %arg10[%swap3A_378], %broadcast_in_dim3A_373 {strides = array<i32>} : memref<10240xf32, #tpu.memory_space<vmem>>, vector<16xf32>,
      %broadcast_in_dim3A_380 = arith.constant 0.000000e+00 : f32
      %broadcast_in_dim3A_381 = vector.broadcast %broadcast_in_dim3A_380 : f32 to vector<16xf32>
      %mul3A_382 = arith.constant 128 : i32
      %mul3A_383 = arith.muli %scan3A_332, %mul3A_382 : i32
      %add3A_384 = arith.constant 96 : i32
      %add3A_385 = arith.addi %mul3A_383, %add3A_384 : i32
      %swap3A_386 = arith.index_cast %add3A_385 : i32 to index
      %swap3A_387 = tpu.vector_load %arg10[%swap3A_386] {strides = array<i32>} : memref<10240xf32, #tpu.memory_space<vmem>>, vector<16xf32>,
      tpu.vector_store %arg10[%swap3A_386], %broadcast_in_dim3A_381 {strides = array<i32>} : memref<10240xf32, #tpu.memory_space<vmem>>, vector<16xf32>,
      %broadcast_in_dim3A_388 = arith.constant 0.000000e+00 : f32
      %broadcast_in_dim3A_389 = vector.broadcast %broadcast_in_dim3A_388 : f32 to vector<16xf32>
      %mul3A_390 = arith.constant 128 : i32
      %mul3A_391 = arith.muli %scan3A_332, %mul3A_390 : i32
      %add3A_392 = arith.constant 112 : i32
      %add3A_393 = arith.addi %mul3A_391, %add3A_392 : i32
      %swap3A_394 = arith.index_cast %add3A_393 : i32 to index
      %swap3A_395 = tpu.vector_load %arg10[%swap3A_394] {strides = array<i32>} : memref<10240xf32, #tpu.memory_space<vmem>>, vector<16xf32>,
      tpu.vector_store %arg10[%swap3A_394], %broadcast_in_dim3A_389 {strides = array<i32>} : memref<10240xf32, #tpu.memory_space<vmem>>, vector<16xf32>,
    }
    %scan3A_7 = arith.constant 80 : i32
    %broadcast_in_dim3A = arith.constant 1.000000e+00 : f32
    %broadcast_in_dim3A_8 = vector.broadcast %broadcast_in_dim3A : f32 to vector<16xf32>
    "tpu.trace_start"() <{level = 10 : i32, message = "p1_hist"}> : () -> ()
    %mul3A_9 = arith.constant 2 : i32
    %mul3A_10 = arith.muli %mul3A_9, %arg1 : i32
    %mul3A_11 = arith.constant 10000 : i32
    %mul3A_12 = arith.muli %mul3A_10, %mul3A_11 : i32
    %dma_start3A = arith.constant 1 : i32
    %dma_start3A_13 = arith.constant 0 : i32
    %dma_start3A_14 = tpu.memref_slice %arg3[%dma_start3A, %mul3A_12] : memref<2x320000xi32, #tpu.memory_space<hbm>> -> memref<1x10000xi32, #tpu.memory_space<hbm>>
    %dma_start3A_15 = tpu.memref_squeeze %dma_start3A_14 : memref<1x10000xi32, #tpu.memory_space<hbm>> -> memref<10000xi32, #tpu.memory_space<hbm>>
    %dma_start3A_16 = tpu.memref_slice %arg18[%dma_start3A_13] : memref<6x!tpu.dma_semaphore, #tpu.memory_space<semaphore_mem>> -> memref<1x!tpu.dma_semaphore, #tpu.memory_space<semaphore_mem>>
    %dma_start3A_17 = tpu.memref_squeeze %dma_start3A_16 : memref<1x!tpu.dma_semaphore, #tpu.memory_space<semaphore_mem>> -> memref<!tpu.dma_semaphore, #tpu.memory_space<semaphore_mem>>
    %dma_start3A_18 = tpu.memref_slice %arg3[%dma_start3A, %mul3A_12] : memref<2x320000xi32, #tpu.memory_space<hbm>> -> memref<1x10000xi32, #tpu.memory_space<hbm>>
    %dma_start3A_19 = tpu.memref_squeeze %dma_start3A_18 : memref<1x10000xi32, #tpu.memory_space<hbm>> -> memref<10000xi32, #tpu.memory_space<hbm>>
    tpu.enqueue_dma source(%dma_start3A_19 : memref<10000xi32, #tpu.memory_space<hbm>>) target(%arg9 : memref<10000xi32, #tpu.memory_space<vmem>>) target_semaphore(%dma_start3A_17 : memref<!tpu.dma_semaphore, #tpu.memory_space<semaphore_mem>>)
    %mul3A_20 = arith.constant 2 : i32
    %mul3A_21 = arith.muli %mul3A_20, %arg1 : i32
    %add3A_22 = arith.constant 1 : i32
    %add3A_23 = arith.addi %mul3A_21, %add3A_22 : i32
    %mul3A_24 = arith.constant 10000 : i32
    %mul3A_25 = arith.muli %add3A_23, %mul3A_24 : i32
    %dma_start3A_26 = arith.constant 1 : i32
    %dma_start3A_27 = arith.constant 1 : i32
    %dma_start3A_28 = tpu.memref_slice %arg3[%dma_start3A_26, %mul3A_25] : memref<2x320000xi32, #tpu.memory_space<hbm>> -> memref<1x10000xi32, #tpu.memory_space<hbm>>
    %dma_start3A_29 = tpu.memref_squeeze %dma_start3A_28 : memref<1x10000xi32, #tpu.memory_space<hbm>> -> memref<10000xi32, #tpu.memory_space<hbm>>
    %dma_start3A_30 = tpu.memref_slice %arg18[%dma_start3A_27] : memref<6x!tpu.dma_semaphore, #tpu.memory_space<semaphore_mem>> -> memref<1x!tpu.dma_semaphore, #tpu.memory_space<semaphore_mem>>
    %dma_start3A_31 = tpu.memref_squeeze %dma_start3A_30 : memref<1x!tpu.dma_semaphore, #tpu.memory_space<semaphore_mem>> -> memref<!tpu.dma_semaphore, #tpu.memory_space<semaphore_mem>>
    %dma_start3A_32 = tpu.memref_slice %arg3[%dma_start3A_26, %mul3A_25] : memref<2x320000xi32, #tpu.memory_space<hbm>> -> memref<1x10000xi32, #tpu.memory_space<hbm>>
    %dma_start3A_33 = tpu.memref_squeeze %dma_start3A_32 : memref<1x10000xi32, #tpu.memory_space<hbm>> -> memref<10000xi32, #tpu.memory_space<hbm>>
    tpu.enqueue_dma source(%dma_start3A_33 : memref<10000xi32, #tpu.memory_space<hbm>>) target(%arg8 : memref<10000xi32, #tpu.memory_space<vmem>>) target_semaphore(%dma_start3A_31 : memref<!tpu.dma_semaphore, #tpu.memory_space<semaphore_mem>>)
    %dma_start3A_34 = arith.constant 2 : i32
    %dma_start3A_35 = arith.constant 0 : i32
    %dma_start3A_36 = tpu.memref_slice %arg2[%mul3A_2, %dma_start3A_35] : memref<10240x128xf32, #tpu.memory_space<hbm>> -> memref<320x32xf32, #tpu.memory_space<hbm>>
    %dma_start3A_37 = tpu.memref_slice %arg18[%dma_start3A_34] : memref<6x!tpu.dma_semaphore, #tpu.memory_space<semaphore_mem>> -> memref<1x!tpu.dma_semaphore, #tpu.memory_space<semaphore_mem>>
    %dma_start3A_38 = tpu.memref_squeeze %dma_start3A_37 : memref<1x!tpu.dma_semaphore, #tpu.memory_space<semaphore_mem>> -> memref<!tpu.dma_semaphore, #tpu.memory_space<semaphore_mem>>
    %dma_start3A_39 = arith.constant 0 : i32
    %dma_start3A_40 = tpu.memref_slice %arg2[%mul3A_2, %dma_start3A_39] : memref<10240x128xf32, #tpu.memory_space<hbm>> -> memref<320x32xf32, #tpu.memory_space<hbm>>
    tpu.enqueue_dma source(%dma_start3A_40 : memref<320x32xf32, #tpu.memory_space<hbm>>) target(%arg12 : memref<320x32xf32, #tpu.memory_space<vmem>>) target_semaphore(%dma_start3A_38 : memref<!tpu.dma_semaphore, #tpu.memory_space<semaphore_mem>>)
    %mul3A_41 = arith.constant 2 : i32
    %mul3A_42 = arith.muli %mul3A_41, %arg1 : i32
    %mul3A_43 = arith.constant 10000 : i32
    %mul3A_44 = arith.muli %mul3A_42, %mul3A_43 : i32
    %dma_wait3A = arith.constant 1 : i32
    %dma_wait3A_45 = arith.constant 0 : i32
    %dma_wait3A_46 = tpu.memref_slice %arg3[%dma_wait3A, %mul3A_44] : memref<2x320000xi32, #tpu.memory_space<hbm>> -> memref<1x10000xi32, #tpu.memory_space<hbm>>
    %dma_wait3A_47 = tpu.memref_squeeze %dma_wait3A_46 : memref<1x10000xi32, #tpu.memory_space<hbm>> -> memref<10000xi32, #tpu.memory_space<hbm>>
    %dma_wait3A_48 = tpu.memref_slice %arg18[%dma_wait3A_45] : memref<6x!tpu.dma_semaphore, #tpu.memory_space<semaphore_mem>> -> memref<1x!tpu.dma_semaphore, #tpu.memory_space<semaphore_mem>>
    %dma_wait3A_49 = tpu.memref_squeeze %dma_wait3A_48 : memref<1x!tpu.dma_semaphore, #tpu.memory_space<semaphore_mem>> -> memref<!tpu.dma_semaphore, #tpu.memory_space<semaphore_mem>>
    %dma_wait3A_50 = tpu.memref_slice %arg3[%dma_wait3A, %mul3A_44] : memref<2x320000xi32, #tpu.memory_space<hbm>> -> memref<1x10000xi32, #tpu.memory_space<hbm>>
    %dma_wait3A_51 = tpu.memref_squeeze %dma_wait3A_50 : memref<1x10000xi32, #tpu.memory_space<hbm>> -> memref<10000xi32, #tpu.memory_space<hbm>>
    tpu.wait_dma2 semaphore(%dma_wait3A_49 : memref<!tpu.dma_semaphore, #tpu.memory_space<semaphore_mem>>) src(%dma_wait3A_51 : memref<10000xi32, #tpu.memory_space<hbm>>) dst(%arg9 : memref<10000xi32, #tpu.memory_space<vmem>>)
    %scan3A_52 = arith.constant 0 : i32
    %scan3A_53 = arith.constant 0 : i32
    %scan3A_54 = arith.constant 25 : i32
    %scan3A_55 = arith.addi %scan3A_53, %scan3A_54 : i32
    %scan3A_56 = arith.constant 1 : i32
    scf.for %scan3A_332 = %scan3A_53 to %scan3A_55 step %scan3A_56  : i32 {
      %mul3A_333 = arith.constant 5 : i32
      %mul3A_334 = arith.muli %scan3A_332, %mul3A_333 : i32
      %add3A_335 = arith.constant 0 : i32
      %add3A_336 = arith.addi %mul3A_334, %add3A_335 : i32
      %mul3A_337 = arith.constant 80 : i32
      %mul3A_338 = arith.muli %add3A_336, %mul3A_337 : i32
      %add3A_339 = arith.constant 0 : i32
      %add3A_340 = arith.addi %mul3A_338, %add3A_339 : i32
      %get3A = arith.index_cast %add3A_340 : i32 to index
      %get3A_341 = tpu.vector_load %arg9[%get3A] {strides = array<i32>} : memref<10000xi32, #tpu.memory_space<vmem>>, vector<16xi32>,
      tpu.vector_store_idx %arg10[%get3A_341], %broadcast_in_dim3A_8 {add = true} : memref<10240xf32, #tpu.memory_space<vmem>>[vector<16xi32>], vector<16xf32>,
      %mul3A_342 = arith.constant 5 : i32
      %mul3A_343 = arith.muli %scan3A_332, %mul3A_342 : i32
      %add3A_344 = arith.constant 0 : i32
      %add3A_345 = arith.addi %mul3A_343, %add3A_344 : i32
      %mul3A_346 = arith.constant 80 : i32
      %mul3A_347 = arith.muli %add3A_345, %mul3A_346 : i32
      %add3A_348 = arith.constant 16 : i32
      %add3A_349 = arith.addi %mul3A_347, %add3A_348 : i32
      %get3A_350 = arith.index_cast %add3A_349 : i32 to index
      %get3A_351 = tpu.vector_load %arg9[%get3A_350] {strides = array<i32>} : memref<10000xi32, #tpu.memory_space<vmem>>, vector<16xi32>,
      tpu.vector_store_idx %arg10[%get3A_351], %broadcast_in_dim3A_8 {add = true} : memref<10240xf32, #tpu.memory_space<vmem>>[vector<16xi32>], vector<16xf32>,
      %mul3A_352 = arith.constant 5 : i32
      %mul3A_353 = arith.muli %scan3A_332, %mul3A_352 : i32
      %add3A_354 = arith.constant 0 : i32
      %add3A_355 = arith.addi %mul3A_353, %add3A_354 : i32
      %mul3A_356 = arith.constant 80 : i32
      %mul3A_357 = arith.muli %add3A_355, %mul3A_356 : i32
      %add3A_358 = arith.constant 32 : i32
      %add3A_359 = arith.addi %mul3A_357, %add3A_358 : i32
      %get3A_360 = arith.index_cast %add3A_359 : i32 to index
      %get3A_361 = tpu.vector_load %arg9[%get3A_360] {strides = array<i32>} : memref<10000xi32, #tpu.memory_space<vmem>>, vector<16xi32>,
      tpu.vector_store_idx %arg10[%get3A_361], %broadcast_in_dim3A_8 {add = true} : memref<10240xf32, #tpu.memory_space<vmem>>[vector<16xi32>], vector<16xf32>,
      %mul3A_362 = arith.constant 5 : i32
      %mul3A_363 = arith.muli %scan3A_332, %mul3A_362 : i32
      %add3A_364 = arith.constant 0 : i32
      %add3A_365 = arith.addi %mul3A_363, %add3A_364 : i32
      %mul3A_366 = arith.constant 80 : i32
      %mul3A_367 = arith.muli %add3A_365, %mul3A_366 : i32
      %add3A_368 = arith.constant 48 : i32
      %add3A_369 = arith.addi %mul3A_367, %add3A_368 : i32
      %get3A_370 = arith.index_cast %add3A_369 : i32 to index
      %get3A_371 = tpu.vector_load %arg9[%get3A_370] {strides = array<i32>} : memref<10000xi32, #tpu.memory_space<vmem>>, vector<16xi32>,
      tpu.vector_store_idx %arg10[%get3A_371], %broadcast_in_dim3A_8 {add = true} : memref<10240xf32, #tpu.memory_space<vmem>>[vector<16xi32>], vector<16xf32>,
      %mul3A_372 = arith.constant 5 : i32
      %mul3A_373 = arith.muli %scan3A_332, %mul3A_372 : i32
      %add3A_374 = arith.constant 0 : i32
      %add3A_375 = arith.addi %mul3A_373, %add3A_374 : i32
      %mul3A_376 = arith.constant 80 : i32
      %mul3A_377 = arith.muli %add3A_375, %mul3A_376 : i32
      %add3A_378 = arith.constant 64 : i32
      %add3A_379 = arith.addi %mul3A_377, %add3A_378 : i32
      %get3A_380 = arith.index_cast %add3A_379 : i32 to index
      %get3A_381 = tpu.vector_load %arg9[%get3A_380] {strides = array<i32>} : memref<10000xi32, #tpu.memory_space<vmem>>, vector<16xi32>,
      tpu.vector_store_idx %arg10[%get3A_381], %broadcast_in_dim3A_8 {add = true} : memref<10240xf32, #tpu.memory_space<vmem>>[vector<16xi32>], vector<16xf32>,
      %mul3A_382 = arith.constant 5 : i32
      %mul3A_383 = arith.muli %scan3A_332, %mul3A_382 : i32
      %add3A_384 = arith.constant 1 : i32
      %add3A_385 = arith.addi %mul3A_383, %add3A_384 : i32
      %mul3A_386 = arith.constant 80 : i32
      %mul3A_387 = arith.muli %add3A_385, %mul3A_386 : i32
      %add3A_388 = arith.constant 0 : i32
      %add3A_389 = arith.addi %mul3A_387, %add3A_388 : i32
      %get3A_390 = arith.index_cast %add3A_389 : i32 to index
      %get3A_391 = tpu.vector_load %arg9[%get3A_390] {strides = array<i32>} : memref<10000xi32, #tpu.memory_space<vmem>>, vector<16xi32>,
      tpu.vector_store_idx %arg10[%get3A_391], %broadcast_in_dim3A_8 {add = true} : memref<10240xf32, #tpu.memory_space<vmem>>[vector<16xi32>], vector<16xf32>,
      %mul3A_392 = arith.constant 5 : i32
      %mul3A_393 = arith.muli %scan3A_332, %mul3A_392 : i32
      %add3A_394 = arith.constant 1 : i32
      %add3A_395 = arith.addi %mul3A_393, %add3A_394 : i32
      %mul3A_396 = arith.constant 80 : i32
      %mul3A_397 = arith.muli %add3A_395, %mul3A_396 : i32
      %add3A_398 = arith.constant 16 : i32
      %add3A_399 = arith.addi %mul3A_397, %add3A_398 : i32
      %get3A_400 = arith.index_cast %add3A_399 : i32 to index
      %get3A_401 = tpu.vector_load %arg9[%get3A_400] {strides = array<i32>} : memref<10000xi32, #tpu.memory_space<vmem>>, vector<16xi32>,
      tpu.vector_store_idx %arg10[%get3A_401], %broadcast_in_dim3A_8 {add = true} : memref<10240xf32, #tpu.memory_space<vmem>>[vector<16xi32>], vector<16xf32>,
      %mul3A_402 = arith.constant 5 : i32
      %mul3A_403 = arith.muli %scan3A_332, %mul3A_402 : i32
      %add3A_404 = arith.constant 1 : i32
      %add3A_405 = arith.addi %mul3A_403, %add3A_404 : i32
      %mul3A_406 = arith.constant 80 : i32
      %mul3A_407 = arith.muli %add3A_405, %mul3A_406 : i32
      %add3A_408 = arith.constant 32 : i32
      %add3A_409 = arith.addi %mul3A_407, %add3A_408 : i32
      %get3A_410 = arith.index_cast %add3A_409 : i32 to index
      %get3A_411 = tpu.vector_load %arg9[%get3A_410] {strides = array<i32>} : memref<10000xi32, #tpu.memory_space<vmem>>, vector<16xi32>,
      tpu.vector_store_idx %arg10[%get3A_411], %broadcast_in_dim3A_8 {add = true} : memref<10240xf32, #tpu.memory_space<vmem>>[vector<16xi32>], vector<16xf32>,
      %mul3A_412 = arith.constant 5 : i32
      %mul3A_413 = arith.muli %scan3A_332, %mul3A_412 : i32
      %add3A_414 = arith.constant 1 : i32
      %add3A_415 = arith.addi %mul3A_413, %add3A_414 : i32
      %mul3A_416 = arith.constant 80 : i32
      %mul3A_417 = arith.muli %add3A_415, %mul3A_416 : i32
      %add3A_418 = arith.constant 48 : i32
      %add3A_419 = arith.addi %mul3A_417, %add3A_418 : i32
      %get3A_420 = arith.index_cast %add3A_419 : i32 to index
      %get3A_421 = tpu.vector_load %arg9[%get3A_420] {strides = array<i32>} : memref<10000xi32, #tpu.memory_space<vmem>>, vector<16xi32>,
      tpu.vector_store_idx %arg10[%get3A_421], %broadcast_in_dim3A_8 {add = true} : memref<10240xf32, #tpu.memory_space<vmem>>[vector<16xi32>], vector<16xf32>,
      %mul3A_422 = arith.constant 5 : i32
      %mul3A_423 = arith.muli %scan3A_332, %mul3A_422 : i32
      %add3A_424 = arith.constant 1 : i32
      %add3A_425 = arith.addi %mul3A_423, %add3A_424 : i32
      %mul3A_426 = arith.constant 80 : i32
      %mul3A_427 = arith.muli %add3A_425, %mul3A_426 : i32
      %add3A_428 = arith.constant 64 : i32
      %add3A_429 = arith.addi %mul3A_427, %add3A_428 : i32
      %get3A_430 = arith.index_cast %add3A_429 : i32 to index
      %get3A_431 = tpu.vector_load %arg9[%get3A_430] {strides = array<i32>} : memref<10000xi32, #tpu.memory_space<vmem>>, vector<16xi32>,
      tpu.vector_store_idx %arg10[%get3A_431], %broadcast_in_dim3A_8 {add = true} : memref<10240xf32, #tpu.memory_space<vmem>>[vector<16xi32>], vector<16xf32>,
      %mul3A_432 = arith.constant 5 : i32
      %mul3A_433 = arith.muli %scan3A_332, %mul3A_432 : i32
      %add3A_434 = arith.constant 2 : i32
      %add3A_435 = arith.addi %mul3A_433, %add3A_434 : i32
      %mul3A_436 = arith.constant 80 : i32
      %mul3A_437 = arith.muli %add3A_435, %mul3A_436 : i32
      %add3A_438 = arith.constant 0 : i32
      %add3A_439 = arith.addi %mul3A_437, %add3A_438 : i32
      %get3A_440 = arith.index_cast %add3A_439 : i32 to index
      %get3A_441 = tpu.vector_load %arg9[%get3A_440] {strides = array<i32>} : memref<10000xi32, #tpu.memory_space<vmem>>, vector<16xi32>,
      tpu.vector_store_idx %arg10[%get3A_441], %broadcast_in_dim3A_8 {add = true} : memref<10240xf32, #tpu.memory_space<vmem>>[vector<16xi32>], vector<16xf32>,
      %mul3A_442 = arith.constant 5 : i32
      %mul3A_443 = arith.muli %scan3A_332, %mul3A_442 : i32
      %add3A_444 = arith.constant 2 : i32
      %add3A_445 = arith.addi %mul3A_443, %add3A_444 : i32
      %mul3A_446 = arith.constant 80 : i32
      %mul3A_447 = arith.muli %add3A_445, %mul3A_446 : i32
      %add3A_448 = arith.constant 16 : i32
      %add3A_449 = arith.addi %mul3A_447, %add3A_448 : i32
      %get3A_450 = arith.index_cast %add3A_449 : i32 to index
      %get3A_451 = tpu.vector_load %arg9[%get3A_450] {strides = array<i32>} : memref<10000xi32, #tpu.memory_space<vmem>>, vector<16xi32>,
      tpu.vector_store_idx %arg10[%get3A_451], %broadcast_in_dim3A_8 {add = true} : memref<10240xf32, #tpu.memory_space<vmem>>[vector<16xi32>], vector<16xf32>,
      %mul3A_452 = arith.constant 5 : i32
      %mul3A_453 = arith.muli %scan3A_332, %mul3A_452 : i32
      %add3A_454 = arith.constant 2 : i32
      %add3A_455 = arith.addi %mul3A_453, %add3A_454 : i32
      %mul3A_456 = arith.constant 80 : i32
      %mul3A_457 = arith.muli %add3A_455, %mul3A_456 : i32
      %add3A_458 = arith.constant 32 : i32
      %add3A_459 = arith.addi %mul3A_457, %add3A_458 : i32
      %get3A_460 = arith.index_cast %add3A_459 : i32 to index
      %get3A_461 = tpu.vector_load %arg9[%get3A_460] {strides = array<i32>} : memref<10000xi32, #tpu.memory_space<vmem>>, vector<16xi32>,
      tpu.vector_store_idx %arg10[%get3A_461], %broadcast_in_dim3A_8 {add = true} : memref<10240xf32, #tpu.memory_space<vmem>>[vector<16xi32>], vector<16xf32>,
      %mul3A_462 = arith.constant 5 : i32
      %mul3A_463 = arith.muli %scan3A_332, %mul3A_462 : i32
      %add3A_464 = arith.constant 2 : i32
      %add3A_465 = arith.addi %mul3A_463, %add3A_464 : i32
      %mul3A_466 = arith.constant 80 : i32
      %mul3A_467 = arith.muli %add3A_465, %mul3A_466 : i32
      %add3A_468 = arith.constant 48 : i32
      %add3A_469 = arith.addi %mul3A_467, %add3A_468 : i32
      %get3A_470 = arith.index_cast %add3A_469 : i32 to index
      %get3A_471 = tpu.vector_load %arg9[%get3A_470] {strides = array<i32>} : memref<10000xi32, #tpu.memory_space<vmem>>, vector<16xi32>,
      tpu.vector_store_idx %arg10[%get3A_471], %broadcast_in_dim3A_8 {add = true} : memref<10240xf32, #tpu.memory_space<vmem>>[vector<16xi32>], vector<16xf32>,
      %mul3A_472 = arith.constant 5 : i32
      %mul3A_473 = arith.muli %scan3A_332, %mul3A_472 : i32
      %add3A_474 = arith.constant 2 : i32
      %add3A_475 = arith.addi %mul3A_473, %add3A_474 : i32
      %mul3A_476 = arith.constant 80 : i32
      %mul3A_477 = arith.muli %add3A_475, %mul3A_476 : i32
      %add3A_478 = arith.constant 64 : i32
      %add3A_479 = arith.addi %mul3A_477, %add3A_478 : i32
      %get3A_480 = arith.index_cast %add3A_479 : i32 to index
      %get3A_481 = tpu.vector_load %arg9[%get3A_480] {strides = array<i32>} : memref<10000xi32, #tpu.memory_space<vmem>>, vector<16xi32>,
      tpu.vector_store_idx %arg10[%get3A_481], %broadcast_in_dim3A_8 {add = true} : memref<10240xf32, #tpu.memory_space<vmem>>[vector<16xi32>], vector<16xf32>,
      %mul3A_482 = arith.constant 5 : i32
      %mul3A_483 = arith.muli %scan3A_332, %mul3A_482 : i32
      %add3A_484 = arith.constant 3 : i32
      %add3A_485 = arith.addi %mul3A_483, %add3A_484 : i32
      %mul3A_486 = arith.constant 80 : i32
      %mul3A_487 = arith.muli %add3A_485, %mul3A_486 : i32
      %add3A_488 = arith.constant 0 : i32
      %add3A_489 = arith.addi %mul3A_487, %add3A_488 : i32
      %get3A_490 = arith.index_cast %add3A_489 : i32 to index
      %get3A_491 = tpu.vector_load %arg9[%get3A_490] {strides = array<i32>} : memref<10000xi32, #tpu.memory_space<vmem>>, vector<16xi32>,
      tpu.vector_store_idx %arg10[%get3A_491], %broadcast_in_dim3A_8 {add = true} : memref<10240xf32, #tpu.memory_space<vmem>>[vector<16xi32>], vector<16xf32>,
      %mul3A_492 = arith.constant 5 : i32
      %mul3A_493 = arith.muli %scan3A_332, %mul3A_492 : i32
      %add3A_494 = arith.constant 3 : i32
      %add3A_495 = arith.addi %mul3A_493, %add3A_494 : i32
      %mul3A_496 = arith.constant 80 : i32
      %mul3A_497 = arith.muli %add3A_495, %mul3A_496 : i32
      %add3A_498 = arith.constant 16 : i32
      %add3A_499 = arith.addi %mul3A_497, %add3A_498 : i32
      %get3A_500 = arith.index_cast %add3A_499 : i32 to index
      %get3A_501 = tpu.vector_load %arg9[%get3A_500] {strides = array<i32>} : memref<10000xi32, #tpu.memory_space<vmem>>, vector<16xi32>,
      tpu.vector_store_idx %arg10[%get3A_501], %broadcast_in_dim3A_8 {add = true} : memref<10240xf32, #tpu.memory_space<vmem>>[vector<16xi32>], vector<16xf32>,
      %mul3A_502 = arith.constant 5 : i32
      %mul3A_503 = arith.muli %scan3A_332, %mul3A_502 : i32
      %add3A_504 = arith.constant 3 : i32
      %add3A_505 = arith.addi %mul3A_503, %add3A_504 : i32
      %mul3A_506 = arith.constant 80 : i32
      %mul3A_507 = arith.muli %add3A_505, %mul3A_506 : i32
      %add3A_508 = arith.constant 32 : i32
      %add3A_509 = arith.addi %mul3A_507, %add3A_508 : i32
      %get3A_510 = arith.index_cast %add3A_509 : i32 to index
      %get3A_511 = tpu.vector_load %arg9[%get3A_510] {strides = array<i32>} : memref<10000xi32, #tpu.memory_space<vmem>>, vector<16xi32>,
      tpu.vector_store_idx %arg10[%get3A_511], %broadcast_in_dim3A_8 {add = true} : memref<10240xf32, #tpu.memory_space<vmem>>[vector<16xi32>], vector<16xf32>,
      %mul3A_512 = arith.constant 5 : i32
      %mul3A_513 = arith.muli %scan3A_332, %mul3A_512 : i32
      %add3A_514 = arith.constant 3 : i32
      %add3A_515 = arith.addi %mul3A_513, %add3A_514 : i32
      %mul3A_516 = arith.constant 80 : i32
      %mul3A_517 = arith.muli %add3A_515, %mul3A_516 : i32
      %add3A_518 = arith.constant 48 : i32
      %add3A_519 = arith.addi %mul3A_517, %add3A_518 : i32
      %get3A_520 = arith.index_cast %add3A_519 : i32 to index
      %get3A_521 = tpu.vector_load %arg9[%get3A_520] {strides = array<i32>} : memref<10000xi32, #tpu.memory_space<vmem>>, vector<16xi32>,
      tpu.vector_store_idx %arg10[%get3A_521], %broadcast_in_dim3A_8 {add = true} : memref<10240xf32, #tpu.memory_space<vmem>>[vector<16xi32>], vector<16xf32>,
      %mul3A_522 = arith.constant 5 : i32
      %mul3A_523 = arith.muli %scan3A_332, %mul3A_522 : i32
      %add3A_524 = arith.constant 3 : i32
      %add3A_525 = arith.addi %mul3A_523, %add3A_524 : i32
      %mul3A_526 = arith.constant 80 : i32
      %mul3A_527 = arith.muli %add3A_525, %mul3A_526 : i32
      %add3A_528 = arith.constant 64 : i32
      %add3A_529 = arith.addi %mul3A_527, %add3A_528 : i32
      %get3A_530 = arith.index_cast %add3A_529 : i32 to index
      %get3A_531 = tpu.vector_load %arg9[%get3A_530] {strides = array<i32>} : memref<10000xi32, #tpu.memory_space<vmem>>, vector<16xi32>,
      tpu.vector_store_idx %arg10[%get3A_531], %broadcast_in_dim3A_8 {add = true} : memref<10240xf32, #tpu.memory_space<vmem>>[vector<16xi32>], vector<16xf32>,
      %mul3A_532 = arith.constant 5 : i32
      %mul3A_533 = arith.muli %scan3A_332, %mul3A_532 : i32
      %add3A_534 = arith.constant 4 : i32
      %add3A_535 = arith.addi %mul3A_533, %add3A_534 : i32
      %mul3A_536 = arith.constant 80 : i32
      %mul3A_537 = arith.muli %add3A_535, %mul3A_536 : i32
      %add3A_538 = arith.constant 0 : i32
      %add3A_539 = arith.addi %mul3A_537, %add3A_538 : i32
      %get3A_540 = arith.index_cast %add3A_539 : i32 to index
      %get3A_541 = tpu.vector_load %arg9[%get3A_540] {strides = array<i32>} : memref<10000xi32, #tpu.memory_space<vmem>>, vector<16xi32>,
      tpu.vector_store_idx %arg10[%get3A_541], %broadcast_in_dim3A_8 {add = true} : memref<10240xf32, #tpu.memory_space<vmem>>[vector<16xi32>], vector<16xf32>,
      %mul3A_542 = arith.constant 5 : i32
      %mul3A_543 = arith.muli %scan3A_332, %mul3A_542 : i32
      %add3A_544 = arith.constant 4 : i32
      %add3A_545 = arith.addi %mul3A_543, %add3A_544 : i32
      %mul3A_546 = arith.constant 80 : i32
      %mul3A_547 = arith.muli %add3A_545, %mul3A_546 : i32
      %add3A_548 = arith.constant 16 : i32
      %add3A_549 = arith.addi %mul3A_547, %add3A_548 : i32
      %get3A_550 = arith.index_cast %add3A_549 : i32 to index
      %get3A_551 = tpu.vector_load %arg9[%get3A_550] {strides = array<i32>} : memref<10000xi32, #tpu.memory_space<vmem>>, vector<16xi32>,
      tpu.vector_store_idx %arg10[%get3A_551], %broadcast_in_dim3A_8 {add = true} : memref<10240xf32, #tpu.memory_space<vmem>>[vector<16xi32>], vector<16xf32>,
      %mul3A_552 = arith.constant 5 : i32
      %mul3A_553 = arith.muli %scan3A_332, %mul3A_552 : i32
      %add3A_554 = arith.constant 4 : i32
      %add3A_555 = arith.addi %mul3A_553, %add3A_554 : i32
      %mul3A_556 = arith.constant 80 : i32
      %mul3A_557 = arith.muli %add3A_555, %mul3A_556 : i32
      %add3A_558 = arith.constant 32 : i32
      %add3A_559 = arith.addi %mul3A_557, %add3A_558 : i32
      %get3A_560 = arith.index_cast %add3A_559 : i32 to index
      %get3A_561 = tpu.vector_load %arg9[%get3A_560] {strides = array<i32>} : memref<10000xi32, #tpu.memory_space<vmem>>, vector<16xi32>,
      tpu.vector_store_idx %arg10[%get3A_561], %broadcast_in_dim3A_8 {add = true} : memref<10240xf32, #tpu.memory_space<vmem>>[vector<16xi32>], vector<16xf32>,
      %mul3A_562 = arith.constant 5 : i32
      %mul3A_563 = arith.muli %scan3A_332, %mul3A_562 : i32
      %add3A_564 = arith.constant 4 : i32
      %add3A_565 = arith.addi %mul3A_563, %add3A_564 : i32
      %mul3A_566 = arith.constant 80 : i32
      %mul3A_567 = arith.muli %add3A_565, %mul3A_566 : i32
      %add3A_568 = arith.constant 48 : i32
      %add3A_569 = arith.addi %mul3A_567, %add3A_568 : i32
      %get3A_570 = arith.index_cast %add3A_569 : i32 to index
      %get3A_571 = tpu.vector_load %arg9[%get3A_570] {strides = array<i32>} : memref<10000xi32, #tpu.memory_space<vmem>>, vector<16xi32>,
      tpu.vector_store_idx %arg10[%get3A_571], %broadcast_in_dim3A_8 {add = true} : memref<10240xf32, #tpu.memory_space<vmem>>[vector<16xi32>], vector<16xf32>,
      %mul3A_572 = arith.constant 5 : i32
      %mul3A_573 = arith.muli %scan3A_332, %mul3A_572 : i32
      %add3A_574 = arith.constant 4 : i32
      %add3A_575 = arith.addi %mul3A_573, %add3A_574 : i32
      %mul3A_576 = arith.constant 80 : i32
      %mul3A_577 = arith.muli %add3A_575, %mul3A_576 : i32
      %add3A_578 = arith.constant 64 : i32
      %add3A_579 = arith.addi %mul3A_577, %add3A_578 : i32
      %get3A_580 = arith.index_cast %add3A_579 : i32 to index
      %get3A_581 = tpu.vector_load %arg9[%get3A_580] {strides = array<i32>} : memref<10000xi32, #tpu.memory_space<vmem>>, vector<16xi32>,
      tpu.vector_store_idx %arg10[%get3A_581], %broadcast_in_dim3A_8 {add = true} : memref<10240xf32, #tpu.memory_space<vmem>>[vector<16xi32>], vector<16xf32>,
    }
    %scan3A_57 = arith.constant 25 : i32
    %mul3A_58 = arith.constant 2 : i32
    %mul3A_59 = arith.muli %mul3A_58, %arg1 : i32
    %mul3A_60 = arith.constant 10000 : i32
    %mul3A_61 = arith.muli %mul3A_59, %mul3A_60 : i32
    %dma_wait3A_62 = arith.constant 1 : i32
    %dma_wait3A_63 = arith.constant 1 : i32
    %dma_wait3A_64 = tpu.memref_slice %arg3[%dma_wait3A_62, %mul3A_61] : memref<2x320000xi32, #tpu.memory_space<hbm>> -> memref<1x10000xi32, #tpu.memory_space<hbm>>
    %dma_wait3A_65 = tpu.memref_squeeze %dma_wait3A_64 : memref<1x10000xi32, #tpu.memory_space<hbm>> -> memref<10000xi32, #tpu.memory_space<hbm>>
    %dma_wait3A_66 = tpu.memref_slice %arg18[%dma_wait3A_63] : memref<6x!tpu.dma_semaphore, #tpu.memory_space<semaphore_mem>> -> memref<1x!tpu.dma_semaphore, #tpu.memory_space<semaphore_mem>>
    %dma_wait3A_67 = tpu.memref_squeeze %dma_wait3A_66 : memref<1x!tpu.dma_semaphore, #tpu.memory_space<semaphore_mem>> -> memref<!tpu.dma_semaphore, #tpu.memory_space<semaphore_mem>>
    %dma_wait3A_68 = tpu.memref_slice %arg3[%dma_wait3A_62, %mul3A_61] : memref<2x320000xi32, #tpu.memory_space<hbm>> -> memref<1x10000xi32, #tpu.memory_space<hbm>>
    %dma_wait3A_69 = tpu.memref_squeeze %dma_wait3A_68 : memref<1x10000xi32, #tpu.memory_space<hbm>> -> memref<10000xi32, #tpu.memory_space<hbm>>
    tpu.wait_dma2 semaphore(%dma_wait3A_67 : memref<!tpu.dma_semaphore, #tpu.memory_space<semaphore_mem>>) src(%dma_wait3A_69 : memref<10000xi32, #tpu.memory_space<hbm>>) dst(%arg8 : memref<10000xi32, #tpu.memory_space<vmem>>)
    %scan3A_70 = arith.constant 0 : i32
    %scan3A_71 = arith.constant 0 : i32
    %scan3A_72 = arith.constant 25 : i32
    %scan3A_73 = arith.addi %scan3A_71, %scan3A_72 : i32
    %scan3A_74 = arith.constant 1 : i32
    scf.for %scan3A_332 = %scan3A_71 to %scan3A_73 step %scan3A_74  : i32 {
      %mul3A_333 = arith.constant 5 : i32
      %mul3A_334 = arith.muli %scan3A_332, %mul3A_333 : i32
      %add3A_335 = arith.constant 0 : i32
      %add3A_336 = arith.addi %mul3A_334, %add3A_335 : i32
      %mul3A_337 = arith.constant 80 : i32
      %mul3A_338 = arith.muli %add3A_336, %mul3A_337 : i32
      %add3A_339 = arith.constant 0 : i32
      %add3A_340 = arith.addi %mul3A_338, %add3A_339 : i32
      %get3A = arith.index_cast %add3A_340 : i32 to index
      %get3A_341 = tpu.vector_load %arg8[%get3A] {strides = array<i32>} : memref<10000xi32, #tpu.memory_space<vmem>>, vector<16xi32>,
      tpu.vector_store_idx %arg10[%get3A_341], %broadcast_in_dim3A_8 {add = true} : memref<10240xf32, #tpu.memory_space<vmem>>[vector<16xi32>], vector<16xf32>,
      %mul3A_342 = arith.constant 5 : i32
      %mul3A_343 = arith.muli %scan3A_332, %mul3A_342 : i32
      %add3A_344 = arith.constant 0 : i32
      %add3A_345 = arith.addi %mul3A_343, %add3A_344 : i32
      %mul3A_346 = arith.constant 80 : i32
      %mul3A_347 = arith.muli %add3A_345, %mul3A_346 : i32
      %add3A_348 = arith.constant 16 : i32
      %add3A_349 = arith.addi %mul3A_347, %add3A_348 : i32
      %get3A_350 = arith.index_cast %add3A_349 : i32 to index
      %get3A_351 = tpu.vector_load %arg8[%get3A_350] {strides = array<i32>} : memref<10000xi32, #tpu.memory_space<vmem>>, vector<16xi32>,
      tpu.vector_store_idx %arg10[%get3A_351], %broadcast_in_dim3A_8 {add = true} : memref<10240xf32, #tpu.memory_space<vmem>>[vector<16xi32>], vector<16xf32>,
      %mul3A_352 = arith.constant 5 : i32
      %mul3A_353 = arith.muli %scan3A_332, %mul3A_352 : i32
      %add3A_354 = arith.constant 0 : i32
      %add3A_355 = arith.addi %mul3A_353, %add3A_354 : i32
      %mul3A_356 = arith.constant 80 : i32
      %mul3A_357 = arith.muli %add3A_355, %mul3A_356 : i32
      %add3A_358 = arith.constant 32 : i32
      %add3A_359 = arith.addi %mul3A_357, %add3A_358 : i32
      %get3A_360 = arith.index_cast %add3A_359 : i32 to index
      %get3A_361 = tpu.vector_load %arg8[%get3A_360] {strides = array<i32>} : memref<10000xi32, #tpu.memory_space<vmem>>, vector<16xi32>,
      tpu.vector_store_idx %arg10[%get3A_361], %broadcast_in_dim3A_8 {add = true} : memref<10240xf32, #tpu.memory_space<vmem>>[vector<16xi32>], vector<16xf32>,
      %mul3A_362 = arith.constant 5 : i32
      %mul3A_363 = arith.muli %scan3A_332, %mul3A_362 : i32
      %add3A_364 = arith.constant 0 : i32
      %add3A_365 = arith.addi %mul3A_363, %add3A_364 : i32
      %mul3A_366 = arith.constant 80 : i32
      %mul3A_367 = arith.muli %add3A_365, %mul3A_366 : i32
      %add3A_368 = arith.constant 48 : i32
      %add3A_369 = arith.addi %mul3A_367, %add3A_368 : i32
      %get3A_370 = arith.index_cast %add3A_369 : i32 to index
      %get3A_371 = tpu.vector_load %arg8[%get3A_370] {strides = array<i32>} : memref<10000xi32, #tpu.memory_space<vmem>>, vector<16xi32>,
      tpu.vector_store_idx %arg10[%get3A_371], %broadcast_in_dim3A_8 {add = true} : memref<10240xf32, #tpu.memory_space<vmem>>[vector<16xi32>], vector<16xf32>,
      %mul3A_372 = arith.constant 5 : i32
      %mul3A_373 = arith.muli %scan3A_332, %mul3A_372 : i32
      %add3A_374 = arith.constant 0 : i32
      %add3A_375 = arith.addi %mul3A_373, %add3A_374 : i32
      %mul3A_376 = arith.constant 80 : i32
      %mul3A_377 = arith.muli %add3A_375, %mul3A_376 : i32
      %add3A_378 = arith.constant 64 : i32
      %add3A_379 = arith.addi %mul3A_377, %add3A_378 : i32
      %get3A_380 = arith.index_cast %add3A_379 : i32 to index
      %get3A_381 = tpu.vector_load %arg8[%get3A_380] {strides = array<i32>} : memref<10000xi32, #tpu.memory_space<vmem>>, vector<16xi32>,
      tpu.vector_store_idx %arg10[%get3A_381], %broadcast_in_dim3A_8 {add = true} : memref<10240xf32, #tpu.memory_space<vmem>>[vector<16xi32>], vector<16xf32>,
      %mul3A_382 = arith.constant 5 : i32
      %mul3A_383 = arith.muli %scan3A_332, %mul3A_382 : i32
      %add3A_384 = arith.constant 1 : i32
      %add3A_385 = arith.addi %mul3A_383, %add3A_384 : i32
      %mul3A_386 = arith.constant 80 : i32
      %mul3A_387 = arith.muli %add3A_385, %mul3A_386 : i32
      %add3A_388 = arith.constant 0 : i32
      %add3A_389 = arith.addi %mul3A_387, %add3A_388 : i32
      %get3A_390 = arith.index_cast %add3A_389 : i32 to index
      %get3A_391 = tpu.vector_load %arg8[%get3A_390] {strides = array<i32>} : memref<10000xi32, #tpu.memory_space<vmem>>, vector<16xi32>,
      tpu.vector_store_idx %arg10[%get3A_391], %broadcast_in_dim3A_8 {add = true} : memref<10240xf32, #tpu.memory_space<vmem>>[vector<16xi32>], vector<16xf32>,
      %mul3A_392 = arith.constant 5 : i32
      %mul3A_393 = arith.muli %scan3A_332, %mul3A_392 : i32
      %add3A_394 = arith.constant 1 : i32
      %add3A_395 = arith.addi %mul3A_393, %add3A_394 : i32
      %mul3A_396 = arith.constant 80 : i32
      %mul3A_397 = arith.muli %add3A_395, %mul3A_396 : i32
      %add3A_398 = arith.constant 16 : i32
      %add3A_399 = arith.addi %mul3A_397, %add3A_398 : i32
      %get3A_400 = arith.index_cast %add3A_399 : i32 to index
      %get3A_401 = tpu.vector_load %arg8[%get3A_400] {strides = array<i32>} : memref<10000xi32, #tpu.memory_space<vmem>>, vector<16xi32>,
      tpu.vector_store_idx %arg10[%get3A_401], %broadcast_in_dim3A_8 {add = true} : memref<10240xf32, #tpu.memory_space<vmem>>[vector<16xi32>], vector<16xf32>,
      %mul3A_402 = arith.constant 5 : i32
      %mul3A_403 = arith.muli %scan3A_332, %mul3A_402 : i32
      %add3A_404 = arith.constant 1 : i32
      %add3A_405 = arith.addi %mul3A_403, %add3A_404 : i32
      %mul3A_406 = arith.constant 80 : i32
      %mul3A_407 = arith.muli %add3A_405, %mul3A_406 : i32
      %add3A_408 = arith.constant 32 : i32
      %add3A_409 = arith.addi %mul3A_407, %add3A_408 : i32
      %get3A_410 = arith.index_cast %add3A_409 : i32 to index
      %get3A_411 = tpu.vector_load %arg8[%get3A_410] {strides = array<i32>} : memref<10000xi32, #tpu.memory_space<vmem>>, vector<16xi32>,
      tpu.vector_store_idx %arg10[%get3A_411], %broadcast_in_dim3A_8 {add = true} : memref<10240xf32, #tpu.memory_space<vmem>>[vector<16xi32>], vector<16xf32>,
      %mul3A_412 = arith.constant 5 : i32
      %mul3A_413 = arith.muli %scan3A_332, %mul3A_412 : i32
      %add3A_414 = arith.constant 1 : i32
      %add3A_415 = arith.addi %mul3A_413, %add3A_414 : i32
      %mul3A_416 = arith.constant 80 : i32
      %mul3A_417 = arith.muli %add3A_415, %mul3A_416 : i32
      %add3A_418 = arith.constant 48 : i32
      %add3A_419 = arith.addi %mul3A_417, %add3A_418 : i32
      %get3A_420 = arith.index_cast %add3A_419 : i32 to index
      %get3A_421 = tpu.vector_load %arg8[%get3A_420] {strides = array<i32>} : memref<10000xi32, #tpu.memory_space<vmem>>, vector<16xi32>,
      tpu.vector_store_idx %arg10[%get3A_421], %broadcast_in_dim3A_8 {add = true} : memref<10240xf32, #tpu.memory_space<vmem>>[vector<16xi32>], vector<16xf32>,
      %mul3A_422 = arith.constant 5 : i32
      %mul3A_423 = arith.muli %scan3A_332, %mul3A_422 : i32
      %add3A_424 = arith.constant 1 : i32
      %add3A_425 = arith.addi %mul3A_423, %add3A_424 : i32
      %mul3A_426 = arith.constant 80 : i32
      %mul3A_427 = arith.muli %add3A_425, %mul3A_426 : i32
      %add3A_428 = arith.constant 64 : i32
      %add3A_429 = arith.addi %mul3A_427, %add3A_428 : i32
      %get3A_430 = arith.index_cast %add3A_429 : i32 to index
      %get3A_431 = tpu.vector_load %arg8[%get3A_430] {strides = array<i32>} : memref<10000xi32, #tpu.memory_space<vmem>>, vector<16xi32>,
      tpu.vector_store_idx %arg10[%get3A_431], %broadcast_in_dim3A_8 {add = true} : memref<10240xf32, #tpu.memory_space<vmem>>[vector<16xi32>], vector<16xf32>,
      %mul3A_432 = arith.constant 5 : i32
      %mul3A_433 = arith.muli %scan3A_332, %mul3A_432 : i32
      %add3A_434 = arith.constant 2 : i32
      %add3A_435 = arith.addi %mul3A_433, %add3A_434 : i32
      %mul3A_436 = arith.constant 80 : i32
      %mul3A_437 = arith.muli %add3A_435, %mul3A_436 : i32
      %add3A_438 = arith.constant 0 : i32
      %add3A_439 = arith.addi %mul3A_437, %add3A_438 : i32
      %get3A_440 = arith.index_cast %add3A_439 : i32 to index
      %get3A_441 = tpu.vector_load %arg8[%get3A_440] {strides = array<i32>} : memref<10000xi32, #tpu.memory_space<vmem>>, vector<16xi32>,
      tpu.vector_store_idx %arg10[%get3A_441], %broadcast_in_dim3A_8 {add = true} : memref<10240xf32, #tpu.memory_space<vmem>>[vector<16xi32>], vector<16xf32>,
      %mul3A_442 = arith.constant 5 : i32
      %mul3A_443 = arith.muli %scan3A_332, %mul3A_442 : i32
      %add3A_444 = arith.constant 2 : i32
      %add3A_445 = arith.addi %mul3A_443, %add3A_444 : i32
      %mul3A_446 = arith.constant 80 : i32
      %mul3A_447 = arith.muli %add3A_445, %mul3A_446 : i32
      %add3A_448 = arith.constant 16 : i32
      %add3A_449 = arith.addi %mul3A_447, %add3A_448 : i32
      %get3A_450 = arith.index_cast %add3A_449 : i32 to index
      %get3A_451 = tpu.vector_load %arg8[%get3A_450] {strides = array<i32>} : memref<10000xi32, #tpu.memory_space<vmem>>, vector<16xi32>,
      tpu.vector_store_idx %arg10[%get3A_451], %broadcast_in_dim3A_8 {add = true} : memref<10240xf32, #tpu.memory_space<vmem>>[vector<16xi32>], vector<16xf32>,
      %mul3A_452 = arith.constant 5 : i32
      %mul3A_453 = arith.muli %scan3A_332, %mul3A_452 : i32
      %add3A_454 = arith.constant 2 : i32
      %add3A_455 = arith.addi %mul3A_453, %add3A_454 : i32
      %mul3A_456 = arith.constant 80 : i32
      %mul3A_457 = arith.muli %add3A_455, %mul3A_456 : i32
      %add3A_458 = arith.constant 32 : i32
      %add3A_459 = arith.addi %mul3A_457, %add3A_458 : i32
      %get3A_460 = arith.index_cast %add3A_459 : i32 to index
      %get3A_461 = tpu.vector_load %arg8[%get3A_460] {strides = array<i32>} : memref<10000xi32, #tpu.memory_space<vmem>>, vector<16xi32>,
      tpu.vector_store_idx %arg10[%get3A_461], %broadcast_in_dim3A_8 {add = true} : memref<10240xf32, #tpu.memory_space<vmem>>[vector<16xi32>], vector<16xf32>,
      %mul3A_462 = arith.constant 5 : i32
      %mul3A_463 = arith.muli %scan3A_332, %mul3A_462 : i32
      %add3A_464 = arith.constant 2 : i32
      %add3A_465 = arith.addi %mul3A_463, %add3A_464 : i32
      %mul3A_466 = arith.constant 80 : i32
      %mul3A_467 = arith.muli %add3A_465, %mul3A_466 : i32
      %add3A_468 = arith.constant 48 : i32
      %add3A_469 = arith.addi %mul3A_467, %add3A_468 : i32
      %get3A_470 = arith.index_cast %add3A_469 : i32 to index
      %get3A_471 = tpu.vector_load %arg8[%get3A_470] {strides = array<i32>} : memref<10000xi32, #tpu.memory_space<vmem>>, vector<16xi32>,
      tpu.vector_store_idx %arg10[%get3A_471], %broadcast_in_dim3A_8 {add = true} : memref<10240xf32, #tpu.memory_space<vmem>>[vector<16xi32>], vector<16xf32>,
      %mul3A_472 = arith.constant 5 : i32
      %mul3A_473 = arith.muli %scan3A_332, %mul3A_472 : i32
      %add3A_474 = arith.constant 2 : i32
      %add3A_475 = arith.addi %mul3A_473, %add3A_474 : i32
      %mul3A_476 = arith.constant 80 : i32
      %mul3A_477 = arith.muli %add3A_475, %mul3A_476 : i32
      %add3A_478 = arith.constant 64 : i32
      %add3A_479 = arith.addi %mul3A_477, %add3A_478 : i32
      %get3A_480 = arith.index_cast %add3A_479 : i32 to index
      %get3A_481 = tpu.vector_load %arg8[%get3A_480] {strides = array<i32>} : memref<10000xi32, #tpu.memory_space<vmem>>, vector<16xi32>,
      tpu.vector_store_idx %arg10[%get3A_481], %broadcast_in_dim3A_8 {add = true} : memref<10240xf32, #tpu.memory_space<vmem>>[vector<16xi32>], vector<16xf32>,
      %mul3A_482 = arith.constant 5 : i32
      %mul3A_483 = arith.muli %scan3A_332, %mul3A_482 : i32
      %add3A_484 = arith.constant 3 : i32
      %add3A_485 = arith.addi %mul3A_483, %add3A_484 : i32
      %mul3A_486 = arith.constant 80 : i32
      %mul3A_487 = arith.muli %add3A_485, %mul3A_486 : i32
      %add3A_488 = arith.constant 0 : i32
      %add3A_489 = arith.addi %mul3A_487, %add3A_488 : i32
      %get3A_490 = arith.index_cast %add3A_489 : i32 to index
      %get3A_491 = tpu.vector_load %arg8[%get3A_490] {strides = array<i32>} : memref<10000xi32, #tpu.memory_space<vmem>>, vector<16xi32>,
      tpu.vector_store_idx %arg10[%get3A_491], %broadcast_in_dim3A_8 {add = true} : memref<10240xf32, #tpu.memory_space<vmem>>[vector<16xi32>], vector<16xf32>,
      %mul3A_492 = arith.constant 5 : i32
      %mul3A_493 = arith.muli %scan3A_332, %mul3A_492 : i32
      %add3A_494 = arith.constant 3 : i32
      %add3A_495 = arith.addi %mul3A_493, %add3A_494 : i32
      %mul3A_496 = arith.constant 80 : i32
      %mul3A_497 = arith.muli %add3A_495, %mul3A_496 : i32
      %add3A_498 = arith.constant 16 : i32
      %add3A_499 = arith.addi %mul3A_497, %add3A_498 : i32
      %get3A_500 = arith.index_cast %add3A_499 : i32 to index
      %get3A_501 = tpu.vector_load %arg8[%get3A_500] {strides = array<i32>} : memref<10000xi32, #tpu.memory_space<vmem>>, vector<16xi32>,
      tpu.vector_store_idx %arg10[%get3A_501], %broadcast_in_dim3A_8 {add = true} : memref<10240xf32, #tpu.memory_space<vmem>>[vector<16xi32>], vector<16xf32>,
      %mul3A_502 = arith.constant 5 : i32
      %mul3A_503 = arith.muli %scan3A_332, %mul3A_502 : i32
      %add3A_504 = arith.constant 3 : i32
      %add3A_505 = arith.addi %mul3A_503, %add3A_504 : i32
      %mul3A_506 = arith.constant 80 : i32
      %mul3A_507 = arith.muli %add3A_505, %mul3A_506 : i32
      %add3A_508 = arith.constant 32 : i32
      %add3A_509 = arith.addi %mul3A_507, %add3A_508 : i32
      %get3A_510 = arith.index_cast %add3A_509 : i32 to index
      %get3A_511 = tpu.vector_load %arg8[%get3A_510] {strides = array<i32>} : memref<10000xi32, #tpu.memory_space<vmem>>, vector<16xi32>,
      tpu.vector_store_idx %arg10[%get3A_511], %broadcast_in_dim3A_8 {add = true} : memref<10240xf32, #tpu.memory_space<vmem>>[vector<16xi32>], vector<16xf32>,
      %mul3A_512 = arith.constant 5 : i32
      %mul3A_513 = arith.muli %scan3A_332, %mul3A_512 : i32
      %add3A_514 = arith.constant 3 : i32
      %add3A_515 = arith.addi %mul3A_513, %add3A_514 : i32
      %mul3A_516 = arith.constant 80 : i32
      %mul3A_517 = arith.muli %add3A_515, %mul3A_516 : i32
      %add3A_518 = arith.constant 48 : i32
      %add3A_519 = arith.addi %mul3A_517, %add3A_518 : i32
      %get3A_520 = arith.index_cast %add3A_519 : i32 to index
      %get3A_521 = tpu.vector_load %arg8[%get3A_520] {strides = array<i32>} : memref<10000xi32, #tpu.memory_space<vmem>>, vector<16xi32>,
      tpu.vector_store_idx %arg10[%get3A_521], %broadcast_in_dim3A_8 {add = true} : memref<10240xf32, #tpu.memory_space<vmem>>[vector<16xi32>], vector<16xf32>,
      %mul3A_522 = arith.constant 5 : i32
      %mul3A_523 = arith.muli %scan3A_332, %mul3A_522 : i32
      %add3A_524 = arith.constant 3 : i32
      %add3A_525 = arith.addi %mul3A_523, %add3A_524 : i32
      %mul3A_526 = arith.constant 80 : i32
      %mul3A_527 = arith.muli %add3A_525, %mul3A_526 : i32
      %add3A_528 = arith.constant 64 : i32
      %add3A_529 = arith.addi %mul3A_527, %add3A_528 : i32
      %get3A_530 = arith.index_cast %add3A_529 : i32 to index
      %get3A_531 = tpu.vector_load %arg8[%get3A_530] {strides = array<i32>} : memref<10000xi32, #tpu.memory_space<vmem>>, vector<16xi32>,
      tpu.vector_store_idx %arg10[%get3A_531], %broadcast_in_dim3A_8 {add = true} : memref<10240xf32, #tpu.memory_space<vmem>>[vector<16xi32>], vector<16xf32>,
      %mul3A_532 = arith.constant 5 : i32
      %mul3A_533 = arith.muli %scan3A_332, %mul3A_532 : i32
      %add3A_534 = arith.constant 4 : i32
      %add3A_535 = arith.addi %mul3A_533, %add3A_534 : i32
      %mul3A_536 = arith.constant 80 : i32
      %mul3A_537 = arith.muli %add3A_535, %mul3A_536 : i32
      %add3A_538 = arith.constant 0 : i32
      %add3A_539 = arith.addi %mul3A_537, %add3A_538 : i32
      %get3A_540 = arith.index_cast %add3A_539 : i32 to index
      %get3A_541 = tpu.vector_load %arg8[%get3A_540] {strides = array<i32>} : memref<10000xi32, #tpu.memory_space<vmem>>, vector<16xi32>,
      tpu.vector_store_idx %arg10[%get3A_541], %broadcast_in_dim3A_8 {add = true} : memref<10240xf32, #tpu.memory_space<vmem>>[vector<16xi32>], vector<16xf32>,
      %mul3A_542 = arith.constant 5 : i32
      %mul3A_543 = arith.muli %scan3A_332, %mul3A_542 : i32
      %add3A_544 = arith.constant 4 : i32
      %add3A_545 = arith.addi %mul3A_543, %add3A_544 : i32
      %mul3A_546 = arith.constant 80 : i32
      %mul3A_547 = arith.muli %add3A_545, %mul3A_546 : i32
      %add3A_548 = arith.constant 16 : i32
      %add3A_549 = arith.addi %mul3A_547, %add3A_548 : i32
      %get3A_550 = arith.index_cast %add3A_549 : i32 to index
      %get3A_551 = tpu.vector_load %arg8[%get3A_550] {strides = array<i32>} : memref<10000xi32, #tpu.memory_space<vmem>>, vector<16xi32>,
      tpu.vector_store_idx %arg10[%get3A_551], %broadcast_in_dim3A_8 {add = true} : memref<10240xf32, #tpu.memory_space<vmem>>[vector<16xi32>], vector<16xf32>,
      %mul3A_552 = arith.constant 5 : i32
      %mul3A_553 = arith.muli %scan3A_332, %mul3A_552 : i32
      %add3A_554 = arith.constant 4 : i32
      %add3A_555 = arith.addi %mul3A_553, %add3A_554 : i32
      %mul3A_556 = arith.constant 80 : i32
      %mul3A_557 = arith.muli %add3A_555, %mul3A_556 : i32
      %add3A_558 = arith.constant 32 : i32
      %add3A_559 = arith.addi %mul3A_557, %add3A_558 : i32
      %get3A_560 = arith.index_cast %add3A_559 : i32 to index
      %get3A_561 = tpu.vector_load %arg8[%get3A_560] {strides = array<i32>} : memref<10000xi32, #tpu.memory_space<vmem>>, vector<16xi32>,
      tpu.vector_store_idx %arg10[%get3A_561], %broadcast_in_dim3A_8 {add = true} : memref<10240xf32, #tpu.memory_space<vmem>>[vector<16xi32>], vector<16xf32>,
      %mul3A_562 = arith.constant 5 : i32
      %mul3A_563 = arith.muli %scan3A_332, %mul3A_562 : i32
      %add3A_564 = arith.constant 4 : i32
      %add3A_565 = arith.addi %mul3A_563, %add3A_564 : i32
      %mul3A_566 = arith.constant 80 : i32
      %mul3A_567 = arith.muli %add3A_565, %mul3A_566 : i32
      %add3A_568 = arith.constant 48 : i32
      %add3A_569 = arith.addi %mul3A_567, %add3A_568 : i32
      %get3A_570 = arith.index_cast %add3A_569 : i32 to index
      %get3A_571 = tpu.vector_load %arg8[%get3A_570] {strides = array<i32>} : memref<10000xi32, #tpu.memory_space<vmem>>, vector<16xi32>,
      tpu.vector_store_idx %arg10[%get3A_571], %broadcast_in_dim3A_8 {add = true} : memref<10240xf32, #tpu.memory_space<vmem>>[vector<16xi32>], vector<16xf32>,
      %mul3A_572 = arith.constant 5 : i32
      %mul3A_573 = arith.muli %scan3A_332, %mul3A_572 : i32
      %add3A_574 = arith.constant 4 : i32
      %add3A_575 = arith.addi %mul3A_573, %add3A_574 : i32
      %mul3A_576 = arith.constant 80 : i32
      %mul3A_577 = arith.muli %add3A_575, %mul3A_576 : i32
      %add3A_578 = arith.constant 64 : i32
      %add3A_579 = arith.addi %mul3A_577, %add3A_578 : i32
      %get3A_580 = arith.index_cast %add3A_579 : i32 to index
      %get3A_581 = tpu.vector_load %arg8[%get3A_580] {strides = array<i32>} : memref<10000xi32, #tpu.memory_space<vmem>>, vector<16xi32>,
      tpu.vector_store_idx %arg10[%get3A_581], %broadcast_in_dim3A_8 {add = true} : memref<10240xf32, #tpu.memory_space<vmem>>[vector<16xi32>], vector<16xf32>,
    }
    %scan3A_75 = arith.constant 25 : i32
    "tpu.region"() ({
      %run_scoped3A_332 = tpu.sem_alloc : memref<!tpu.dma_semaphore, #tpu.memory_space<semaphore_mem>>
      %dma_start3A_333 = arith.constant 0 : i32
      %dma_start3A_334 = tpu.memref_slice %arg16[%arg1, %dma_start3A_333] : memref<16x10240xf32, #tpu.memory_space<vmem_shared>> -> memref<1x10240xf32, #tpu.memory_space<vmem_shared>>
      %dma_start3A_335 = tpu.memref_squeeze %dma_start3A_334 : memref<1x10240xf32, #tpu.memory_space<vmem_shared>> -> memref<10240xf32, #tpu.memory_space<vmem_shared>>
      %dma_start3A_336 = arith.constant 0 : i32
      %dma_start3A_337 = tpu.memref_slice %arg16[%arg1, %dma_start3A_336] : memref<16x10240xf32, #tpu.memory_space<vmem_shared>> -> memref<1x10240xf32, #tpu.memory_space<vmem_shared>>
      %dma_start3A_338 = tpu.memref_squeeze %dma_start3A_337 : memref<1x10240xf32, #tpu.memory_space<vmem_shared>> -> memref<10240xf32, #tpu.memory_space<vmem_shared>>
      tpu.enqueue_dma source(%arg10 : memref<10240xf32, #tpu.memory_space<vmem>>) target(%dma_start3A_338 : memref<10240xf32, #tpu.memory_space<vmem_shared>>) target_semaphore(%run_scoped3A_332 : memref<!tpu.dma_semaphore, #tpu.memory_space<semaphore_mem>>)
      %dma_wait3A_339 = arith.constant 0 : i32
      %dma_wait3A_340 = tpu.memref_slice %arg16[%arg1, %dma_wait3A_339] : memref<16x10240xf32, #tpu.memory_space<vmem_shared>> -> memref<1x10240xf32, #tpu.memory_space<vmem_shared>>
      %dma_wait3A_341 = tpu.memref_squeeze %dma_wait3A_340 : memref<1x10240xf32, #tpu.memory_space<vmem_shared>> -> memref<10240xf32, #tpu.memory_space<vmem_shared>>
      %dma_wait3A_342 = arith.constant 0 : i32
      %dma_wait3A_343 = tpu.memref_slice %arg16[%arg1, %dma_wait3A_342] : memref<16x10240xf32, #tpu.memory_space<vmem_shared>> -> memref<1x10240xf32, #tpu.memory_space<vmem_shared>>
      %dma_wait3A_344 = tpu.memref_squeeze %dma_wait3A_343 : memref<1x10240xf32, #tpu.memory_space<vmem_shared>> -> memref<10240xf32, #tpu.memory_space<vmem_shared>>
      tpu.wait_dma2 semaphore(%run_scoped3A_332 : memref<!tpu.dma_semaphore, #tpu.memory_space<semaphore_mem>>) src(%arg10 : memref<10240xf32, #tpu.memory_space<vmem>>) dst(%dma_wait3A_344 : memref<10240xf32, #tpu.memory_space<vmem_shared>>)
      tpu.yield
    }) : () -> ()
    %barrier3A = arith.constant 0 : index
    tpu.barrier barrier_id(%barrier3A)
    "tpu.region"() ({
      %run_scoped3A_332 = tpu.sem_alloc : memref<!tpu.dma_semaphore, #tpu.memory_space<semaphore_mem>>
      %dma_start3A_333 = arith.constant 0 : i32
      %dma_start3A_334 = tpu.memref_slice %arg16[%dma_start3A_333, %mul3A_2] : memref<16x10240xf32, #tpu.memory_space<vmem_shared>> -> memref<16x640xf32, #tpu.memory_space<vmem_shared>>
      %dma_start3A_335 = arith.constant 0 : i32
      %dma_start3A_336 = tpu.memref_slice %arg16[%dma_start3A_335, %mul3A_2] : memref<16x10240xf32, #tpu.memory_space<vmem_shared>> -> memref<16x640xf32, #tpu.memory_space<vmem_shared>>
      tpu.enqueue_dma source(%dma_start3A_336 : memref<16x640xf32, #tpu.memory_space<vmem_shared>>) target(%arg11 : memref<16x640xf32, #tpu.memory_space<vmem>>) target_semaphore(%run_scoped3A_332 : memref<!tpu.dma_semaphore, #tpu.memory_space<semaphore_mem>>)
      %dma_wait3A_337 = arith.constant 0 : i32
      %dma_wait3A_338 = tpu.memref_slice %arg16[%dma_wait3A_337, %mul3A_2] : memref<16x10240xf32, #tpu.memory_space<vmem_shared>> -> memref<16x640xf32, #tpu.memory_space<vmem_shared>>
      %dma_wait3A_339 = arith.constant 0 : i32
      %dma_wait3A_340 = tpu.memref_slice %arg16[%dma_wait3A_339, %mul3A_2] : memref<16x10240xf32, #tpu.memory_space<vmem_shared>> -> memref<16x640xf32, #tpu.memory_space<vmem_shared>>
      tpu.wait_dma2 semaphore(%run_scoped3A_332 : memref<!tpu.dma_semaphore, #tpu.memory_space<semaphore_mem>>) src(%dma_wait3A_340 : memref<16x640xf32, #tpu.memory_space<vmem_shared>>) dst(%arg11 : memref<16x640xf32, #tpu.memory_space<vmem>>)
      tpu.yield
    }) : () -> ()
    "tpu.trace_stop"() : () -> ()
    "tpu.trace_start"() <{level = 10 : i32, message = "p2_reduce"}> : () -> ()
    %scan3A_76 = arith.constant 0 : i32
    %scan3A_77 = arith.constant 0 : i32
    %scan3A_78 = arith.constant 40 : i32
    %scan3A_79 = arith.addi %scan3A_77, %scan3A_78 : i32
    %scan3A_80 = arith.constant 1 : i32
    scf.for %scan3A_332 = %scan3A_77 to %scan3A_79 step %scan3A_80  : i32 {
      %broadcast_in_dim3A_333 = arith.constant 0.000000e+00 : f32
      %broadcast_in_dim3A_334 = vector.broadcast %broadcast_in_dim3A_333 : f32 to vector<16xf32>
      %mul3A_335 = arith.constant 16 : i32
      %mul3A_336 = arith.muli %scan3A_332, %mul3A_335 : i32
      %get3A = arith.constant 0 : i32
      %get3A_337 = arith.index_cast %get3A : i32 to index
      %get3A_338 = arith.index_cast %mul3A_336 : i32 to index
      %get3A_339 = tpu.vector_load %arg11[%get3A_337, %get3A_338] {strides = array<i32>} : memref<16x640xf32, #tpu.memory_space<vmem>>, vector<16xf32>,
      %add3A_340 = arith.addf %broadcast_in_dim3A_334, %get3A_339 : vector<16xf32>
      %mul3A_341 = arith.constant 16 : i32
      %mul3A_342 = arith.muli %scan3A_332, %mul3A_341 : i32
      %get3A_343 = arith.constant 1 : i32
      %get3A_344 = arith.index_cast %get3A_343 : i32 to index
      %get3A_345 = arith.index_cast %mul3A_342 : i32 to index
      %get3A_346 = tpu.vector_load %arg11[%get3A_344, %get3A_345] {strides = array<i32>} : memref<16x640xf32, #tpu.memory_space<vmem>>, vector<16xf32>,
      %add3A_347 = arith.addf %add3A_340, %get3A_346 : vector<16xf32>
      %mul3A_348 = arith.constant 16 : i32
      %mul3A_349 = arith.muli %scan3A_332, %mul3A_348 : i32
      %get3A_350 = arith.constant 2 : i32
      %get3A_351 = arith.index_cast %get3A_350 : i32 to index
      %get3A_352 = arith.index_cast %mul3A_349 : i32 to index
      %get3A_353 = tpu.vector_load %arg11[%get3A_351, %get3A_352] {strides = array<i32>} : memref<16x640xf32, #tpu.memory_space<vmem>>, vector<16xf32>,
      %add3A_354 = arith.addf %add3A_347, %get3A_353 : vector<16xf32>
      %mul3A_355 = arith.constant 16 : i32
      %mul3A_356 = arith.muli %scan3A_332, %mul3A_355 : i32
      %get3A_357 = arith.constant 3 : i32
      %get3A_358 = arith.index_cast %get3A_357 : i32 to index
      %get3A_359 = arith.index_cast %mul3A_356 : i32 to index
      %get3A_360 = tpu.vector_load %arg11[%get3A_358, %get3A_359] {strides = array<i32>} : memref<16x640xf32, #tpu.memory_space<vmem>>, vector<16xf32>,
      %add3A_361 = arith.addf %add3A_354, %get3A_360 : vector<16xf32>
      %mul3A_362 = arith.constant 16 : i32
      %mul3A_363 = arith.muli %scan3A_332, %mul3A_362 : i32
      %get3A_364 = arith.constant 4 : i32
      %get3A_365 = arith.index_cast %get3A_364 : i32 to index
      %get3A_366 = arith.index_cast %mul3A_363 : i32 to index
      %get3A_367 = tpu.vector_load %arg11[%get3A_365, %get3A_366] {strides = array<i32>} : memref<16x640xf32, #tpu.memory_space<vmem>>, vector<16xf32>,
      %add3A_368 = arith.addf %add3A_361, %get3A_367 : vector<16xf32>
      %mul3A_369 = arith.constant 16 : i32
      %mul3A_370 = arith.muli %scan3A_332, %mul3A_369 : i32
      %get3A_371 = arith.constant 5 : i32
      %get3A_372 = arith.index_cast %get3A_371 : i32 to index
      %get3A_373 = arith.index_cast %mul3A_370 : i32 to index
      %get3A_374 = tpu.vector_load %arg11[%get3A_372, %get3A_373] {strides = array<i32>} : memref<16x640xf32, #tpu.memory_space<vmem>>, vector<16xf32>,
      %add3A_375 = arith.addf %add3A_368, %get3A_374 : vector<16xf32>
      %mul3A_376 = arith.constant 16 : i32
      %mul3A_377 = arith.muli %scan3A_332, %mul3A_376 : i32
      %get3A_378 = arith.constant 6 : i32
      %get3A_379 = arith.index_cast %get3A_378 : i32 to index
      %get3A_380 = arith.index_cast %mul3A_377 : i32 to index
      %get3A_381 = tpu.vector_load %arg11[%get3A_379, %get3A_380] {strides = array<i32>} : memref<16x640xf32, #tpu.memory_space<vmem>>, vector<16xf32>,
      %add3A_382 = arith.addf %add3A_375, %get3A_381 : vector<16xf32>
      %mul3A_383 = arith.constant 16 : i32
      %mul3A_384 = arith.muli %scan3A_332, %mul3A_383 : i32
      %get3A_385 = arith.constant 7 : i32
      %get3A_386 = arith.index_cast %get3A_385 : i32 to index
      %get3A_387 = arith.index_cast %mul3A_384 : i32 to index
      %get3A_388 = tpu.vector_load %arg11[%get3A_386, %get3A_387] {strides = array<i32>} : memref<16x640xf32, #tpu.memory_space<vmem>>, vector<16xf32>,
      %add3A_389 = arith.addf %add3A_382, %get3A_388 : vector<16xf32>
      %mul3A_390 = arith.constant 16 : i32
      %mul3A_391 = arith.muli %scan3A_332, %mul3A_390 : i32
      %get3A_392 = arith.constant 8 : i32
      %get3A_393 = arith.index_cast %get3A_392 : i32 to index
      %get3A_394 = arith.index_cast %mul3A_391 : i32 to index
      %get3A_395 = tpu.vector_load %arg11[%get3A_393, %get3A_394] {strides = array<i32>} : memref<16x640xf32, #tpu.memory_space<vmem>>, vector<16xf32>,
      %add3A_396 = arith.addf %add3A_389, %get3A_395 : vector<16xf32>
      %mul3A_397 = arith.constant 16 : i32
      %mul3A_398 = arith.muli %scan3A_332, %mul3A_397 : i32
      %get3A_399 = arith.constant 9 : i32
      %get3A_400 = arith.index_cast %get3A_399 : i32 to index
      %get3A_401 = arith.index_cast %mul3A_398 : i32 to index
      %get3A_402 = tpu.vector_load %arg11[%get3A_400, %get3A_401] {strides = array<i32>} : memref<16x640xf32, #tpu.memory_space<vmem>>, vector<16xf32>,
      %add3A_403 = arith.addf %add3A_396, %get3A_402 : vector<16xf32>
      %mul3A_404 = arith.constant 16 : i32
      %mul3A_405 = arith.muli %scan3A_332, %mul3A_404 : i32
      %get3A_406 = arith.constant 10 : i32
      %get3A_407 = arith.index_cast %get3A_406 : i32 to index
      %get3A_408 = arith.index_cast %mul3A_405 : i32 to index
      %get3A_409 = tpu.vector_load %arg11[%get3A_407, %get3A_408] {strides = array<i32>} : memref<16x640xf32, #tpu.memory_space<vmem>>, vector<16xf32>,
      %add3A_410 = arith.addf %add3A_403, %get3A_409 : vector<16xf32>
      %mul3A_411 = arith.constant 16 : i32
      %mul3A_412 = arith.muli %scan3A_332, %mul3A_411 : i32
      %get3A_413 = arith.constant 11 : i32
      %get3A_414 = arith.index_cast %get3A_413 : i32 to index
      %get3A_415 = arith.index_cast %mul3A_412 : i32 to index
      %get3A_416 = tpu.vector_load %arg11[%get3A_414, %get3A_415] {strides = array<i32>} : memref<16x640xf32, #tpu.memory_space<vmem>>, vector<16xf32>,
      %add3A_417 = arith.addf %add3A_410, %get3A_416 : vector<16xf32>
      %mul3A_418 = arith.constant 16 : i32
      %mul3A_419 = arith.muli %scan3A_332, %mul3A_418 : i32
      %get3A_420 = arith.constant 12 : i32
      %get3A_421 = arith.index_cast %get3A_420 : i32 to index
      %get3A_422 = arith.index_cast %mul3A_419 : i32 to index
      %get3A_423 = tpu.vector_load %arg11[%get3A_421, %get3A_422] {strides = array<i32>} : memref<16x640xf32, #tpu.memory_space<vmem>>, vector<16xf32>,
      %add3A_424 = arith.addf %add3A_417, %get3A_423 : vector<16xf32>
      %mul3A_425 = arith.constant 16 : i32
      %mul3A_426 = arith.muli %scan3A_332, %mul3A_425 : i32
      %get3A_427 = arith.constant 13 : i32
      %get3A_428 = arith.index_cast %get3A_427 : i32 to index
      %get3A_429 = arith.index_cast %mul3A_426 : i32 to index
      %get3A_430 = tpu.vector_load %arg11[%get3A_428, %get3A_429] {strides = array<i32>} : memref<16x640xf32, #tpu.memory_space<vmem>>, vector<16xf32>,
      %add3A_431 = arith.addf %add3A_424, %get3A_430 : vector<16xf32>
      %mul3A_432 = arith.constant 16 : i32
      %mul3A_433 = arith.muli %scan3A_332, %mul3A_432 : i32
      %get3A_434 = arith.constant 14 : i32
      %get3A_435 = arith.index_cast %get3A_434 : i32 to index
      %get3A_436 = arith.index_cast %mul3A_433 : i32 to index
      %get3A_437 = tpu.vector_load %arg11[%get3A_435, %get3A_436] {strides = array<i32>} : memref<16x640xf32, #tpu.memory_space<vmem>>, vector<16xf32>,
      %add3A_438 = arith.addf %add3A_431, %get3A_437 : vector<16xf32>
      %mul3A_439 = arith.constant 16 : i32
      %mul3A_440 = arith.muli %scan3A_332, %mul3A_439 : i32
      %get3A_441 = arith.constant 15 : i32
      %get3A_442 = arith.index_cast %get3A_441 : i32 to index
      %get3A_443 = arith.index_cast %mul3A_440 : i32 to index
      %get3A_444 = tpu.vector_load %arg11[%get3A_442, %get3A_443] {strides = array<i32>} : memref<16x640xf32, #tpu.memory_space<vmem>>, vector<16xf32>,
      %add3A_445 = arith.addf %add3A_438, %get3A_444 : vector<16xf32>
      %bitcast3A = vector.bitcast %add3A_445 : vector<16xf32> to vector<16xi32>
      %shift_right_logical3A = arith.constant 1 : i32
      %shift_right_logical3A_446 = vector.broadcast %shift_right_logical3A : i32 to vector<16xi32>
      %shift_right_logical3A_447 = arith.shrui %bitcast3A, %shift_right_logical3A_446 : vector<16xi32>
      %sub3A = arith.constant 1597463007 : i32
      %sub3A_448 = vector.broadcast %sub3A : i32 to vector<16xi32>
      %sub3A_449 = arith.subi %sub3A_448, %shift_right_logical3A_447 : vector<16xi32>
      %bitcast3A_450 = vector.bitcast %sub3A_449 : vector<16xi32> to vector<16xf32>
      %mul3A_451 = arith.constant 5.000000e-01 : f32
      %mul3A_452 = vector.broadcast %mul3A_451 : f32 to vector<16xf32>
      %mul3A_453 = arith.mulf %mul3A_452, %add3A_445 : vector<16xf32>
      %mul3A_454 = arith.mulf %mul3A_453, %bitcast3A_450 : vector<16xf32>
      %mul3A_455 = arith.mulf %mul3A_454, %bitcast3A_450 : vector<16xf32>
      %sub3A_456 = arith.constant 1.500000e+00 : f32
      %sub3A_457 = vector.broadcast %sub3A_456 : f32 to vector<16xf32>
      %sub3A_458 = arith.subf %sub3A_457, %mul3A_455 : vector<16xf32>
      %mul3A_459 = arith.mulf %bitcast3A_450, %sub3A_458 : vector<16xf32>
      %mul3A_460 = arith.mulf %mul3A_453, %mul3A_459 : vector<16xf32>
      %mul3A_461 = arith.mulf %mul3A_460, %mul3A_459 : vector<16xf32>
      %sub3A_462 = arith.constant 1.500000e+00 : f32
      %sub3A_463 = vector.broadcast %sub3A_462 : f32 to vector<16xf32>
      %sub3A_464 = arith.subf %sub3A_463, %mul3A_461 : vector<16xf32>
      %mul3A_465 = arith.mulf %mul3A_459, %sub3A_464 : vector<16xf32>
      %mul3A_466 = arith.mulf %mul3A_453, %mul3A_465 : vector<16xf32>
      %mul3A_467 = arith.mulf %mul3A_466, %mul3A_465 : vector<16xf32>
      %sub3A_468 = arith.constant 1.500000e+00 : f32
      %sub3A_469 = vector.broadcast %sub3A_468 : f32 to vector<16xf32>
      %sub3A_470 = arith.subf %sub3A_469, %mul3A_467 : vector<16xf32>
      %mul3A_471 = arith.mulf %mul3A_465, %sub3A_470 : vector<16xf32>
      %gt3A = arith.constant 0.000000e+00 : f32
      %gt3A_472 = vector.broadcast %gt3A : f32 to vector<16xf32>
      %gt3A_473 = arith.cmpf ogt, %add3A_445, %gt3A_472 : vector<16xf32>
      %jit3A = arith.constant 0.000000e+00 : f32
      %broadcast_in_dim3A_474 = vector.broadcast %jit3A : f32 to vector<16xf32>
      %select_n3A = arith.select %gt3A_473, %mul3A_471, %broadcast_in_dim3A_474 : vector<16xi1>, vector<16xf32>
      %mul3A_475 = arith.constant 16 : i32
      %mul3A_476 = arith.muli %scan3A_332, %mul3A_475 : i32
      %swap3A = arith.index_cast %mul3A_476 : i32 to index
      %swap3A_477 = tpu.vector_load %arg14[%swap3A] {strides = array<i32>} : memref<640xf32, #tpu.memory_space<vmem>>, vector<16xf32>,
      tpu.vector_store %arg14[%swap3A], %select_n3A {strides = array<i32>} : memref<640xf32, #tpu.memory_space<vmem>>, vector<16xf32>,
    }
    %scan3A_81 = arith.constant 40 : i32
    "tpu.trace_stop"() : () -> ()
    "tpu.trace_start"() <{level = 10 : i32, message = "p2_scale"}> : () -> ()
    %add3A_82 = arith.constant 0 : i32
    %add3A_83 = arith.addi %mul3A_2, %add3A_82 : i32
    %dma_wait3A_84 = arith.constant 2 : i32
    %dma_wait3A_85 = arith.constant 0 : i32
    %dma_wait3A_86 = tpu.memref_slice %arg2[%add3A_83, %dma_wait3A_85] : memref<10240x128xf32, #tpu.memory_space<hbm>> -> memref<320x32xf32, #tpu.memory_space<hbm>>
    %dma_wait3A_87 = tpu.memref_slice %arg18[%dma_wait3A_84] : memref<6x!tpu.dma_semaphore, #tpu.memory_space<semaphore_mem>> -> memref<1x!tpu.dma_semaphore, #tpu.memory_space<semaphore_mem>>
    %dma_wait3A_88 = tpu.memref_squeeze %dma_wait3A_87 : memref<1x!tpu.dma_semaphore, #tpu.memory_space<semaphore_mem>> -> memref<!tpu.dma_semaphore, #tpu.memory_space<semaphore_mem>>
    %dma_wait3A_89 = arith.constant 0 : i32
    %dma_wait3A_90 = tpu.memref_slice %arg2[%add3A_83, %dma_wait3A_89] : memref<10240x128xf32, #tpu.memory_space<hbm>> -> memref<320x32xf32, #tpu.memory_space<hbm>>
    tpu.wait_dma2 semaphore(%dma_wait3A_88 : memref<!tpu.dma_semaphore, #tpu.memory_space<semaphore_mem>>) src(%dma_wait3A_90 : memref<320x32xf32, #tpu.memory_space<hbm>>) dst(%arg12 : memref<320x32xf32, #tpu.memory_space<vmem>>)
    %scan3A_91 = arith.constant 0 : i32
    %scan3A_92 = arith.constant 0 : i32
    %scan3A_93 = arith.constant 80 : i32
    %scan3A_94 = arith.addi %scan3A_92, %scan3A_93 : i32
    %scan3A_95 = arith.constant 1 : i32
    scf.for %scan3A_332 = %scan3A_92 to %scan3A_94 step %scan3A_95  : i32 {
      %mul3A_333 = arith.constant 4 : i32
      %mul3A_334 = arith.muli %scan3A_332, %mul3A_333 : i32
      %add3A_335 = arith.constant 0 : i32
      %add3A_336 = arith.addi %mul3A_334, %add3A_335 : i32
      %add3A_337 = arith.constant 0 : i32
      %add3A_338 = arith.addi %add3A_337, %add3A_336 : i32
      %broadcast_in_dim3A_339 = vector.broadcast %add3A_338 : i32 to vector<16xi32>
      %gather3A = tpu.vector_load_idx %arg14[%broadcast_in_dim3A_339] : memref<640xf32, #tpu.memory_space<vmem>>[vector<16xi32>], vector<16xf32>,
      %get3A = arith.index_cast %add3A_336 : i32 to index
      %get3A_340 = arith.constant 0 : index
      %get3A_341 = tpu.vector_load %arg12[%get3A, %get3A_340] {strides = array<i32>} : memref<320x32xf32, #tpu.memory_space<vmem>>, vector<16xf32>,
      %mul3A_342 = arith.mulf %get3A_341, %gather3A : vector<16xf32>
      %swap3A = arith.index_cast %add3A_336 : i32 to index
      %swap3A_343 = arith.constant 0 : index
      %swap3A_344 = tpu.vector_load %arg12[%swap3A, %swap3A_343] {strides = array<i32>} : memref<320x32xf32, #tpu.memory_space<vmem>>, vector<16xf32>,
      tpu.vector_store %arg12[%swap3A, %swap3A_343], %mul3A_342 {strides = array<i32>} : memref<320x32xf32, #tpu.memory_space<vmem>>, vector<16xf32>,
      %get3A_345 = arith.index_cast %add3A_336 : i32 to index
      %get3A_346 = arith.constant 16 : index
      %get3A_347 = tpu.vector_load %arg12[%get3A_345, %get3A_346] {strides = array<i32>} : memref<320x32xf32, #tpu.memory_space<vmem>>, vector<16xf32>,
      %mul3A_348 = arith.mulf %get3A_347, %gather3A : vector<16xf32>
      %swap3A_349 = arith.index_cast %add3A_336 : i32 to index
      %swap3A_350 = arith.constant 16 : index
      %swap3A_351 = tpu.vector_load %arg12[%swap3A_349, %swap3A_350] {strides = array<i32>} : memref<320x32xf32, #tpu.memory_space<vmem>>, vector<16xf32>,
      tpu.vector_store %arg12[%swap3A_349, %swap3A_350], %mul3A_348 {strides = array<i32>} : memref<320x32xf32, #tpu.memory_space<vmem>>, vector<16xf32>,
      %swap3A_352 = arith.index_cast %add3A_336 : i32 to index
      %swap3A_353 = arith.constant 0 : index
      %swap3A_354 = tpu.vector_load %arg13[%swap3A_352, %swap3A_353] {strides = array<i32>} : memref<320x32xf32, #tpu.memory_space<vmem>>, vector<16xf32>,
      tpu.vector_store %arg13[%swap3A_352, %swap3A_353], %gather3A {strides = array<i32>} : memref<320x32xf32, #tpu.memory_space<vmem>>, vector<16xf32>,
      %swap3A_355 = arith.index_cast %add3A_336 : i32 to index
      %swap3A_356 = arith.constant 16 : index
      %swap3A_357 = tpu.vector_load %arg13[%swap3A_355, %swap3A_356] {strides = array<i32>} : memref<320x32xf32, #tpu.memory_space<vmem>>, vector<16xf32>,
      tpu.vector_store %arg13[%swap3A_355, %swap3A_356], %gather3A {strides = array<i32>} : memref<320x32xf32, #tpu.memory_space<vmem>>, vector<16xf32>,
      %mul3A_358 = arith.constant 4 : i32
      %mul3A_359 = arith.muli %scan3A_332, %mul3A_358 : i32
      %add3A_360 = arith.constant 1 : i32
      %add3A_361 = arith.addi %mul3A_359, %add3A_360 : i32
      %add3A_362 = arith.constant 0 : i32
      %add3A_363 = arith.addi %add3A_362, %add3A_361 : i32
      %broadcast_in_dim3A_364 = vector.broadcast %add3A_363 : i32 to vector<16xi32>
      %gather3A_365 = tpu.vector_load_idx %arg14[%broadcast_in_dim3A_364] : memref<640xf32, #tpu.memory_space<vmem>>[vector<16xi32>], vector<16xf32>,
      %get3A_366 = arith.index_cast %add3A_361 : i32 to index
      %get3A_367 = arith.constant 0 : index
      %get3A_368 = tpu.vector_load %arg12[%get3A_366, %get3A_367] {strides = array<i32>} : memref<320x32xf32, #tpu.memory_space<vmem>>, vector<16xf32>,
      %mul3A_369 = arith.mulf %get3A_368, %gather3A_365 : vector<16xf32>
      %swap3A_370 = arith.index_cast %add3A_361 : i32 to index
      %swap3A_371 = arith.constant 0 : index
      %swap3A_372 = tpu.vector_load %arg12[%swap3A_370, %swap3A_371] {strides = array<i32>} : memref<320x32xf32, #tpu.memory_space<vmem>>, vector<16xf32>,
      tpu.vector_store %arg12[%swap3A_370, %swap3A_371], %mul3A_369 {strides = array<i32>} : memref<320x32xf32, #tpu.memory_space<vmem>>, vector<16xf32>,
      %get3A_373 = arith.index_cast %add3A_361 : i32 to index
      %get3A_374 = arith.constant 16 : index
      %get3A_375 = tpu.vector_load %arg12[%get3A_373, %get3A_374] {strides = array<i32>} : memref<320x32xf32, #tpu.memory_space<vmem>>, vector<16xf32>,
      %mul3A_376 = arith.mulf %get3A_375, %gather3A_365 : vector<16xf32>
      %swap3A_377 = arith.index_cast %add3A_361 : i32 to index
      %swap3A_378 = arith.constant 16 : index
      %swap3A_379 = tpu.vector_load %arg12[%swap3A_377, %swap3A_378] {strides = array<i32>} : memref<320x32xf32, #tpu.memory_space<vmem>>, vector<16xf32>,
      tpu.vector_store %arg12[%swap3A_377, %swap3A_378], %mul3A_376 {strides = array<i32>} : memref<320x32xf32, #tpu.memory_space<vmem>>, vector<16xf32>,
      %swap3A_380 = arith.index_cast %add3A_361 : i32 to index
      %swap3A_381 = arith.constant 0 : index
      %swap3A_382 = tpu.vector_load %arg13[%swap3A_380, %swap3A_381] {strides = array<i32>} : memref<320x32xf32, #tpu.memory_space<vmem>>, vector<16xf32>,
      tpu.vector_store %arg13[%swap3A_380, %swap3A_381], %gather3A_365 {strides = array<i32>} : memref<320x32xf32, #tpu.memory_space<vmem>>, vector<16xf32>,
      %swap3A_383 = arith.index_cast %add3A_361 : i32 to index
      %swap3A_384 = arith.constant 16 : index
      %swap3A_385 = tpu.vector_load %arg13[%swap3A_383, %swap3A_384] {strides = array<i32>} : memref<320x32xf32, #tpu.memory_space<vmem>>, vector<16xf32>,
      tpu.vector_store %arg13[%swap3A_383, %swap3A_384], %gather3A_365 {strides = array<i32>} : memref<320x32xf32, #tpu.memory_space<vmem>>, vector<16xf32>,
      %mul3A_386 = arith.constant 4 : i32
      %mul3A_387 = arith.muli %scan3A_332, %mul3A_386 : i32
      %add3A_388 = arith.constant 2 : i32
      %add3A_389 = arith.addi %mul3A_387, %add3A_388 : i32
      %add3A_390 = arith.constant 0 : i32
      %add3A_391 = arith.addi %add3A_390, %add3A_389 : i32
      %broadcast_in_dim3A_392 = vector.broadcast %add3A_391 : i32 to vector<16xi32>
      %gather3A_393 = tpu.vector_load_idx %arg14[%broadcast_in_dim3A_392] : memref<640xf32, #tpu.memory_space<vmem>>[vector<16xi32>], vector<16xf32>,
      %get3A_394 = arith.index_cast %add3A_389 : i32 to index
      %get3A_395 = arith.constant 0 : index
      %get3A_396 = tpu.vector_load %arg12[%get3A_394, %get3A_395] {strides = array<i32>} : memref<320x32xf32, #tpu.memory_space<vmem>>, vector<16xf32>,
      %mul3A_397 = arith.mulf %get3A_396, %gather3A_393 : vector<16xf32>
      %swap3A_398 = arith.index_cast %add3A_389 : i32 to index
      %swap3A_399 = arith.constant 0 : index
      %swap3A_400 = tpu.vector_load %arg12[%swap3A_398, %swap3A_399] {strides = array<i32>} : memref<320x32xf32, #tpu.memory_space<vmem>>, vector<16xf32>,
      tpu.vector_store %arg12[%swap3A_398, %swap3A_399], %mul3A_397 {strides = array<i32>} : memref<320x32xf32, #tpu.memory_space<vmem>>, vector<16xf32>,
      %get3A_401 = arith.index_cast %add3A_389 : i32 to index
      %get3A_402 = arith.constant 16 : index
      %get3A_403 = tpu.vector_load %arg12[%get3A_401, %get3A_402] {strides = array<i32>} : memref<320x32xf32, #tpu.memory_space<vmem>>, vector<16xf32>,
      %mul3A_404 = arith.mulf %get3A_403, %gather3A_393 : vector<16xf32>
      %swap3A_405 = arith.index_cast %add3A_389 : i32 to index
      %swap3A_406 = arith.constant 16 : index
      %swap3A_407 = tpu.vector_load %arg12[%swap3A_405, %swap3A_406] {strides = array<i32>} : memref<320x32xf32, #tpu.memory_space<vmem>>, vector<16xf32>,
      tpu.vector_store %arg12[%swap3A_405, %swap3A_406], %mul3A_404 {strides = array<i32>} : memref<320x32xf32, #tpu.memory_space<vmem>>, vector<16xf32>,
      %swap3A_408 = arith.index_cast %add3A_389 : i32 to index
      %swap3A_409 = arith.constant 0 : index
      %swap3A_410 = tpu.vector_load %arg13[%swap3A_408, %swap3A_409] {strides = array<i32>} : memref<320x32xf32, #tpu.memory_space<vmem>>, vector<16xf32>,
      tpu.vector_store %arg13[%swap3A_408, %swap3A_409], %gather3A_393 {strides = array<i32>} : memref<320x32xf32, #tpu.memory_space<vmem>>, vector<16xf32>,
      %swap3A_411 = arith.index_cast %add3A_389 : i32 to index
      %swap3A_412 = arith.constant 16 : index
      %swap3A_413 = tpu.vector_load %arg13[%swap3A_411, %swap3A_412] {strides = array<i32>} : memref<320x32xf32, #tpu.memory_space<vmem>>, vector<16xf32>,
      tpu.vector_store %arg13[%swap3A_411, %swap3A_412], %gather3A_393 {strides = array<i32>} : memref<320x32xf32, #tpu.memory_space<vmem>>, vector<16xf32>,
      %mul3A_414 = arith.constant 4 : i32
      %mul3A_415 = arith.muli %scan3A_332, %mul3A_414 : i32
      %add3A_416 = arith.constant 3 : i32
      %add3A_417 = arith.addi %mul3A_415, %add3A_416 : i32
      %add3A_418 = arith.constant 0 : i32
      %add3A_419 = arith.addi %add3A_418, %add3A_417 : i32
      %broadcast_in_dim3A_420 = vector.broadcast %add3A_419 : i32 to vector<16xi32>
      %gather3A_421 = tpu.vector_load_idx %arg14[%broadcast_in_dim3A_420] : memref<640xf32, #tpu.memory_space<vmem>>[vector<16xi32>], vector<16xf32>,
      %get3A_422 = arith.index_cast %add3A_417 : i32 to index
      %get3A_423 = arith.constant 0 : index
      %get3A_424 = tpu.vector_load %arg12[%get3A_422, %get3A_423] {strides = array<i32>} : memref<320x32xf32, #tpu.memory_space<vmem>>, vector<16xf32>,
      %mul3A_425 = arith.mulf %get3A_424, %gather3A_421 : vector<16xf32>
      %swap3A_426 = arith.index_cast %add3A_417 : i32 to index
      %swap3A_427 = arith.constant 0 : index
      %swap3A_428 = tpu.vector_load %arg12[%swap3A_426, %swap3A_427] {strides = array<i32>} : memref<320x32xf32, #tpu.memory_space<vmem>>, vector<16xf32>,
      tpu.vector_store %arg12[%swap3A_426, %swap3A_427], %mul3A_425 {strides = array<i32>} : memref<320x32xf32, #tpu.memory_space<vmem>>, vector<16xf32>,
      %get3A_429 = arith.index_cast %add3A_417 : i32 to index
      %get3A_430 = arith.constant 16 : index
      %get3A_431 = tpu.vector_load %arg12[%get3A_429, %get3A_430] {strides = array<i32>} : memref<320x32xf32, #tpu.memory_space<vmem>>, vector<16xf32>,
      %mul3A_432 = arith.mulf %get3A_431, %gather3A_421 : vector<16xf32>
      %swap3A_433 = arith.index_cast %add3A_417 : i32 to index
      %swap3A_434 = arith.constant 16 : index
      %swap3A_435 = tpu.vector_load %arg12[%swap3A_433, %swap3A_434] {strides = array<i32>} : memref<320x32xf32, #tpu.memory_space<vmem>>, vector<16xf32>,
      tpu.vector_store %arg12[%swap3A_433, %swap3A_434], %mul3A_432 {strides = array<i32>} : memref<320x32xf32, #tpu.memory_space<vmem>>, vector<16xf32>,
      %swap3A_436 = arith.index_cast %add3A_417 : i32 to index
      %swap3A_437 = arith.constant 0 : index
      %swap3A_438 = tpu.vector_load %arg13[%swap3A_436, %swap3A_437] {strides = array<i32>} : memref<320x32xf32, #tpu.memory_space<vmem>>, vector<16xf32>,
      tpu.vector_store %arg13[%swap3A_436, %swap3A_437], %gather3A_421 {strides = array<i32>} : memref<320x32xf32, #tpu.memory_space<vmem>>, vector<16xf32>,
      %swap3A_439 = arith.index_cast %add3A_417 : i32 to index
      %swap3A_440 = arith.constant 16 : index
      %swap3A_441 = tpu.vector_load %arg13[%swap3A_439, %swap3A_440] {strides = array<i32>} : memref<320x32xf32, #tpu.memory_space<vmem>>, vector<16xf32>,
      tpu.vector_store %arg13[%swap3A_439, %swap3A_440], %gather3A_421 {strides = array<i32>} : memref<320x32xf32, #tpu.memory_space<vmem>>, vector<16xf32>,
    }
    %scan3A_96 = arith.constant 80 : i32
    "tpu.trace_stop"() : () -> ()
    %mul3A_97 = arith.constant 10240 : i32
    %mul3A_98 = arith.muli %arg0, %mul3A_97 : i32
    %add3A_99 = arith.addi %mul3A_98, %mul3A_2 : i32
    %add3A_100 = arith.constant 0 : i32
    %add3A_101 = arith.addi %add3A_99, %add3A_100 : i32
    "tpu.region"() ({
      %run_scoped3A_332 = tpu.sem_alloc : memref<!tpu.dma_semaphore, #tpu.memory_space<semaphore_mem>>
      %dma_start3A_333 = arith.constant 0 : i32
      %dma_start3A_334 = tpu.memref_slice %arg6[%add3A_101, %dma_start3A_333] : memref<20480x32xf32, #tpu.memory_space<hbm>> -> memref<320x32xf32, #tpu.memory_space<hbm>>
      %dma_start3A_335 = arith.constant 0 : i32
      %dma_start3A_336 = tpu.memref_slice %arg6[%add3A_101, %dma_start3A_335] : memref<20480x32xf32, #tpu.memory_space<hbm>> -> memref<320x32xf32, #tpu.memory_space<hbm>>
      tpu.enqueue_dma source(%arg12 : memref<320x32xf32, #tpu.memory_space<vmem>>) target(%dma_start3A_336 : memref<320x32xf32, #tpu.memory_space<hbm>>) target_semaphore(%run_scoped3A_332 : memref<!tpu.dma_semaphore, #tpu.memory_space<semaphore_mem>>)
      %dma_wait3A_337 = arith.constant 0 : i32
      %dma_wait3A_338 = tpu.memref_slice %arg6[%add3A_101, %dma_wait3A_337] : memref<20480x32xf32, #tpu.memory_space<hbm>> -> memref<320x32xf32, #tpu.memory_space<hbm>>
      %dma_wait3A_339 = arith.constant 0 : i32
      %dma_wait3A_340 = tpu.memref_slice %arg6[%add3A_101, %dma_wait3A_339] : memref<20480x32xf32, #tpu.memory_space<hbm>> -> memref<320x32xf32, #tpu.memory_space<hbm>>
      tpu.wait_dma2 semaphore(%run_scoped3A_332 : memref<!tpu.dma_semaphore, #tpu.memory_space<semaphore_mem>>) src(%arg12 : memref<320x32xf32, #tpu.memory_space<vmem>>) dst(%dma_wait3A_340 : memref<320x32xf32, #tpu.memory_space<hbm>>)
      tpu.yield
    }) : () -> ()
    %add3A_102 = arith.constant 320 : i32
    %add3A_103 = arith.addi %mul3A_2, %add3A_102 : i32
    %dma_start3A_104 = arith.constant 2 : i32
    %dma_start3A_105 = arith.constant 0 : i32
    %dma_start3A_106 = tpu.memref_slice %arg2[%add3A_103, %dma_start3A_105] : memref<10240x128xf32, #tpu.memory_space<hbm>> -> memref<320x32xf32, #tpu.memory_space<hbm>>
    %dma_start3A_107 = tpu.memref_slice %arg18[%dma_start3A_104] : memref<6x!tpu.dma_semaphore, #tpu.memory_space<semaphore_mem>> -> memref<1x!tpu.dma_semaphore, #tpu.memory_space<semaphore_mem>>
    %dma_start3A_108 = tpu.memref_squeeze %dma_start3A_107 : memref<1x!tpu.dma_semaphore, #tpu.memory_space<semaphore_mem>> -> memref<!tpu.dma_semaphore, #tpu.memory_space<semaphore_mem>>
    %dma_start3A_109 = arith.constant 0 : i32
    %dma_start3A_110 = tpu.memref_slice %arg2[%add3A_103, %dma_start3A_109] : memref<10240x128xf32, #tpu.memory_space<hbm>> -> memref<320x32xf32, #tpu.memory_space<hbm>>
    tpu.enqueue_dma source(%dma_start3A_110 : memref<320x32xf32, #tpu.memory_space<hbm>>) target(%arg12 : memref<320x32xf32, #tpu.memory_space<vmem>>) target_semaphore(%dma_start3A_108 : memref<!tpu.dma_semaphore, #tpu.memory_space<semaphore_mem>>)
    %eq3A = arith.constant 0 : i32
    %eq3A_111 = arith.cmpi eq, %arg0, %eq3A : i32
    %convert_element_type3A = arith.extui %eq3A_111 : i1 to i32
    %cond3A = arith.constant 0 : i32
    %cond3A_112 = arith.cmpi ne, %convert_element_type3A, %cond3A : i32
    scf.if %cond3A_112 {
      %add3A_332 = arith.constant 0 : i32
      %add3A_333 = arith.addi %mul3A_2, %add3A_332 : i32
      "tpu.region"() ({
        %run_scoped3A_334 = tpu.sem_alloc : memref<!tpu.dma_semaphore, #tpu.memory_space<semaphore_mem>>
        %dma_start3A_335 = arith.constant 0 : i32
        %dma_start3A_336 = tpu.memref_slice %arg7[%add3A_333, %dma_start3A_335] : memref<10240x128xf32, #tpu.memory_space<hbm>> -> memref<320x32xf32, #tpu.memory_space<hbm>>
        %dma_start3A_337 = arith.constant 0 : i32
        %dma_start3A_338 = tpu.memref_slice %arg7[%add3A_333, %dma_start3A_337] : memref<10240x128xf32, #tpu.memory_space<hbm>> -> memref<320x32xf32, #tpu.memory_space<hbm>>
        tpu.enqueue_dma source(%arg13 : memref<320x32xf32, #tpu.memory_space<vmem>>) target(%dma_start3A_338 : memref<320x32xf32, #tpu.memory_space<hbm>>) target_semaphore(%run_scoped3A_334 : memref<!tpu.dma_semaphore, #tpu.memory_space<semaphore_mem>>)
        %dma_wait3A_339 = arith.constant 0 : i32
        %dma_wait3A_340 = tpu.memref_slice %arg7[%add3A_333, %dma_wait3A_339] : memref<10240x128xf32, #tpu.memory_space<hbm>> -> memref<320x32xf32, #tpu.memory_space<hbm>>
        %dma_wait3A_341 = arith.constant 0 : i32
        %dma_wait3A_342 = tpu.memref_slice %arg7[%add3A_333, %dma_wait3A_341] : memref<10240x128xf32, #tpu.memory_space<hbm>> -> memref<320x32xf32, #tpu.memory_space<hbm>>
        tpu.wait_dma2 semaphore(%run_scoped3A_334 : memref<!tpu.dma_semaphore, #tpu.memory_space<semaphore_mem>>) src(%arg13 : memref<320x32xf32, #tpu.memory_space<vmem>>) dst(%dma_wait3A_342 : memref<320x32xf32, #tpu.memory_space<hbm>>)
        tpu.yield
      }) : () -> ()
    } else {
    }
    "tpu.trace_start"() <{level = 10 : i32, message = "p2_scale"}> : () -> ()
    %add3A_113 = arith.constant 320 : i32
    %add3A_114 = arith.addi %mul3A_2, %add3A_113 : i32
    %dma_wait3A_115 = arith.constant 2 : i32
    %dma_wait3A_116 = arith.constant 0 : i32
    %dma_wait3A_117 = tpu.memref_slice %arg2[%add3A_114, %dma_wait3A_116] : memref<10240x128xf32, #tpu.memory_space<hbm>> -> memref<320x32xf32, #tpu.memory_space<hbm>>
    %dma_wait3A_118 = tpu.memref_slice %arg18[%dma_wait3A_115] : memref<6x!tpu.dma_semaphore, #tpu.memory_space<semaphore_mem>> -> memref<1x!tpu.dma_semaphore, #tpu.memory_space<semaphore_mem>>
    %dma_wait3A_119 = tpu.memref_squeeze %dma_wait3A_118 : memref<1x!tpu.dma_semaphore, #tpu.memory_space<semaphore_mem>> -> memref<!tpu.dma_semaphore, #tpu.memory_space<semaphore_mem>>
    %dma_wait3A_120 = arith.constant 0 : i32
    %dma_wait3A_121 = tpu.memref_slice %arg2[%add3A_114, %dma_wait3A_120] : memref<10240x128xf32, #tpu.memory_space<hbm>> -> memref<320x32xf32, #tpu.memory_space<hbm>>
    tpu.wait_dma2 semaphore(%dma_wait3A_119 : memref<!tpu.dma_semaphore, #tpu.memory_space<semaphore_mem>>) src(%dma_wait3A_121 : memref<320x32xf32, #tpu.memory_space<hbm>>) dst(%arg12 : memref<320x32xf32, #tpu.memory_space<vmem>>)
    %scan3A_122 = arith.constant 0 : i32
    %scan3A_123 = arith.constant 0 : i32
    %scan3A_124 = arith.constant 80 : i32
    %scan3A_125 = arith.addi %scan3A_123, %scan3A_124 : i32
    %scan3A_126 = arith.constant 1 : i32
    scf.for %scan3A_332 = %scan3A_123 to %scan3A_125 step %scan3A_126  : i32 {
      %mul3A_333 = arith.constant 4 : i32
      %mul3A_334 = arith.muli %scan3A_332, %mul3A_333 : i32
      %add3A_335 = arith.constant 0 : i32
      %add3A_336 = arith.addi %mul3A_334, %add3A_335 : i32
      %add3A_337 = arith.constant 320 : i32
      %add3A_338 = arith.addi %add3A_337, %add3A_336 : i32
      %broadcast_in_dim3A_339 = vector.broadcast %add3A_338 : i32 to vector<16xi32>
      %gather3A = tpu.vector_load_idx %arg14[%broadcast_in_dim3A_339] : memref<640xf32, #tpu.memory_space<vmem>>[vector<16xi32>], vector<16xf32>,
      %get3A = arith.index_cast %add3A_336 : i32 to index
      %get3A_340 = arith.constant 0 : index
      %get3A_341 = tpu.vector_load %arg12[%get3A, %get3A_340] {strides = array<i32>} : memref<320x32xf32, #tpu.memory_space<vmem>>, vector<16xf32>,
      %mul3A_342 = arith.mulf %get3A_341, %gather3A : vector<16xf32>
      %swap3A = arith.index_cast %add3A_336 : i32 to index
      %swap3A_343 = arith.constant 0 : index
      %swap3A_344 = tpu.vector_load %arg12[%swap3A, %swap3A_343] {strides = array<i32>} : memref<320x32xf32, #tpu.memory_space<vmem>>, vector<16xf32>,
      tpu.vector_store %arg12[%swap3A, %swap3A_343], %mul3A_342 {strides = array<i32>} : memref<320x32xf32, #tpu.memory_space<vmem>>, vector<16xf32>,
      %get3A_345 = arith.index_cast %add3A_336 : i32 to index
      %get3A_346 = arith.constant 16 : index
      %get3A_347 = tpu.vector_load %arg12[%get3A_345, %get3A_346] {strides = array<i32>} : memref<320x32xf32, #tpu.memory_space<vmem>>, vector<16xf32>,
      %mul3A_348 = arith.mulf %get3A_347, %gather3A : vector<16xf32>
      %swap3A_349 = arith.index_cast %add3A_336 : i32 to index
      %swap3A_350 = arith.constant 16 : index
      %swap3A_351 = tpu.vector_load %arg12[%swap3A_349, %swap3A_350] {strides = array<i32>} : memref<320x32xf32, #tpu.memory_space<vmem>>, vector<16xf32>,
      tpu.vector_store %arg12[%swap3A_349, %swap3A_350], %mul3A_348 {strides = array<i32>} : memref<320x32xf32, #tpu.memory_space<vmem>>, vector<16xf32>,
      %swap3A_352 = arith.index_cast %add3A_336 : i32 to index
      %swap3A_353 = arith.constant 0 : index
      %swap3A_354 = tpu.vector_load %arg13[%swap3A_352, %swap3A_353] {strides = array<i32>} : memref<320x32xf32, #tpu.memory_space<vmem>>, vector<16xf32>,
      tpu.vector_store %arg13[%swap3A_352, %swap3A_353], %gather3A {strides = array<i32>} : memref<320x32xf32, #tpu.memory_space<vmem>>, vector<16xf32>,
      %swap3A_355 = arith.index_cast %add3A_336 : i32 to index
      %swap3A_356 = arith.constant 16 : index
      %swap3A_357 = tpu.vector_load %arg13[%swap3A_355, %swap3A_356] {strides = array<i32>} : memref<320x32xf32, #tpu.memory_space<vmem>>, vector<16xf32>,
      tpu.vector_store %arg13[%swap3A_355, %swap3A_356], %gather3A {strides = array<i32>} : memref<320x32xf32, #tpu.memory_space<vmem>>, vector<16xf32>,
      %mul3A_358 = arith.constant 4 : i32
      %mul3A_359 = arith.muli %scan3A_332, %mul3A_358 : i32
      %add3A_360 = arith.constant 1 : i32
      %add3A_361 = arith.addi %mul3A_359, %add3A_360 : i32
      %add3A_362 = arith.constant 320 : i32
      %add3A_363 = arith.addi %add3A_362, %add3A_361 : i32
      %broadcast_in_dim3A_364 = vector.broadcast %add3A_363 : i32 to vector<16xi32>
      %gather3A_365 = tpu.vector_load_idx %arg14[%broadcast_in_dim3A_364] : memref<640xf32, #tpu.memory_space<vmem>>[vector<16xi32>], vector<16xf32>,
      %get3A_366 = arith.index_cast %add3A_361 : i32 to index
      %get3A_367 = arith.constant 0 : index
      %get3A_368 = tpu.vector_load %arg12[%get3A_366, %get3A_367] {strides = array<i32>} : memref<320x32xf32, #tpu.memory_space<vmem>>, vector<16xf32>,
      %mul3A_369 = arith.mulf %get3A_368, %gather3A_365 : vector<16xf32>
      %swap3A_370 = arith.index_cast %add3A_361 : i32 to index
      %swap3A_371 = arith.constant 0 : index
      %swap3A_372 = tpu.vector_load %arg12[%swap3A_370, %swap3A_371] {strides = array<i32>} : memref<320x32xf32, #tpu.memory_space<vmem>>, vector<16xf32>,
      tpu.vector_store %arg12[%swap3A_370, %swap3A_371], %mul3A_369 {strides = array<i32>} : memref<320x32xf32, #tpu.memory_space<vmem>>, vector<16xf32>,
      %get3A_373 = arith.index_cast %add3A_361 : i32 to index
      %get3A_374 = arith.constant 16 : index
      %get3A_375 = tpu.vector_load %arg12[%get3A_373, %get3A_374] {strides = array<i32>} : memref<320x32xf32, #tpu.memory_space<vmem>>, vector<16xf32>,
      %mul3A_376 = arith.mulf %get3A_375, %gather3A_365 : vector<16xf32>
      %swap3A_377 = arith.index_cast %add3A_361 : i32 to index
      %swap3A_378 = arith.constant 16 : index
      %swap3A_379 = tpu.vector_load %arg12[%swap3A_377, %swap3A_378] {strides = array<i32>} : memref<320x32xf32, #tpu.memory_space<vmem>>, vector<16xf32>,
      tpu.vector_store %arg12[%swap3A_377, %swap3A_378], %mul3A_376 {strides = array<i32>} : memref<320x32xf32, #tpu.memory_space<vmem>>, vector<16xf32>,
      %swap3A_380 = arith.index_cast %add3A_361 : i32 to index
      %swap3A_381 = arith.constant 0 : index
      %swap3A_382 = tpu.vector_load %arg13[%swap3A_380, %swap3A_381] {strides = array<i32>} : memref<320x32xf32, #tpu.memory_space<vmem>>, vector<16xf32>,
      tpu.vector_store %arg13[%swap3A_380, %swap3A_381], %gather3A_365 {strides = array<i32>} : memref<320x32xf32, #tpu.memory_space<vmem>>, vector<16xf32>,
      %swap3A_383 = arith.index_cast %add3A_361 : i32 to index
      %swap3A_384 = arith.constant 16 : index
      %swap3A_385 = tpu.vector_load %arg13[%swap3A_383, %swap3A_384] {strides = array<i32>} : memref<320x32xf32, #tpu.memory_space<vmem>>, vector<16xf32>,
      tpu.vector_store %arg13[%swap3A_383, %swap3A_384], %gather3A_365 {strides = array<i32>} : memref<320x32xf32, #tpu.memory_space<vmem>>, vector<16xf32>,
      %mul3A_386 = arith.constant 4 : i32
      %mul3A_387 = arith.muli %scan3A_332, %mul3A_386 : i32
      %add3A_388 = arith.constant 2 : i32
      %add3A_389 = arith.addi %mul3A_387, %add3A_388 : i32
      %add3A_390 = arith.constant 320 : i32
      %add3A_391 = arith.addi %add3A_390, %add3A_389 : i32
      %broadcast_in_dim3A_392 = vector.broadcast %add3A_391 : i32 to vector<16xi32>
      %gather3A_393 = tpu.vector_load_idx %arg14[%broadcast_in_dim3A_392] : memref<640xf32, #tpu.memory_space<vmem>>[vector<16xi32>], vector<16xf32>,
      %get3A_394 = arith.index_cast %add3A_389 : i32 to index
      %get3A_395 = arith.constant 0 : index
      %get3A_396 = tpu.vector_load %arg12[%get3A_394, %get3A_395] {strides = array<i32>} : memref<320x32xf32, #tpu.memory_space<vmem>>, vector<16xf32>,
      %mul3A_397 = arith.mulf %get3A_396, %gather3A_393 : vector<16xf32>
      %swap3A_398 = arith.index_cast %add3A_389 : i32 to index
      %swap3A_399 = arith.constant 0 : index
      %swap3A_400 = tpu.vector_load %arg12[%swap3A_398, %swap3A_399] {strides = array<i32>} : memref<320x32xf32, #tpu.memory_space<vmem>>, vector<16xf32>,
      tpu.vector_store %arg12[%swap3A_398, %swap3A_399], %mul3A_397 {strides = array<i32>} : memref<320x32xf32, #tpu.memory_space<vmem>>, vector<16xf32>,
      %get3A_401 = arith.index_cast %add3A_389 : i32 to index
      %get3A_402 = arith.constant 16 : index
      %get3A_403 = tpu.vector_load %arg12[%get3A_401, %get3A_402] {strides = array<i32>} : memref<320x32xf32, #tpu.memory_space<vmem>>, vector<16xf32>,
      %mul3A_404 = arith.mulf %get3A_403, %gather3A_393 : vector<16xf32>
      %swap3A_405 = arith.index_cast %add3A_389 : i32 to index
      %swap3A_406 = arith.constant 16 : index
      %swap3A_407 = tpu.vector_load %arg12[%swap3A_405, %swap3A_406] {strides = array<i32>} : memref<320x32xf32, #tpu.memory_space<vmem>>, vector<16xf32>,
      tpu.vector_store %arg12[%swap3A_405, %swap3A_406], %mul3A_404 {strides = array<i32>} : memref<320x32xf32, #tpu.memory_space<vmem>>, vector<16xf32>,
      %swap3A_408 = arith.index_cast %add3A_389 : i32 to index
      %swap3A_409 = arith.constant 0 : index
      %swap3A_410 = tpu.vector_load %arg13[%swap3A_408, %swap3A_409] {strides = array<i32>} : memref<320x32xf32, #tpu.memory_space<vmem>>, vector<16xf32>,
      tpu.vector_store %arg13[%swap3A_408, %swap3A_409], %gather3A_393 {strides = array<i32>} : memref<320x32xf32, #tpu.memory_space<vmem>>, vector<16xf32>,
      %swap3A_411 = arith.index_cast %add3A_389 : i32 to index
      %swap3A_412 = arith.constant 16 : index
      %swap3A_413 = tpu.vector_load %arg13[%swap3A_411, %swap3A_412] {strides = array<i32>} : memref<320x32xf32, #tpu.memory_space<vmem>>, vector<16xf32>,
      tpu.vector_store %arg13[%swap3A_411, %swap3A_412], %gather3A_393 {strides = array<i32>} : memref<320x32xf32, #tpu.memory_space<vmem>>, vector<16xf32>,
      %mul3A_414 = arith.constant 4 : i32
      %mul3A_415 = arith.muli %scan3A_332, %mul3A_414 : i32
      %add3A_416 = arith.constant 3 : i32
      %add3A_417 = arith.addi %mul3A_415, %add3A_416 : i32
      %add3A_418 = arith.constant 320 : i32
      %add3A_419 = arith.addi %add3A_418, %add3A_417 : i32
      %broadcast_in_dim3A_420 = vector.broadcast %add3A_419 : i32 to vector<16xi32>
      %gather3A_421 = tpu.vector_load_idx %arg14[%broadcast_in_dim3A_420] : memref<640xf32, #tpu.memory_space<vmem>>[vector<16xi32>], vector<16xf32>,
      %get3A_422 = arith.index_cast %add3A_417 : i32 to index
      %get3A_423 = arith.constant 0 : index
      %get3A_424 = tpu.vector_load %arg12[%get3A_422, %get3A_423] {strides = array<i32>} : memref<320x32xf32, #tpu.memory_space<vmem>>, vector<16xf32>,
      %mul3A_425 = arith.mulf %get3A_424, %gather3A_421 : vector<16xf32>
      %swap3A_426 = arith.index_cast %add3A_417 : i32 to index
      %swap3A_427 = arith.constant 0 : index
      %swap3A_428 = tpu.vector_load %arg12[%swap3A_426, %swap3A_427] {strides = array<i32>} : memref<320x32xf32, #tpu.memory_space<vmem>>, vector<16xf32>,
      tpu.vector_store %arg12[%swap3A_426, %swap3A_427], %mul3A_425 {strides = array<i32>} : memref<320x32xf32, #tpu.memory_space<vmem>>, vector<16xf32>,
      %get3A_429 = arith.index_cast %add3A_417 : i32 to index
      %get3A_430 = arith.constant 16 : index
      %get3A_431 = tpu.vector_load %arg12[%get3A_429, %get3A_430] {strides = array<i32>} : memref<320x32xf32, #tpu.memory_space<vmem>>, vector<16xf32>,
      %mul3A_432 = arith.mulf %get3A_431, %gather3A_421 : vector<16xf32>
      %swap3A_433 = arith.index_cast %add3A_417 : i32 to index
      %swap3A_434 = arith.constant 16 : index
      %swap3A_435 = tpu.vector_load %arg12[%swap3A_433, %swap3A_434] {strides = array<i32>} : memref<320x32xf32, #tpu.memory_space<vmem>>, vector<16xf32>,
      tpu.vector_store %arg12[%swap3A_433, %swap3A_434], %mul3A_432 {strides = array<i32>} : memref<320x32xf32, #tpu.memory_space<vmem>>, vector<16xf32>,
      %swap3A_436 = arith.index_cast %add3A_417 : i32 to index
      %swap3A_437 = arith.constant 0 : index
      %swap3A_438 = tpu.vector_load %arg13[%swap3A_436, %swap3A_437] {strides = array<i32>} : memref<320x32xf32, #tpu.memory_space<vmem>>, vector<16xf32>,
      tpu.vector_store %arg13[%swap3A_436, %swap3A_437], %gather3A_421 {strides = array<i32>} : memref<320x32xf32, #tpu.memory_space<vmem>>, vector<16xf32>,
      %swap3A_439 = arith.index_cast %add3A_417 : i32 to index
      %swap3A_440 = arith.constant 16 : index
      %swap3A_441 = tpu.vector_load %arg13[%swap3A_439, %swap3A_440] {strides = array<i32>} : memref<320x32xf32, #tpu.memory_space<vmem>>, vector<16xf32>,
      tpu.vector_store %arg13[%swap3A_439, %swap3A_440], %gather3A_421 {strides = array<i32>} : memref<320x32xf32, #tpu.memory_space<vmem>>, vector<16xf32>,
    }
    %scan3A_127 = arith.constant 80 : i32
    "tpu.trace_stop"() : () -> ()
    %mul3A_128 = arith.constant 10240 : i32
    %mul3A_129 = arith.muli %arg0, %mul3A_128 : i32
    %add3A_130 = arith.addi %mul3A_129, %mul3A_2 : i32
    %add3A_131 = arith.constant 320 : i32
    %add3A_132 = arith.addi %add3A_130, %add3A_131 : i32
    "tpu.region"() ({
      %run_scoped3A_332 = tpu.sem_alloc : memref<!tpu.dma_semaphore, #tpu.memory_space<semaphore_mem>>
      %dma_start3A_333 = arith.constant 0 : i32
      %dma_start3A_334 = tpu.memref_slice %arg6[%add3A_132, %dma_start3A_333] : memref<20480x32xf32, #tpu.memory_space<hbm>> -> memref<320x32xf32, #tpu.memory_space<hbm>>
      %dma_start3A_335 = arith.constant 0 : i32
      %dma_start3A_336 = tpu.memref_slice %arg6[%add3A_132, %dma_start3A_335] : memref<20480x32xf32, #tpu.memory_space<hbm>> -> memref<320x32xf32, #tpu.memory_space<hbm>>
      tpu.enqueue_dma source(%arg12 : memref<320x32xf32, #tpu.memory_space<vmem>>) target(%dma_start3A_336 : memref<320x32xf32, #tpu.memory_space<hbm>>) target_semaphore(%run_scoped3A_332 : memref<!tpu.dma_semaphore, #tpu.memory_space<semaphore_mem>>)
      %dma_wait3A_337 = arith.constant 0 : i32
      %dma_wait3A_338 = tpu.memref_slice %arg6[%add3A_132, %dma_wait3A_337] : memref<20480x32xf32, #tpu.memory_space<hbm>> -> memref<320x32xf32, #tpu.memory_space<hbm>>
      %dma_wait3A_339 = arith.constant 0 : i32
      %dma_wait3A_340 = tpu.memref_slice %arg6[%add3A_132, %dma_wait3A_339] : memref<20480x32xf32, #tpu.memory_space<hbm>> -> memref<320x32xf32, #tpu.memory_space<hbm>>
      tpu.wait_dma2 semaphore(%run_scoped3A_332 : memref<!tpu.dma_semaphore, #tpu.memory_space<semaphore_mem>>) src(%arg12 : memref<320x32xf32, #tpu.memory_space<vmem>>) dst(%dma_wait3A_340 : memref<320x32xf32, #tpu.memory_space<hbm>>)
      tpu.yield
    }) : () -> ()
    %eq3A_133 = arith.constant 0 : i32
    %eq3A_134 = arith.cmpi eq, %arg0, %eq3A_133 : i32
    %convert_element_type3A_135 = arith.extui %eq3A_134 : i1 to i32
    %cond3A_136 = arith.constant 0 : i32
    %cond3A_137 = arith.cmpi ne, %convert_element_type3A_135, %cond3A_136 : i32
    scf.if %cond3A_137 {
      %add3A_332 = arith.constant 320 : i32
      %add3A_333 = arith.addi %mul3A_2, %add3A_332 : i32
      "tpu.region"() ({
        %run_scoped3A_334 = tpu.sem_alloc : memref<!tpu.dma_semaphore, #tpu.memory_space<semaphore_mem>>
        %dma_start3A_335 = arith.constant 0 : i32
        %dma_start3A_336 = tpu.memref_slice %arg7[%add3A_333, %dma_start3A_335] : memref<10240x128xf32, #tpu.memory_space<hbm>> -> memref<320x32xf32, #tpu.memory_space<hbm>>
        %dma_start3A_337 = arith.constant 0 : i32
        %dma_start3A_338 = tpu.memref_slice %arg7[%add3A_333, %dma_start3A_337] : memref<10240x128xf32, #tpu.memory_space<hbm>> -> memref<320x32xf32, #tpu.memory_space<hbm>>
        tpu.enqueue_dma source(%arg13 : memref<320x32xf32, #tpu.memory_space<vmem>>) target(%dma_start3A_338 : memref<320x32xf32, #tpu.memory_space<hbm>>) target_semaphore(%run_scoped3A_334 : memref<!tpu.dma_semaphore, #tpu.memory_space<semaphore_mem>>)
        %dma_wait3A_339 = arith.constant 0 : i32
        %dma_wait3A_340 = tpu.memref_slice %arg7[%add3A_333, %dma_wait3A_339] : memref<10240x128xf32, #tpu.memory_space<hbm>> -> memref<320x32xf32, #tpu.memory_space<hbm>>
        %dma_wait3A_341 = arith.constant 0 : i32
        %dma_wait3A_342 = tpu.memref_slice %arg7[%add3A_333, %dma_wait3A_341] : memref<10240x128xf32, #tpu.memory_space<hbm>> -> memref<320x32xf32, #tpu.memory_space<hbm>>
        tpu.wait_dma2 semaphore(%run_scoped3A_334 : memref<!tpu.dma_semaphore, #tpu.memory_space<semaphore_mem>>) src(%arg13 : memref<320x32xf32, #tpu.memory_space<vmem>>) dst(%dma_wait3A_342 : memref<320x32xf32, #tpu.memory_space<hbm>>)
        tpu.yield
      }) : () -> ()
    } else {
    }
    "tpu.region"() ({
      %run_scoped3A_332 = tpu.sem_alloc : memref<!tpu.dma_semaphore, #tpu.memory_space<semaphore_mem>>
      %dma_start3A_333 = arith.constant 0 : i32
      %dma_start3A_334 = tpu.memref_slice %arg17[%mul3A_2, %dma_start3A_333] : memref<10240x32xf32, #tpu.memory_space<vmem_shared>> -> memref<640x32xf32, #tpu.memory_space<vmem_shared>>
      %dma_start3A_335 = arith.constant 0 : i32
      %dma_start3A_336 = tpu.memref_slice %arg4[%mul3A_2, %dma_start3A_335] : memref<10240x32xf32, #tpu.memory_space<hbm>> -> memref<640x32xf32, #tpu.memory_space<hbm>>
      tpu.enqueue_dma source(%dma_start3A_336 : memref<640x32xf32, #tpu.memory_space<hbm>>) target(%dma_start3A_334 : memref<640x32xf32, #tpu.memory_space<vmem_shared>>) target_semaphore(%run_scoped3A_332 : memref<!tpu.dma_semaphore, #tpu.memory_space<semaphore_mem>>)
      %dma_wait3A_337 = arith.constant 0 : i32
      %dma_wait3A_338 = tpu.memref_slice %arg17[%mul3A_2, %dma_wait3A_337] : memref<10240x32xf32, #tpu.memory_space<vmem_shared>> -> memref<640x32xf32, #tpu.memory_space<vmem_shared>>
      %dma_wait3A_339 = arith.constant 0 : i32
      %dma_wait3A_340 = tpu.memref_slice %arg4[%mul3A_2, %dma_wait3A_339] : memref<10240x32xf32, #tpu.memory_space<hbm>> -> memref<640x32xf32, #tpu.memory_space<hbm>>
      tpu.wait_dma2 semaphore(%run_scoped3A_332 : memref<!tpu.dma_semaphore, #tpu.memory_space<semaphore_mem>>) src(%dma_wait3A_340 : memref<640x32xf32, #tpu.memory_space<hbm>>) dst(%dma_wait3A_338 : memref<640x32xf32, #tpu.memory_space<vmem_shared>>)
      tpu.yield
    }) : () -> ()
    %mul3A_138 = arith.constant 10000 : i32
    %mul3A_139 = arith.muli %add3A, %mul3A_138 : i32
    %run_scoped3A = arith.constant 0 : i32
    "tpu.region"() ({
      %run_scoped3A_332 = tpu.sem_alloc : memref<!tpu.dma_semaphore, #tpu.memory_space<semaphore_mem>>
      %dma_start3A_333 = tpu.memref_slice %arg3[%run_scoped3A, %mul3A_139] : memref<2x320000xi32, #tpu.memory_space<hbm>> -> memref<1x10000xi32, #tpu.memory_space<hbm>>
      %dma_start3A_334 = tpu.memref_squeeze %dma_start3A_333 : memref<1x10000xi32, #tpu.memory_space<hbm>> -> memref<10000xi32, #tpu.memory_space<hbm>>
      %dma_start3A_335 = tpu.memref_slice %arg3[%run_scoped3A, %mul3A_139] : memref<2x320000xi32, #tpu.memory_space<hbm>> -> memref<1x10000xi32, #tpu.memory_space<hbm>>
      %dma_start3A_336 = tpu.memref_squeeze %dma_start3A_335 : memref<1x10000xi32, #tpu.memory_space<hbm>> -> memref<10000xi32, #tpu.memory_space<hbm>>
      tpu.enqueue_dma source(%dma_start3A_336 : memref<10000xi32, #tpu.memory_space<hbm>>) target(%arg8 : memref<10000xi32, #tpu.memory_space<vmem>>) target_semaphore(%run_scoped3A_332 : memref<!tpu.dma_semaphore, #tpu.memory_space<semaphore_mem>>)
      %dma_wait3A_337 = tpu.memref_slice %arg3[%run_scoped3A, %mul3A_139] : memref<2x320000xi32, #tpu.memory_space<hbm>> -> memref<1x10000xi32, #tpu.memory_space<hbm>>
      %dma_wait3A_338 = tpu.memref_squeeze %dma_wait3A_337 : memref<1x10000xi32, #tpu.memory_space<hbm>> -> memref<10000xi32, #tpu.memory_space<hbm>>
      %dma_wait3A_339 = tpu.memref_slice %arg3[%run_scoped3A, %mul3A_139] : memref<2x320000xi32, #tpu.memory_space<hbm>> -> memref<1x10000xi32, #tpu.memory_space<hbm>>
      %dma_wait3A_340 = tpu.memref_squeeze %dma_wait3A_339 : memref<1x10000xi32, #tpu.memory_space<hbm>> -> memref<10000xi32, #tpu.memory_space<hbm>>
      tpu.wait_dma2 semaphore(%run_scoped3A_332 : memref<!tpu.dma_semaphore, #tpu.memory_space<semaphore_mem>>) src(%dma_wait3A_340 : memref<10000xi32, #tpu.memory_space<hbm>>) dst(%arg8 : memref<10000xi32, #tpu.memory_space<vmem>>)
      tpu.yield
    }) : () -> ()
    %mul3A_140 = arith.constant 10000 : i32
    %mul3A_141 = arith.muli %add3A, %mul3A_140 : i32
    %run_scoped3A_142 = arith.constant 1 : i32
    "tpu.region"() ({
      %run_scoped3A_332 = tpu.sem_alloc : memref<!tpu.dma_semaphore, #tpu.memory_space<semaphore_mem>>
      %dma_start3A_333 = tpu.memref_slice %arg3[%run_scoped3A_142, %mul3A_141] : memref<2x320000xi32, #tpu.memory_space<hbm>> -> memref<1x10000xi32, #tpu.memory_space<hbm>>
      %dma_start3A_334 = tpu.memref_squeeze %dma_start3A_333 : memref<1x10000xi32, #tpu.memory_space<hbm>> -> memref<10000xi32, #tpu.memory_space<hbm>>
      %dma_start3A_335 = tpu.memref_slice %arg3[%run_scoped3A_142, %mul3A_141] : memref<2x320000xi32, #tpu.memory_space<hbm>> -> memref<1x10000xi32, #tpu.memory_space<hbm>>
      %dma_start3A_336 = tpu.memref_squeeze %dma_start3A_335 : memref<1x10000xi32, #tpu.memory_space<hbm>> -> memref<10000xi32, #tpu.memory_space<hbm>>
      tpu.enqueue_dma source(%dma_start3A_336 : memref<10000xi32, #tpu.memory_space<hbm>>) target(%arg9 : memref<10000xi32, #tpu.memory_space<vmem>>) target_semaphore(%run_scoped3A_332 : memref<!tpu.dma_semaphore, #tpu.memory_space<semaphore_mem>>)
      %dma_wait3A_337 = tpu.memref_slice %arg3[%run_scoped3A_142, %mul3A_141] : memref<2x320000xi32, #tpu.memory_space<hbm>> -> memref<1x10000xi32, #tpu.memory_space<hbm>>
      %dma_wait3A_338 = tpu.memref_squeeze %dma_wait3A_337 : memref<1x10000xi32, #tpu.memory_space<hbm>> -> memref<10000xi32, #tpu.memory_space<hbm>>
      %dma_wait3A_339 = tpu.memref_slice %arg3[%run_scoped3A_142, %mul3A_141] : memref<2x320000xi32, #tpu.memory_space<hbm>> -> memref<1x10000xi32, #tpu.memory_space<hbm>>
      %dma_wait3A_340 = tpu.memref_squeeze %dma_wait3A_339 : memref<1x10000xi32, #tpu.memory_space<hbm>> -> memref<10000xi32, #tpu.memory_space<hbm>>
      tpu.wait_dma2 semaphore(%run_scoped3A_332 : memref<!tpu.dma_semaphore, #tpu.memory_space<semaphore_mem>>) src(%dma_wait3A_340 : memref<10000xi32, #tpu.memory_space<hbm>>) dst(%arg9 : memref<10000xi32, #tpu.memory_space<vmem>>)
      tpu.yield
    }) : () -> ()
    %mul3A_143 = arith.constant 10240 : i32
    %mul3A_144 = arith.muli %arg0, %mul3A_143 : i32
    %broadcast_in_dim3A_145 = vector.broadcast %mul3A_144 : i32 to vector<16xi32>
    %scan3A_146 = arith.constant 0 : i32
    %scan3A_147 = arith.constant 0 : i32
    %scan3A_148 = arith.constant 125 : i32
    %scan3A_149 = arith.addi %scan3A_147, %scan3A_148 : i32
    %scan3A_150 = arith.constant 1 : i32
    scf.for %scan3A_332 = %scan3A_147 to %scan3A_149 step %scan3A_150  : i32 {
      %mul3A_333 = arith.constant 80 : i32
      %mul3A_334 = arith.muli %scan3A_332, %mul3A_333 : i32
      %add3A_335 = arith.constant 0 : i32
      %add3A_336 = arith.addi %mul3A_334, %add3A_335 : i32
      %get3A = arith.index_cast %add3A_336 : i32 to index
      %get3A_337 = tpu.vector_load %arg8[%get3A] {strides = array<i32>} : memref<10000xi32, #tpu.memory_space<vmem>>, vector<16xi32>,
      %add3A_338 = arith.addi %get3A_337, %broadcast_in_dim3A_145 : vector<16xi32>
      %swap3A = arith.index_cast %add3A_336 : i32 to index
      %swap3A_339 = tpu.vector_load %arg8[%swap3A] {strides = array<i32>} : memref<10000xi32, #tpu.memory_space<vmem>>, vector<16xi32>,
      tpu.vector_store %arg8[%swap3A], %add3A_338 {strides = array<i32>} : memref<10000xi32, #tpu.memory_space<vmem>>, vector<16xi32>,
      %mul3A_340 = arith.constant 80 : i32
      %mul3A_341 = arith.muli %scan3A_332, %mul3A_340 : i32
      %add3A_342 = arith.constant 16 : i32
      %add3A_343 = arith.addi %mul3A_341, %add3A_342 : i32
      %get3A_344 = arith.index_cast %add3A_343 : i32 to index
      %get3A_345 = tpu.vector_load %arg8[%get3A_344] {strides = array<i32>} : memref<10000xi32, #tpu.memory_space<vmem>>, vector<16xi32>,
      %add3A_346 = arith.addi %get3A_345, %broadcast_in_dim3A_145 : vector<16xi32>
      %swap3A_347 = arith.index_cast %add3A_343 : i32 to index
      %swap3A_348 = tpu.vector_load %arg8[%swap3A_347] {strides = array<i32>} : memref<10000xi32, #tpu.memory_space<vmem>>, vector<16xi32>,
      tpu.vector_store %arg8[%swap3A_347], %add3A_346 {strides = array<i32>} : memref<10000xi32, #tpu.memory_space<vmem>>, vector<16xi32>,
      %mul3A_349 = arith.constant 80 : i32
      %mul3A_350 = arith.muli %scan3A_332, %mul3A_349 : i32
      %add3A_351 = arith.constant 32 : i32
      %add3A_352 = arith.addi %mul3A_350, %add3A_351 : i32
      %get3A_353 = arith.index_cast %add3A_352 : i32 to index
      %get3A_354 = tpu.vector_load %arg8[%get3A_353] {strides = array<i32>} : memref<10000xi32, #tpu.memory_space<vmem>>, vector<16xi32>,
      %add3A_355 = arith.addi %get3A_354, %broadcast_in_dim3A_145 : vector<16xi32>
      %swap3A_356 = arith.index_cast %add3A_352 : i32 to index
      %swap3A_357 = tpu.vector_load %arg8[%swap3A_356] {strides = array<i32>} : memref<10000xi32, #tpu.memory_space<vmem>>, vector<16xi32>,
      tpu.vector_store %arg8[%swap3A_356], %add3A_355 {strides = array<i32>} : memref<10000xi32, #tpu.memory_space<vmem>>, vector<16xi32>,
      %mul3A_358 = arith.constant 80 : i32
      %mul3A_359 = arith.muli %scan3A_332, %mul3A_358 : i32
      %add3A_360 = arith.constant 48 : i32
      %add3A_361 = arith.addi %mul3A_359, %add3A_360 : i32
      %get3A_362 = arith.index_cast %add3A_361 : i32 to index
      %get3A_363 = tpu.vector_load %arg8[%get3A_362] {strides = array<i32>} : memref<10000xi32, #tpu.memory_space<vmem>>, vector<16xi32>,
      %add3A_364 = arith.addi %get3A_363, %broadcast_in_dim3A_145 : vector<16xi32>
      %swap3A_365 = arith.index_cast %add3A_361 : i32 to index
      %swap3A_366 = tpu.vector_load %arg8[%swap3A_365] {strides = array<i32>} : memref<10000xi32, #tpu.memory_space<vmem>>, vector<16xi32>,
      tpu.vector_store %arg8[%swap3A_365], %add3A_364 {strides = array<i32>} : memref<10000xi32, #tpu.memory_space<vmem>>, vector<16xi32>,
      %mul3A_367 = arith.constant 80 : i32
      %mul3A_368 = arith.muli %scan3A_332, %mul3A_367 : i32
      %add3A_369 = arith.constant 64 : i32
      %add3A_370 = arith.addi %mul3A_368, %add3A_369 : i32
      %get3A_371 = arith.index_cast %add3A_370 : i32 to index
      %get3A_372 = tpu.vector_load %arg8[%get3A_371] {strides = array<i32>} : memref<10000xi32, #tpu.memory_space<vmem>>, vector<16xi32>,
      %add3A_373 = arith.addi %get3A_372, %broadcast_in_dim3A_145 : vector<16xi32>
      %swap3A_374 = arith.index_cast %add3A_370 : i32 to index
      %swap3A_375 = tpu.vector_load %arg8[%swap3A_374] {strides = array<i32>} : memref<10000xi32, #tpu.memory_space<vmem>>, vector<16xi32>,
      tpu.vector_store %arg8[%swap3A_374], %add3A_373 {strides = array<i32>} : memref<10000xi32, #tpu.memory_space<vmem>>, vector<16xi32>,
    }
    %scan3A_151 = arith.constant 125 : i32
    %barrier3A_152 = arith.constant 0 : index
    tpu.barrier barrier_id(%barrier3A_152)
    %dma_start3A_153 = arith.constant 0 : i32
    %dma_start3A_154 = arith.constant 0 : i32
    "tpu.trace_start"() <{level = 10 : i32, message = "p3_agg"}> : () -> ()
    %dma_start3A_155 = arith.constant 0 : i32
    %dma_start3A_156 = arith.constant 0 : i32
    %dma_start3A_157 = tpu.memref_slice %arg15[%dma_start3A_153, %dma_start3A_155, %dma_start3A_156] : memref<6x128x32xf32, #tpu.memory_space<vmem>> -> memref<1x128x32xf32, #tpu.memory_space<vmem>>
    %dma_start3A_158 = tpu.memref_squeeze %dma_start3A_157 : memref<1x128x32xf32, #tpu.memory_space<vmem>> -> memref<128x32xf32, #tpu.memory_space<vmem>>
    %dma_start3A_159 = arith.constant 0 : i32
    %dma_start3A_160 = tpu.memref_slice %arg8[%dma_start3A_159] : memref<10000xi32, #tpu.memory_space<vmem>> -> memref<128xi32, #tpu.memory_space<vmem>>
    %dma_start3A_161 = arith.constant 0 : i32
    %dma_start3A_162 = arith.constant 0 : i32
    %dma_start3A_163 = tpu.memref_slice %arg6[%dma_start3A_161, %dma_start3A_162] : memref<20480x32xf32, #tpu.memory_space<hbm>> -> memref<20480x32xf32, #tpu.memory_space<hbm>>
    %dma_start3A_164 = tpu.memref_slice %arg18[%dma_start3A_154] : memref<6x!tpu.dma_semaphore, #tpu.memory_space<semaphore_mem>> -> memref<1x!tpu.dma_semaphore, #tpu.memory_space<semaphore_mem>>
    %dma_start3A_165 = tpu.memref_squeeze %dma_start3A_164 : memref<1x!tpu.dma_semaphore, #tpu.memory_space<semaphore_mem>> -> memref<!tpu.dma_semaphore, #tpu.memory_space<semaphore_mem>>
    tpu.enqueue_indirect_dma source(%dma_start3A_163 : memref<20480x32xf32, #tpu.memory_space<hbm>>) target(%dma_start3A_158 : memref<128x32xf32, #tpu.memory_space<vmem>>) offsets(%dma_start3A_160 : memref<128xi32, #tpu.memory_space<vmem>>) semaphore(%dma_start3A_165 : memref<!tpu.dma_semaphore, #tpu.memory_space<semaphore_mem>>)
    %dma_start3A_166 = arith.constant 1 : i32
    %dma_start3A_167 = arith.constant 1 : i32
    %dma_start3A_168 = arith.constant 0 : i32
    %dma_start3A_169 = arith.constant 0 : i32
    %dma_start3A_170 = tpu.memref_slice %arg15[%dma_start3A_166, %dma_start3A_168, %dma_start3A_169] : memref<6x128x32xf32, #tpu.memory_space<vmem>> -> memref<1x128x32xf32, #tpu.memory_space<vmem>>
    %dma_start3A_171 = tpu.memref_squeeze %dma_start3A_170 : memref<1x128x32xf32, #tpu.memory_space<vmem>> -> memref<128x32xf32, #tpu.memory_space<vmem>>
    %dma_start3A_172 = arith.constant 128 : i32
    %dma_start3A_173 = tpu.memref_slice %arg8[%dma_start3A_172] : memref<10000xi32, #tpu.memory_space<vmem>> -> memref<128xi32, #tpu.memory_space<vmem>>
    %dma_start3A_174 = arith.constant 0 : i32
    %dma_start3A_175 = arith.constant 0 : i32
    %dma_start3A_176 = tpu.memref_slice %arg6[%dma_start3A_174, %dma_start3A_175] : memref<20480x32xf32, #tpu.memory_space<hbm>> -> memref<20480x32xf32, #tpu.memory_space<hbm>>
    %dma_start3A_177 = tpu.memref_slice %arg18[%dma_start3A_167] : memref<6x!tpu.dma_semaphore, #tpu.memory_space<semaphore_mem>> -> memref<1x!tpu.dma_semaphore, #tpu.memory_space<semaphore_mem>>
    %dma_start3A_178 = tpu.memref_squeeze %dma_start3A_177 : memref<1x!tpu.dma_semaphore, #tpu.memory_space<semaphore_mem>> -> memref<!tpu.dma_semaphore, #tpu.memory_space<semaphore_mem>>
    tpu.enqueue_indirect_dma source(%dma_start3A_176 : memref<20480x32xf32, #tpu.memory_space<hbm>>) target(%dma_start3A_171 : memref<128x32xf32, #tpu.memory_space<vmem>>) offsets(%dma_start3A_173 : memref<128xi32, #tpu.memory_space<vmem>>) semaphore(%dma_start3A_178 : memref<!tpu.dma_semaphore, #tpu.memory_space<semaphore_mem>>)
    %dma_start3A_179 = arith.constant 2 : i32
    %dma_start3A_180 = arith.constant 2 : i32
    %dma_start3A_181 = arith.constant 0 : i32
    %dma_start3A_182 = arith.constant 0 : i32
    %dma_start3A_183 = tpu.memref_slice %arg15[%dma_start3A_179, %dma_start3A_181, %dma_start3A_182] : memref<6x128x32xf32, #tpu.memory_space<vmem>> -> memref<1x128x32xf32, #tpu.memory_space<vmem>>
    %dma_start3A_184 = tpu.memref_squeeze %dma_start3A_183 : memref<1x128x32xf32, #tpu.memory_space<vmem>> -> memref<128x32xf32, #tpu.memory_space<vmem>>
    %dma_start3A_185 = arith.constant 256 : i32
    %dma_start3A_186 = tpu.memref_slice %arg8[%dma_start3A_185] : memref<10000xi32, #tpu.memory_space<vmem>> -> memref<128xi32, #tpu.memory_space<vmem>>
    %dma_start3A_187 = arith.constant 0 : i32
    %dma_start3A_188 = arith.constant 0 : i32
    %dma_start3A_189 = tpu.memref_slice %arg6[%dma_start3A_187, %dma_start3A_188] : memref<20480x32xf32, #tpu.memory_space<hbm>> -> memref<20480x32xf32, #tpu.memory_space<hbm>>
    %dma_start3A_190 = tpu.memref_slice %arg18[%dma_start3A_180] : memref<6x!tpu.dma_semaphore, #tpu.memory_space<semaphore_mem>> -> memref<1x!tpu.dma_semaphore, #tpu.memory_space<semaphore_mem>>
    %dma_start3A_191 = tpu.memref_squeeze %dma_start3A_190 : memref<1x!tpu.dma_semaphore, #tpu.memory_space<semaphore_mem>> -> memref<!tpu.dma_semaphore, #tpu.memory_space<semaphore_mem>>
    tpu.enqueue_indirect_dma source(%dma_start3A_189 : memref<20480x32xf32, #tpu.memory_space<hbm>>) target(%dma_start3A_184 : memref<128x32xf32, #tpu.memory_space<vmem>>) offsets(%dma_start3A_186 : memref<128xi32, #tpu.memory_space<vmem>>) semaphore(%dma_start3A_191 : memref<!tpu.dma_semaphore, #tpu.memory_space<semaphore_mem>>)
    %dma_start3A_192 = arith.constant 3 : i32
    %dma_start3A_193 = arith.constant 3 : i32
    %dma_start3A_194 = arith.constant 0 : i32
    %dma_start3A_195 = arith.constant 0 : i32
    %dma_start3A_196 = tpu.memref_slice %arg15[%dma_start3A_192, %dma_start3A_194, %dma_start3A_195] : memref<6x128x32xf32, #tpu.memory_space<vmem>> -> memref<1x128x32xf32, #tpu.memory_space<vmem>>
    %dma_start3A_197 = tpu.memref_squeeze %dma_start3A_196 : memref<1x128x32xf32, #tpu.memory_space<vmem>> -> memref<128x32xf32, #tpu.memory_space<vmem>>
    %dma_start3A_198 = arith.constant 384 : i32
    %dma_start3A_199 = tpu.memref_slice %arg8[%dma_start3A_198] : memref<10000xi32, #tpu.memory_space<vmem>> -> memref<128xi32, #tpu.memory_space<vmem>>
    %dma_start3A_200 = arith.constant 0 : i32
    %dma_start3A_201 = arith.constant 0 : i32
    %dma_start3A_202 = tpu.memref_slice %arg6[%dma_start3A_200, %dma_start3A_201] : memref<20480x32xf32, #tpu.memory_space<hbm>> -> memref<20480x32xf32, #tpu.memory_space<hbm>>
    %dma_start3A_203 = tpu.memref_slice %arg18[%dma_start3A_193] : memref<6x!tpu.dma_semaphore, #tpu.memory_space<semaphore_mem>> -> memref<1x!tpu.dma_semaphore, #tpu.memory_space<semaphore_mem>>
    %dma_start3A_204 = tpu.memref_squeeze %dma_start3A_203 : memref<1x!tpu.dma_semaphore, #tpu.memory_space<semaphore_mem>> -> memref<!tpu.dma_semaphore, #tpu.memory_space<semaphore_mem>>
    tpu.enqueue_indirect_dma source(%dma_start3A_202 : memref<20480x32xf32, #tpu.memory_space<hbm>>) target(%dma_start3A_197 : memref<128x32xf32, #tpu.memory_space<vmem>>) offsets(%dma_start3A_199 : memref<128xi32, #tpu.memory_space<vmem>>) semaphore(%dma_start3A_204 : memref<!tpu.dma_semaphore, #tpu.memory_space<semaphore_mem>>)
    %dma_start3A_205 = arith.constant 4 : i32
    %dma_start3A_206 = arith.constant 4 : i32
    %dma_start3A_207 = arith.constant 0 : i32
    %dma_start3A_208 = arith.constant 0 : i32
    %dma_start3A_209 = tpu.memref_slice %arg15[%dma_start3A_205, %dma_start3A_207, %dma_start3A_208] : memref<6x128x32xf32, #tpu.memory_space<vmem>> -> memref<1x128x32xf32, #tpu.memory_space<vmem>>
    %dma_start3A_210 = tpu.memref_squeeze %dma_start3A_209 : memref<1x128x32xf32, #tpu.memory_space<vmem>> -> memref<128x32xf32, #tpu.memory_space<vmem>>
    %dma_start3A_211 = arith.constant 512 : i32
    %dma_start3A_212 = tpu.memref_slice %arg8[%dma_start3A_211] : memref<10000xi32, #tpu.memory_space<vmem>> -> memref<128xi32, #tpu.memory_space<vmem>>
    %dma_start3A_213 = arith.constant 0 : i32
    %dma_start3A_214 = arith.constant 0 : i32
    %dma_start3A_215 = tpu.memref_slice %arg6[%dma_start3A_213, %dma_start3A_214] : memref<20480x32xf32, #tpu.memory_space<hbm>> -> memref<20480x32xf32, #tpu.memory_space<hbm>>
    %dma_start3A_216 = tpu.memref_slice %arg18[%dma_start3A_206] : memref<6x!tpu.dma_semaphore, #tpu.memory_space<semaphore_mem>> -> memref<1x!tpu.dma_semaphore, #tpu.memory_space<semaphore_mem>>
    %dma_start3A_217 = tpu.memref_squeeze %dma_start3A_216 : memref<1x!tpu.dma_semaphore, #tpu.memory_space<semaphore_mem>> -> memref<!tpu.dma_semaphore, #tpu.memory_space<semaphore_mem>>
    tpu.enqueue_indirect_dma source(%dma_start3A_215 : memref<20480x32xf32, #tpu.memory_space<hbm>>) target(%dma_start3A_210 : memref<128x32xf32, #tpu.memory_space<vmem>>) offsets(%dma_start3A_212 : memref<128xi32, #tpu.memory_space<vmem>>) semaphore(%dma_start3A_217 : memref<!tpu.dma_semaphore, #tpu.memory_space<semaphore_mem>>)
    %scan3A_218 = arith.constant 0 : i32
    %scan3A_219 = arith.constant 0 : i32
    %scan3A_220 = arith.constant 78 : i32
    %scan3A_221 = arith.addi %scan3A_219, %scan3A_220 : i32
    %scan3A_222 = arith.constant 1 : i32
    scf.for %scan3A_332 = %scan3A_219 to %scan3A_221 step %scan3A_222  : i32 {
      %rem3A = arith.constant 6 : i32
      %rem3A_333 = arith.remsi %scan3A_332, %rem3A : i32
      %mul3A_334 = arith.constant 128 : i32
      %mul3A_335 = arith.muli %scan3A_332, %mul3A_334 : i32
      %dma_wait3A_336 = arith.constant 0 : i32
      %dma_wait3A_337 = arith.constant 0 : i32
      %dma_wait3A_338 = tpu.memref_slice %arg15[%rem3A_333, %dma_wait3A_336, %dma_wait3A_337] : memref<6x128x32xf32, #tpu.memory_space<vmem>> -> memref<1x128x32xf32, #tpu.memory_space<vmem>>
      %dma_wait3A_339 = tpu.memref_squeeze %dma_wait3A_338 : memref<1x128x32xf32, #tpu.memory_space<vmem>> -> memref<128x32xf32, #tpu.memory_space<vmem>>
      %dma_wait3A_340 = tpu.memref_slice %arg8[%mul3A_335] : memref<10000xi32, #tpu.memory_space<vmem>> -> memref<128xi32, #tpu.memory_space<vmem>>
      %dma_wait3A_341 = arith.constant 0 : i32
      %dma_wait3A_342 = arith.constant 0 : i32
      %dma_wait3A_343 = tpu.memref_slice %arg6[%dma_wait3A_341, %dma_wait3A_342] : memref<20480x32xf32, #tpu.memory_space<hbm>> -> memref<20480x32xf32, #tpu.memory_space<hbm>>
      %dma_wait3A_344 = tpu.memref_slice %arg18[%rem3A_333] : memref<6x!tpu.dma_semaphore, #tpu.memory_space<semaphore_mem>> -> memref<1x!tpu.dma_semaphore, #tpu.memory_space<semaphore_mem>>
      %dma_wait3A_345 = tpu.memref_squeeze %dma_wait3A_344 : memref<1x!tpu.dma_semaphore, #tpu.memory_space<semaphore_mem>> -> memref<!tpu.dma_semaphore, #tpu.memory_space<semaphore_mem>>
      tpu.wait_indirect_dma semaphore(%dma_wait3A_345 : memref<!tpu.dma_semaphore, #tpu.memory_space<semaphore_mem>>) src(%dma_wait3A_343 : memref<20480x32xf32, #tpu.memory_space<hbm>>) dst(%dma_wait3A_339 : memref<128x32xf32, #tpu.memory_space<vmem>>)
      %mul3A_346 = arith.constant 128 : i32
      %mul3A_347 = arith.muli %scan3A_332, %mul3A_346 : i32
      %dma_start3A_348 = arith.constant 0 : i32
      %dma_start3A_349 = arith.constant 0 : i32
      %dma_start3A_350 = tpu.memref_slice %arg15[%rem3A_333, %dma_start3A_348, %dma_start3A_349] : memref<6x128x32xf32, #tpu.memory_space<vmem>> -> memref<1x128x32xf32, #tpu.memory_space<vmem>>
      %dma_start3A_351 = tpu.memref_squeeze %dma_start3A_350 : memref<1x128x32xf32, #tpu.memory_space<vmem>> -> memref<128x32xf32, #tpu.memory_space<vmem>>
      %dma_start3A_352 = tpu.memref_slice %arg9[%mul3A_347] : memref<10000xi32, #tpu.memory_space<vmem>> -> memref<128xi32, #tpu.memory_space<vmem>>
      %dma_start3A_353 = arith.constant 0 : i32
      %dma_start3A_354 = arith.constant 0 : i32
      %dma_start3A_355 = tpu.memref_slice %arg17[%dma_start3A_353, %dma_start3A_354] : memref<10240x32xf32, #tpu.memory_space<vmem_shared>> -> memref<10240x32xf32, #tpu.memory_space<vmem_shared>>
      %dma_start3A_356 = tpu.memref_slice %arg19[%rem3A_333] : memref<6x!tpu.dma_semaphore, #tpu.memory_space<semaphore_mem>> -> memref<1x!tpu.dma_semaphore, #tpu.memory_space<semaphore_mem>>
      %dma_start3A_357 = tpu.memref_squeeze %dma_start3A_356 : memref<1x!tpu.dma_semaphore, #tpu.memory_space<semaphore_mem>> -> memref<!tpu.dma_semaphore, #tpu.memory_space<semaphore_mem>>
      tpu.enqueue_indirect_dma source(%dma_start3A_351 : memref<128x32xf32, #tpu.memory_space<vmem>>) target(%dma_start3A_355 : memref<10240x32xf32, #tpu.memory_space<vmem_shared>>) offsets(%dma_start3A_352 : memref<128xi32, #tpu.memory_space<vmem>>) semaphore(%dma_start3A_357 : memref<!tpu.dma_semaphore, #tpu.memory_space<semaphore_mem>>) {add = true}
      %add3A_358 = arith.constant 6 : i32
      %add3A_359 = arith.addi %scan3A_332, %add3A_358 : i32
      %sub3A = arith.constant 1 : i32
      %sub3A_360 = arith.subi %add3A_359, %sub3A : i32
      %rem3A_361 = arith.constant 6 : i32
      %rem3A_362 = arith.remsi %sub3A_360, %rem3A_361 : i32
      %ge3A = arith.constant 1 : i32
      %ge3A_363 = arith.cmpi sge, %scan3A_332, %ge3A : i32
      %lt3A = arith.constant 78 : i32
      %lt3A_364 = arith.cmpi slt, %sub3A_360, %lt3A : i32
      %and3A = arith.andi %ge3A_363, %lt3A_364 : i1
      %convert_element_type3A_365 = arith.extui %and3A : i1 to i32
      %cond3A_366 = arith.constant 0 : i32
      %cond3A_367 = arith.cmpi ne, %convert_element_type3A_365, %cond3A_366 : i32
      scf.if %cond3A_367 {
        %dma_wait3A_373 = arith.constant 0 : i32
        %dma_wait3A_374 = arith.constant 0 : i32
        %dma_wait3A_375 = tpu.memref_slice %arg15[%rem3A_362, %dma_wait3A_373, %dma_wait3A_374] : memref<6x128x32xf32, #tpu.memory_space<vmem>> -> memref<1x128x32xf32, #tpu.memory_space<vmem>>
        %dma_wait3A_376 = tpu.memref_squeeze %dma_wait3A_375 : memref<1x128x32xf32, #tpu.memory_space<vmem>> -> memref<128x32xf32, #tpu.memory_space<vmem>>
        %dma_wait3A_377 = arith.constant 0 : i32
        %dma_wait3A_378 = tpu.memref_slice %arg9[%dma_wait3A_377] : memref<10000xi32, #tpu.memory_space<vmem>> -> memref<128xi32, #tpu.memory_space<vmem>>
        %dma_wait3A_379 = arith.constant 0 : i32
        %dma_wait3A_380 = arith.constant 0 : i32
        %dma_wait3A_381 = tpu.memref_slice %arg17[%dma_wait3A_379, %dma_wait3A_380] : memref<10240x32xf32, #tpu.memory_space<vmem_shared>> -> memref<10240x32xf32, #tpu.memory_space<vmem_shared>>
        %dma_wait3A_382 = tpu.memref_slice %arg19[%rem3A_362] : memref<6x!tpu.dma_semaphore, #tpu.memory_space<semaphore_mem>> -> memref<1x!tpu.dma_semaphore, #tpu.memory_space<semaphore_mem>>
        %dma_wait3A_383 = tpu.memref_squeeze %dma_wait3A_382 : memref<1x!tpu.dma_semaphore, #tpu.memory_space<semaphore_mem>> -> memref<!tpu.dma_semaphore, #tpu.memory_space<semaphore_mem>>
        tpu.wait_indirect_dma semaphore(%dma_wait3A_383 : memref<!tpu.dma_semaphore, #tpu.memory_space<semaphore_mem>>) src(%dma_wait3A_376 : memref<128x32xf32, #tpu.memory_space<vmem>>) dst(%dma_wait3A_381 : memref<10240x32xf32, #tpu.memory_space<vmem_shared>>)
      } else {
      }
      %lt3A_368 = arith.constant 78 : i32
      %lt3A_369 = arith.cmpi slt, %sub3A_360, %lt3A_368 : i32
      %convert_element_type3A_370 = arith.extui %lt3A_369 : i1 to i32
      %cond3A_371 = arith.constant 0 : i32
      %cond3A_372 = arith.cmpi ne, %convert_element_type3A_370, %cond3A_371 : i32
      scf.if %cond3A_372 {
        %mul3A_373 = arith.constant 128 : i32
        %mul3A_374 = arith.muli %sub3A_360, %mul3A_373 : i32
        %dma_start3A_375 = arith.constant 0 : i32
        %dma_start3A_376 = arith.constant 0 : i32
        %dma_start3A_377 = tpu.memref_slice %arg15[%rem3A_362, %dma_start3A_375, %dma_start3A_376] : memref<6x128x32xf32, #tpu.memory_space<vmem>> -> memref<1x128x32xf32, #tpu.memory_space<vmem>>
        %dma_start3A_378 = tpu.memref_squeeze %dma_start3A_377 : memref<1x128x32xf32, #tpu.memory_space<vmem>> -> memref<128x32xf32, #tpu.memory_space<vmem>>
        %dma_start3A_379 = tpu.memref_slice %arg8[%mul3A_374] : memref<10000xi32, #tpu.memory_space<vmem>> -> memref<128xi32, #tpu.memory_space<vmem>>
        %dma_start3A_380 = arith.constant 0 : i32
        %dma_start3A_381 = arith.constant 0 : i32
        %dma_start3A_382 = tpu.memref_slice %arg6[%dma_start3A_380, %dma_start3A_381] : memref<20480x32xf32, #tpu.memory_space<hbm>> -> memref<20480x32xf32, #tpu.memory_space<hbm>>
        %dma_start3A_383 = tpu.memref_slice %arg18[%rem3A_362] : memref<6x!tpu.dma_semaphore, #tpu.memory_space<semaphore_mem>> -> memref<1x!tpu.dma_semaphore, #tpu.memory_space<semaphore_mem>>
        %dma_start3A_384 = tpu.memref_squeeze %dma_start3A_383 : memref<1x!tpu.dma_semaphore, #tpu.memory_space<semaphore_mem>> -> memref<!tpu.dma_semaphore, #tpu.memory_space<semaphore_mem>>
        tpu.enqueue_indirect_dma source(%dma_start3A_382 : memref<20480x32xf32, #tpu.memory_space<hbm>>) target(%dma_start3A_378 : memref<128x32xf32, #tpu.memory_space<vmem>>) offsets(%dma_start3A_379 : memref<128xi32, #tpu.memory_space<vmem>>) semaphore(%dma_start3A_384 : memref<!tpu.dma_semaphore, #tpu.memory_space<semaphore_mem>>)
      } else {
      }
    }
    %scan3A_223 = arith.constant 78 : i32
    %dma_wait3A_224 = arith.constant 0 : i32
    %dma_wait3A_225 = arith.constant 0 : i32
    %dma_wait3A_226 = arith.constant 0 : i32
    %dma_wait3A_227 = arith.constant 0 : i32
    %dma_wait3A_228 = tpu.memref_slice %arg15[%dma_wait3A_224, %dma_wait3A_226, %dma_wait3A_227] : memref<6x128x32xf32, #tpu.memory_space<vmem>> -> memref<1x128x32xf32, #tpu.memory_space<vmem>>
    %dma_wait3A_229 = tpu.memref_squeeze %dma_wait3A_228 : memref<1x128x32xf32, #tpu.memory_space<vmem>> -> memref<128x32xf32, #tpu.memory_space<vmem>>
    %dma_wait3A_230 = arith.constant 0 : i32
    %dma_wait3A_231 = tpu.memref_slice %arg9[%dma_wait3A_230] : memref<10000xi32, #tpu.memory_space<vmem>> -> memref<128xi32, #tpu.memory_space<vmem>>
    %dma_wait3A_232 = arith.constant 0 : i32
    %dma_wait3A_233 = arith.constant 0 : i32
    %dma_wait3A_234 = tpu.memref_slice %arg17[%dma_wait3A_232, %dma_wait3A_233] : memref<10240x32xf32, #tpu.memory_space<vmem_shared>> -> memref<10240x32xf32, #tpu.memory_space<vmem_shared>>
    %dma_wait3A_235 = tpu.memref_slice %arg19[%dma_wait3A_225] : memref<6x!tpu.dma_semaphore, #tpu.memory_space<semaphore_mem>> -> memref<1x!tpu.dma_semaphore, #tpu.memory_space<semaphore_mem>>
    %dma_wait3A_236 = tpu.memref_squeeze %dma_wait3A_235 : memref<1x!tpu.dma_semaphore, #tpu.memory_space<semaphore_mem>> -> memref<!tpu.dma_semaphore, #tpu.memory_space<semaphore_mem>>
    tpu.wait_indirect_dma semaphore(%dma_wait3A_236 : memref<!tpu.dma_semaphore, #tpu.memory_space<semaphore_mem>>) src(%dma_wait3A_229 : memref<128x32xf32, #tpu.memory_space<vmem>>) dst(%dma_wait3A_234 : memref<10240x32xf32, #tpu.memory_space<vmem_shared>>)
    %dma_wait3A_237 = arith.constant 1 : i32
    %dma_wait3A_238 = arith.constant 1 : i32
    %dma_wait3A_239 = arith.constant 0 : i32
    %dma_wait3A_240 = arith.constant 0 : i32
    %dma_wait3A_241 = tpu.memref_slice %arg15[%dma_wait3A_237, %dma_wait3A_239, %dma_wait3A_240] : memref<6x128x32xf32, #tpu.memory_space<vmem>> -> memref<1x128x32xf32, #tpu.memory_space<vmem>>
    %dma_wait3A_242 = tpu.memref_squeeze %dma_wait3A_241 : memref<1x128x32xf32, #tpu.memory_space<vmem>> -> memref<128x32xf32, #tpu.memory_space<vmem>>
    %dma_wait3A_243 = arith.constant 0 : i32
    %dma_wait3A_244 = tpu.memref_slice %arg9[%dma_wait3A_243] : memref<10000xi32, #tpu.memory_space<vmem>> -> memref<128xi32, #tpu.memory_space<vmem>>
    %dma_wait3A_245 = arith.constant 0 : i32
    %dma_wait3A_246 = arith.constant 0 : i32
    %dma_wait3A_247 = tpu.memref_slice %arg17[%dma_wait3A_245, %dma_wait3A_246] : memref<10240x32xf32, #tpu.memory_space<vmem_shared>> -> memref<10240x32xf32, #tpu.memory_space<vmem_shared>>
    %dma_wait3A_248 = tpu.memref_slice %arg19[%dma_wait3A_238] : memref<6x!tpu.dma_semaphore, #tpu.memory_space<semaphore_mem>> -> memref<1x!tpu.dma_semaphore, #tpu.memory_space<semaphore_mem>>
    %dma_wait3A_249 = tpu.memref_squeeze %dma_wait3A_248 : memref<1x!tpu.dma_semaphore, #tpu.memory_space<semaphore_mem>> -> memref<!tpu.dma_semaphore, #tpu.memory_space<semaphore_mem>>
    tpu.wait_indirect_dma semaphore(%dma_wait3A_249 : memref<!tpu.dma_semaphore, #tpu.memory_space<semaphore_mem>>) src(%dma_wait3A_242 : memref<128x32xf32, #tpu.memory_space<vmem>>) dst(%dma_wait3A_247 : memref<10240x32xf32, #tpu.memory_space<vmem_shared>>)
    %dma_wait3A_250 = arith.constant 2 : i32
    %dma_wait3A_251 = arith.constant 2 : i32
    %dma_wait3A_252 = arith.constant 0 : i32
    %dma_wait3A_253 = arith.constant 0 : i32
    %dma_wait3A_254 = tpu.memref_slice %arg15[%dma_wait3A_250, %dma_wait3A_252, %dma_wait3A_253] : memref<6x128x32xf32, #tpu.memory_space<vmem>> -> memref<1x128x32xf32, #tpu.memory_space<vmem>>
    %dma_wait3A_255 = tpu.memref_squeeze %dma_wait3A_254 : memref<1x128x32xf32, #tpu.memory_space<vmem>> -> memref<128x32xf32, #tpu.memory_space<vmem>>
    %dma_wait3A_256 = arith.constant 0 : i32
    %dma_wait3A_257 = tpu.memref_slice %arg9[%dma_wait3A_256] : memref<10000xi32, #tpu.memory_space<vmem>> -> memref<128xi32, #tpu.memory_space<vmem>>
    %dma_wait3A_258 = arith.constant 0 : i32
    %dma_wait3A_259 = arith.constant 0 : i32
    %dma_wait3A_260 = tpu.memref_slice %arg17[%dma_wait3A_258, %dma_wait3A_259] : memref<10240x32xf32, #tpu.memory_space<vmem_shared>> -> memref<10240x32xf32, #tpu.memory_space<vmem_shared>>
    %dma_wait3A_261 = tpu.memref_slice %arg19[%dma_wait3A_251] : memref<6x!tpu.dma_semaphore, #tpu.memory_space<semaphore_mem>> -> memref<1x!tpu.dma_semaphore, #tpu.memory_space<semaphore_mem>>
    %dma_wait3A_262 = tpu.memref_squeeze %dma_wait3A_261 : memref<1x!tpu.dma_semaphore, #tpu.memory_space<semaphore_mem>> -> memref<!tpu.dma_semaphore, #tpu.memory_space<semaphore_mem>>
    tpu.wait_indirect_dma semaphore(%dma_wait3A_262 : memref<!tpu.dma_semaphore, #tpu.memory_space<semaphore_mem>>) src(%dma_wait3A_255 : memref<128x32xf32, #tpu.memory_space<vmem>>) dst(%dma_wait3A_260 : memref<10240x32xf32, #tpu.memory_space<vmem_shared>>)
    %dma_wait3A_263 = arith.constant 3 : i32
    %dma_wait3A_264 = arith.constant 3 : i32
    %dma_wait3A_265 = arith.constant 0 : i32
    %dma_wait3A_266 = arith.constant 0 : i32
    %dma_wait3A_267 = tpu.memref_slice %arg15[%dma_wait3A_263, %dma_wait3A_265, %dma_wait3A_266] : memref<6x128x32xf32, #tpu.memory_space<vmem>> -> memref<1x128x32xf32, #tpu.memory_space<vmem>>
    %dma_wait3A_268 = tpu.memref_squeeze %dma_wait3A_267 : memref<1x128x32xf32, #tpu.memory_space<vmem>> -> memref<128x32xf32, #tpu.memory_space<vmem>>
    %dma_wait3A_269 = arith.constant 0 : i32
    %dma_wait3A_270 = tpu.memref_slice %arg9[%dma_wait3A_269] : memref<10000xi32, #tpu.memory_space<vmem>> -> memref<128xi32, #tpu.memory_space<vmem>>
    %dma_wait3A_271 = arith.constant 0 : i32
    %dma_wait3A_272 = arith.constant 0 : i32
    %dma_wait3A_273 = tpu.memref_slice %arg17[%dma_wait3A_271, %dma_wait3A_272] : memref<10240x32xf32, #tpu.memory_space<vmem_shared>> -> memref<10240x32xf32, #tpu.memory_space<vmem_shared>>
    %dma_wait3A_274 = tpu.memref_slice %arg19[%dma_wait3A_264] : memref<6x!tpu.dma_semaphore, #tpu.memory_space<semaphore_mem>> -> memref<1x!tpu.dma_semaphore, #tpu.memory_space<semaphore_mem>>
    %dma_wait3A_275 = tpu.memref_squeeze %dma_wait3A_274 : memref<1x!tpu.dma_semaphore, #tpu.memory_space<semaphore_mem>> -> memref<!tpu.dma_semaphore, #tpu.memory_space<semaphore_mem>>
    tpu.wait_indirect_dma semaphore(%dma_wait3A_275 : memref<!tpu.dma_semaphore, #tpu.memory_space<semaphore_mem>>) src(%dma_wait3A_268 : memref<128x32xf32, #tpu.memory_space<vmem>>) dst(%dma_wait3A_273 : memref<10240x32xf32, #tpu.memory_space<vmem_shared>>)
    %dma_wait3A_276 = arith.constant 4 : i32
    %dma_wait3A_277 = arith.constant 4 : i32
    %dma_wait3A_278 = arith.constant 0 : i32
    %dma_wait3A_279 = arith.constant 0 : i32
    %dma_wait3A_280 = tpu.memref_slice %arg15[%dma_wait3A_276, %dma_wait3A_278, %dma_wait3A_279] : memref<6x128x32xf32, #tpu.memory_space<vmem>> -> memref<1x128x32xf32, #tpu.memory_space<vmem>>
    %dma_wait3A_281 = tpu.memref_squeeze %dma_wait3A_280 : memref<1x128x32xf32, #tpu.memory_space<vmem>> -> memref<128x32xf32, #tpu.memory_space<vmem>>
    %dma_wait3A_282 = arith.constant 0 : i32
    %dma_wait3A_283 = tpu.memref_slice %arg9[%dma_wait3A_282] : memref<10000xi32, #tpu.memory_space<vmem>> -> memref<128xi32, #tpu.memory_space<vmem>>
    %dma_wait3A_284 = arith.constant 0 : i32
    %dma_wait3A_285 = arith.constant 0 : i32
    %dma_wait3A_286 = tpu.memref_slice %arg17[%dma_wait3A_284, %dma_wait3A_285] : memref<10240x32xf32, #tpu.memory_space<vmem_shared>> -> memref<10240x32xf32, #tpu.memory_space<vmem_shared>>
    %dma_wait3A_287 = tpu.memref_slice %arg19[%dma_wait3A_277] : memref<6x!tpu.dma_semaphore, #tpu.memory_space<semaphore_mem>> -> memref<1x!tpu.dma_semaphore, #tpu.memory_space<semaphore_mem>>
    %dma_wait3A_288 = tpu.memref_squeeze %dma_wait3A_287 : memref<1x!tpu.dma_semaphore, #tpu.memory_space<semaphore_mem>> -> memref<!tpu.dma_semaphore, #tpu.memory_space<semaphore_mem>>
    tpu.wait_indirect_dma semaphore(%dma_wait3A_288 : memref<!tpu.dma_semaphore, #tpu.memory_space<semaphore_mem>>) src(%dma_wait3A_281 : memref<128x32xf32, #tpu.memory_space<vmem>>) dst(%dma_wait3A_286 : memref<10240x32xf32, #tpu.memory_space<vmem_shared>>)
    %dma_wait3A_289 = arith.constant 5 : i32
    %dma_wait3A_290 = arith.constant 5 : i32
    %dma_wait3A_291 = arith.constant 0 : i32
    %dma_wait3A_292 = arith.constant 0 : i32
    %dma_wait3A_293 = tpu.memref_slice %arg15[%dma_wait3A_289, %dma_wait3A_291, %dma_wait3A_292] : memref<6x128x32xf32, #tpu.memory_space<vmem>> -> memref<1x128x32xf32, #tpu.memory_space<vmem>>
    %dma_wait3A_294 = tpu.memref_squeeze %dma_wait3A_293 : memref<1x128x32xf32, #tpu.memory_space<vmem>> -> memref<128x32xf32, #tpu.memory_space<vmem>>
    %dma_wait3A_295 = arith.constant 0 : i32
    %dma_wait3A_296 = tpu.memref_slice %arg9[%dma_wait3A_295] : memref<10000xi32, #tpu.memory_space<vmem>> -> memref<128xi32, #tpu.memory_space<vmem>>
    %dma_wait3A_297 = arith.constant 0 : i32
    %dma_wait3A_298 = arith.constant 0 : i32
    %dma_wait3A_299 = tpu.memref_slice %arg17[%dma_wait3A_297, %dma_wait3A_298] : memref<10240x32xf32, #tpu.memory_space<vmem_shared>> -> memref<10240x32xf32, #tpu.memory_space<vmem_shared>>
    %dma_wait3A_300 = tpu.memref_slice %arg19[%dma_wait3A_290] : memref<6x!tpu.dma_semaphore, #tpu.memory_space<semaphore_mem>> -> memref<1x!tpu.dma_semaphore, #tpu.memory_space<semaphore_mem>>
    %dma_wait3A_301 = tpu.memref_squeeze %dma_wait3A_300 : memref<1x!tpu.dma_semaphore, #tpu.memory_space<semaphore_mem>> -> memref<!tpu.dma_semaphore, #tpu.memory_space<semaphore_mem>>
    tpu.wait_indirect_dma semaphore(%dma_wait3A_301 : memref<!tpu.dma_semaphore, #tpu.memory_space<semaphore_mem>>) src(%dma_wait3A_294 : memref<128x32xf32, #tpu.memory_space<vmem>>) dst(%dma_wait3A_299 : memref<10240x32xf32, #tpu.memory_space<vmem_shared>>)
    %dma_start3A_302 = arith.constant 0 : i32
    %dma_start3A_303 = arith.constant 0 : i32
    %dma_start3A_304 = arith.constant 0 : i32
    %dma_start3A_305 = arith.constant 0 : i32
    %dma_start3A_306 = tpu.memref_slice %arg15[%dma_start3A_302, %dma_start3A_304, %dma_start3A_305] : memref<6x128x32xf32, #tpu.memory_space<vmem>> -> memref<1x16x32xf32, #tpu.memory_space<vmem>>
    %dma_start3A_307 = tpu.memref_squeeze %dma_start3A_306 : memref<1x16x32xf32, #tpu.memory_space<vmem>> -> memref<16x32xf32, #tpu.memory_space<vmem>>
    %dma_start3A_308 = arith.constant 9984 : i32
    %dma_start3A_309 = tpu.memref_slice %arg8[%dma_start3A_308] : memref<10000xi32, #tpu.memory_space<vmem>> -> memref<16xi32, #tpu.memory_space<vmem>>
    %dma_start3A_310 = arith.constant 0 : i32
    %dma_start3A_311 = arith.constant 0 : i32
    %dma_start3A_312 = tpu.memref_slice %arg6[%dma_start3A_310, %dma_start3A_311] : memref<20480x32xf32, #tpu.memory_space<hbm>> -> memref<20480x32xf32, #tpu.memory_space<hbm>>
    %dma_start3A_313 = tpu.memref_slice %arg18[%dma_start3A_303] : memref<6x!tpu.dma_semaphore, #tpu.memory_space<semaphore_mem>> -> memref<1x!tpu.dma_semaphore, #tpu.memory_space<semaphore_mem>>
    %dma_start3A_314 = tpu.memref_squeeze %dma_start3A_313 : memref<1x!tpu.dma_semaphore, #tpu.memory_space<semaphore_mem>> -> memref<!tpu.dma_semaphore, #tpu.memory_space<semaphore_mem>>
    tpu.enqueue_indirect_dma source(%dma_start3A_312 : memref<20480x32xf32, #tpu.memory_space<hbm>>) target(%dma_start3A_307 : memref<16x32xf32, #tpu.memory_space<vmem>>) offsets(%dma_start3A_309 : memref<16xi32, #tpu.memory_space<vmem>>) semaphore(%dma_start3A_314 : memref<!tpu.dma_semaphore, #tpu.memory_space<semaphore_mem>>)
    %dma_wait3A_315 = arith.constant 0 : i32
    %dma_wait3A_316 = arith.constant 0 : i32
    %dma_wait3A_317 = arith.constant 0 : i32
    %dma_wait3A_318 = arith.constant 0 : i32
    %dma_wait3A_319 = tpu.memref_slice %arg15[%dma_wait3A_315, %dma_wait3A_317, %dma_wait3A_318] : memref<6x128x32xf32, #tpu.memory_space<vmem>> -> memref<1x16x32xf32, #tpu.memory_space<vmem>>
    %dma_wait3A_320 = tpu.memref_squeeze %dma_wait3A_319 : memref<1x16x32xf32, #tpu.memory_space<vmem>> -> memref<16x32xf32, #tpu.memory_space<vmem>>
    %dma_wait3A_321 = arith.constant 9984 : i32
    %dma_wait3A_322 = tpu.memref_slice %arg8[%dma_wait3A_321] : memref<10000xi32, #tpu.memory_space<vmem>> -> memref<16xi32, #tpu.memory_space<vmem>>
    %dma_wait3A_323 = arith.constant 0 : i32
    %dma_wait3A_324 = arith.constant 0 : i32
    %dma_wait3A_325 = tpu.memref_slice %arg6[%dma_wait3A_323, %dma_wait3A_324] : memref<20480x32xf32, #tpu.memory_space<hbm>> -> memref<20480x32xf32, #tpu.memory_space<hbm>>
    %dma_wait3A_326 = tpu.memref_slice %arg18[%dma_wait3A_316] : memref<6x!tpu.dma_semaphore, #tpu.memory_space<semaphore_mem>> -> memref<1x!tpu.dma_semaphore, #tpu.memory_space<semaphore_mem>>
    %dma_wait3A_327 = tpu.memref_squeeze %dma_wait3A_326 : memref<1x!tpu.dma_semaphore, #tpu.memory_space<semaphore_mem>> -> memref<!tpu.dma_semaphore, #tpu.memory_space<semaphore_mem>>
    tpu.wait_indirect_dma semaphore(%dma_wait3A_327 : memref<!tpu.dma_semaphore, #tpu.memory_space<semaphore_mem>>) src(%dma_wait3A_325 : memref<20480x32xf32, #tpu.memory_space<hbm>>) dst(%dma_wait3A_320 : memref<16x32xf32, #tpu.memory_space<vmem>>)
    %run_scoped3A_328 = arith.constant 0 : i32
    "tpu.region"() ({
      %run_scoped3A_332 = tpu.sem_alloc : memref<!tpu.dma_semaphore, #tpu.memory_space<semaphore_mem>>
      %dma_start3A_333 = arith.constant 0 : i32
      %dma_start3A_334 = arith.constant 0 : i32
      %dma_start3A_335 = tpu.memref_slice %arg15[%run_scoped3A_328, %dma_start3A_333, %dma_start3A_334] : memref<6x128x32xf32, #tpu.memory_space<vmem>> -> memref<1x16x32xf32, #tpu.memory_space<vmem>>
      %dma_start3A_336 = tpu.memref_squeeze %dma_start3A_335 : memref<1x16x32xf32, #tpu.memory_space<vmem>> -> memref<16x32xf32, #tpu.memory_space<vmem>>
      %dma_start3A_337 = arith.constant 9984 : i32
      %dma_start3A_338 = tpu.memref_slice %arg9[%dma_start3A_337] : memref<10000xi32, #tpu.memory_space<vmem>> -> memref<16xi32, #tpu.memory_space<vmem>>
      %dma_start3A_339 = arith.constant 0 : i32
      %dma_start3A_340 = arith.constant 0 : i32
      %dma_start3A_341 = tpu.memref_slice %arg17[%dma_start3A_339, %dma_start3A_340] : memref<10240x32xf32, #tpu.memory_space<vmem_shared>> -> memref<10240x32xf32, #tpu.memory_space<vmem_shared>>
      tpu.enqueue_indirect_dma source(%dma_start3A_336 : memref<16x32xf32, #tpu.memory_space<vmem>>) target(%dma_start3A_341 : memref<10240x32xf32, #tpu.memory_space<vmem_shared>>) offsets(%dma_start3A_338 : memref<16xi32, #tpu.memory_space<vmem>>) semaphore(%run_scoped3A_332 : memref<!tpu.dma_semaphore, #tpu.memory_space<semaphore_mem>>) {add = true}
      %dma_wait3A_342 = arith.constant 0 : i32
      %dma_wait3A_343 = arith.constant 0 : i32
      %dma_wait3A_344 = tpu.memref_slice %arg15[%run_scoped3A_328, %dma_wait3A_342, %dma_wait3A_343] : memref<6x128x32xf32, #tpu.memory_space<vmem>> -> memref<1x16x32xf32, #tpu.memory_space<vmem>>
      %dma_wait3A_345 = tpu.memref_squeeze %dma_wait3A_344 : memref<1x16x32xf32, #tpu.memory_space<vmem>> -> memref<16x32xf32, #tpu.memory_space<vmem>>
      %dma_wait3A_346 = arith.constant 9984 : i32
      %dma_wait3A_347 = tpu.memref_slice %arg9[%dma_wait3A_346] : memref<10000xi32, #tpu.memory_space<vmem>> -> memref<16xi32, #tpu.memory_space<vmem>>
      %dma_wait3A_348 = arith.constant 0 : i32
      %dma_wait3A_349 = arith.constant 0 : i32
      %dma_wait3A_350 = tpu.memref_slice %arg17[%dma_wait3A_348, %dma_wait3A_349] : memref<10240x32xf32, #tpu.memory_space<vmem_shared>> -> memref<10240x32xf32, #tpu.memory_space<vmem_shared>>
      tpu.wait_indirect_dma semaphore(%run_scoped3A_332 : memref<!tpu.dma_semaphore, #tpu.memory_space<semaphore_mem>>) src(%dma_wait3A_345 : memref<16x32xf32, #tpu.memory_space<vmem>>) dst(%dma_wait3A_350 : memref<10240x32xf32, #tpu.memory_space<vmem_shared>>)
      tpu.yield
    }) : () -> ()
    "tpu.trace_stop"() : () -> ()
    %barrier3A_329 = arith.constant 0 : index
    tpu.barrier barrier_id(%barrier3A_329)
    %mul3A_330 = arith.constant 32 : i32
    %mul3A_331 = arith.muli %arg0, %mul3A_330 : i32
    "tpu.region"() ({
      %run_scoped3A_332 = tpu.sem_alloc : memref<!tpu.dma_semaphore, #tpu.memory_space<semaphore_mem>>
      %dma_start3A_333 = tpu.memref_slice %arg5[%mul3A_2, %mul3A_331] : memref<10240x128xf32, #tpu.memory_space<hbm>> -> memref<640x32xf32, #tpu.memory_space<hbm>>
      %dma_start3A_334 = arith.constant 0 : i32
      %dma_start3A_335 = tpu.memref_slice %arg17[%mul3A_2, %dma_start3A_334] : memref<10240x32xf32, #tpu.memory_space<vmem_shared>> -> memref<640x32xf32, #tpu.memory_space<vmem_shared>>
      tpu.enqueue_dma source(%dma_start3A_335 : memref<640x32xf32, #tpu.memory_space<vmem_shared>>) target(%dma_start3A_333 : memref<640x32xf32, #tpu.memory_space<hbm>>) target_semaphore(%run_scoped3A_332 : memref<!tpu.dma_semaphore, #tpu.memory_space<semaphore_mem>>)
      %dma_wait3A_336 = tpu.memref_slice %arg5[%mul3A_2, %mul3A_331] : memref<10240x128xf32, #tpu.memory_space<hbm>> -> memref<640x32xf32, #tpu.memory_space<hbm>>
      %dma_wait3A_337 = arith.constant 0 : i32
      %dma_wait3A_338 = tpu.memref_slice %arg17[%mul3A_2, %dma_wait3A_337] : memref<10240x32xf32, #tpu.memory_space<vmem_shared>> -> memref<640x32xf32, #tpu.memory_space<vmem_shared>>
      tpu.wait_dma2 semaphore(%run_scoped3A_332 : memref<!tpu.dma_semaphore, #tpu.memory_space<semaphore_mem>>) src(%dma_wait3A_338 : memref<640x32xf32, #tpu.memory_space<vmem_shared>>) dst(%dma_wait3A_336 : memref<640x32xf32, #tpu.memory_space<hbm>>)
      tpu.yield
    }) : () -> ()
    return
  }
}

module attributes {stable_mosaic.version = 14 : i64} {
  func.func @_mm_body(%arg0: memref<10000x128xf32, #tpu.memory_space<vmem>>, %arg1: memref<128x32xf32, #tpu.memory_space<vmem>>, %arg2: memref<10240x128xf32, #tpu.memory_space<vmem>>) attributes {dimension_semantics = [], scalar_prefetch = 0 : i64, scratch_operands = 0 : i64, tpu.core_type = #tpu.core_type<tc>} {
    %get3A = arith.constant 0 : index
    %get3A_0 = arith.constant 0 : index
    %get3A_1 = vector.load %arg0[%get3A, %get3A_0] : memref<10000x128xf32, #tpu.memory_space<vmem>>, vector<10000x128xf32>
    %get3A_2 = arith.constant 0 : index
    %get3A_3 = arith.constant 0 : index
    %get3A_4 = vector.load %arg1[%get3A_2, %get3A_3] : memref<128x32xf32, #tpu.memory_space<vmem>>, vector<128x32xf32>
    %dot_general3A = arith.constant dense<0.000000e+00> : vector<10000x32xf32>
    %dot_general3A_5 = tpu.matmul %get3A_1, %get3A_4, %dot_general3A {dimension_numbers = #tpu.dot_dimension_numbers<[1], [0], [0], [1], [0, 0, 1, 1], [], []>, transpose_lhs_hint = false} : vector<10000x128xf32>, vector<128x32xf32>, vector<10000x32xf32> -> vector<10000x32xf32>
    %broadcast_in_dim3A = arith.constant 0.000000e+00 : f32
    %broadcast_in_dim3A_6 = vector.broadcast %broadcast_in_dim3A : f32 to vector<240x32xf32>
    %concatenate3A = tpu.concatenate %dot_general3A_5, %broadcast_in_dim3A_6 in 0 : vector<10000x32xf32>, vector<240x32xf32> -> vector<10240x32xf32>
    %broadcast_in_dim3A_7 = arith.constant 0.000000e+00 : f32
    %broadcast_in_dim3A_8 = vector.broadcast %broadcast_in_dim3A_7 : f32 to vector<10240x96xf32>
    %concatenate3A_9 = tpu.concatenate %concatenate3A, %broadcast_in_dim3A_8 in 1 : vector<10240x32xf32>, vector<10240x96xf32> -> vector<10240x128xf32>
    %swap3A = arith.constant 0 : index
    %swap3A_10 = arith.constant 0 : index
    %swap3A_11 = vector.load %arg2[%swap3A, %swap3A_10] : memref<10240x128xf32, #tpu.memory_space<vmem>>, vector<10240x128xf32>
    tpu.vector_store %arg2[%swap3A, %swap3A_10], %concatenate3A_9 {strides = array<i32>} : memref<10240x128xf32, #tpu.memory_space<vmem>>, vector<10240x128xf32>,
    return
  }
}

module attributes {stable_mosaic.version = 14 : i64} {
  func.func @_out_body(%arg0: memref<10240x128xf32, #tpu.memory_space<vmem>>, %arg1: memref<10240x128xf32, #tpu.memory_space<vmem>>, %arg2: memref<32x16xf32, #tpu.memory_space<vmem>>, %arg3: memref<1x16xf32, #tpu.memory_space<vmem>>, %arg4: memref<32x16xf32, #tpu.memory_space<vmem>>, %arg5: memref<1x16xf32, #tpu.memory_space<vmem>>, %arg6: memref<10000x16xf32, #tpu.memory_space<vmem>>, %arg7: memref<10000x16xf32, #tpu.memory_space<vmem>>) attributes {dimension_semantics = [], scalar_prefetch = 0 : i64, scratch_operands = 0 : i64, tpu.core_type = #tpu.core_type<tc>} {
    %get3A = arith.constant 0 : index
    %get3A_0 = arith.constant 0 : index
    %get3A_1 = vector.load %arg0[%get3A, %get3A_0] : memref<10240x128xf32, #tpu.memory_space<vmem>>, vector<10000x128xf32>
    %get3A_2 = arith.constant 0 : index
    %get3A_3 = arith.constant 0 : index
    %get3A_4 = vector.load %arg1[%get3A_2, %get3A_3] : memref<10240x128xf32, #tpu.memory_space<vmem>>, vector<10000x32xf32>
    %slice3A = vector.extract_strided_slice %get3A_1 {offsets = [0, 0], sizes = [10000, 32], strides = [1, 1]} : vector<10000x128xf32> to vector<10000x32xf32>
    %slice3A_5 = vector.extract_strided_slice %get3A_1 {offsets = [0, 32], sizes = [10000, 32], strides = [1, 1]} : vector<10000x128xf32> to vector<10000x32xf32>
    %add3A = arith.addf %slice3A, %slice3A_5 : vector<10000x32xf32>
    %mul3A = arith.mulf %get3A_4, %add3A : vector<10000x32xf32>
    %get3A_6 = arith.constant 0 : index
    %get3A_7 = arith.constant 0 : index
    %get3A_8 = vector.load %arg2[%get3A_6, %get3A_7] : memref<32x16xf32, #tpu.memory_space<vmem>>, vector<32x16xf32>
    %dot_general3A = arith.constant dense<0.000000e+00> : vector<10000x16xf32>
    %dot_general3A_9 = tpu.matmul %mul3A, %get3A_8, %dot_general3A {dimension_numbers = #tpu.dot_dimension_numbers<[1], [0], [0], [1], [0, 0, 1, 1], [], []>, transpose_lhs_hint = false} : vector<10000x32xf32>, vector<32x16xf32>, vector<10000x16xf32> -> vector<10000x16xf32>
    %get3A_10 = arith.constant 0 : index
    %get3A_11 = arith.constant 0 : index
    %get3A_12 = vector.load %arg3[%get3A_10, %get3A_11] : memref<1x16xf32, #tpu.memory_space<vmem>>, vector<1x16xf32>
    %add3A_13 = vector.broadcast %get3A_12 : vector<1x16xf32> to vector<10000x16xf32>
    %add3A_14 = arith.addf %dot_general3A_9, %add3A_13 : vector<10000x16xf32>
    %swap3A = arith.constant 0 : index
    %swap3A_15 = arith.constant 0 : index
    %swap3A_16 = vector.load %arg6[%swap3A, %swap3A_15] : memref<10000x16xf32, #tpu.memory_space<vmem>>, vector<10000x16xf32>
    tpu.vector_store %arg6[%swap3A, %swap3A_15], %add3A_14 {strides = array<i32>} : memref<10000x16xf32, #tpu.memory_space<vmem>>, vector<10000x16xf32>,
    %get3A_17 = arith.constant 0 : index
    %get3A_18 = arith.constant 0 : index
    %get3A_19 = vector.load %arg4[%get3A_17, %get3A_18] : memref<32x16xf32, #tpu.memory_space<vmem>>, vector<32x16xf32>
    %dot_general3A_20 = arith.constant dense<0.000000e+00> : vector<10000x16xf32>
    %dot_general3A_21 = tpu.matmul %mul3A, %get3A_19, %dot_general3A_20 {dimension_numbers = #tpu.dot_dimension_numbers<[1], [0], [0], [1], [0, 0, 1, 1], [], []>, transpose_lhs_hint = false} : vector<10000x32xf32>, vector<32x16xf32>, vector<10000x16xf32> -> vector<10000x16xf32>
    %get3A_22 = arith.constant 0 : index
    %get3A_23 = arith.constant 0 : index
    %get3A_24 = vector.load %arg5[%get3A_22, %get3A_23] : memref<1x16xf32, #tpu.memory_space<vmem>>, vector<1x16xf32>
    %add3A_25 = vector.broadcast %get3A_24 : vector<1x16xf32> to vector<10000x16xf32>
    %add3A_26 = arith.addf %dot_general3A_21, %add3A_25 : vector<10000x16xf32>
    %swap3A_27 = arith.constant 0 : index
    %swap3A_28 = arith.constant 0 : index
    %swap3A_29 = vector.load %arg7[%swap3A_27, %swap3A_28] : memref<10000x16xf32, #tpu.memory_space<vmem>>, vector<10000x16xf32>
    tpu.vector_store %arg7[%swap3A_27, %swap3A_28], %add3A_26 {strides = array<i32>} : memref<10000x16xf32, #tpu.memory_space<vmem>>, vector<10000x16xf32>,
    return
  }
}

</mosaic_0001>

<sc_bundles>
// kernel: kernel.6.cloned.1.call-start
scs
__scs_entry_jumppad:
0x0: {  	(pc) =	sbr.rel $0x88, $3  }
0x1: {  	(tag) =	ssettag $0x0;
	lr =	simm.s32 $0x1  }
0x2: {  	[smem:$0x3F99] =	sst lr;
	_ =	strace $0xD0000000  }
0x3: {  	_ = 	snop  }
0x4: {  	_ = 	snop  }
0x5: {  	_ = 	snop  }
0x6: {  	_ = 	snop  }
0x7: {  	_ = 	snop  }
__scs_overlays_trampoline_lowered:
0x8: {  	[smem:$0x3FA8] =	sst s0  }
0x9: {  	[smem:$0x3FA9] =	sst s1  }
0xa: {  	[smem:$0x3FAA] =	sst s2  }
0xb: {  	[smem:$0x3FAB] =	sst s3  }
0xc: {  	[smem:$0x3FAC] =	sst s4  }
0xd: {  	[smem:$0x3FAD] =	sst s5  }
0xe: {  	[smem:$0x3FAE] =	sst s6  }
0xf: {  	[smem:$0x3FAF] =	sst s7  }
0x10: {  	[smem:$0x3FB0] =	sst s8  }
0x11: {  	[smem:$0x3FB1] =	sst s9;
	s0 =	simm.s32 @!p0 $0x0  }
0x12: {  	s1 =	sld [smem:$0x3F97];
	s0 =	simm.s32 @p0 $0x1  }
0x13: {  	[smem:$0x3FB2] =	sst s0;
	s0 =	simm.s32 @!p1 $0x0  }
0x14: {  	s2 =	sld [smem:$0x3F96];
	s0 =	simm.s32 @p1 $0x1  }
0x15: {  	[smem:$0x3FB3] =	sst s0;
	s0 =	simm.s32 @!p2 $0x0  }
0x16: {  	s3 =	sld [smem:$0x3FDB];
	s0 =	simm.s32 @p2 $0x1  }
0x17: {  	s4 =	simm.s32 $0x1BF5;
	[smem:$0x3FB5] =	sst s0  }
0x18: {  	s0 =	sld [smem:$0x3F98];
	_ =	swait.ge [sflag:s4], $0x0  }
0x19: {  	s7 =	sld [smem:$0x3F99]  }
0x1a: {  	s8 =	sadd.s32 $0xFFFFE003, lr  }
0x1b: {  	s9 =	sadd.s32 $0xFFFFFEF7, lr;
	s5 =	simm.s32 $0xFFFFFFFF;
	p2 =	slt.u32 s8, $0xFFFFF086  }
0x1c: {  	p1 =	slt.u32 s9, $0xF7A;
	s5 =	simm.s32 @!p2 $0x0  }
0x1d: {  	s5 =	simm.s32 @p1 $0x1;
	p0 =	seq.s32 s7, s2  }
0x1e: {  	s7 =	smul.u32 @!p0 $0xF7A, s2;
	p2 =	seq.s32 @!p0 s5, $0x0  }
0x1f: {  	s9 =	smul.u32 $0xF7A, s1;
	s8 =	simm.s32 @!p0 $0x1BF5;
	p2 =	por !p2, p0  }
0x20: {  	[sflag:s8] =	ssyncset.s32 @!p0 $0xFFFFF086;
	s6 =	sadd.s32 @!p0 s3, s7;
	s7 =	simm.s32 @!p0 $0x108  }
0x21: {  	s3 =	sadd.s32 s3, s9;
	s6 =	sadd.s32 @!p0 $0x88, s6;
	s7 =	simm.s32 @p2 $0x1082  }
0x22: {  	[simem:s7], [sflag:s8] =	dma.local @!p0 [hbm:s6], $0xF7A  }
0x23: {  	s9 =	sor.u32 $0xD0000000, s2;
	s6 =	simm.s32 $0x108;
	_ =	swait.ge @!p0 [sflag:s8], $0x0  }
0x24: {  	s3 =	sadd.s32 $0x88, s3;
	s6 =	simm.s32 @!p1 $0x1082;
	[sflag:s4] =	ssyncset.s32 $0xFFFFF086  }
0x25: {  	[simem:s6], [sflag:s4] =	dma.local [hbm:s3], $0xF7A  }
0x26: {  	[smem:$0x3F99] =	sst s1;
	(tag) =	ssettag s2;
	_ =	strace s9  }
0x27: {  	s1 =	sld [smem:$0x3FA9]  }
0x28: {  	s2 =	sld [smem:$0x3FAA]  }
0x29: {  	s4 =	sld [smem:$0x3FAC]  }
0x2a: {  	p0 =	seq.s32 s5, $0x0;
	s5 =	sld [smem:$0x3FAD]  }
0x2b: {  	s6 =	sld [smem:$0x3FAE]  }
0x2c: {  	s7 =	sld [smem:$0x3FAF]  }
0x2d: {  	s3 =	simm.s32 $0x108;
	s8 =	sld [smem:$0x3FB0]  }
0x2e: {  	s3 =	simm.s32 @!p0 $0x1082;
	s9 =	sld [smem:$0x3FB1]  }
0x2f: {  	lr =	sadd.s32 s0, s3;
	s0 =	sld [smem:$0x3FA8]  }
0x30: {  	s3 =	sld [smem:$0x3FAB]  }
0x31: {  	[smem:$0x3FB4] =	sst s10  }
0x32: {  	s10 =	sld [smem:$0x3FB2];
	_ =	sdelay $0x3  }
0x33: {  	p0 =	seq.s32 s10, $0x1;
	s10 =	sld [smem:$0x3FB4];
	_ =	sdelay $0x3  }
0x34: {  	[smem:$0x3FB4] =	sst s10  }
0x35: {  	s10 =	sld [smem:$0x3FB3];
	_ =	sdelay $0x3  }
0x36: {  	p1 =	seq.s32 s10, $0x1;
	s10 =	sld [smem:$0x3FB4];
	_ =	sdelay $0x3  }
0x37: {  	[smem:$0x3FB4] =	sst s10  }
0x38: {  	s10 =	sld [smem:$0x3FB5]  }
0x39: {  	_ = 	snop;
	(pc) =	sbr.ind lr, $3  }
0x3a: {  	_ = 	snop  }
0x3b: {  	_ = 	snop  }
0x3c: {  	p2 =	seq.s32 s10, $0x1;
	s10 =	sld [smem:$0x3FB4]  }
0x3d: {  	_ =	shalt  }
0x3e: {  	_ =	shalt  }
0x3f: {  	_ =	shalt  }
0x40: {  	_ =	shalt  }
0x41: {  	_ =	shalt  }
0x42: {  	_ =	shalt  }
0x43: {  	_ =	shalt  }
0x44: {  	_ =	shalt  }
0x45: {  	_ =	shalt  }
0x46: {  	_ =	shalt  }
0x47: {  	_ =	shalt  }
0x48: {  	_ =	shalt  }
0x49: {  	_ =	shalt  }
0x4a: {  	_ =	shalt  }
0x4b: {  	_ =	shalt  }
0x4c: {  	_ =	shalt  }
0x4d: {  	_ =	shalt  }
0x4e: {  	_ =	shalt  }
0x4f: {  	_ =	shalt  }
0x50: {  	_ =	shalt  }
0x51: {  	_ =	shalt  }
0x52: {  	_ =	shalt  }
0x53: {  	_ =	shalt  }
0x54: {  	_ =	shalt  }
0x55: {  	_ =	shalt  }
0x56: {  	_ =	shalt  }
0x57: {  	_ =	shalt  }
0x58: {  	_ =	shalt  }
0x59: {  	_ =	shalt  }
0x5a: {  	_ =	shalt  }
0x5b: {  	_ =	shalt  }
0x5c: {  	_ =	shalt  }
0x5d: {  	_ =	shalt  }
0x5e: {  	_ =	shalt  }
0x5f: {  	_ =	shalt  }
0x60: {  	_ =	shalt  }
0x61: {  	_ =	shalt  }
0x62: {  	_ =	shalt  }
0x63: {  	_ =	shalt  }
0x64: {  	_ =	shalt  }
0x65: {  	_ =	shalt  }
0x66: {  	_ =	shalt  }
0x67: {  	_ =	shalt  }
0x68: {  	_ =	shalt  }
0x69: {  	_ =	shalt  }
0x6a: {  	_ =	shalt  }
0x6b: {  	_ =	shalt  }
0x6c: {  	_ =	shalt  }
0x6d: {  	_ =	shalt  }
0x6e: {  	_ =	shalt  }
0x6f: {  	_ =	shalt  }
0x70: {  	_ =	shalt  }
0x71: {  	_ =	shalt  }
0x72: {  	_ =	shalt  }
0x73: {  	_ =	shalt  }
0x74: {  	_ =	shalt  }
0x75: {  	_ =	shalt  }
0x76: {  	_ =	shalt  }
0x77: {  	_ =	shalt  }
0x78: {  	_ =	shalt  }
0x79: {  	_ =	shalt  }
0x7a: {  	_ =	shalt  }
0x7b: {  	_ =	shalt  }
0x7c: {  	_ =	shalt  }
0x7d: {  	_ =	shalt  }
0x7e: {  	_ =	shalt  }
0x7f: {  	_ =	shalt  }
0x80: {  	_ =	shalt  }
0x81: {  	_ =	shalt  }
0x82: {  	_ =	shalt  }
0x83: {  	_ =	shalt  }
0x84: {  	_ =	shalt  }
0x85: {  	_ =	shalt  }
0x86: {  	_ =	shalt  }
0x87: {  	_ =	shalt  }
.Lfunc_end0:
.L_simem_size_0:
called_computation_lowered:
.L_overlay_start_0:
0x88: {  	s2 =	sld [smem:$0x3FD9]  }
0x89: {  	s3 =	sld [smem:$0x3FFE];
	_ =	sdelay $0x1  }
0x8a: {  	s1 =	srdreg.scid  }
0x8b: {  	s0 =	sand.u32 $0x1, s1  }
0x8c: {  	s16 =	sshll.u32 s0, $0xA;
	s2 =	sadd.s32 s3, s2  }
0x8d: {  	s2 =	sadd.s32 s2, s16  }
0x8e: {  	[smem:$0x3FC0] =	sst s2  }
0x8f: {  	_ = 	snop  }
0x90: {  	(tm) =	ssettm $0x1  }
0x91: {  	s17 =	sld [smem:$0x3FFB];
	_ =	sdelay $0x3  }
0x92: {  	_ =	strace s17  }
0x93: {  	s2 =	sld [smem:$0x3FFC];
	_ =	sdelay $0x3  }
0x94: {  	_ =	strace s2  }
0x95: {  	s2 =	sld [smem:$0x3FFD];
	_ =	sdelay $0x3  }
0x96: {  	_ =	strace s2  }
0x97: {  	_ =	strace $0x8FFFFFFF  }
0x98: {  	s18 =	sld [smem:$0x3FDB];
	_ =	sdelay $0x1  }
0x99: {  	s19 =	simm.s32 $_scs_section_size  }
0x9a: {  	s4 =	simm.s32 $_size__tile_overlayer_lowered;
	s5 =	simm.s32 $_tile_overlayer_lowered  }
0x9b: {  	s22 =	simm.s32 $0x1BFF;
	s21 =	sshll.u32 s5, $0x1;
	s2 =	sadd.s32 s19, s18  }
0x9c: {  	s6 =	simm.s32 $0x0;
	s20 =	sshll.u32 s4, $0x1;
	s4 =	sadd.s32 s21, s2  }
0x9d: {  	[timem:s6], [sflag:s22] =	dma.local [hbm:s4], s20  }
0x9e: {  	_ =	swait.ge [sflag:s22], s20  }
0x9f: {  	s3 =	ssub.s32 $0x0, s20;
	[sflag:s22] =	ssyncset.done $0x0  }
0xa0: {  	[sflag:s22] =	ssyncadd.s32 s3;
	_ =	sdelay $0x1  }
0xa1: {  	s23 =	simm.s32 $0x1B8B  }
0xa2: {  	_ =	swait.ge [sflag:s23], $0x1  }
0xa3: {  	[sflag:s23] =	ssyncset.done $0x0  }
0xa4: {  	s25 =	simm.s32 $0x1B8E;
	s24 =	sld [smem:$0x3FFE];
	[sflag:s23] =	ssyncadd.s32 $0xFFFFFFFF  }
0xa5: {  	s26 =	simm.s32 $execute0_lowered;
	[smem:$0x3FD2] =	sst s25  }
0xa6: {  	s4 =	sshll.u32 s26, $0x1;
	_ =	strace $0x80000046;
	[dreg:$0x1] =	wrdreg $0xFFFFFFFF  }
0xa7: {  	s28 =	simm.s32 $_size_execute0_lowered;
	s2 =	sadd.s32 s2, s4;
	[dreg:$0x0] =	wrdreg $0x0  }
0xa8: {  	s4 =	sshll.u32 s28, $0x1;
	[dreg:$0x2] =	wrdreg s2  }
0xa9: {  	[dreg:$0x3] =	wrdreg s4  }
0xaa: {  	[dreg:$0x4] =	wrdreg $0xC0  }
0xab: {  	_ =	task [dreg:s6], $0x5FFFF  }
0xac: {  	[dreg:$0x1] =	wrdreg $0xFFFFFFFF  }
0xad: {  	[dreg:$0x0] =	wrdreg $0x60  }
0xae: {  	[dreg:$0x2] =	wrdreg s24  }
0xaf: {  	[dreg:$0x3] =	wrdreg $0x150A00  }
0xb0: {  	[dreg:$0x4] =	wrdreg $0x178A00  }
0xb1: {  	[dreg:$0x5] =	wrdreg $0x9  }
0xb2: {  	_ =	task.clear_ibuf [dreg:s6], $0x6FFFF;
	_ =	strace $0x90000046  }
0xb3: {  	s29 =	simm.s32 $0x9;
	_ =	strace $0x8000004D  }
0xb4: {  	_ =	swait.ge [sflag:s29], $0x1  }
0xb5: {  	[sflag:s29] =	ssyncadd.s32 $0xFFFFFFFF  }
0xb6: {  	_ =	strace $0x9000004D  }
0xb7: {  	_ =	sfence  }
0xb8: {  	s30 =	sld [smem:$0x0];
	_ =	sdelay $0x2  }
0xb9: {  	s31 =	sshll.u32 s1, $0xD;
	s1 =	sshrl.u32 s1, $0x2  }
0xba: {  	s3 =	sand.u32 $0x4000, s31;
	s1 =	sadd.s32 s1, s30  }
0xbb: {  	s0 =	sor.u32 s3, s0;
	s1 =	sshll.u32 s1, $0x11  }
0xbc: {  	s0 =	sor.u32 s1, s0  }
0xbd: {  	s0 =	sadd.s32 $0x8F2B, s0  }
0xbe: {  	[sflag:s0] =	ssyncadd.remote.s32 $0x1  }
0xbf: {  	_ =	sfence.sel $0xFFFF  }
0xc0: {  	[dreg:$0x0] =	wrdreg $0xFFFFFFFF;
	(pc) =	sbr.abs _section_cstart, $3  }
0xc1: {  	[dreg:$0x1] =	wrdreg $0xFFFFFFFF  }
0xc2: {  	_ =	task.clear_ibuf [dreg:s6], $0x2FFFF;
	_ =	strace $0x9FFFFFFF  }
0xc3: {  	(tm) =	ssettm $0x7FFFFFFF  }
tec
execute0_lowered:
.L_overlay_start_1:
0x0: {  	(tag) =	ssettag $0x1  }
0x1: {  	s0 =	rddreg [dreg:$0x0]  }
0x2: {  	s1 =	rddreg [dreg:$0x1]  }
0x3: {  	s2 =	rddreg [dreg:$0x2];
	s16 =	stileid.u32;
	s3 =	simm.s32 $0x0  }
0x4: {  	s4 =	srdreg.scid;
	s28 =	simm.s32 $0x2;
	s5 =	smul.u32 $0x5000, s16  }
0x5: {  	s29 =	simm.s32 $0xD;
	s30 =	simm.s32 $0xEE20;
	s7 =	smul.u32 $0x14000, s16  }
0x6: {  	s31 =	simm.s32 $0x3;
	[smem:$0x7FF] =	sst s3;
	s14 =	smul.u32 $0x4E20, s16  }
0x7: {  	s6 =	sand.u32 $0x1, s4;
	s8 =	sadd.s32 $0x15E00, s0;
	s15 =	smul.u32 $0x280, s16  }
0x8: {  	s9 =	sadd.s32 $0x2400, s0;
	s25 =	sshll.u32 s16, $0x1;
	s16 =	smul.u32 $0xA000, s16  }
0x9: {  	_ =	strace $0x80000047;
	s4 =	sshll.u32 s6, $0x5;
	s24 =	ssub.s32 $0x2, s6  }
0xa: {  	s18 =	smul.u32 $0x2800, s6;
	p0 =	sne.s32 s6, $0x0;
	s10 =	sshrl.u32 s5, $0x3  }
0xb: {  	s4 =	sor.u32 s4, s7;
	s13 =	sshrl.u32 s24, $0x1;
	s14 =	sshrl.u32 s14, $0x3  }
0xc: {  	s7 =	sshrl.u32 s7, $0x3;
	s23 =	sadd.s32 s5, s2;
	s5 =	simm.s32 $0x8  }
0xd: {  	s11 =	sadd.s32 s10, s0;
	s4 =	sshrl.u32 s4, $0x3;
	s13 =	ssub.s32 s24, s13  }
0xe: {  	s10 =	sor.u32 s6, s25;
	s14 =	sadd.s32 s9, s14;
	s26 =	sadd.s32 s8, s7  }
0xf: {  	s19 =	sadd.s32 s15, s18;
	s20 =	sadd.s32 $0x1400, s7;
	[dreg:$0xe] =	wrdreg s23  }
0x10: {  	s23 =	simm.s32 $0x80;
	s6 =	simm.s32 $0x9;
	s12 =	sadd.s32 s4, s0  }
0x11: {  	s4 =	sadd.s32 $0x47E00, s0;
	s17 =	sadd.s32 $0x9C40, s14;
	[dreg:$0x6] =	wrdreg s26  }
0x12: {  	s0 =	sadd.s32 $0x83E00, s0;
	s14 =	sadd.s32 $0xA122, s14;
	[dreg:$0x4] =	wrdreg s17  }
0x13: {  	s21 =	smul.u32 $0x2710, s10;
	s8 =	sadd.s32 s8, s20;
	[dreg:$0x5] =	wrdreg s14  }
0x14: {  	s24 =	sadd.s32 $0x3DE00, s11;
	s26 =	smax.u32 s13, $0x1;
	[dreg:$0xa] =	wrdreg s8  }
0x15: {  	s17 =	sshrl.u32 s16, $0x2;
	s7 =	sadd.s32 s0, s7;
	[dreg:$0xf] =	wrdreg s24  }
0x16: {  	s0 =	sadd.s32 s0, s20;
	s25 =	sadd.s32 $0x5BE00, s12;
	[dreg:$0x13] =	wrdreg s26  }
0x17: {  	s20 =	simm.s32 $0x20;
	s24 =	simm.s32 $0x9E20;
	[dreg:$0xb] =	wrdreg s7  }
0x18: {  	s26 =	simm.s32 $0x4E20;
	s8 =	simm.s32 $0xB;
	[dreg:$0xd] =	wrdreg s0  }
0x19: {  	s14 =	sadd.s32 s17, s1;
	s1 =	sadd.s32 s15, s1;
	[dreg:$0x12] =	wrdreg s25  }
0x1a: {  	s22 =	sshrl.u32 s21, $0x3;
	s25 =	simm.s32 $0x1;
	[dreg:$0x7] =	wrdreg s14  }
0x1b: {  	s7 =	simm.s32 $0xA;
	s21 =	simm.s32 $0xC;
	[dreg:$0x8] =	wrdreg s1  }
.Ltmp0:
0x1c: {  	s1 =	sshll.u32 s19, $0x2;
	s0 =	sadd.s32 s9, s22;
	(pc) =	sbr.rel .LBB2_1-.Ltmp0, $4  }
0x1d: {  	s19 =	simm.s32 $0x2710;
	s1 =	sadd.s32 s4, s1;
	[dreg:$0x10] =	wrdreg s0  }
0x1e: {  	s9 =	simm.s32 $0x10;
	s0 =	sadd.s32 $0x9C40, s0;
	[dreg:$0x9] =	wrdreg s1  }
0x1f: {  	s22 =	simm.s32 $0x0;
	s1 =	sadd.s32 $0x500, s1;
	[dreg:$0x11] =	wrdreg s0  }
0x20: {  	v1 =	vimm.f32 $0.0e+00;
	v2 =	vimm.f32 $1.000000000e+00;
	v0 =	vmov s18;
	s0 =	simm.s32 $0xF0A0;
	[dreg:$0xc] =	wrdreg s1;
	s1 =	simm.s32 $0x7  }
.LBB2_21:
0x21: {  	_ =	swait.ge [sflag:s1], $0x1000  }
0x22: {  	[sflag:s1] =	ssyncset.done $0x0  }
0x23: {  	[sflag:s1] =	ssyncadd.s32 $0xFFFFF000  }
0x24: {  	_ =	swait.ge [sflag:s5], $0x1000  }
0x25: {  	[sflag:s5] =	ssyncset.done $0x0  }
0x26: {  	[sflag:s5] =	ssyncadd.s32 $0xFFFFF000  }
0x27: {  	_ =	swait.ge [sflag:s6], $0x1000  }
0x28: {  	[sflag:s6] =	ssyncset.done $0x0  }
0x29: {  	[sflag:s6] =	ssyncadd.s32 $0xFFFFF000  }
0x2a: {  	_ =	swait.ge [sflag:s7], $0x1000  }
0x2b: {  	[sflag:s7] =	ssyncset.done $0x0  }
0x2c: {  	[sflag:s7] =	ssyncadd.s32 $0xFFFFF000  }
0x2d: {  	_ =	swait.ge [sflag:s8], $0x1000  }
0x2e: {  	[sflag:s8] =	ssyncset.done $0x0  }
0x2f: {  	[sflag:s8] =	ssyncadd.s32 $0xFFFFF000  }
0x30: {  	_ =	swait.ge [sflag:s21], $0x1000  }
0x31: {  	[sflag:s21] =	ssyncset.done $0x0  }
0x32: {  	s10 =	simm.s32 $0x2700;
	[sflag:s21] =	ssyncadd.s32 $0xFFFFF000  }
0x33: {  	[tilespmem:s0], [sflag:$0x1] =	stream.indirect.gather [hbm4b:s4+s9], $0x20, s10, s9, $0x2000b8;
	[tilespmem:$0x1C8A0] =	vst v63  }
0x34: {  	_ =	swait.ge [sflag:s25], $0x200  }
0x35: {  	[sflag:s25] =	ssyncset.done $0x0  }
0x36: {  	s16 =	simm.s32 $0x4E10;
	[sflag:s25] =	ssyncadd.s32 $0xFFFFFE00  }
0x37: {  	[spmem:s2] =	stream.indirect.scatter.add.f32 [tilespmem:s0], [sflag:$0xD], $0x20, s16, s9, $0x2000b8;
	[tilespmem:$0x1C8A0] =	vst v63  }
0x38: {  	_ =	swait.ge [sflag:s29], $0x200  }
0x39: {  	[sflag:s29] =	ssyncset.done $0x0  }
0x3a: {  	[sflag:s29] =	ssyncadd.s32 $0xFFFFFE00  }
0x3b: {  	_ =	strace $0x9000004C  }
0x3c: {  	[bflag:$0x0] =	sbarrier.arrive $0xFFFF  }
0x3d: {  	s13 =	simm.s32 $0x4;
	s17 =	rddreg [dreg:$0x12]  }
0x3e: {  	[hbm:s17@s9], [sflag:s11] =	dma.strided [spmem:s12@s13], $0xA00, s25, $0x4   }
0x3f: {  	_ =	swait.ge [sflag:s29], $0xA00  }
0x40: {  	s22 =	sadd.s32 $0x1, s22;
	s18 =	rddreg [dreg:$0x13]  }
0x41: {  	p1 =	sne.s32 s22, s18  }
.Ltmp1:
0x42: {  	_ = 	snop;
	(pc) =	sbr.rel @!p1 .LBB2_22-.Ltmp1, $3  }
0x43: {  	_ =	sdelay $0x1  }
0x44: {  	[sflag:s29] =	ssyncset.done $0x0  }
0x45: {  	[sflag:s29] =	ssyncadd.s32 $0xFFFFF600  }
.LBB2_1:
0x46: {  	s11 =	simm.s32 $0x0;
	s12 =	simm.s32 $0x200  }
.LBB2_2:
0x47: {  	p1 =	sne.s32 s12, $0x9E00;
	[tilespmem:s11+$0x4E90] =	vst v1  }
0x48: {  	[tilespmem:s11+$0x4E20] =	vst v1  }
0x49: {  	[tilespmem:s11+$0x4E30] =	vst v1  }
.Ltmp2:
0x4a: {  	[tilespmem:s11+$0x4E40] =	vst v1;
	(pc) =	sbr.rel @p1 .LBB2_2-.Ltmp2, $4  }
0x4b: {  	[tilespmem:s11+$0x4E50] =	vst v1  }
0x4c: {  	[tilespmem:s11+$0x4E60] =	vst v1  }
0x4d: {  	[tilespmem:s11+$0x4E70] =	vst v1  }
0x4e: {  	[tilespmem:s11+$0x4E80] =	vst v1;
	s11 =	sshra.s32 s12, $0x2;
	s12 =	sadd.s32 $0x200, s12  }
0x4f: {  	[tilespmem:s11+$0x4E90] =	vst v1  }
0x50: {  	[tilespmem:s11+$0x4E20] =	vst v1  }
0x51: {  	[tilespmem:s11+$0x4E30] =	vst v1  }
0x52: {  	[tilespmem:s11+$0x4E40] =	vst v1  }
0x53: {  	[tilespmem:s11+$0x4E50] =	vst v1  }
0x54: {  	[tilespmem:s11+$0x4E60] =	vst v1  }
0x55: {  	[tilespmem:s11+$0x4E70] =	vst v1  }
0x56: {  	[tilespmem:s11+$0x4E80] =	vst v1  }
0x57: {  	_ =	strace $0x80000048  }
0x58: {  	s11 =	simm.s32 $0x0;
	s10 =	rddreg [dreg:$0x4]  }
0x59: {  	[tilespmem:s19], [sflag:$0x1] =	stream.linear.gather [hbm4b:s10+s11], $0x2710, $0x200038;
	[tilespmem:$0x1C8A0] =	vst v63  }
0x5a: {  	s18 =	rddreg [dreg:$0x5]  }
0x5b: {  	[tilespmem:s11], [sflag:$0x2] =	stream.linear.gather [hbm4b:s18+s11], $0x2710, $0x200038;
	[tilespmem:$0x1C8A0] =	vst v63  }
0x5c: {  	s19 =	rddreg [dreg:$0x6]  }
0x5d: {  	[tilespmem:s24], [sflag:$0x3] =	stream.strided.gather [hbm4b:s19+s20], $0x2800, s23, s20, $0x200038;
	[tilespmem:$0x1C8A0] =	vst v63  }
0x5e: {  	_ =	swait.ge [sflag:s25], $0x2710  }
0x5f: {  	[sflag:s25] =	ssyncset.done $0x0  }
0x60: {  	[sflag:s25] =	ssyncadd.s32 $0xFFFFD8F0  }
.LBB2_4:
0x61: {  	s12 =	sshra.s32 s11, $0x2  }
0x62: {  	v3 =	vld [tilespmem:s12+$0x2710];
	_ =	sdelay $0x7  }
0x63: {  	[tilespmem:v3+s26+$0x0] =	vst.idx.add.f32.msk $0xffff, v2  }
0x64: {  	v3 =	vld [tilespmem:s12+$0x2720];
	_ =	sdelay $0x7  }
0x65: {  	[tilespmem:v3+s26+$0x0] =	vst.idx.add.f32.msk $0xffff, v2  }
0x66: {  	v3 =	vld [tilespmem:s12+$0x2730];
	_ =	sdelay $0x7  }
0x67: {  	[tilespmem:v3+s26+$0x0] =	vst.idx.add.f32.msk $0xffff, v2  }
0x68: {  	v3 =	vld [tilespmem:s12+$0x2740];
	_ =	sdelay $0x7  }
0x69: {  	[tilespmem:v3+s26+$0x0] =	vst.idx.add.f32.msk $0xffff, v2  }
0x6a: {  	v3 =	vld [tilespmem:s12+$0x2750];
	_ =	sdelay $0x7  }
0x6b: {  	[tilespmem:v3+s26+$0x0] =	vst.idx.add.f32.msk $0xffff, v2  }
0x6c: {  	v3 =	vld [tilespmem:s12+$0x2760];
	_ =	sdelay $0x7  }
0x6d: {  	[tilespmem:v3+s26+$0x0] =	vst.idx.add.f32.msk $0xffff, v2  }
0x6e: {  	v3 =	vld [tilespmem:s12+$0x2770];
	_ =	sdelay $0x7  }
0x6f: {  	[tilespmem:v3+s26+$0x0] =	vst.idx.add.f32.msk $0xffff, v2  }
0x70: {  	v3 =	vld [tilespmem:s12+$0x2780];
	_ =	sdelay $0x7  }
0x71: {  	[tilespmem:v3+s26+$0x0] =	vst.idx.add.f32.msk $0xffff, v2  }
0x72: {  	v3 =	vld [tilespmem:s12+$0x2790];
	_ =	sdelay $0x7  }
0x73: {  	[tilespmem:v3+s26+$0x0] =	vst.idx.add.f32.msk $0xffff, v2  }
0x74: {  	v3 =	vld [tilespmem:s12+$0x27A0];
	_ =	sdelay $0x7  }
0x75: {  	[tilespmem:v3+s26+$0x0] =	vst.idx.add.f32.msk $0xffff, v2  }
0x76: {  	v3 =	vld [tilespmem:s12+$0x27B0];
	_ =	sdelay $0x7  }
0x77: {  	[tilespmem:v3+s26+$0x0] =	vst.idx.add.f32.msk $0xffff, v2  }
0x78: {  	v3 =	vld [tilespmem:s12+$0x27C0];
	_ =	sdelay $0x7  }
0x79: {  	[tilespmem:v3+s26+$0x0] =	vst.idx.add.f32.msk $0xffff, v2  }
0x7a: {  	v3 =	vld [tilespmem:s12+$0x27D0];
	_ =	sdelay $0x7  }
0x7b: {  	[tilespmem:v3+s26+$0x0] =	vst.idx.add.f32.msk $0xffff, v2  }
0x7c: {  	v3 =	vld [tilespmem:s12+$0x27E0];
	_ =	sdelay $0x7  }
0x7d: {  	[tilespmem:v3+s26+$0x0] =	vst.idx.add.f32.msk $0xffff, v2  }
0x7e: {  	v3 =	vld [tilespmem:s12+$0x27F0];
	_ =	sdelay $0x7  }
0x7f: {  	[tilespmem:v3+s26+$0x0] =	vst.idx.add.f32.msk $0xffff, v2  }
0x80: {  	v3 =	vld [tilespmem:s12+$0x2800];
	_ =	sdelay $0x7  }
0x81: {  	[tilespmem:v3+s26+$0x0] =	vst.idx.add.f32.msk $0xffff, v2  }
0x82: {  	v3 =	vld [tilespmem:s12+$0x2810];
	_ =	sdelay $0x7  }
0x83: {  	[tilespmem:v3+s26+$0x0] =	vst.idx.add.f32.msk $0xffff, v2  }
0x84: {  	v3 =	vld [tilespmem:s12+$0x2820];
	_ =	sdelay $0x7  }
0x85: {  	[tilespmem:v3+s26+$0x0] =	vst.idx.add.f32.msk $0xffff, v2  }
0x86: {  	v3 =	vld [tilespmem:s12+$0x2830];
	_ =	sdelay $0x7  }
0x87: {  	[tilespmem:v3+s26+$0x0] =	vst.idx.add.f32.msk $0xffff, v2  }
0x88: {  	v3 =	vld [tilespmem:s12+$0x2840];
	_ =	sdelay $0x7  }
0x89: {  	[tilespmem:v3+s26+$0x0] =	vst.idx.add.f32.msk $0xffff, v2  }
0x8a: {  	v3 =	vld [tilespmem:s12+$0x2850];
	_ =	sdelay $0x7  }
0x8b: {  	[tilespmem:v3+s26+$0x0] =	vst.idx.add.f32.msk $0xffff, v2  }
0x8c: {  	v3 =	vld [tilespmem:s12+$0x2860];
	_ =	sdelay $0x7  }
0x8d: {  	[tilespmem:v3+s26+$0x0] =	vst.idx.add.f32.msk $0xffff, v2  }
0x8e: {  	v3 =	vld [tilespmem:s12+$0x2870];
	_ =	sdelay $0x7  }
0x8f: {  	[tilespmem:v3+s26+$0x0] =	vst.idx.add.f32.msk $0xffff, v2  }
0x90: {  	v3 =	vld [tilespmem:s12+$0x2880];
	_ =	sdelay $0x7  }
0x91: {  	[tilespmem:v3+s26+$0x0] =	vst.idx.add.f32.msk $0xffff, v2  }
0x92: {  	v3 =	vld [tilespmem:s12+$0x2890];
	_ =	sdelay $0x2  }
0x93: {  	p1 =	sne.s32 s11, $0x9600  }
.Ltmp3:
0x94: {  	_ = 	snop;
	(pc) =	sbr.rel @p1 .LBB2_4-.Ltmp3, $2  }
0x95: {  	_ =	sdelay $0x2  }
0x96: {  	s11 =	sadd.s32 $0x640, s11;
	[tilespmem:v3+s26+$0x0] =	vst.idx.add.f32.msk $0xffff, v2  }
0x97: {  	_ =	swait.ge [sflag:s28], $0x2710  }
0x98: {  	[sflag:s28] =	ssyncset.done $0x0  }
0x99: {  	s11 =	simm.s32 $0x0;
	[sflag:s28] =	ssyncadd.s32 $0xFFFFD8F0  }
.LBB2_6:
0x9a: {  	s12 =	sshra.s32 s11, $0x2  }
0x9b: {  	v3 =	vld [tilespmem:s12+$0x0];
	_ =	sdelay $0x7  }
0x9c: {  	[tilespmem:v3+s26+$0x0] =	vst.idx.add.f32.msk $0xffff, v2  }
0x9d: {  	v3 =	vld [tilespmem:s12+$0x10];
	_ =	sdelay $0x7  }
0x9e: {  	[tilespmem:v3+s26+$0x0] =	vst.idx.add.f32.msk $0xffff, v2  }
0x9f: {  	v3 =	vld [tilespmem:s12+$0x20];
	_ =	sdelay $0x7  }
0xa0: {  	[tilespmem:v3+s26+$0x0] =	vst.idx.add.f32.msk $0xffff, v2  }
0xa1: {  	v3 =	vld [tilespmem:s12+$0x30];
	_ =	sdelay $0x7  }
0xa2: {  	[tilespmem:v3+s26+$0x0] =	vst.idx.add.f32.msk $0xffff, v2  }
0xa3: {  	v3 =	vld [tilespmem:s12+$0x40];
	_ =	sdelay $0x7  }
0xa4: {  	[tilespmem:v3+s26+$0x0] =	vst.idx.add.f32.msk $0xffff, v2  }
0xa5: {  	v3 =	vld [tilespmem:s12+$0x50];
	_ =	sdelay $0x7  }
0xa6: {  	[tilespmem:v3+s26+$0x0] =	vst.idx.add.f32.msk $0xffff, v2  }
0xa7: {  	v3 =	vld [tilespmem:s12+$0x60];
	_ =	sdelay $0x7  }
0xa8: {  	[tilespmem:v3+s26+$0x0] =	vst.idx.add.f32.msk $0xffff, v2  }
0xa9: {  	v3 =	vld [tilespmem:s12+$0x70];
	_ =	sdelay $0x7  }
0xaa: {  	[tilespmem:v3+s26+$0x0] =	vst.idx.add.f32.msk $0xffff, v2  }
0xab: {  	v3 =	vld [tilespmem:s12+$0x80];
	_ =	sdelay $0x7  }
0xac: {  	[tilespmem:v3+s26+$0x0] =	vst.idx.add.f32.msk $0xffff, v2  }
0xad: {  	v3 =	vld [tilespmem:s12+$0x90];
	_ =	sdelay $0x7  }
0xae: {  	[tilespmem:v3+s26+$0x0] =	vst.idx.add.f32.msk $0xffff, v2  }
0xaf: {  	v3 =	vld [tilespmem:s12+$0xA0];
	_ =	sdelay $0x7  }
0xb0: {  	[tilespmem:v3+s26+$0x0] =	vst.idx.add.f32.msk $0xffff, v2  }
0xb1: {  	v3 =	vld [tilespmem:s12+$0xB0];
	_ =	sdelay $0x7  }
0xb2: {  	[tilespmem:v3+s26+$0x0] =	vst.idx.add.f32.msk $0xffff, v2  }
0xb3: {  	v3 =	vld [tilespmem:s12+$0xC0];
	_ =	sdelay $0x7  }
0xb4: {  	[tilespmem:v3+s26+$0x0] =	vst.idx.add.f32.msk $0xffff, v2  }
0xb5: {  	v3 =	vld [tilespmem:s12+$0xD0];
	_ =	sdelay $0x7  }
0xb6: {  	[tilespmem:v3+s26+$0x0] =	vst.idx.add.f32.msk $0xffff, v2  }
0xb7: {  	v3 =	vld [tilespmem:s12+$0xE0];
	_ =	sdelay $0x7  }
0xb8: {  	[tilespmem:v3+s26+$0x0] =	vst.idx.add.f32.msk $0xffff, v2  }
0xb9: {  	v3 =	vld [tilespmem:s12+$0xF0];
	_ =	sdelay $0x7  }
0xba: {  	[tilespmem:v3+s26+$0x0] =	vst.idx.add.f32.msk $0xffff, v2  }
0xbb: {  	v3 =	vld [tilespmem:s12+$0x100];
	_ =	sdelay $0x7  }
0xbc: {  	[tilespmem:v3+s26+$0x0] =	vst.idx.add.f32.msk $0xffff, v2  }
0xbd: {  	v3 =	vld [tilespmem:s12+$0x110];
	_ =	sdelay $0x7  }
0xbe: {  	[tilespmem:v3+s26+$0x0] =	vst.idx.add.f32.msk $0xffff, v2  }
0xbf: {  	v3 =	vld [tilespmem:s12+$0x120];
	_ =	sdelay $0x7  }
0xc0: {  	[tilespmem:v3+s26+$0x0] =	vst.idx.add.f32.msk $0xffff, v2  }
0xc1: {  	v3 =	vld [tilespmem:s12+$0x130];
	_ =	sdelay $0x7  }
0xc2: {  	[tilespmem:v3+s26+$0x0] =	vst.idx.add.f32.msk $0xffff, v2  }
0xc3: {  	v3 =	vld [tilespmem:s12+$0x140];
	_ =	sdelay $0x7  }
0xc4: {  	[tilespmem:v3+s26+$0x0] =	vst.idx.add.f32.msk $0xffff, v2  }
0xc5: {  	v3 =	vld [tilespmem:s12+$0x150];
	_ =	sdelay $0x7  }
0xc6: {  	[tilespmem:v3+s26+$0x0] =	vst.idx.add.f32.msk $0xffff, v2  }
0xc7: {  	v3 =	vld [tilespmem:s12+$0x160];
	_ =	sdelay $0x7  }
0xc8: {  	[tilespmem:v3+s26+$0x0] =	vst.idx.add.f32.msk $0xffff, v2  }
0xc9: {  	v3 =	vld [tilespmem:s12+$0x170];
	_ =	sdelay $0x7  }
0xca: {  	[tilespmem:v3+s26+$0x0] =	vst.idx.add.f32.msk $0xffff, v2  }
0xcb: {  	v3 =	vld [tilespmem:s12+$0x180];
	_ =	sdelay $0x2  }
0xcc: {  	p1 =	sne.s32 s11, $0x9600  }
.Ltmp4:
0xcd: {  	_ = 	snop;
	(pc) =	sbr.rel @p1 .LBB2_6-.Ltmp4, $2  }
0xce: {  	_ =	sdelay $0x2  }
0xcf: {  	s11 =	sadd.s32 $0x640, s11;
	[tilespmem:v3+s26+$0x0] =	vst.idx.add.f32.msk $0xffff, v2  }
0xd0: {  	s10 =	rddreg [dreg:$0x7]  }
0xd1: {  	[spmem:s10] =	stream.linear.scatter [tilespmem:s26], [sflag:$0xD], $0x2800, $0x200038;
	[tilespmem:$0x1C8A0] =	vst v63  }
0xd2: {  	_ =	swait.ge [sflag:s29], $0x2800  }
0xd3: {  	[sflag:s29] =	ssyncset.done $0x0  }
0xd4: {  	[sflag:s29] =	ssyncadd.s32 $0xFFFFD800  }
0xd5: {  	s11 =	simm.s32 $0x280;
	[bflag:$0x0] =	sbarrier.arrive $0xFFFF  }
0xd6: {  	s12 =	simm.s32 $0x2800;
	s13 =	simm.s32 $0x7620;
	s20 =	rddreg [dreg:$0x8]  }
0xd7: {  	[tilespmem:s13], [sflag:$0xD] =	stream.strided.gather [spmem:s20], $0x2800, s12, s11, $0x200038;
	[tilespmem:$0x1C8A0] =	vst v63  }
0xd8: {  	_ =	swait.ge [sflag:s29], $0x2800  }
0xd9: {  	[sflag:s29] =	ssyncset.done $0x0  }
0xda: {  	[sflag:s29] =	ssyncadd.s32 $0xFFFFD800  }
0xdb: {  	_ =	strace $0x90000048  }
0xdc: {  	s14 =	simm.s32 $0x0;
	_ =	strace $0x80000049  }
0xdd: {  	v3 =	vld [tilespmem:s14+$0x7620];
	_ =	sdelay $0x1  }
0xde: {  	v4 =	vld [tilespmem:s14+$0x78A0];
	_ =	sdelay $0x1  }
0xdf: {  	v5 =	vld [tilespmem:s14+$0x7B20]  }
0xe0: {  	v3 =	vadd.f32 $0.0e+00, v3  }
0xe1: {  	v6 =	vld [tilespmem:s14+$0x7DA0]  }
0xe2: {  	v3 =	vadd.f32 v4, v3  }
0xe3: {  	v4 =	vld [tilespmem:s14+$0x8020]  }
0xe4: {  	v3 =	vadd.f32 v5, v3  }
0xe5: {  	v5 =	vld [tilespmem:s14+$0x82A0]  }
0xe6: {  	v3 =	vadd.f32 v6, v3  }
0xe7: {  	v6 =	vld [tilespmem:s14+$0x8520]  }
0xe8: {  	v7 =	vld [tilespmem:s14+$0x8A20];
	v3 =	vadd.f32 v4, v3  }
0xe9: {  	v4 =	vld [tilespmem:s14+$0x87A0]  }
0xea: {  	s13 =	simm.s32 $0x10;
	v8 =	vld [tilespmem:s14+$0x8CA0];
	v3 =	vadd.f32 v5, v3  }
0xeb: {  	v5 =	vld [tilespmem:s13+$0x7620]  }
0xec: {  	v9 =	vld [tilespmem:s14+$0x8F20];
	v3 =	vadd.f32 v6, v3  }
0xed: {  	v6 =	vld [tilespmem:s13+$0x78A0]  }
0xee: {  	v10 =	vld [tilespmem:s14+$0x91A0];
	v3 =	vadd.f32 v4, v3  }
0xef: {  	v4 =	vld [tilespmem:s13+$0x7B20]  }
0xf0: {  	v11 =	vld [tilespmem:s14+$0x9BA0];
	v5 =	vadd.f32 $0.0e+00, v5;
	v3 =	vadd.f32 v7, v3  }
0xf1: {  	v7 =	vld [tilespmem:s13+$0x7DA0]  }
0xf2: {  	v5 =	vadd.f32 v6, v5;
	v6 =	vld [tilespmem:s13+$0x8020];
	v3 =	vadd.f32 v8, v3  }
0xf3: {  	v8 =	vld [tilespmem:s14+$0x9420]  }
0xf4: {  	v4 =	vadd.f32 v4, v5;
	v5 =	vld [tilespmem:s13+$0x82A0];
	v3 =	vadd.f32 v9, v3  }
0xf5: {  	v9 =	vld [tilespmem:s14+$0x96A0]  }
0xf6: {  	v4 =	vadd.f32 v7, v4;
	v7 =	vld [tilespmem:s13+$0x8520];
	v3 =	vadd.f32 v10, v3  }
0xf7: {  	s11 =	simm.s32 $0x20;
	v10 =	vld [tilespmem:s14+$0x9920]  }
0xf8: {  	v15 =	vld [tilespmem:s11+$0x87A0];
	v4 =	vadd.f32 v6, v4;
	v3 =	vadd.f32 v8, v3  }
0xf9: {  	v6 =	vld [tilespmem:s13+$0x87A0]  }
0xfa: {  	v4 =	vadd.f32 v5, v4;
	v5 =	vld [tilespmem:s11+$0x7620];
	v3 =	vadd.f32 v9, v3  }
0xfb: {  	v8 =	vld [tilespmem:s13+$0x8A20]  }
0xfc: {  	v4 =	vadd.f32 v7, v4;
	v7 =	vld [tilespmem:s11+$0x78A0];
	v3 =	vadd.f32 v10, v3  }
0xfd: {  	v9 =	vld [tilespmem:s13+$0x8CA0]  }
0xfe: {  	v4 =	vadd.f32 v6, v4;
	v6 =	vld [tilespmem:s11+$0x7B20];
	v13 =	vadd.f32 v11, v3  }
0xff: {  	v10 =	vld [tilespmem:s13+$0x8F20];
	v3 =	vadd.f32 $0.0e+00, v5  }
0x100: {  	v4 =	vadd.f32 v8, v4;
	v8 =	vld [tilespmem:s11+$0x7DA0];
	v11 =	vshrl.u32 v13, $0x1;
	v12 =	vmul.f32 $5.000000000e-01, v13  }
0x101: {  	v5 =	vld [tilespmem:s13+$0x91A0];
	v3 =	vadd.f32 v7, v3;
	v11 =	vsub.s32 $0x5F3759DF, v11  }
0x102: {  	v4 =	vadd.f32 v9, v4;
	v9 =	vld [tilespmem:s11+$0x8020];
	v14 =	vmul.f32 v11, v12  }
0x103: {  	v3 =	vadd.f32 v6, v3;
	v6 =	vld [tilespmem:s13+$0x9420]  }
0x104: {  	v4 =	vadd.f32 v10, v4;
	v10 =	vld [tilespmem:s11+$0x82A0];
	v14 =	vmul.f32 v11, v14  }
0x105: {  	v3 =	vadd.f32 v8, v3;
	v8 =	vld [tilespmem:s13+$0x96A0]  }
0x106: {  	v4 =	vadd.f32 v5, v4;
	v5 =	vld [tilespmem:s11+$0x8520];
	v14 =	vsub.f32 $1.500000000e+00, v14  }
0x107: {  	v3 =	vadd.f32 v9, v3;
	v9 =	vld [tilespmem:s13+$0x9920]  }
0x108: {  	v7 =	vld [tilespmem:s13+$0x9BA0];
	v4 =	vadd.f32 v6, v4;
	v6 =	vmul.f32 v11, v14  }
0x109: {  	s12 =	simm.s32 $0x30;
	v3 =	vadd.f32 v10, v3;
	v10 =	vld [tilespmem:s11+$0x8A20]  }
0x10a: {  	v11 =	vld [tilespmem:s12+$0x7620];
	v4 =	vadd.f32 v8, v4;
	v8 =	vmul.f32 v6, v12  }
0x10b: {  	v16 =	vld [tilespmem:s12+$0x78A0];
	v3 =	vadd.f32 v5, v3  }
0x10c: {  	v14 =	vld [tilespmem:s11+$0x8CA0];
	v4 =	vadd.f32 v9, v4;
	v5 =	vmul.f32 v8, v6  }
0x10d: {  	v9 =	vld [tilespmem:s12+$0x7B20];
	v3 =	vadd.f32 v15, v3  }
0x10e: {  	v8 =	vld [tilespmem:s11+$0x8F20];
	v4 =	vadd.f32 v7, v4;
	v7 =	vsub.f32 $1.500000000e+00, v5  }
0x10f: {  	vm0 =	vgt.f32 v13, $0.0e+00;
	v15 =	vld [tilespmem:s12+$0x7DA0];
	v11 =	vadd.f32 $0.0e+00, v11;
	v3 =	vadd.f32 v10, v3  }
0x110: {  	s15 =	simm.s32 $0x40;
	v10 =	vld [tilespmem:s11+$0x91A0];
	v17 =	vshrl.u32 v4, $0x1;
	v5 =	vmul.f32 $5.000000000e-01, v4;
	v18 =	vmul.f32 v7, v6  }
0x111: {  	v13 =	vld [tilespmem:s15+$0x7620];
	v6 =	vadd.f32 v16, v11;
	v7 =	vadd.f32 v14, v3;
	v11 =	vsub.s32 $0x5F3759DF, v17  }
0x112: {  	v14 =	vld [tilespmem:s12+$0x8020];
	v16 =	vmul.f32 v11, v5;
	v12 =	vmul.f32 v18, v12  }
0x113: {  	v6 =	vadd.f32 v9, v6;
	v7 =	vadd.f32 v8, v7;
	v8 =	vld [tilespmem:s11+$0x9420]  }
0x114: {  	v17 =	vld [tilespmem:s12+$0x82A0];
	v16 =	vmul.f32 v11, v16;
	v12 =	vmul.f32 v12, v18  }
0x115: {  	v6 =	vadd.f32 v15, v6;
	v10 =	vadd.f32 v10, v7;
	v15 =	vld [tilespmem:s11+$0x96A0]  }
0x116: {  	v9 =	vld [tilespmem:s12+$0x8520];
	v16 =	vsub.f32 $1.500000000e+00, v16;
	v12 =	vsub.f32 $1.500000000e+00, v12  }
0x117: {  	v14 =	vadd.f32 v14, v6;
	v6 =	vld [tilespmem:s11+$0x9920]  }
0x118: {  	v7 =	vld [tilespmem:s12+$0x87A0];
	v10 =	vadd.f32 v8, v10;
	v11 =	vmul.f32 v11, v16;
	v16 =	vmul.f32 v12, v18  }
0x119: {  	v3 =	vld [tilespmem:s11+$0x9BA0];
	v12 =	vadd.f32 v17, v14  }
0x11a: {  	s16 =	simm.s32 $0x140;
	v8 =	vld [tilespmem:s12+$0x8A20];
	v10 =	vadd.f32 v15, v10;
	v14 =	vmul.f32 v11, v5;
	v15 =	vnsel vm0, $0x0, v16  }
.LBB2_8:
0x11b: {  	p1 =	sne.s32 s16, $0x9C0;
	v9 =	vadd.f32 v9, v12;
	v12 =	vld [tilespmem:s12+$0x8CA0];
	[tilespmem:s14+$0xEE20] =	vst v15;
	s14 =	smov.u32 s13;
	s13 =	smov.u32 s11  }
0x11c: {  	s11 =	smov.u32 s12;
	s12 =	smov.u32 s15;
	v15 =	vld [tilespmem:s15+$0x78A0];
	v6 =	vadd.f32 v6, v10;
	v10 =	vmul.f32 v14, v11  }
0x11d: {  	v7 =	vadd.f32 v7, v9;
	v9 =	vld [tilespmem:s11+$0x8F20]  }
0x11e: {  	v14 =	vld [tilespmem:s12+$0x7B20];
	v16 =	vadd.f32 v3, v6;
	v3 =	vsub.f32 $1.500000000e+00, v10  }
0x11f: {  	v6 =	vadd.f32 $0.0e+00, v13;
	v7 =	vadd.f32 v8, v7;
	v8 =	vld [tilespmem:s11+$0x91A0]  }
0x120: {  	v10 =	vld [tilespmem:s12+$0x7DA0];
	v13 =	vshrl.u32 v16, $0x1;
	v17 =	vmul.f32 $5.000000000e-01, v16;
	v18 =	vmul.f32 v3, v11  }
0x121: {  	v6 =	vadd.f32 v15, v6;
	v7 =	vadd.f32 v12, v7;
	v3 =	vld [tilespmem:s11+$0x9BA0];
	v11 =	vsub.s32 $0x5F3759DF, v13  }
0x122: {  	v12 =	vld [tilespmem:s12+$0x8020];
	v13 =	vmul.f32 v11, v17;
	v15 =	vmul.f32 v18, v5;
	v5 =	vmov v17  }
0x123: {  	v6 =	vadd.f32 v14, v6;
	v7 =	vadd.f32 v9, v7;
	v14 =	vld [tilespmem:s11+$0x9420]  }
0x124: {  	v17 =	vld [tilespmem:s12+$0x82A0];
	v13 =	vmul.f32 v11, v13;
	v15 =	vmul.f32 v15, v18  }
0x125: {  	v6 =	vadd.f32 v10, v6;
	v8 =	vadd.f32 v8, v7;
	v10 =	vld [tilespmem:s11+$0x96A0]  }
.Ltmp5:
0x126: {  	v9 =	vld [tilespmem:s12+$0x8520];
	v13 =	vsub.f32 $1.500000000e+00, v13;
	v15 =	vsub.f32 $1.500000000e+00, v15;
	(pc) =	sbr.rel @p1 .LBB2_8-.Ltmp5, $4  }
0x127: {  	v12 =	vadd.f32 v12, v6;
	v6 =	vld [tilespmem:s11+$0x9920]  }
0x128: {  	v7 =	vld [tilespmem:s12+$0x87A0];
	v14 =	vadd.f32 v14, v8;
	v11 =	vmul.f32 v11, v13;
	v15 =	vmul.f32 v15, v18  }
0x129: {  	vm0 =	vgt.f32 v4, $0.0e+00;
	s15 =	sshra.s32 s16, $0x2;
	v4 =	vmov v16;
	v12 =	vadd.f32 v17, v12;
	v8 =	vld [tilespmem:s12+$0x8A20]  }
0x12a: {  	s16 =	sadd.s32 $0x40, s16;
	v13 =	vld [tilespmem:s15+$0x7620];
	v10 =	vadd.f32 v10, v14;
	v14 =	vmul.f32 v11, v5;
	v15 =	vnsel vm0, $0x0, v15  }
0x12b: {  	v16 =	vld [tilespmem:s12+$0x8CA0];
	[tilespmem:s14+$0xEE20] =	vst v15  }
0x12c: {  	v15 =	vld [tilespmem:s15+$0x78A0];
	_ =	sdelay $0x1  }
0x12d: {  	v14 =	vmul.f32 v14, v11;
	v17 =	vld [tilespmem:s15+$0x7B20]  }
0x12e: {  	v13 =	vadd.f32 $0.0e+00, v13  }
0x12f: {  	v18 =	vld [tilespmem:s15+$0x7DA0];
	v14 =	vsub.f32 $1.500000000e+00, v14  }
0x130: {  	v13 =	vadd.f32 v15, v13  }
0x131: {  	v38 =	vld [tilespmem:s15+$0x8020];
	v37 =	vmul.f32 v14, v11  }
0x132: {  	v19 =	vld [tilespmem:s12+$0x8F20];
	v13 =	vadd.f32 v17, v13  }
0x133: {  	v40 =	vld [tilespmem:s15+$0x82A0];
	v5 =	vmul.f32 v37, v5  }
0x134: {  	v39 =	vld [tilespmem:s12+$0x91A0];
	v13 =	vadd.f32 v18, v13  }
0x135: {  	v41 =	vld [tilespmem:s15+$0x8520];
	v5 =	vmul.f32 v5, v37  }
0x136: {  	v20 =	vld [tilespmem:s12+$0x9BA0];
	v13 =	vadd.f32 v38, v13  }
0x137: {  	v42 =	vld [tilespmem:s15+$0x87A0];
	v5 =	vsub.f32 $1.500000000e+00, v5  }
0x138: {  	v21 =	vld [tilespmem:s12+$0x9420];
	v13 =	vadd.f32 v40, v13  }
0x139: {  	v9 =	vadd.f32 v9, v12;
	v44 =	vld [tilespmem:s15+$0x8A20];
	v5 =	vmul.f32 v5, v37  }
0x13a: {  	vm0 =	vgt.f32 v4, $0.0e+00;
	v43 =	vld [tilespmem:s12+$0x96A0];
	v4 =	vadd.f32 v41, v13  }
0x13b: {  	v46 =	vld [tilespmem:s15+$0x8CA0];
	v7 =	vadd.f32 v7, v9;
	v5 =	vnsel vm0, $0x0, v5  }
0x13c: {  	v45 =	vld [tilespmem:s12+$0x9920];
	[tilespmem:s13+$0xEE20] =	vst v5;
	v4 =	vadd.f32 v42, v4  }
0x13d: {  	v5 =	vadd.f32 v8, v7;
	v7 =	vld [tilespmem:s15+$0x8F20]  }
0x13e: {  	v4 =	vadd.f32 v44, v4  }
0x13f: {  	v47 =	vld [tilespmem:s15+$0x91A0];
	v5 =	vadd.f32 v16, v5  }
0x140: {  	v4 =	vadd.f32 v46, v4  }
0x141: {  	v48 =	vld [tilespmem:s15+$0x9420];
	v5 =	vadd.f32 v19, v5  }
0x142: {  	v4 =	vadd.f32 v7, v4  }
0x143: {  	v5 =	vadd.f32 v39, v5;
	v7 =	vld [tilespmem:s15+$0x96A0]  }
0x144: {  	v4 =	vadd.f32 v47, v4  }
0x145: {  	v49 =	vld [tilespmem:s15+$0x9920];
	v5 =	vadd.f32 v21, v5  }
0x146: {  	v4 =	vadd.f32 v48, v4  }
0x147: {  	v6 =	vadd.f32 v6, v10;
	v50 =	vld [tilespmem:s15+$0x9BA0];
	v5 =	vadd.f32 v43, v5  }
0x148: {  	v4 =	vadd.f32 v7, v4  }
0x149: {  	v3 =	vadd.f32 v3, v6;
	v5 =	vadd.f32 v45, v5  }
0x14a: {  	v4 =	vadd.f32 v49, v4  }
0x14b: {  	v6 =	vshrl.u32 v3, $0x1;
	v7 =	vmul.f32 $5.000000000e-01, v3;
	v5 =	vadd.f32 v20, v5  }
0x14c: {  	v6 =	vsub.s32 $0x5F3759DF, v6;
	v4 =	vadd.f32 v50, v4  }
0x14d: {  	v51 =	vmul.f32 v6, v7;
	v52 =	vshrl.u32 v5, $0x1;
	v53 =	vmul.f32 $5.000000000e-01, v5  }
0x14e: {  	v9 =	vsub.s32 $0x5F3759DF, v52;
	v54 =	vshrl.u32 v4, $0x1;
	v55 =	vmul.f32 $5.000000000e-01, v4  }
0x14f: {  	v56 =	vmul.f32 v9, v53;
	v11 =	vsub.s32 $0x5F3759DF, v54  }
0x150: {  	v8 =	vmul.f32 v6, v51;
	v57 =	vmul.f32 v11, v55  }
0x151: {  	v13 =	vmul.f32 v9, v56  }
0x152: {  	v8 =	vsub.f32 $1.500000000e+00, v8;
	v14 =	vmul.f32 v11, v57  }
0x153: {  	v13 =	vsub.f32 $1.500000000e+00, v13  }
0x154: {  	v6 =	vmul.f32 v6, v8;
	v58 =	vsub.f32 $1.500000000e+00, v14  }
0x155: {  	v9 =	vmul.f32 v9, v13  }
0x156: {  	v59 =	vmul.f32 v6, v7;
	v8 =	vmul.f32 v11, v58  }
0x157: {  	v60 =	vmul.f32 v9, v53  }
0x158: {  	v13 =	vmul.f32 v59, v6;
	v61 =	vmul.f32 v8, v55  }
0x159: {  	v11 =	vmul.f32 v60, v9  }
0x15a: {  	v13 =	vsub.f32 $1.500000000e+00, v13;
	v14 =	vmul.f32 v61, v8  }
0x15b: {  	v11 =	vsub.f32 $1.500000000e+00, v11  }
0x15c: {  	v6 =	vmul.f32 v13, v6;
	v62 =	vsub.f32 $1.500000000e+00, v14  }
0x15d: {  	v9 =	vmul.f32 v11, v9  }
0x15e: {  	v7 =	vmul.f32 v6, v7;
	v8 =	vmul.f32 v62, v8  }
0x15f: {  	v10 =	vmul.f32 v9, v53  }
0x160: {  	v7 =	vmul.f32 v7, v6;
	v63 =	vmul.f32 v8, v55  }
0x161: {  	v10 =	vmul.f32 v10, v9  }
0x162: {  	v7 =	vsub.f32 $1.500000000e+00, v7;
	v11 =	vmul.f32 v63, v8  }
0x163: {  	v10 =	vsub.f32 $1.500000000e+00, v10  }
0x164: {  	v6 =	vmul.f32 v7, v6;
	v7 =	vsub.f32 $1.500000000e+00, v11  }
0x165: {  	vm13 =	vgt.f32 v3, $0.0e+00;
	v3 =	vmul.f32 v10, v9  }
0x166: {  	s14 =	simm.s32 $0x0;
	vm14 =	vgt.f32 v5, $0.0e+00;
	v6 =	vnsel vm13, $0x0, v6;
	v5 =	vmul.f32 v7, v8  }
0x167: {  	vm15 =	vgt.f32 v4, $0.0e+00;
	v4 =	vmov s14;
	[tilespmem:s11+$0xEE20] =	vst v6;
	v3 =	vnsel vm14, $0x0, v3  }
0x168: {  	v4 =	vand.u32 $0xFFFFFFFC, v4;
	[tilespmem:s12+$0xEE20] =	vst v3;
	v3 =	vnsel vm15, $0x0, v5  }
0x169: {  	[tilespmem:s15+$0xEE20] =	vst v3;
	v3 =	vbroadcast v4, $0x0  }
0x16a: {  	_ =	strace $0x90000049  }
0x16b: {  	s16 =	simm.s32 $0x3;
	_ =	strace $0x8000004A  }
0x16c: {  	_ =	swait.ge [sflag:s16], $0x2800  }
0x16d: {  	[sflag:s16] =	ssyncset.done $0x0  }
0x16e: {  	[sflag:s16] =	ssyncadd.s32 $0xFFFFD800  }
0x16f: {  	s11 =	simm.s32 $0x9E60;
	v3 =	vld.idx.msk [tilespmem:v3+s30+$0x0], $0xffff  }
0x170: {  	v4 =	vld [tilespmem:s11+$0xFFFFFFD0]  }
0x171: {  	v5 =	vld [tilespmem:s11+$0xFFFFFFC0];
	_ =	sdelay $0x1  }
0x172: {  	s17 =	simm.s32 $0x1  }
0x173: {  	v6 =	vmov s17  }
0x174: {  	v6 =	vand.u32 $0xFFFFFFFD, v6;
	v4 =	vmul.f32 v4, v3  }
0x175: {  	v6 =	vbroadcast v6, $0x0;
	v5 =	vmul.f32 v5, v3  }
0x176: {  	[tilespmem:s11+$0xFFFFFFD0] =	vst v4  }
0x177: {  	s12 =	simm.s32 $0xC660;
	[tilespmem:s11+$0xFFFFFFC0] =	vst v5  }
0x178: {  	[tilespmem:s12+$0xFFFFFFC0] =	vst v3  }
0x179: {  	[tilespmem:s12+$0xFFFFFFD0] =	vst v3  }
0x17a: {  	v3 =	vld [tilespmem:s11+$0xFFFFFFE0]  }
0x17b: {  	v4 =	vld.idx.msk [tilespmem:v6+s30+$0x0], $0xffff  }
0x17c: {  	v5 =	vld [tilespmem:s11+$0xFFFFFFF0]  }
0x17d: {  	s18 =	simm.s32 $0x2  }
0x17e: {  	v6 =	vmov s18  }
0x17f: {  	v6 =	vand.u32 $0xFFFFFFFE, v6  }
0x180: {  	v6 =	vbroadcast v6, $0x0;
	v3 =	vmul.f32 v3, v4  }
0x181: {  	v5 =	vmul.f32 v5, v4  }
0x182: {  	[tilespmem:s11+$0xFFFFFFE0] =	vst v3  }
0x183: {  	[tilespmem:s11+$0xFFFFFFF0] =	vst v5  }
0x184: {  	[tilespmem:s12+$0xFFFFFFE0] =	vst v4  }
0x185: {  	[tilespmem:s12+$0xFFFFFFF0] =	vst v4  }
0x186: {  	v3 =	vld.idx.msk [tilespmem:v6+s30+$0x0], $0xffff  }
0x187: {  	v4 =	vld [tilespmem:s11+$0x0]  }
0x188: {  	v5 =	vld [tilespmem:s11+$0x10];
	_ =	sdelay $0x3  }
0x189: {  	v4 =	vmul.f32 v4, v3  }
0x18a: {  	v6 =	vmov s16;
	v5 =	vmul.f32 v5, v3  }
0x18b: {  	[tilespmem:s11+$0x0] =	vst v4  }
0x18c: {  	s19 =	simm.s32 $0x4;
	s20 =	simm.s32 $0x5;
	[tilespmem:s11+$0x10] =	vst v5  }
0x18d: {  	v4 =	vmov s19;
	v5 =	vmov s20;
	[tilespmem:s12+$0x0] =	vst v3  }
0x18e: {  	s13 =	simm.s32 $0xC6E0;
	s14 =	simm.s32 $0x9EE0;
	s15 =	simm.s32 $0x7;
	v4 =	vand.u32 $0xFFFFFFFC, v4;
	v5 =	vand.u32 $0xFFFFFFFD, v5;
	[tilespmem:s12+$0x10] =	vst v3  }
0x18f: {  	s18 =	simm.s32 $0xC6E0;
	s16 =	simm.s32 $0x9EE0;
	s19 =	simm.s32 $0xB;
	v3 =	vbroadcast v4, $0x0;
	v4 =	vbroadcast v5, $0x0;
	v5 =	vld.idx.msk [tilespmem:v6+s30+$0x0], $0xffff  }
.LBB2_10:
0x190: {  	p1 =	sne.s32 s19, $0x13F;
	s16 =	sadd.s32 $0x80, s16;
	s18 =	sadd.s32 $0x80, s18;
	v6 =	vld [tilespmem:s11+$0x20]  }
0x191: {  	s20 =	smov.u32 s19;
	s19 =	sadd.s32 $0x4, s19;
	v7 =	vld [tilespmem:s11+$0x30]  }
0x192: {  	s17 =	sadd.s32 $0xFFFFFFFF, s15;
	s10 =	sadd.s32 $0xFFFFFFFD, s20  }
0x193: {  	v9 =	vmov s17;
	v8 =	vmov s10  }
0x194: {  	v9 =	vand.u32 $0xFFFFFFFE, v9;
	v8 =	vand.u32 $0xFFFFFFFC, v8  }
0x195: {  	v8 =	vbroadcast v8, $0x0;
	v6 =	vmul.f32 v6, v5  }
0x196: {  	v9 =	vbroadcast v9, $0x0;
	v7 =	vmul.f32 v7, v5  }
0x197: {  	[tilespmem:s11+$0x20] =	vst v6  }
0x198: {  	[tilespmem:s11+$0x30] =	vst v7;
	s11 =	smov.u32 s14;
	s14 =	smov.u32 s16  }
0x199: {  	[tilespmem:s12+$0x20] =	vst v5  }
0x19a: {  	[tilespmem:s12+$0x30] =	vst v5;
	s12 =	smov.u32 s13;
	s13 =	smov.u32 s18  }
0x19b: {  	v5 =	vld.idx.msk [tilespmem:v3+s30+$0x0], $0xffff;
	v3 =	vmov v8  }
0x19c: {  	v6 =	vld [tilespmem:s11+$0xFFFFFFD0]  }
0x19d: {  	v7 =	vld [tilespmem:s11+$0xFFFFFFC0];
	_ =	sdelay $0x4  }
0x19e: {  	v6 =	vmul.f32 v6, v5;
	v7 =	vmul.f32 v7, v5;
	_ =	sdelay $0x1  }
0x19f: {  	[tilespmem:s11+$0xFFFFFFD0] =	vst v6  }
0x1a0: {  	[tilespmem:s11+$0xFFFFFFC0] =	vst v7  }
0x1a1: {  	[tilespmem:s12+$0xFFFFFFC0] =	vst v5  }
0x1a2: {  	[tilespmem:s12+$0xFFFFFFD0] =	vst v5  }
0x1a3: {  	v5 =	vld [tilespmem:s11+$0xFFFFFFE0]  }
0x1a4: {  	v4 =	vld.idx.msk [tilespmem:v4+s30+$0x0], $0xffff  }
0x1a5: {  	v6 =	vld [tilespmem:s11+$0xFFFFFFF0];
	_ =	sdelay $0x4  }
0x1a6: {  	v5 =	vmul.f32 v5, v4;
	v6 =	vmul.f32 v6, v4;
	_ =	sdelay $0x1  }
0x1a7: {  	[tilespmem:s11+$0xFFFFFFE0] =	vst v5  }
0x1a8: {  	[tilespmem:s11+$0xFFFFFFF0] =	vst v6  }
0x1a9: {  	[tilespmem:s12+$0xFFFFFFE0] =	vst v4  }
0x1aa: {  	[tilespmem:s12+$0xFFFFFFF0] =	vst v4  }
0x1ab: {  	v5 =	vld.idx.msk [tilespmem:v9+s30+$0x0], $0xffff  }
0x1ac: {  	v6 =	vld [tilespmem:s11+$0x0]  }
0x1ad: {  	v7 =	vld [tilespmem:s11+$0x10]  }
0x1ae: {  	s10 =	sadd.s32 $0xFFFFFFFE, s20  }
0x1af: {  	v4 =	vmov s10  }
0x1b0: {  	v4 =	vand.u32 $0xFFFFFFFD, v4  }
0x1b1: {  	v4 =	vbroadcast v4, $0x0;
	v6 =	vmul.f32 v6, v5  }
0x1b2: {  	v8 =	vmov s15;
	s15 =	smov.u32 s20;
	v7 =	vmul.f32 v7, v5  }
.Ltmp6:
0x1b3: {  	[tilespmem:s11+$0x0] =	vst v6;
	(pc) =	sbr.rel @p1 .LBB2_10-.Ltmp6, $4  }
0x1b4: {  	[tilespmem:s11+$0x10] =	vst v7  }
0x1b5: {  	[tilespmem:s12+$0x0] =	vst v5  }
0x1b6: {  	[tilespmem:s12+$0x10] =	vst v5  }
0x1b7: {  	v5 =	vld.idx.msk [tilespmem:v8+s30+$0x0], $0xffff  }
0x1b8: {  	v6 =	vld [tilespmem:s11+$0x20]  }
0x1b9: {  	v7 =	vld [tilespmem:s11+$0x30];
	_ =	sdelay $0x3  }
0x1ba: {  	v6 =	vmul.f32 v6, v5  }
0x1bb: {  	v7 =	vmul.f32 v7, v5  }
0x1bc: {  	[tilespmem:s11+$0x20] =	vst v6  }
0x1bd: {  	[tilespmem:s11+$0x30] =	vst v7  }
0x1be: {  	[tilespmem:s12+$0x20] =	vst v5  }
0x1bf: {  	[tilespmem:s12+$0x30] =	vst v5  }
0x1c0: {  	v3 =	vld.idx.msk [tilespmem:v3+s30+$0x0], $0xffff  }
0x1c1: {  	v5 =	vld [tilespmem:s14+$0xFFFFFFD0]  }
0x1c2: {  	v6 =	vld [tilespmem:s14+$0xFFFFFFC0];
	_ =	sdelay $0x3  }
0x1c3: {  	v5 =	vmul.f32 v5, v3  }
0x1c4: {  	v6 =	vmul.f32 v6, v3  }
0x1c5: {  	[tilespmem:s14+$0xFFFFFFD0] =	vst v5  }
0x1c6: {  	[tilespmem:s14+$0xFFFFFFC0] =	vst v6  }
0x1c7: {  	[tilespmem:s13+$0xFFFFFFC0] =	vst v3  }
0x1c8: {  	[tilespmem:s13+$0xFFFFFFD0] =	vst v3  }
0x1c9: {  	v3 =	vld [tilespmem:s14+$0xFFFFFFE0]  }
0x1ca: {  	v4 =	vld.idx.msk [tilespmem:v4+s30+$0x0], $0xffff  }
0x1cb: {  	v5 =	vld [tilespmem:s14+$0xFFFFFFF0]  }
0x1cc: {  	s10 =	sadd.s32 $0xFFFFFFFF, s15  }
0x1cd: {  	v6 =	vmov s10  }
0x1ce: {  	v6 =	vand.u32 $0xFFFFFFFE, v6  }
0x1cf: {  	v6 =	vbroadcast v6, $0x0;
	v3 =	vmul.f32 v3, v4  }
0x1d0: {  	v5 =	vmul.f32 v5, v4  }
0x1d1: {  	[tilespmem:s14+$0xFFFFFFE0] =	vst v3  }
0x1d2: {  	[tilespmem:s14+$0xFFFFFFF0] =	vst v5  }
0x1d3: {  	[tilespmem:s13+$0xFFFFFFE0] =	vst v4  }
0x1d4: {  	[tilespmem:s13+$0xFFFFFFF0] =	vst v4  }
0x1d5: {  	v3 =	vld.idx.msk [tilespmem:v6+s30+$0x0], $0xffff  }
0x1d6: {  	v4 =	vld [tilespmem:s14+$0x0]  }
0x1d7: {  	v5 =	vld [tilespmem:s14+$0x10];
	_ =	sdelay $0x3  }
0x1d8: {  	v4 =	vmul.f32 v4, v3  }
0x1d9: {  	v6 =	vmov s15;
	v5 =	vmul.f32 v5, v3  }
0x1da: {  	[tilespmem:s14+$0x0] =	vst v4  }
0x1db: {  	[tilespmem:s14+$0x10] =	vst v5  }
0x1dc: {  	[tilespmem:s13+$0x0] =	vst v3  }
0x1dd: {  	[tilespmem:s13+$0x10] =	vst v3  }
0x1de: {  	v3 =	vld.idx.msk [tilespmem:v6+s30+$0x0], $0xffff  }
0x1df: {  	v4 =	vld [tilespmem:s14+$0x20]  }
0x1e0: {  	v5 =	vld [tilespmem:s14+$0x30];
	_ =	sdelay $0x3  }
0x1e1: {  	v4 =	vmul.f32 v4, v3  }
0x1e2: {  	v5 =	vmul.f32 v5, v3  }
0x1e3: {  	[tilespmem:s14+$0x20] =	vst v4  }
0x1e4: {  	[tilespmem:s14+$0x30] =	vst v5  }
0x1e5: {  	[tilespmem:s13+$0x20] =	vst v3  }
0x1e6: {  	[tilespmem:s13+$0x30] =	vst v3  }
0x1e7: {  	_ =	strace $0x9000004A  }
0x1e8: {  	s17 =	rddreg [dreg:$0x9]  }
0x1e9: {  	[hbm4b:s17+s3] =	stream.linear.scatter [tilespmem:s24], [sflag:$0xD], $0x2800, $0x38;
	[tilespmem:$0x1C8A0] =	vst v63  }
0x1ea: {  	_ =	swait.ge [sflag:s29], $0x2800  }
0x1eb: {  	s20 =	simm.s32 $0x20;
	[sflag:s29] =	ssyncset.done $0x0  }
0x1ec: {  	s11 =	simm.s32 @!p0 $0x80;
	s18 =	rddreg [dreg:$0xa];
	[sflag:s29] =	ssyncadd.s32 $0xFFFFD800  }
0x1ed: {  	[tilespmem:s24], [sflag:$0x3] =	stream.strided.gather [hbm4b:s18+s20], $0x2800, s23, s20, $0x38;
	[tilespmem:$0x1C8A0] =	vst v63  }
0x1ee: {  	s12 =	simm.s32 @!p0 $0xC620;
	s10 =	simm.s32 @!p0 $0x20;
	s13 =	rddreg [dreg:$0xb]  }
0x1ef: {  	[hbm4b:s13+s10] =	stream.strided.scatter @!p0 [tilespmem:s12], [sflag:$0xD], $0x2800, s11, s10, $0x38;
	[tilespmem:$0x1C8A0] =	vst v63  }
0x1f0: {  	s11 =	simm.s32 $0x140  }
0x1f1: {  	s10 =	simm.s32 @!p0 $0xD;
	v3 =	vmov s11  }
0x1f2: {  	_ =	swait.ge @!p0 [sflag:s10], $0x2800;
	v3 =	vand.u32 $0xFFFFFFFC, v3  }
0x1f3: {  	[sflag:s10] =	ssyncset.done @!p0 $0x0;
	v4 =	vbroadcast v3, $0x0  }
0x1f4: {  	[sflag:s10] =	ssyncadd.s32 @!p0 $0xFFFFD800  }
0x1f5: {  	_ =	strace $0x8000004B  }
0x1f6: {  	s19 =	simm.s32 $0x141;
	_ =	swait.ge [sflag:s31], $0x2800  }
0x1f7: {  	v3 =	vmov s19;
	[sflag:s31] =	ssyncset.done $0x0  }
0x1f8: {  	s16 =	simm.s32 $0x9E60;
	s15 =	simm.s32 $0x144;
	v3 =	vand.u32 $0xFFFFFFFD, v3;
	[sflag:s31] =	ssyncadd.s32 $0xFFFFD800  }
0x1f9: {  	s14 =	simm.s32 $0xC660;
	s12 =	simm.s32 $0x9E60;
	s13 =	simm.s32 $0xC660;
	v3 =	vbroadcast v3, $0x0;
	v4 =	vld.idx.msk [tilespmem:v4+s30+$0x0], $0xffff  }
.LBB2_12:
0x1fa: {  	p1 =	sne.s32 s15, $0x27C;
	v5 =	vld [tilespmem:s12+$0xFFFFFFC0];
	s14 =	sadd.s32 $0x80, s14;
	s16 =	sadd.s32 $0x80, s16  }
0x1fb: {  	s10 =	smov.u32 s15;
	s15 =	sadd.s32 $0x4, s15;
	v6 =	vld [tilespmem:s12+$0xFFFFFFD0]  }
0x1fc: {  	s17 =	sadd.s32 $0x2, s11  }
0x1fd: {  	v7 =	vmov s10;
	v8 =	vmov s17  }
0x1fe: {  	v7 =	vand.u32 $0xFFFFFFFC, v7;
	v8 =	vand.u32 $0xFFFFFFFE, v8  }
0x1ff: {  	v7 =	vbroadcast v7, $0x0;
	v5 =	vmul.f32 v5, v4  }
0x200: {  	v8 =	vbroadcast v8, $0x0;
	v6 =	vmul.f32 v6, v4  }
0x201: {  	[tilespmem:s12+$0xFFFFFFC0] =	vst v5  }
0x202: {  	[tilespmem:s12+$0xFFFFFFD0] =	vst v6  }
0x203: {  	[tilespmem:s13+$0xFFFFFFC0] =	vst v4  }
0x204: {  	[tilespmem:s13+$0xFFFFFFD0] =	vst v4  }
0x205: {  	v4 =	vld [tilespmem:s12+$0xFFFFFFF0]  }
0x206: {  	v3 =	vld.idx.msk [tilespmem:v3+s30+$0x0], $0xffff  }
0x207: {  	v5 =	vld [tilespmem:s12+$0xFFFFFFE0];
	_ =	sdelay $0x4  }
0x208: {  	v4 =	vmul.f32 v4, v3;
	v5 =	vmul.f32 v5, v3;
	_ =	sdelay $0x1  }
0x209: {  	[tilespmem:s12+$0xFFFFFFE0] =	vst v5  }
0x20a: {  	[tilespmem:s12+$0xFFFFFFF0] =	vst v4  }
0x20b: {  	[tilespmem:s13+$0xFFFFFFE0] =	vst v3  }
0x20c: {  	[tilespmem:s13+$0xFFFFFFF0] =	vst v3  }
0x20d: {  	v3 =	vld.idx.msk [tilespmem:v8+s30+$0x0], $0xffff  }
0x20e: {  	v4 =	vld [tilespmem:s12+$0x0]  }
0x20f: {  	v5 =	vld [tilespmem:s12+$0x10];
	_ =	sdelay $0x3  }
0x210: {  	s17 =	sadd.s32 $0x3, s11;
	s11 =	smov.u32 s10;
	v4 =	vmul.f32 v4, v3  }
0x211: {  	v6 =	vmov s17;
	v5 =	vmul.f32 v5, v3  }
0x212: {  	[tilespmem:s12+$0x0] =	vst v4  }
0x213: {  	[tilespmem:s12+$0x10] =	vst v5  }
0x214: {  	[tilespmem:s13+$0x0] =	vst v3  }
0x215: {  	[tilespmem:s13+$0x10] =	vst v3  }
0x216: {  	v4 =	vld.idx.msk [tilespmem:v6+s30+$0x0], $0xffff  }
0x217: {  	v3 =	vld [tilespmem:s12+$0x30]  }
0x218: {  	v5 =	vld [tilespmem:s12+$0x20];
	_ =	sdelay $0x1  }
0x219: {  	s10 =	sadd.s32 $0x1, s11  }
0x21a: {  	v6 =	vmov s10  }
0x21b: {  	v6 =	vand.u32 $0xFFFFFFFD, v6;
	v8 =	vmul.f32 v3, v4  }
0x21c: {  	v3 =	vbroadcast v6, $0x0;
	v5 =	vmul.f32 v5, v4;
	_ =	sdelay $0x1  }
.Ltmp7:
0x21d: {  	[tilespmem:s12+$0x30] =	vst v8;
	(pc) =	sbr.rel @p1 .LBB2_12-.Ltmp7, $4  }
0x21e: {  	[tilespmem:s12+$0x20] =	vst v5;
	s12 =	smov.u32 s16  }
0x21f: {  	[tilespmem:s13+$0x20] =	vst v4  }
0x220: {  	[tilespmem:s13+$0x30] =	vst v4;
	s13 =	smov.u32 s14  }
0x221: {  	v4 =	vld.idx.msk [tilespmem:v7+s30+$0x0], $0xffff  }
0x222: {  	v5 =	vld [tilespmem:s12+$0xFFFFFFC0]  }
0x223: {  	v6 =	vld [tilespmem:s12+$0xFFFFFFD0];
	_ =	sdelay $0x3  }
0x224: {  	v5 =	vmul.f32 v5, v4  }
0x225: {  	v6 =	vmul.f32 v6, v4  }
0x226: {  	[tilespmem:s12+$0xFFFFFFC0] =	vst v5  }
0x227: {  	[tilespmem:s12+$0xFFFFFFD0] =	vst v6  }
0x228: {  	[tilespmem:s13+$0xFFFFFFC0] =	vst v4  }
0x229: {  	[tilespmem:s13+$0xFFFFFFD0] =	vst v4  }
0x22a: {  	v3 =	vld.idx.msk [tilespmem:v3+s30+$0x0], $0xffff  }
0x22b: {  	v4 =	vld [tilespmem:s12+$0xFFFFFFE0]  }
0x22c: {  	v5 =	vld [tilespmem:s12+$0xFFFFFFF0]  }
0x22d: {  	s10 =	sadd.s32 $0x2, s11  }
0x22e: {  	v6 =	vmov s10  }
0x22f: {  	v6 =	vand.u32 $0xFFFFFFFE, v6  }
0x230: {  	v6 =	vbroadcast v6, $0x0;
	v4 =	vmul.f32 v4, v3  }
0x231: {  	v5 =	vmul.f32 v5, v3  }
0x232: {  	[tilespmem:s12+$0xFFFFFFE0] =	vst v4  }
0x233: {  	[tilespmem:s12+$0xFFFFFFF0] =	vst v5  }
0x234: {  	[tilespmem:s13+$0xFFFFFFE0] =	vst v3  }
0x235: {  	[tilespmem:s13+$0xFFFFFFF0] =	vst v3  }
0x236: {  	v3 =	vld.idx.msk [tilespmem:v6+s30+$0x0], $0xffff  }
0x237: {  	v4 =	vld [tilespmem:s12+$0x0]  }
0x238: {  	v5 =	vld [tilespmem:s12+$0x10];
	_ =	sdelay $0x3  }
0x239: {  	s11 =	sadd.s32 $0x3, s11;
	v4 =	vmul.f32 v4, v3  }
0x23a: {  	v6 =	vmov s11;
	v5 =	vmul.f32 v5, v3  }
0x23b: {  	[tilespmem:s12+$0x0] =	vst v4  }
0x23c: {  	[tilespmem:s12+$0x10] =	vst v5  }
0x23d: {  	[tilespmem:s13+$0x0] =	vst v3  }
0x23e: {  	[tilespmem:s13+$0x10] =	vst v3  }
0x23f: {  	v3 =	vld.idx.msk [tilespmem:v6+s30+$0x0], $0xffff  }
0x240: {  	v4 =	vld [tilespmem:s12+$0x30]  }
0x241: {  	v5 =	vld [tilespmem:s12+$0x20];
	_ =	sdelay $0x3  }
0x242: {  	v4 =	vmul.f32 v4, v3  }
0x243: {  	v5 =	vmul.f32 v5, v3  }
0x244: {  	[tilespmem:s12+$0x30] =	vst v4  }
0x245: {  	[tilespmem:s12+$0x20] =	vst v5  }
0x246: {  	[tilespmem:s13+$0x20] =	vst v3  }
0x247: {  	[tilespmem:s13+$0x30] =	vst v3  }
0x248: {  	_ =	strace $0x9000004B  }
0x249: {  	s12 =	rddreg [dreg:$0xc]  }
0x24a: {  	[hbm4b:s12+s3] =	stream.linear.scatter [tilespmem:s24], [sflag:$0xD], $0x2800, $0x38;
	[tilespmem:$0x1C8A0] =	vst v63  }
0x24b: {  	_ =	swait.ge [sflag:s29], $0x2800  }
0x24c: {  	s10 =	simm.s32 @!p0 $0x20;
	s11 =	simm.s32 @!p0 $0x80;
	[sflag:s29] =	ssyncset.done $0x0  }
0x24d: {  	s12 =	simm.s32 @!p0 $0xC620;
	s13 =	rddreg [dreg:$0xd];
	[sflag:s29] =	ssyncadd.s32 $0xFFFFD800  }
0x24e: {  	[hbm4b:s13+s10] =	stream.strided.scatter @!p0 [tilespmem:s12], [sflag:$0xD], $0x2800, s11, s10, $0x38;
	[tilespmem:$0x1C8A0] =	vst v63  }
0x24f: {  	s10 =	simm.s32 @!p0 $0xD;
	s13 =	stileid.u32  }
0x250: {  	_ =	swait.ge @!p0 [sflag:s10], $0x2800;
	s11 =	sshll.u32 s13, $0x6  }
0x251: {  	[sflag:s10] =	ssyncset.done @!p0 $0x0;
	s11 =	sor.u32 $0x1C0D, s11;
	s14 =	rddreg [dreg:$0xe]  }
0x252: {  	s15 =	rddreg [dreg:$0xf];
	[sflag:s10] =	ssyncadd.s32 @!p0 $0xFFFFD800;
	s12 =	sshrl.u32 s14, $0x3  }
0x253: {  	[spmem:s12], [sflag:s11] =	dma.local [hbm:s15], $0xA00  }
0x254: {  	_ =	swait.ge [sflag:s29], $0xA00  }
0x255: {  	[sflag:s29] =	ssyncset.done $0x0  }
0x256: {  	s16 =	simm.s32 $0x0;
	s17 =	rddreg [dreg:$0x10];
	[sflag:s29] =	ssyncadd.s32 $0xFFFFF600  }
0x257: {  	[tilespmem:s16], [sflag:$0xD] =	stream.linear.gather [hbm4b:s17+s16], $0x2710, $0x38;
	[tilespmem:$0x1C8A0] =	vst v63  }
0x258: {  	_ =	swait.ge [sflag:s29], $0x2710  }
0x259: {  	[sflag:s29] =	ssyncset.done $0x0  }
0x25a: {  	s19 =	simm.s32 $0x2710;
	s18 =	rddreg [dreg:$0x11];
	[sflag:s29] =	ssyncadd.s32 $0xFFFFD8F0  }
0x25b: {  	[tilespmem:s19], [sflag:$0xD] =	stream.linear.gather [hbm4b:s18+s16], $0x2710, $0x38;
	[tilespmem:$0x1C8A0] =	vst v63  }
0x25c: {  	_ =	swait.ge [sflag:s29], $0x2710  }
0x25d: {  	[sflag:s29] =	ssyncset.done $0x0  }
0x25e: {  	s13 =	simm.s32 $0x0;
	[sflag:s29] =	ssyncadd.s32 $0xFFFFD8F0  }
0x25f: {  	v6 =	vld [tilespmem:s13+$0x0]  }
0x260: {  	v5 =	vld [tilespmem:s13+$0x10]  }
0x261: {  	v4 =	vld [tilespmem:s13+$0x20]  }
0x262: {  	s14 =	simm.s32 $0x140;
	v3 =	vld [tilespmem:s13+$0x30]  }
.LBB2_14:
0x263: {  	p1 =	sne.s32 s14, $0x9B00;
	v7 =	vld [tilespmem:s13+$0x40]  }
0x264: {  	v6 =	vadd.s32 v0, v6  }
.Ltmp8:
0x265: {  	s10 =	sshra.s32 s14, $0x2;
	[tilespmem:s13+$0x0] =	vst v6;
	v5 =	vadd.s32 v0, v5;
	(pc) =	sbr.rel @p1 .LBB2_14-.Ltmp8, $4  }
0x266: {  	v6 =	vld [tilespmem:s10+$0x0];
	[tilespmem:s13+$0x10] =	vst v5;
	v4 =	vadd.s32 v0, v4  }
0x267: {  	v5 =	vld [tilespmem:s10+$0x10];
	[tilespmem:s13+$0x20] =	vst v4;
	v3 =	vadd.s32 v0, v3  }
0x268: {  	v4 =	vld [tilespmem:s10+$0x20];
	[tilespmem:s13+$0x30] =	vst v3;
	v7 =	vadd.s32 v0, v7  }
0x269: {  	s14 =	sadd.s32 $0x140, s14;
	v3 =	vld [tilespmem:s10+$0x30];
	[tilespmem:s13+$0x40] =	vst v7;
	s13 =	smov.u32 s10  }
0x26a: {  	v7 =	vld [tilespmem:s13+$0x40]  }
0x26b: {  	v6 =	vadd.s32 v0, v6  }
0x26c: {  	[tilespmem:s13+$0x0] =	vst v6;
	v5 =	vadd.s32 v0, v5  }
0x26d: {  	[tilespmem:s13+$0x10] =	vst v5;
	v4 =	vadd.s32 v0, v4  }
0x26e: {  	[tilespmem:s13+$0x20] =	vst v4;
	v3 =	vadd.s32 v0, v3  }
0x26f: {  	[tilespmem:s13+$0x30] =	vst v3;
	v3 =	vadd.s32 v0, v7  }
0x270: {  	[tilespmem:s13+$0x40] =	vst v3  }
0x271: {  	[bflag:$0x0] =	sbarrier.arrive $0xFFFF  }
0x272: {  	_ =	strace $0x8000004C  }
0x273: {  	[tilespmem:s0], [sflag:$0x1] =	stream.indirect.gather [hbm4b:s4+s23], $0x20, s3, s23, $0x2000b8;
	[tilespmem:$0x1C8A0] =	vst v63  }
0x274: {  	s10 =	simm.s32 $0x100A0  }
0x275: {  	[tilespmem:s10], [sflag:$0x2] =	stream.indirect.gather [hbm4b:s4+s23], $0x20, s23, s23, $0x2000b8;
	[tilespmem:$0x1C8A0] =	vst v63  }
0x276: {  	s14 =	simm.s32 $0x110A0;
	s13 =	simm.s32 $0x100  }
0x277: {  	[tilespmem:s14], [sflag:$0x3] =	stream.indirect.gather [hbm4b:s4+s23], $0x20, s13, s23, $0x2000b8;
	[tilespmem:$0x1C8A0] =	vst v63  }
.Ltmp9:
0x278: {  	s15 =	simm.s32 $0x180;
	(pc) =	sbr.rel .LBB2_16-.Ltmp9, $4  }
0x279: {  	s16 =	simm.s32 $0x120A0;
	s17 =	simm.s32 $0x200;
	s18 =	simm.s32 $0x130A0  }
0x27a: {  	[tilespmem:s16], [sflag:$0x4] =	stream.indirect.gather [hbm4b:s4+s23], $0x20, s15, s23, $0x2000b8;
	[tilespmem:$0x1C8A0] =	vst v63  }
0x27b: {  	s13 =	simm.s32 $0x280;
	s14 =	simm.s32 $0x2710;
	s15 =	simm.s32 $0xFFFFFFFF  }
0x27c: {  	[tilespmem:s18], [sflag:$0x5] =	stream.indirect.gather [hbm4b:s4+s23], $0x20, s17, s23, $0x2000b8;
	[tilespmem:$0x1C8A0] =	vst v63  }
.LBB2_17:
0x27d: {  	s10 =	sadd.s32 $0x7, s16  }
0x27e: {  	_ =	swait.ge [sflag:s10], $0x1000  }
0x27f: {  	[sflag:s10] =	ssyncset.done $0x0  }
0x280: {  	[sflag:s10] =	ssyncadd.s32 $0xFFFFF000  }
.LBB2_19:
0x281: {  	s10 =	sshll.u32 s16, $0xC  }
0x282: {  	s18 =	sadd.s32 $0x1, s16;
	s10 =	sadd.s32 $0xF0A0, s10  }
0x283: {  	[tilespmem:s10], [sflag:s18] =	stream.indirect.gather [hbm4b:s4+s23], $0x20, s13, s23, $0x2000b8;
	[tilespmem:$0x1C8A0] =	vst v63  }
.LBB2_20:
0x284: {  	p1 =	sne.s32 s15, $0x4D  }
.Ltmp10:
0x285: {  	_ = 	snop;
	(pc) =	sbr.rel @!p1 .LBB2_21-.Ltmp10, $2  }
0x286: {  	_ =	sdelay $0x2  }
0x287: {  	s13 =	sadd.s32 $0x80, s13;
	s14 =	sadd.s32 $0x80, s14  }
.LBB2_16:
0x288: {  	s16 =	smul.u32 $0xAB, s15;
	_ =	sdelay $0x1  }
0x289: {  	s10 =	smov.u32 s15;
	s15 =	sadd.s32 $0xAB, s16  }
0x28a: {  	s15 =	sshrl.u32 s15, $0xA  }
0x28b: {  	s15 =	sand.u32 $0x3F, s15  }
0x28c: {  	s17 =	smul.u32 $0x6, s15  }
0x28d: {  	s16 =	sadd.s32 $0x402, s16;
	s15 =	sadd.s32 $0x1, s10  }
0x28e: {  	s16 =	sshrl.u32 s16, $0xA;
	s17 =	ssub.s32 s15, s17  }
0x28f: {  	s16 =	sand.u32 $0x3F, s16;
	s17 =	sand.u32 $0xFF, s17  }
0x290: {  	p1 =	sgt.u32 s10, $0x47;
	s16 =	smul.u32 $0x6, s16;
	s18 =	sadd.s32 $0x1, s17  }
.Ltmp11:
0x291: {  	_ =	swait.ge [sflag:s18], $0x1000;
	(pc) =	sbr.rel @!p1 .LBB2_17-.Ltmp11, $4  }
0x292: {  	s16 =	ssub.s32 s10, s16;
	[sflag:s18] =	ssyncset.done $0x0  }
0x293: {  	s16 =	sadd.s32 $0x6, s16;
	[sflag:s18] =	ssyncadd.s32 $0xFFFFF000;
	s18 =	sshll.u32 s17, $0xC  }
0x294: {  	s16 =	sand.u32 $0xFF, s16;
	s17 =	sadd.s32 $0x7, s17;
	s18 =	sadd.s32 $0xF0A0, s18  }
0x295: {  	[spmem:s2] =	stream.indirect.scatter.add.f32 [tilespmem:s18], [sflag:s17], $0x20, s14, s23, $0x2000b8;
	[tilespmem:$0x1C8A0] =	vst v63  }
0x296: {  	p1 =	sgt.u32 s15, $0x48  }
.Ltmp12:
0x297: {  	_ = 	snop;
	(pc) =	sbr.rel @p1 .LBB2_20-.Ltmp12, $4  }
.Ltmp13:
0x298: {  	_ = 	snop;
	(pc) =	sbr.rel @!p1 .LBB2_19-.Ltmp13, $4  }
0x299: {  	_ = 	snop  }
0x29a: {  	_ = 	snop  }
0x29b: {  	_ = 	snop  }
0x29c: {  	_ = 	snop  }
.LBB2_22:
0x29d: {  	_ =	sfence.sel $0x180000  }
0x29e: {  	[bflag:$0x0] =	sbarrier.arrive $0xFFFF  }
0x29f: {  	_ =	strace $0x90000047  }
0x2a0: {  	s0 =	stileid.u32;
	[bflag:$0x2] =	sbarrier.arrive $0xFFFF  }
0x2a1: {  	p0 =	sne.s32 s0, $0x0;
	s0 =	rddreg [dreg:$0x3]  }
0x2a2: {  	s0 =	sadd.s32 @!p0 $0x100000, s0  }
0x2a3: {  	[sflag:s0] =	ssyncadd.tile.s32 @!p0 $0x1;
	_ =	shalt  }
.Lfunc_end2:
_tile_overlayer_lowered:
.L_overlay_start_2:
0x2a4: {  	(tag) =	ssettag $0x2  }
0x2a5: {  	s0 =	rddreg [dreg:$0x0];
	s2 =	stileid.u32  }
0x2a6: {  	s1 =	rddreg [dreg:$0x1];
	p0 =	sne.s32 s2, $0x0  }
0x2a7: {  	s3 =	rddreg [dreg:$0x2];
	[bflag:$0x3] =	sbarrier.arrive $0xFFFF;
	s2 =	simm.s32 @!p0 $0x1C0D  }
0x2a8: {  	[timem:s3], [sflag:s2] =	dma.local @!p0 [hbm:s0], s1  }
0x2a9: {  	s0 =	simm.s32 @!p0 $0xD  }
0x2aa: {  	_ =	swait.ge @!p0 [sflag:s0], s1  }
0x2ab: {  	s1 =	ssub.s32 @!p0 $0x0, s1;
	[sflag:s0] =	ssyncset.done @!p0 $0x0  }
0x2ac: {  	[sflag:s0] =	ssyncadd.s32 @!p0 s1  }
0x2ad: {  	[bflag:$0x3] =	sbarrier.arrive $0xFFFF  }
0x2ae: {  	_ =	shalt  }

// kernel: kernel.9.cloned.1.call-start
scs
__scs_entry_jumppad:
0x0: {  	(pc) =	sbr.rel $0x88, $3  }
0x1: {  	(tag) =	ssettag $0x0;
	lr =	simm.s32 $0x1  }
0x2: {  	[smem:$0x3F99] =	sst lr;
	_ =	strace $0xD0000000  }
0x3: {  	_ = 	snop  }
0x4: {  	_ = 	snop  }
0x5: {  	_ = 	snop  }
0x6: {  	_ = 	snop  }
0x7: {  	_ = 	snop  }
__scs_overlays_trampoline_lowered:
0x8: {  	[smem:$0x3FA8] =	sst s0  }
0x9: {  	[smem:$0x3FA9] =	sst s1  }
0xa: {  	[smem:$0x3FAA] =	sst s2  }
0xb: {  	[smem:$0x3FAB] =	sst s3  }
0xc: {  	[smem:$0x3FAC] =	sst s4  }
0xd: {  	[smem:$0x3FAD] =	sst s5  }
0xe: {  	[smem:$0x3FAE] =	sst s6  }
0xf: {  	[smem:$0x3FAF] =	sst s7  }
0x10: {  	[smem:$0x3FB0] =	sst s8  }
0x11: {  	[smem:$0x3FB1] =	sst s9;
	s0 =	simm.s32 @!p0 $0x0  }
0x12: {  	s1 =	sld [smem:$0x3F97];
	s0 =	simm.s32 @p0 $0x1  }
0x13: {  	[smem:$0x3FB2] =	sst s0;
	s0 =	simm.s32 @!p1 $0x0  }
0x14: {  	s2 =	sld [smem:$0x3F96];
	s0 =	simm.s32 @p1 $0x1  }
0x15: {  	[smem:$0x3FB3] =	sst s0;
	s0 =	simm.s32 @!p2 $0x0  }
0x16: {  	s3 =	sld [smem:$0x3FDB];
	s0 =	simm.s32 @p2 $0x1  }
0x17: {  	s4 =	simm.s32 $0x1BF5;
	[smem:$0x3FB5] =	sst s0  }
0x18: {  	s0 =	sld [smem:$0x3F98];
	_ =	swait.ge [sflag:s4], $0x0  }
0x19: {  	s7 =	sld [smem:$0x3F99]  }
0x1a: {  	s8 =	sadd.s32 $0xFFFFE003, lr  }
0x1b: {  	s9 =	sadd.s32 $0xFFFFFEF7, lr;
	s5 =	simm.s32 $0xFFFFFFFF;
	p2 =	slt.u32 s8, $0xFFFFF086  }
0x1c: {  	p1 =	slt.u32 s9, $0xF7A;
	s5 =	simm.s32 @!p2 $0x0  }
0x1d: {  	s5 =	simm.s32 @p1 $0x1;
	p0 =	seq.s32 s7, s2  }
0x1e: {  	s7 =	smul.u32 @!p0 $0xF7A, s2;
	p2 =	seq.s32 @!p0 s5, $0x0  }
0x1f: {  	s9 =	smul.u32 $0xF7A, s1;
	s8 =	simm.s32 @!p0 $0x1BF5;
	p2 =	por !p2, p0  }
0x20: {  	[sflag:s8] =	ssyncset.s32 @!p0 $0xFFFFF086;
	s6 =	sadd.s32 @!p0 s3, s7;
	s7 =	simm.s32 @!p0 $0x108  }
0x21: {  	s3 =	sadd.s32 s3, s9;
	s6 =	sadd.s32 @!p0 $0x88, s6;
	s7 =	simm.s32 @p2 $0x1082  }
0x22: {  	[simem:s7], [sflag:s8] =	dma.local @!p0 [hbm:s6], $0xF7A  }
0x23: {  	s9 =	sor.u32 $0xD0000000, s2;
	s6 =	simm.s32 $0x108;
	_ =	swait.ge @!p0 [sflag:s8], $0x0  }
0x24: {  	s3 =	sadd.s32 $0x88, s3;
	s6 =	simm.s32 @!p1 $0x1082;
	[sflag:s4] =	ssyncset.s32 $0xFFFFF086  }
0x25: {  	[simem:s6], [sflag:s4] =	dma.local [hbm:s3], $0xF7A  }
0x26: {  	[smem:$0x3F99] =	sst s1;
	(tag) =	ssettag s2;
	_ =	strace s9  }
0x27: {  	s1 =	sld [smem:$0x3FA9]  }
0x28: {  	s2 =	sld [smem:$0x3FAA]  }
0x29: {  	s4 =	sld [smem:$0x3FAC]  }
0x2a: {  	p0 =	seq.s32 s5, $0x0;
	s5 =	sld [smem:$0x3FAD]  }
0x2b: {  	s6 =	sld [smem:$0x3FAE]  }
0x2c: {  	s7 =	sld [smem:$0x3FAF]  }
0x2d: {  	s3 =	simm.s32 $0x108;
	s8 =	sld [smem:$0x3FB0]  }
0x2e: {  	s3 =	simm.s32 @!p0 $0x1082;
	s9 =	sld [smem:$0x3FB1]  }
0x2f: {  	lr =	sadd.s32 s0, s3;
	s0 =	sld [smem:$0x3FA8]  }
0x30: {  	s3 =	sld [smem:$0x3FAB]  }
0x31: {  	[smem:$0x3FB4] =	sst s10  }
0x32: {  	s10 =	sld [smem:$0x3FB2];
	_ =	sdelay $0x3  }
0x33: {  	p0 =	seq.s32 s10, $0x1;
	s10 =	sld [smem:$0x3FB4];
	_ =	sdelay $0x3  }
0x34: {  	[smem:$0x3FB4] =	sst s10  }
0x35: {  	s10 =	sld [smem:$0x3FB3];
	_ =	sdelay $0x3  }
0x36: {  	p1 =	seq.s32 s10, $0x1;
	s10 =	sld [smem:$0x3FB4];
	_ =	sdelay $0x3  }
0x37: {  	[smem:$0x3FB4] =	sst s10  }
0x38: {  	s10 =	sld [smem:$0x3FB5]  }
0x39: {  	_ = 	snop;
	(pc) =	sbr.ind lr, $3  }
0x3a: {  	_ = 	snop  }
0x3b: {  	_ = 	snop  }
0x3c: {  	p2 =	seq.s32 s10, $0x1;
	s10 =	sld [smem:$0x3FB4]  }
0x3d: {  	_ =	shalt  }
0x3e: {  	_ =	shalt  }
0x3f: {  	_ =	shalt  }
0x40: {  	_ =	shalt  }
0x41: {  	_ =	shalt  }
0x42: {  	_ =	shalt  }
0x43: {  	_ =	shalt  }
0x44: {  	_ =	shalt  }
0x45: {  	_ =	shalt  }
0x46: {  	_ =	shalt  }
0x47: {  	_ =	shalt  }
0x48: {  	_ =	shalt  }
0x49: {  	_ =	shalt  }
0x4a: {  	_ =	shalt  }
0x4b: {  	_ =	shalt  }
0x4c: {  	_ =	shalt  }
0x4d: {  	_ =	shalt  }
0x4e: {  	_ =	shalt  }
0x4f: {  	_ =	shalt  }
0x50: {  	_ =	shalt  }
0x51: {  	_ =	shalt  }
0x52: {  	_ =	shalt  }
0x53: {  	_ =	shalt  }
0x54: {  	_ =	shalt  }
0x55: {  	_ =	shalt  }
0x56: {  	_ =	shalt  }
0x57: {  	_ =	shalt  }
0x58: {  	_ =	shalt  }
0x59: {  	_ =	shalt  }
0x5a: {  	_ =	shalt  }
0x5b: {  	_ =	shalt  }
0x5c: {  	_ =	shalt  }
0x5d: {  	_ =	shalt  }
0x5e: {  	_ =	shalt  }
0x5f: {  	_ =	shalt  }
0x60: {  	_ =	shalt  }
0x61: {  	_ =	shalt  }
0x62: {  	_ =	shalt  }
0x63: {  	_ =	shalt  }
0x64: {  	_ =	shalt  }
0x65: {  	_ =	shalt  }
0x66: {  	_ =	shalt  }
0x67: {  	_ =	shalt  }
0x68: {  	_ =	shalt  }
0x69: {  	_ =	shalt  }
0x6a: {  	_ =	shalt  }
0x6b: {  	_ =	shalt  }
0x6c: {  	_ =	shalt  }
0x6d: {  	_ =	shalt  }
0x6e: {  	_ =	shalt  }
0x6f: {  	_ =	shalt  }
0x70: {  	_ =	shalt  }
0x71: {  	_ =	shalt  }
0x72: {  	_ =	shalt  }
0x73: {  	_ =	shalt  }
0x74: {  	_ =	shalt  }
0x75: {  	_ =	shalt  }
0x76: {  	_ =	shalt  }
0x77: {  	_ =	shalt  }
0x78: {  	_ =	shalt  }
0x79: {  	_ =	shalt  }
0x7a: {  	_ =	shalt  }
0x7b: {  	_ =	shalt  }
0x7c: {  	_ =	shalt  }
0x7d: {  	_ =	shalt  }
0x7e: {  	_ =	shalt  }
0x7f: {  	_ =	shalt  }
0x80: {  	_ =	shalt  }
0x81: {  	_ =	shalt  }
0x82: {  	_ =	shalt  }
0x83: {  	_ =	shalt  }
0x84: {  	_ =	shalt  }
0x85: {  	_ =	shalt  }
0x86: {  	_ =	shalt  }
0x87: {  	_ =	shalt  }
.Lfunc_end0:
.L_simem_size_0:
called_computation.1_lowered:
.L_overlay_start_0:
0x88: {  	s2 =	sld [smem:$0x3FD9]  }
0x89: {  	s3 =	sld [smem:$0x3FFE];
	_ =	sdelay $0x1  }
0x8a: {  	s1 =	srdreg.scid  }
0x8b: {  	s0 =	sand.u32 $0x1, s1  }
0x8c: {  	s17 =	sshll.u32 s0, $0xA;
	s2 =	sadd.s32 s3, s2  }
0x8d: {  	s2 =	sadd.s32 s2, s17  }
0x8e: {  	[smem:$0x3FC0] =	sst s2  }
0x8f: {  	_ = 	snop  }
0x90: {  	s2 =	sld [smem:$0x3FC6];
	(tm) =	ssettm $0x1  }
0x91: {  	s18 =	sld [smem:$0x3FFB];
	_ =	sdelay $0x3  }
0x92: {  	_ =	strace s18  }
0x93: {  	s3 =	sld [smem:$0x3FFC];
	_ =	sdelay $0x3  }
0x94: {  	_ =	strace s3  }
0x95: {  	s3 =	sld [smem:$0x3FFD];
	_ =	sdelay $0x3  }
0x96: {  	_ =	strace s3  }
0x97: {  	_ =	strace $0x8FFFFFFF  }
0x98: {  	s19 =	sld [smem:$0x3FDB];
	_ =	sdelay $0x1  }
0x99: {  	s4 =	simm.s32 $_scs_section_size  }
0x9a: {  	s5 =	simm.s32 $_size__tile_overlayer_lowered;
	s6 =	simm.s32 $_tile_overlayer_lowered  }
0x9b: {  	s22 =	simm.s32 $0x1BFF;
	s21 =	sshll.u32 s6, $0x1;
	s3 =	sadd.s32 s4, s19  }
0x9c: {  	s7 =	simm.s32 $0x0;
	s20 =	sshll.u32 s5, $0x1;
	s5 =	sadd.s32 s21, s3  }
0x9d: {  	[timem:s7], [sflag:s22] =	dma.local [hbm:s5], s20  }
0x9e: {  	_ =	swait.ge [sflag:s22], s20  }
0x9f: {  	s4 =	ssub.s32 $0x0, s20;
	[sflag:s22] =	ssyncset.done $0x0  }
0xa0: {  	[sflag:s22] =	ssyncadd.s32 s4;
	_ =	sdelay $0x1  }
0xa1: {  	s23 =	simm.s32 $0x1B8B  }
0xa2: {  	_ =	swait.ge [sflag:s23], $0x1  }
0xa3: {  	[sflag:s23] =	ssyncset.done $0x0  }
0xa4: {  	s25 =	simm.s32 $0x1B8E;
	s24 =	sld [smem:$0x3FFE];
	[sflag:s23] =	ssyncadd.s32 $0xFFFFFFFF  }
0xa5: {  	s26 =	simm.s32 $execute0_lowered;
	[smem:$0x3FD2] =	sst s25  }
0xa6: {  	s5 =	sshll.u32 s26, $0x1;
	_ =	strace $0x8000004E;
	[dreg:$0x1] =	wrdreg $0xFFFFFFFF  }
0xa7: {  	s28 =	simm.s32 $_size_execute0_lowered;
	s3 =	sadd.s32 s3, s5;
	[dreg:$0x0] =	wrdreg $0x0  }
0xa8: {  	s5 =	sshll.u32 s28, $0x1;
	[dreg:$0x2] =	wrdreg s3  }
0xa9: {  	[dreg:$0x3] =	wrdreg s5  }
0xaa: {  	[dreg:$0x4] =	wrdreg $0xC0  }
0xab: {  	_ =	task [dreg:s7], $0x5FFFF  }
0xac: {  	[dreg:$0x1] =	wrdreg $0xFFFFFFFF  }
0xad: {  	[dreg:$0x0] =	wrdreg $0x60  }
0xae: {  	[dreg:$0x2] =	wrdreg s24  }
0xaf: {  	[dreg:$0x3] =	wrdreg s2  }
0xb0: {  	[dreg:$0x4] =	wrdreg $0x126400  }
0xb1: {  	[dreg:$0x5] =	wrdreg $0x9  }
0xb2: {  	_ =	task.clear_ibuf [dreg:s7], $0x6FFFF;
	_ =	strace $0x9000004E  }
0xb3: {  	s29 =	simm.s32 $0x9;
	_ =	strace $0x80000052  }
0xb4: {  	_ =	swait.ge [sflag:s29], $0x1  }
0xb5: {  	[sflag:s29] =	ssyncadd.s32 $0xFFFFFFFF  }
0xb6: {  	_ =	strace $0x90000052  }
0xb7: {  	_ =	sfence  }
0xb8: {  	s30 =	sld [smem:$0x0];
	_ =	sdelay $0x2  }
0xb9: {  	s31 =	sshll.u32 s1, $0xD;
	s1 =	sshrl.u32 s1, $0x2  }
0xba: {  	s3 =	sand.u32 $0x4000, s31;
	s1 =	sadd.s32 s1, s30  }
0xbb: {  	s0 =	sor.u32 s3, s0;
	s1 =	sshll.u32 s1, $0x11  }
0xbc: {  	s0 =	sor.u32 s1, s0  }
0xbd: {  	s0 =	sadd.s32 $0x8F2B, s0  }
0xbe: {  	[sflag:s0] =	ssyncadd.remote.s32 $0x1  }
0xbf: {  	_ =	sfence.sel $0xFFFF  }
0xc0: {  	[dreg:$0x0] =	wrdreg $0xFFFFFFFF;
	(pc) =	sbr.abs _section_cstart, $3  }
0xc1: {  	[dreg:$0x1] =	wrdreg $0xFFFFFFFF  }
0xc2: {  	_ =	task.clear_ibuf [dreg:s7], $0x2FFFF;
	_ =	strace $0x9FFFFFFF  }
0xc3: {  	(tm) =	ssettm $0x7FFFFFFF  }
tec
execute0_lowered:
.L_overlay_start_1:
0x0: {  	(tag) =	ssettag $0x1  }
0x1: {  	s0 =	rddreg [dreg:$0x0]  }
0x2: {  	s1 =	srdreg.scid;
	s11 =	stileid.u32  }
0x3: {  	s3 =	rddreg [dreg:$0x2];
	s4 =	simm.s32 $0x0;
	s29 =	simm.s32 $0x1  }
0x4: {  	s30 =	simm.s32 $0x2;
	s31 =	simm.s32 $0x3;
	s1 =	sand.u32 $0x1, s1  }
0x5: {  	s2 =	sshll.u32 s11, $0x1;
	[smem:$0x7FF] =	sst s4;
	s6 =	smul.u32 $0x5000, s11  }
0x6: {  	s8 =	sadd.s32 $0x5BE00, s0;
	s9 =	sadd.s32 $0x83E00, s0;
	s7 =	smul.u32 $0x14000, s11  }
0x7: {  	s11 =	smul.u32 $0x280, s11;
	s2 =	sor.u32 s1, s2;
	_ =	strace $0x8000004F  }
0x8: {  	s10 =	sshll.u32 s1, $0x5;
	s28 =	ssub.s32 $0x2, s1;
	s15 =	smul.u32 $0x2800, s1  }
0x9: {  	s2 =	smul.u32 $0x2710, s2;
	s5 =	sshrl.u32 s6, $0x3;
	s26 =	sor.u32 s10, s7  }
0xa: {  	s14 =	sshrl.u32 s28, $0x1;
	s17 =	sshrl.u32 s7, $0x3;
	s25 =	sadd.s32 s6, s3  }
0xb: {  	s6 =	simm.s32 $0x9;
	s10 =	simm.s32 $0xC;
	s12 =	sadd.s32 s5, s0  }
0xc: {  	s5 =	sshrl.u32 s26, $0x3;
	s16 =	ssub.s32 s28, s14;
	s7 =	sadd.s32 s8, s17  }
0xd: {  	s19 =	sadd.s32 s11, s15;
	s22 =	sadd.s32 s9, s17;
	s1 =	sadd.s32 $0x1400, s17  }
0xe: {  	[dreg:$0xd] =	wrdreg s25;
	s25 =	simm.s32 $0x4E20;
	s17 =	simm.s32 $0x9E20  }
0xf: {  	s2 =	sshrl.u32 s2, $0x3;
	s13 =	sadd.s32 s5, s0;
	s5 =	sadd.s32 $0x47E00, s0  }
0x10: {  	s20 =	sadd.s32 $0x4, s7;
	s21 =	sshll.u32 s19, $0x2;
	[dreg:$0x7] =	wrdreg s22  }
0x11: {  	s8 =	sadd.s32 s8, s1;
	s23 =	sadd.s32 $0x1404, s7;
	[dreg:$0x6] =	wrdreg s20  }
0x12: {  	s1 =	sadd.s32 s9, s1;
	s26 =	sadd.s32 $0x3DE00, s12;
	[dreg:$0x9] =	wrdreg s8  }
0x13: {  	s22 =	simm.s32 $0x7;
	s9 =	simm.s32 $0xB;
	[dreg:$0xa] =	wrdreg s23  }
0x14: {  	s12 =	simm.s32 $0x0;
	s2 =	sadd.s32 s2, s0;
	[dreg:$0xb] =	wrdreg s1  }
0x15: {  	[dreg:$0xe] =	wrdreg s26;
	s28 =	sadd.s32 $0x15E00, s13;
	s0 =	smax.u32 s16, $0x1  }
0x16: {  	s23 =	simm.s32 $0x20;
	s16 =	simm.s32 $0x7620;
	s1 =	simm.s32 $0x4  }
0x17: {  	s20 =	simm.s32 $0xC640;
	s8 =	simm.s32 $0xA;
	[dreg:$0xf] =	wrdreg s28  }
.Ltmp0:
0x18: {  	s18 =	sadd.s32 $0x2400, s2;
	[dreg:$0x10] =	wrdreg s0;
	(pc) =	sbr.rel .LBB2_1-.Ltmp0, $4  }
0x19: {  	s26 =	simm.s32 $0x10;
	s2 =	sadd.s32 $0xC040, s2;
	[dreg:$0x4] =	wrdreg s18  }
0x1a: {  	s0 =	simm.s32 $0x8;
	[dreg:$0x5] =	wrdreg s2;
	s2 =	sadd.s32 s5, s21  }
0x1b: {  	s21 =	simm.s32 $0xD;
	[dreg:$0x8] =	wrdreg s2;
	s24 =	sadd.s32 $0x500, s2  }
0x1c: {  	v0 =	vmov s15;
	s2 =	simm.s32 $0x5;
	[dreg:$0xc] =	wrdreg s24;
	s24 =	simm.s32 $0x80  }
.LBB2_13:
0x1d: {  	_ =	swait.ge [sflag:s22], $0x1000  }
0x1e: {  	[sflag:s22] =	ssyncset.done $0x0  }
0x1f: {  	[sflag:s22] =	ssyncadd.s32 $0xFFFFF000  }
0x20: {  	_ =	swait.ge [sflag:s0], $0x1000  }
0x21: {  	[sflag:s0] =	ssyncset.done $0x0  }
0x22: {  	[sflag:s0] =	ssyncadd.s32 $0xFFFFF000  }
0x23: {  	_ =	swait.ge [sflag:s6], $0x1000  }
0x24: {  	[sflag:s6] =	ssyncset.done $0x0  }
0x25: {  	[sflag:s6] =	ssyncadd.s32 $0xFFFFF000  }
0x26: {  	_ =	swait.ge [sflag:s8], $0x1000  }
0x27: {  	[sflag:s8] =	ssyncset.done $0x0  }
0x28: {  	[sflag:s8] =	ssyncadd.s32 $0xFFFFF000  }
0x29: {  	_ =	swait.ge [sflag:s9], $0x1000  }
0x2a: {  	[sflag:s9] =	ssyncset.done $0x0  }
0x2b: {  	[sflag:s9] =	ssyncadd.s32 $0xFFFFF000  }
0x2c: {  	_ =	swait.ge [sflag:s10], $0x1000  }
0x2d: {  	[sflag:s10] =	ssyncset.done $0x0  }
0x2e: {  	s11 =	simm.s32 $0x2700;
	[sflag:s10] =	ssyncadd.s32 $0xFFFFF000  }
0x2f: {  	[tilespmem:s20], [sflag:$0x1] =	stream.indirect.gather [hbm4b:s5+s26], $0x20, s11, s26, $0x2000b8;
	[tilespmem:$0x17640] =	vst v63  }
0x30: {  	_ =	swait.ge [sflag:s29], $0x200  }
0x31: {  	[sflag:s29] =	ssyncset.done $0x0  }
0x32: {  	s18 =	simm.s32 $0x4E10;
	[sflag:s29] =	ssyncadd.s32 $0xFFFFFE00  }
0x33: {  	[spmem:s3] =	stream.indirect.scatter.add.f32 [tilespmem:s20], [sflag:$0xD], $0x20, s18, s26, $0x2000b8;
	[tilespmem:$0x17640] =	vst v63  }
0x34: {  	_ =	swait.ge [sflag:s21], $0x200  }
0x35: {  	[sflag:s21] =	ssyncset.done $0x0  }
0x36: {  	[sflag:s21] =	ssyncadd.s32 $0xFFFFFE00  }
0x37: {  	_ =	strace $0x90000051  }
0x38: {  	[bflag:$0x0] =	sbarrier.arrive $0xFFFF  }
0x39: {  	s19 =	rddreg [dreg:$0xf]  }
0x3a: {  	[hbm:s19@s26], [sflag:s13] =	dma.strided [spmem:s28@s1], $0xA00, s29, $0x4   }
0x3b: {  	_ =	swait.ge [sflag:s21], $0xA00  }
0x3c: {  	s12 =	sadd.s32 $0x1, s12;
	s28 =	rddreg [dreg:$0x10]  }
0x3d: {  	p0 =	sne.s32 s12, s28  }
.Ltmp1:
0x3e: {  	_ = 	snop;
	(pc) =	sbr.rel @!p0 .LBB2_14-.Ltmp1, $3  }
0x3f: {  	_ =	sdelay $0x1  }
0x40: {  	[sflag:s21] =	ssyncset.done $0x0  }
0x41: {  	s16 =	simm.s32 $0x7620;
	s17 =	simm.s32 $0x9E20;
	[sflag:s21] =	ssyncadd.s32 $0xFFFFF600  }
.LBB2_1:
0x42: {  	s11 =	rddreg [dreg:$0x1];
	s13 =	simm.s32 $0xC620  }
0x43: {  	[tilespmem:s13], [sflag:$0xD] =	stream.linear.gather [hbm4b:s11+s4], $0x20, $0x38;
	[tilespmem:$0x17640] =	vst v63  }
0x44: {  	_ =	swait.ge [sflag:s21], $0x20  }
0x45: {  	[sflag:s21] =	ssyncset.done $0x0  }
0x46: {  	[sflag:s21] =	ssyncadd.s32 $0xFFFFFFE0  }
0x47: {  	_ =	strace $0x80000050  }
0x48: {  	s13 =	rddreg [dreg:$0x4]  }
0x49: {  	[tilespmem:s4], [sflag:$0x4] =	stream.linear.gather [hbm4b:s13+s4], $0x2710, $0x200038;
	[tilespmem:$0x17640] =	vst v63  }
0x4a: {  	s15 =	simm.s32 $0x2710;
	s14 =	rddreg [dreg:$0x5]  }
0x4b: {  	[tilespmem:s15], [sflag:$0x5] =	stream.linear.gather [hbm4b:s14+s4], $0x2710, $0x200038;
	[tilespmem:$0x17640] =	vst v63  }
0x4c: {  	_ = 	snop  }
0x4d: {  	[tilespmem:s25], [sflag:$0x1] =	stream.strided.gather [hbm4b:s7+s23], $0x2800, s24, s23, $0x200038;
	[tilespmem:$0x17640] =	vst v63  }
0x4e: {  	s18 =	rddreg [dreg:$0x6]  }
0x4f: {  	[tilespmem:s16], [sflag:$0x2] =	stream.strided.gather [hbm4b:s18+s23], $0x2800, s24, s23, $0x200038;
	[tilespmem:$0x17640] =	vst v63  }
0x50: {  	s19 =	rddreg [dreg:$0x7]  }
0x51: {  	[tilespmem:s17], [sflag:$0x3] =	stream.strided.gather [hbm4b:s19+s23], $0x2800, s24, s23, $0x200038;
	[tilespmem:$0x17640] =	vst v63  }
0x52: {  	_ =	swait.ge [sflag:s29], $0x2800  }
0x53: {  	[sflag:s29] =	ssyncset.done $0x0  }
0x54: {  	[sflag:s29] =	ssyncadd.s32 $0xFFFFD800  }
0x55: {  	_ =	swait.ge [sflag:s30], $0x2800  }
0x56: {  	[sflag:s30] =	ssyncset.done $0x0  }
0x57: {  	[sflag:s30] =	ssyncadd.s32 $0xFFFFD800  }
0x58: {  	_ =	swait.ge [sflag:s31], $0x2800  }
0x59: {  	[sflag:s31] =	ssyncset.done $0x0  }
0x5a: {  	s28 =	simm.s32 $0x0;
	[sflag:s31] =	ssyncadd.s32 $0xFFFFD800  }
0x5b: {  	v1 =	vld [tilespmem:s28+$0x7620]  }
0x5c: {  	v2 =	vld [tilespmem:s28+$0x4E20];
	_ =	sdelay $0x1  }
0x5d: {  	v3 =	vld [tilespmem:s28+$0x9E20];
	_ =	sdelay $0x1  }
0x5e: {  	v4 =	vld [tilespmem:$0xC620]  }
0x5f: {  	v1 =	vadd.f32 v1, v2;
	_ =	sdelay $0x1  }
0x60: {  	v1 =	vmul.f32 v1, v3;
	_ =	sdelay $0x1  }
0x61: {  	v1 =	vadd.f32 v4, v1  }
0x62: {  	v2 =	vld [tilespmem:s28+$0x7630]  }
0x63: {  	v4 =	vld [tilespmem:s28+$0x4E30];
	v1 =	vmax.f32 v1, $0.0e+00  }
0x64: {  	v1 =	vmul.f32 v1, v3  }
0x65: {  	v3 =	vld [tilespmem:s28+$0x9E30]  }
0x66: {  	[tilespmem:s28+$0x4E20] =	vst v1  }
0x67: {  	v1 =	vld [tilespmem:$0xC630]  }
0x68: {  	v2 =	vadd.f32 v2, v4;
	_ =	sdelay $0x1  }
0x69: {  	v2 =	vmul.f32 v2, v3;
	_ =	sdelay $0x1  }
0x6a: {  	v1 =	vadd.f32 v1, v2  }
0x6b: {  	v4 =	vld [tilespmem:s28+$0x4E40]  }
0x6c: {  	v2 =	vld [tilespmem:s28+$0x7640];
	v1 =	vmax.f32 v1, $0.0e+00  }
0x6d: {  	v1 =	vmul.f32 v1, v3  }
0x6e: {  	v3 =	vld [tilespmem:s28+$0x9E40]  }
0x6f: {  	[tilespmem:s28+$0x4E30] =	vst v1  }
0x70: {  	v1 =	vld [tilespmem:$0xC620]  }
0x71: {  	v2 =	vadd.f32 v2, v4;
	_ =	sdelay $0x1  }
0x72: {  	v2 =	vmul.f32 v2, v3;
	_ =	sdelay $0x1  }
0x73: {  	v1 =	vadd.f32 v1, v2  }
0x74: {  	v4 =	vld [tilespmem:s28+$0x4E50]  }
0x75: {  	v2 =	vld [tilespmem:s28+$0x7650];
	v1 =	vmax.f32 v1, $0.0e+00  }
0x76: {  	v1 =	vmul.f32 v1, v3  }
0x77: {  	v3 =	vld [tilespmem:s28+$0x9E50]  }
0x78: {  	[tilespmem:s28+$0x4E40] =	vst v1  }
0x79: {  	v1 =	vld [tilespmem:$0xC630]  }
0x7a: {  	v2 =	vadd.f32 v2, v4;
	_ =	sdelay $0x1  }
0x7b: {  	v2 =	vmul.f32 v2, v3;
	_ =	sdelay $0x1  }
0x7c: {  	v1 =	vadd.f32 v1, v2  }
0x7d: {  	v4 =	vld [tilespmem:s28+$0x4E60]  }
0x7e: {  	v2 =	vld [tilespmem:s28+$0x7660];
	v1 =	vmax.f32 v1, $0.0e+00  }
0x7f: {  	v1 =	vmul.f32 v1, v3  }
0x80: {  	v3 =	vld [tilespmem:s28+$0x9E60]  }
0x81: {  	[tilespmem:s28+$0x4E50] =	vst v1  }
0x82: {  	v1 =	vld [tilespmem:$0xC620]  }
0x83: {  	v2 =	vadd.f32 v2, v4;
	_ =	sdelay $0x1  }
0x84: {  	v2 =	vmul.f32 v2, v3;
	_ =	sdelay $0x1  }
0x85: {  	v1 =	vadd.f32 v1, v2  }
0x86: {  	v4 =	vld [tilespmem:s28+$0x4E70]  }
0x87: {  	v2 =	vld [tilespmem:s28+$0x7670];
	v1 =	vmax.f32 v1, $0.0e+00  }
0x88: {  	v1 =	vmul.f32 v1, v3  }
0x89: {  	v3 =	vld [tilespmem:s28+$0x9E70]  }
0x8a: {  	[tilespmem:s28+$0x4E60] =	vst v1  }
0x8b: {  	v1 =	vld [tilespmem:$0xC630]  }
0x8c: {  	v2 =	vadd.f32 v2, v4;
	_ =	sdelay $0x1  }
0x8d: {  	v2 =	vmul.f32 v2, v3;
	_ =	sdelay $0x1  }
0x8e: {  	v1 =	vadd.f32 v1, v2  }
0x8f: {  	v4 =	vld [tilespmem:s28+$0x4E80]  }
0x90: {  	v2 =	vld [tilespmem:s28+$0x7680];
	v1 =	vmax.f32 v1, $0.0e+00  }
0x91: {  	v1 =	vmul.f32 v1, v3  }
0x92: {  	v3 =	vld [tilespmem:s28+$0x9E80]  }
0x93: {  	[tilespmem:s28+$0x4E70] =	vst v1  }
0x94: {  	v1 =	vld [tilespmem:$0xC620]  }
0x95: {  	v2 =	vadd.f32 v2, v4;
	_ =	sdelay $0x1  }
0x96: {  	v2 =	vmul.f32 v2, v3;
	_ =	sdelay $0x1  }
0x97: {  	v1 =	vadd.f32 v1, v2  }
0x98: {  	v4 =	vld [tilespmem:s28+$0x4E90]  }
0x99: {  	v2 =	vld [tilespmem:s28+$0x7690];
	v1 =	vmax.f32 v1, $0.0e+00  }
0x9a: {  	v3 =	vmul.f32 v1, v3  }
0x9b: {  	v1 =	vld [tilespmem:s28+$0x9E90]  }
0x9c: {  	[tilespmem:s28+$0x4E80] =	vst v3  }
0x9d: {  	v3 =	vld [tilespmem:$0xC630]  }
0x9e: {  	v2 =	vadd.f32 v2, v4;
	_ =	sdelay $0x1  }
0x9f: {  	v2 =	vmul.f32 v2, v1;
	_ =	sdelay $0x1  }
0xa0: {  	s14 =	simm.s32 $0x80;
	v3 =	vadd.f32 v3, v2  }
0xa1: {  	s13 =	simm.s32 $0x400;
	v2 =	vld [tilespmem:s14+$0x7620]  }
.LBB2_2:
0xa2: {  	p0 =	sne.s32 s13, $0x9E00;
	v4 =	vld [tilespmem:s14+$0x4E20];
	v3 =	vmax.f32 v3, $0.0e+00  }
0xa3: {  	v1 =	vmul.f32 v3, v1  }
0xa4: {  	v3 =	vld [tilespmem:s14+$0x9E20]  }
0xa5: {  	[tilespmem:s28+$0x4E90] =	vst v1;
	s28 =	smov.u32 s14  }
0xa6: {  	v1 =	vld [tilespmem:$0xC620]  }
0xa7: {  	v2 =	vadd.f32 v2, v4;
	_ =	sdelay $0x1  }
0xa8: {  	v2 =	vmul.f32 v2, v3;
	_ =	sdelay $0x1  }
0xa9: {  	v1 =	vadd.f32 v1, v2  }
0xaa: {  	v2 =	vld [tilespmem:s28+$0x7630]  }
0xab: {  	v1 =	vmax.f32 v1, $0.0e+00;
	v4 =	vld [tilespmem:s28+$0x4E30]  }
0xac: {  	v1 =	vmul.f32 v1, v3  }
0xad: {  	v3 =	vld [tilespmem:s28+$0x9E30]  }
0xae: {  	[tilespmem:s28+$0x4E20] =	vst v1  }
0xaf: {  	v1 =	vld [tilespmem:$0xC630]  }
0xb0: {  	v2 =	vadd.f32 v2, v4;
	_ =	sdelay $0x1  }
0xb1: {  	v2 =	vmul.f32 v2, v3;
	_ =	sdelay $0x1  }
0xb2: {  	v1 =	vadd.f32 v1, v2  }
0xb3: {  	v2 =	vld [tilespmem:s28+$0x7640]  }
0xb4: {  	v1 =	vmax.f32 v1, $0.0e+00;
	v4 =	vld [tilespmem:s28+$0x4E40]  }
0xb5: {  	v1 =	vmul.f32 v1, v3  }
0xb6: {  	v3 =	vld [tilespmem:s28+$0x9E40]  }
0xb7: {  	[tilespmem:s28+$0x4E30] =	vst v1  }
0xb8: {  	v1 =	vld [tilespmem:$0xC620]  }
0xb9: {  	v2 =	vadd.f32 v2, v4;
	_ =	sdelay $0x1  }
0xba: {  	v2 =	vmul.f32 v2, v3;
	_ =	sdelay $0x1  }
0xbb: {  	v1 =	vadd.f32 v1, v2  }
0xbc: {  	v2 =	vld [tilespmem:s28+$0x7650]  }
0xbd: {  	v1 =	vmax.f32 v1, $0.0e+00;
	v4 =	vld [tilespmem:s28+$0x4E50]  }
0xbe: {  	v1 =	vmul.f32 v1, v3  }
0xbf: {  	v3 =	vld [tilespmem:s28+$0x9E50]  }
0xc0: {  	[tilespmem:s28+$0x4E40] =	vst v1  }
0xc1: {  	v1 =	vld [tilespmem:$0xC630]  }
0xc2: {  	v2 =	vadd.f32 v2, v4;
	_ =	sdelay $0x1  }
0xc3: {  	v2 =	vmul.f32 v2, v3;
	_ =	sdelay $0x1  }
0xc4: {  	v1 =	vadd.f32 v1, v2  }
0xc5: {  	v2 =	vld [tilespmem:s28+$0x7660]  }
0xc6: {  	v1 =	vmax.f32 v1, $0.0e+00;
	v4 =	vld [tilespmem:s28+$0x4E60]  }
0xc7: {  	v1 =	vmul.f32 v1, v3  }
0xc8: {  	v3 =	vld [tilespmem:s28+$0x9E60]  }
0xc9: {  	[tilespmem:s28+$0x4E50] =	vst v1  }
0xca: {  	v1 =	vld [tilespmem:$0xC620]  }
0xcb: {  	v2 =	vadd.f32 v2, v4;
	_ =	sdelay $0x1  }
0xcc: {  	v2 =	vmul.f32 v2, v3;
	_ =	sdelay $0x1  }
0xcd: {  	v1 =	vadd.f32 v1, v2  }
0xce: {  	v2 =	vld [tilespmem:s28+$0x7670]  }
0xcf: {  	v1 =	vmax.f32 v1, $0.0e+00;
	v4 =	vld [tilespmem:s28+$0x4E70]  }
0xd0: {  	v1 =	vmul.f32 v1, v3  }
0xd1: {  	v3 =	vld [tilespmem:s28+$0x9E70]  }
0xd2: {  	[tilespmem:s28+$0x4E60] =	vst v1  }
0xd3: {  	v1 =	vld [tilespmem:$0xC630]  }
0xd4: {  	v2 =	vadd.f32 v2, v4;
	_ =	sdelay $0x1  }
0xd5: {  	v2 =	vmul.f32 v2, v3;
	_ =	sdelay $0x1  }
0xd6: {  	v1 =	vadd.f32 v1, v2  }
0xd7: {  	v2 =	vld [tilespmem:s28+$0x7680]  }
0xd8: {  	v1 =	vmax.f32 v1, $0.0e+00;
	v4 =	vld [tilespmem:s28+$0x4E80]  }
0xd9: {  	v1 =	vmul.f32 v1, v3  }
0xda: {  	v3 =	vld [tilespmem:s28+$0x9E80]  }
0xdb: {  	[tilespmem:s28+$0x4E70] =	vst v1  }
0xdc: {  	v1 =	vld [tilespmem:$0xC620]  }
0xdd: {  	v2 =	vadd.f32 v2, v4;
	_ =	sdelay $0x1  }
0xde: {  	v2 =	vmul.f32 v2, v3;
	_ =	sdelay $0x1  }
0xdf: {  	v1 =	vadd.f32 v1, v2  }
0xe0: {  	v2 =	vld [tilespmem:s28+$0x7690]  }
0xe1: {  	v1 =	vmax.f32 v1, $0.0e+00;
	v4 =	vld [tilespmem:s28+$0x4E90]  }
0xe2: {  	v3 =	vmul.f32 v1, v3  }
0xe3: {  	v1 =	vld [tilespmem:s28+$0x9E90]  }
0xe4: {  	[tilespmem:s28+$0x4E80] =	vst v3  }
0xe5: {  	v3 =	vld [tilespmem:$0xC630]  }
0xe6: {  	v2 =	vadd.f32 v2, v4  }
.Ltmp2:
0xe7: {  	(pc) =	sbr.rel @p0 .LBB2_2-.Ltmp2, $3  }
0xe8: {  	v2 =	vmul.f32 v2, v1;
	_ =	sdelay $0x1  }
0xe9: {  	s14 =	sshra.s32 s13, $0x2;
	v3 =	vadd.f32 v3, v2  }
0xea: {  	s13 =	sadd.s32 $0x200, s13;
	v2 =	vld [tilespmem:s14+$0x7620]  }
0xeb: {  	v4 =	vld [tilespmem:s14+$0x4E20];
	v3 =	vmax.f32 v3, $0.0e+00  }
0xec: {  	v1 =	vmul.f32 v3, v1  }
0xed: {  	v3 =	vld [tilespmem:s14+$0x9E20]  }
0xee: {  	[tilespmem:s28+$0x4E90] =	vst v1  }
0xef: {  	v1 =	vld [tilespmem:$0xC620]  }
0xf0: {  	v2 =	vadd.f32 v2, v4;
	_ =	sdelay $0x1  }
0xf1: {  	v2 =	vmul.f32 v2, v3;
	_ =	sdelay $0x1  }
0xf2: {  	v1 =	vadd.f32 v1, v2  }
0xf3: {  	v4 =	vld [tilespmem:s14+$0x4E30]  }
0xf4: {  	v2 =	vld [tilespmem:s14+$0x7630];
	v1 =	vmax.f32 v1, $0.0e+00  }
0xf5: {  	v1 =	vmul.f32 v1, v3  }
0xf6: {  	v3 =	vld [tilespmem:s14+$0x9E30]  }
0xf7: {  	[tilespmem:s14+$0x4E20] =	vst v1  }
0xf8: {  	v1 =	vld [tilespmem:$0xC630]  }
0xf9: {  	v2 =	vadd.f32 v2, v4;
	_ =	sdelay $0x1  }
0xfa: {  	v2 =	vmul.f32 v2, v3;
	_ =	sdelay $0x1  }
0xfb: {  	v1 =	vadd.f32 v1, v2  }
0xfc: {  	v4 =	vld [tilespmem:s14+$0x4E40]  }
0xfd: {  	v2 =	vld [tilespmem:s14+$0x7640];
	v1 =	vmax.f32 v1, $0.0e+00  }
0xfe: {  	v1 =	vmul.f32 v1, v3  }
0xff: {  	v3 =	vld [tilespmem:s14+$0x9E40]  }
0x100: {  	[tilespmem:s14+$0x4E30] =	vst v1  }
0x101: {  	v1 =	vld [tilespmem:$0xC620]  }
0x102: {  	v2 =	vadd.f32 v2, v4;
	_ =	sdelay $0x1  }
0x103: {  	v2 =	vmul.f32 v2, v3;
	_ =	sdelay $0x1  }
0x104: {  	v1 =	vadd.f32 v1, v2  }
0x105: {  	v4 =	vld [tilespmem:s14+$0x4E50]  }
0x106: {  	v2 =	vld [tilespmem:s14+$0x7650];
	v1 =	vmax.f32 v1, $0.0e+00  }
0x107: {  	v1 =	vmul.f32 v1, v3  }
0x108: {  	v3 =	vld [tilespmem:s14+$0x9E50]  }
0x109: {  	[tilespmem:s14+$0x4E40] =	vst v1  }
0x10a: {  	v1 =	vld [tilespmem:$0xC630]  }
0x10b: {  	v2 =	vadd.f32 v2, v4;
	_ =	sdelay $0x1  }
0x10c: {  	v2 =	vmul.f32 v2, v3;
	_ =	sdelay $0x1  }
0x10d: {  	v1 =	vadd.f32 v1, v2  }
0x10e: {  	v4 =	vld [tilespmem:s14+$0x4E60]  }
0x10f: {  	v2 =	vld [tilespmem:s14+$0x7660];
	v1 =	vmax.f32 v1, $0.0e+00  }
0x110: {  	v1 =	vmul.f32 v1, v3  }
0x111: {  	v3 =	vld [tilespmem:s14+$0x9E60]  }
0x112: {  	[tilespmem:s14+$0x4E50] =	vst v1  }
0x113: {  	v1 =	vld [tilespmem:$0xC620]  }
0x114: {  	v2 =	vadd.f32 v2, v4;
	_ =	sdelay $0x1  }
0x115: {  	v2 =	vmul.f32 v2, v3;
	_ =	sdelay $0x1  }
0x116: {  	v1 =	vadd.f32 v1, v2  }
0x117: {  	v4 =	vld [tilespmem:s14+$0x4E70]  }
0x118: {  	v2 =	vld [tilespmem:s14+$0x7670];
	v1 =	vmax.f32 v1, $0.0e+00  }
0x119: {  	v1 =	vmul.f32 v1, v3  }
0x11a: {  	v3 =	vld [tilespmem:s14+$0x9E70]  }
0x11b: {  	[tilespmem:s14+$0x4E60] =	vst v1  }
0x11c: {  	v1 =	vld [tilespmem:$0xC630]  }
0x11d: {  	v2 =	vadd.f32 v2, v4;
	_ =	sdelay $0x1  }
0x11e: {  	v2 =	vmul.f32 v2, v3;
	_ =	sdelay $0x1  }
0x11f: {  	v1 =	vadd.f32 v1, v2  }
0x120: {  	v4 =	vld [tilespmem:s14+$0x4E80]  }
0x121: {  	v2 =	vld [tilespmem:s14+$0x7680];
	v1 =	vmax.f32 v1, $0.0e+00  }
0x122: {  	v1 =	vmul.f32 v1, v3  }
0x123: {  	v3 =	vld [tilespmem:s14+$0x9E80]  }
0x124: {  	[tilespmem:s14+$0x4E70] =	vst v1  }
0x125: {  	v1 =	vld [tilespmem:$0xC620]  }
0x126: {  	v2 =	vadd.f32 v2, v4;
	_ =	sdelay $0x1  }
0x127: {  	v2 =	vmul.f32 v2, v3;
	_ =	sdelay $0x1  }
0x128: {  	v1 =	vadd.f32 v1, v2  }
0x129: {  	v4 =	vld [tilespmem:s14+$0x4E90]  }
0x12a: {  	v2 =	vld [tilespmem:s14+$0x7690];
	v1 =	vmax.f32 v1, $0.0e+00  }
0x12b: {  	v1 =	vmul.f32 v1, v3  }
0x12c: {  	v3 =	vld [tilespmem:s14+$0x9E90]  }
0x12d: {  	[tilespmem:s14+$0x4E80] =	vst v1  }
0x12e: {  	v1 =	vld [tilespmem:$0xC630]  }
0x12f: {  	v2 =	vadd.f32 v2, v4;
	_ =	sdelay $0x1  }
0x130: {  	v2 =	vmul.f32 v2, v3;
	_ =	sdelay $0x1  }
0x131: {  	v1 =	vadd.f32 v1, v2;
	_ =	sdelay $0x1  }
0x132: {  	v1 =	vmax.f32 v1, $0.0e+00  }
0x133: {  	v1 =	vmul.f32 v1, v3;
	_ =	sdelay $0x1  }
0x134: {  	s13 =	simm.s32 $0x0;
	s11 =	rddreg [dreg:$0x8];
	[tilespmem:s14+$0x4E90] =	vst v1  }
0x135: {  	[hbm4b:s11+s13] =	stream.linear.scatter [tilespmem:s25], [sflag:$0xD], $0x2800, $0x200038;
	[tilespmem:$0x17640] =	vst v63  }
0x136: {  	_ =	swait.ge [sflag:s21], $0x2800  }
0x137: {  	[sflag:s21] =	ssyncset.done $0x0  }
0x138: {  	s15 =	rddreg [dreg:$0x9];
	[sflag:s21] =	ssyncadd.s32 $0xFFFFD800  }
0x139: {  	[tilespmem:s25], [sflag:$0x1] =	stream.strided.gather [hbm4b:s15+s23], $0x2800, s24, s23, $0x200038;
	[tilespmem:$0x17640] =	vst v63  }
0x13a: {  	s18 =	rddreg [dreg:$0xa]  }
0x13b: {  	[tilespmem:s16], [sflag:$0x2] =	stream.strided.gather [hbm4b:s18+s23], $0x2800, s24, s23, $0x200038;
	[tilespmem:$0x17640] =	vst v63  }
0x13c: {  	s19 =	rddreg [dreg:$0xb]  }
0x13d: {  	[tilespmem:s17], [sflag:$0x3] =	stream.strided.gather [hbm4b:s19+s23], $0x2800, s24, s23, $0x200038;
	[tilespmem:$0x17640] =	vst v63  }
0x13e: {  	_ =	swait.ge [sflag:s29], $0x2800  }
0x13f: {  	[sflag:s29] =	ssyncset.done $0x0  }
0x140: {  	[sflag:s29] =	ssyncadd.s32 $0xFFFFD800  }
0x141: {  	_ =	swait.ge [sflag:s30], $0x2800  }
0x142: {  	[sflag:s30] =	ssyncset.done $0x0  }
0x143: {  	[sflag:s30] =	ssyncadd.s32 $0xFFFFD800  }
0x144: {  	_ =	swait.ge [sflag:s31], $0x2800  }
0x145: {  	[sflag:s31] =	ssyncset.done $0x0  }
0x146: {  	s28 =	simm.s32 $0x0;
	[sflag:s31] =	ssyncadd.s32 $0xFFFFD800  }
0x147: {  	v1 =	vld [tilespmem:s28+$0x7620]  }
0x148: {  	v2 =	vld [tilespmem:s28+$0x4E20];
	_ =	sdelay $0x1  }
0x149: {  	v3 =	vld [tilespmem:s28+$0x9E20];
	_ =	sdelay $0x1  }
0x14a: {  	v4 =	vld [tilespmem:$0xC620]  }
0x14b: {  	v1 =	vadd.f32 v1, v2;
	_ =	sdelay $0x1  }
0x14c: {  	v1 =	vmul.f32 v1, v3;
	_ =	sdelay $0x1  }
0x14d: {  	v1 =	vadd.f32 v4, v1  }
0x14e: {  	v2 =	vld [tilespmem:s28+$0x7630]  }
0x14f: {  	v4 =	vld [tilespmem:s28+$0x4E30];
	v1 =	vmax.f32 v1, $0.0e+00  }
0x150: {  	v1 =	vmul.f32 v1, v3  }
0x151: {  	v3 =	vld [tilespmem:s28+$0x9E30]  }
0x152: {  	[tilespmem:s28+$0x4E20] =	vst v1  }
0x153: {  	v1 =	vld [tilespmem:$0xC630]  }
0x154: {  	v2 =	vadd.f32 v2, v4;
	_ =	sdelay $0x1  }
0x155: {  	v2 =	vmul.f32 v2, v3;
	_ =	sdelay $0x1  }
0x156: {  	v1 =	vadd.f32 v1, v2  }
0x157: {  	v4 =	vld [tilespmem:s28+$0x4E40]  }
0x158: {  	v2 =	vld [tilespmem:s28+$0x7640];
	v1 =	vmax.f32 v1, $0.0e+00  }
0x159: {  	v1 =	vmul.f32 v1, v3  }
0x15a: {  	v3 =	vld [tilespmem:s28+$0x9E40]  }
0x15b: {  	[tilespmem:s28+$0x4E30] =	vst v1  }
0x15c: {  	v1 =	vld [tilespmem:$0xC620]  }
0x15d: {  	v2 =	vadd.f32 v2, v4;
	_ =	sdelay $0x1  }
0x15e: {  	v2 =	vmul.f32 v2, v3;
	_ =	sdelay $0x1  }
0x15f: {  	v1 =	vadd.f32 v1, v2  }
0x160: {  	v4 =	vld [tilespmem:s28+$0x4E50]  }
0x161: {  	v2 =	vld [tilespmem:s28+$0x7650];
	v1 =	vmax.f32 v1, $0.0e+00  }
0x162: {  	v1 =	vmul.f32 v1, v3  }
0x163: {  	v3 =	vld [tilespmem:s28+$0x9E50]  }
0x164: {  	[tilespmem:s28+$0x4E40] =	vst v1  }
0x165: {  	v1 =	vld [tilespmem:$0xC630]  }
0x166: {  	v2 =	vadd.f32 v2, v4;
	_ =	sdelay $0x1  }
0x167: {  	v2 =	vmul.f32 v2, v3;
	_ =	sdelay $0x1  }
0x168: {  	v1 =	vadd.f32 v1, v2  }
0x169: {  	v4 =	vld [tilespmem:s28+$0x4E60]  }
0x16a: {  	v2 =	vld [tilespmem:s28+$0x7660];
	v1 =	vmax.f32 v1, $0.0e+00  }
0x16b: {  	v1 =	vmul.f32 v1, v3  }
0x16c: {  	v3 =	vld [tilespmem:s28+$0x9E60]  }
0x16d: {  	[tilespmem:s28+$0x4E50] =	vst v1  }
0x16e: {  	v1 =	vld [tilespmem:$0xC620]  }
0x16f: {  	v2 =	vadd.f32 v2, v4;
	_ =	sdelay $0x1  }
0x170: {  	v2 =	vmul.f32 v2, v3;
	_ =	sdelay $0x1  }
0x171: {  	v1 =	vadd.f32 v1, v2  }
0x172: {  	v4 =	vld [tilespmem:s28+$0x4E70]  }
0x173: {  	v2 =	vld [tilespmem:s28+$0x7670];
	v1 =	vmax.f32 v1, $0.0e+00  }
0x174: {  	v1 =	vmul.f32 v1, v3  }
0x175: {  	v3 =	vld [tilespmem:s28+$0x9E70]  }
0x176: {  	[tilespmem:s28+$0x4E60] =	vst v1  }
0x177: {  	v1 =	vld [tilespmem:$0xC630]  }
0x178: {  	v2 =	vadd.f32 v2, v4;
	_ =	sdelay $0x1  }
0x179: {  	v2 =	vmul.f32 v2, v3;
	_ =	sdelay $0x1  }
0x17a: {  	v1 =	vadd.f32 v1, v2  }
0x17b: {  	v4 =	vld [tilespmem:s28+$0x4E80]  }
0x17c: {  	v2 =	vld [tilespmem:s28+$0x7680];
	v1 =	vmax.f32 v1, $0.0e+00  }
0x17d: {  	v1 =	vmul.f32 v1, v3  }
0x17e: {  	v3 =	vld [tilespmem:s28+$0x9E80]  }
0x17f: {  	[tilespmem:s28+$0x4E70] =	vst v1  }
0x180: {  	v1 =	vld [tilespmem:$0xC620]  }
0x181: {  	v2 =	vadd.f32 v2, v4;
	_ =	sdelay $0x1  }
0x182: {  	v2 =	vmul.f32 v2, v3;
	_ =	sdelay $0x1  }
0x183: {  	v1 =	vadd.f32 v1, v2  }
0x184: {  	v4 =	vld [tilespmem:s28+$0x4E90]  }
0x185: {  	v2 =	vld [tilespmem:s28+$0x7690];
	v1 =	vmax.f32 v1, $0.0e+00  }
0x186: {  	v3 =	vmul.f32 v1, v3  }
0x187: {  	v1 =	vld [tilespmem:s28+$0x9E90]  }
0x188: {  	[tilespmem:s28+$0x4E80] =	vst v3  }
0x189: {  	v3 =	vld [tilespmem:$0xC630]  }
0x18a: {  	v2 =	vadd.f32 v2, v4;
	_ =	sdelay $0x1  }
0x18b: {  	v2 =	vmul.f32 v2, v1;
	_ =	sdelay $0x1  }
0x18c: {  	s14 =	simm.s32 $0x80;
	v3 =	vadd.f32 v3, v2  }
0x18d: {  	s13 =	simm.s32 $0x400;
	v2 =	vld [tilespmem:s14+$0x7620]  }
.LBB2_4:
0x18e: {  	p0 =	sne.s32 s13, $0x9E00;
	v4 =	vld [tilespmem:s14+$0x4E20];
	v3 =	vmax.f32 v3, $0.0e+00  }
0x18f: {  	v1 =	vmul.f32 v3, v1  }
0x190: {  	v3 =	vld [tilespmem:s14+$0x9E20]  }
0x191: {  	[tilespmem:s28+$0x4E90] =	vst v1;
	s28 =	smov.u32 s14  }
0x192: {  	v1 =	vld [tilespmem:$0xC620]  }
0x193: {  	v2 =	vadd.f32 v2, v4;
	_ =	sdelay $0x1  }
0x194: {  	v2 =	vmul.f32 v2, v3;
	_ =	sdelay $0x1  }
0x195: {  	v1 =	vadd.f32 v1, v2  }
0x196: {  	v2 =	vld [tilespmem:s28+$0x7630]  }
0x197: {  	v1 =	vmax.f32 v1, $0.0e+00;
	v4 =	vld [tilespmem:s28+$0x4E30]  }
0x198: {  	v1 =	vmul.f32 v1, v3  }
0x199: {  	v3 =	vld [tilespmem:s28+$0x9E30]  }
0x19a: {  	[tilespmem:s28+$0x4E20] =	vst v1  }
0x19b: {  	v1 =	vld [tilespmem:$0xC630]  }
0x19c: {  	v2 =	vadd.f32 v2, v4;
	_ =	sdelay $0x1  }
0x19d: {  	v2 =	vmul.f32 v2, v3;
	_ =	sdelay $0x1  }
0x19e: {  	v1 =	vadd.f32 v1, v2  }
0x19f: {  	v2 =	vld [tilespmem:s28+$0x7640]  }
0x1a0: {  	v1 =	vmax.f32 v1, $0.0e+00;
	v4 =	vld [tilespmem:s28+$0x4E40]  }
0x1a1: {  	v1 =	vmul.f32 v1, v3  }
0x1a2: {  	v3 =	vld [tilespmem:s28+$0x9E40]  }
0x1a3: {  	[tilespmem:s28+$0x4E30] =	vst v1  }
0x1a4: {  	v1 =	vld [tilespmem:$0xC620]  }
0x1a5: {  	v2 =	vadd.f32 v2, v4;
	_ =	sdelay $0x1  }
0x1a6: {  	v2 =	vmul.f32 v2, v3;
	_ =	sdelay $0x1  }
0x1a7: {  	v1 =	vadd.f32 v1, v2  }
0x1a8: {  	v2 =	vld [tilespmem:s28+$0x7650]  }
0x1a9: {  	v1 =	vmax.f32 v1, $0.0e+00;
	v4 =	vld [tilespmem:s28+$0x4E50]  }
0x1aa: {  	v1 =	vmul.f32 v1, v3  }
0x1ab: {  	v3 =	vld [tilespmem:s28+$0x9E50]  }
0x1ac: {  	[tilespmem:s28+$0x4E40] =	vst v1  }
0x1ad: {  	v1 =	vld [tilespmem:$0xC630]  }
0x1ae: {  	v2 =	vadd.f32 v2, v4;
	_ =	sdelay $0x1  }
0x1af: {  	v2 =	vmul.f32 v2, v3;
	_ =	sdelay $0x1  }
0x1b0: {  	v1 =	vadd.f32 v1, v2  }
0x1b1: {  	v2 =	vld [tilespmem:s28+$0x7660]  }
0x1b2: {  	v1 =	vmax.f32 v1, $0.0e+00;
	v4 =	vld [tilespmem:s28+$0x4E60]  }
0x1b3: {  	v1 =	vmul.f32 v1, v3  }
0x1b4: {  	v3 =	vld [tilespmem:s28+$0x9E60]  }
0x1b5: {  	[tilespmem:s28+$0x4E50] =	vst v1  }
0x1b6: {  	v1 =	vld [tilespmem:$0xC620]  }
0x1b7: {  	v2 =	vadd.f32 v2, v4;
	_ =	sdelay $0x1  }
0x1b8: {  	v2 =	vmul.f32 v2, v3;
	_ =	sdelay $0x1  }
0x1b9: {  	v1 =	vadd.f32 v1, v2  }
0x1ba: {  	v2 =	vld [tilespmem:s28+$0x7670]  }
0x1bb: {  	v1 =	vmax.f32 v1, $0.0e+00;
	v4 =	vld [tilespmem:s28+$0x4E70]  }
0x1bc: {  	v1 =	vmul.f32 v1, v3  }
0x1bd: {  	v3 =	vld [tilespmem:s28+$0x9E70]  }
0x1be: {  	[tilespmem:s28+$0x4E60] =	vst v1  }
0x1bf: {  	v1 =	vld [tilespmem:$0xC630]  }
0x1c0: {  	v2 =	vadd.f32 v2, v4;
	_ =	sdelay $0x1  }
0x1c1: {  	v2 =	vmul.f32 v2, v3;
	_ =	sdelay $0x1  }
0x1c2: {  	v1 =	vadd.f32 v1, v2  }
0x1c3: {  	v2 =	vld [tilespmem:s28+$0x7680]  }
0x1c4: {  	v1 =	vmax.f32 v1, $0.0e+00;
	v4 =	vld [tilespmem:s28+$0x4E80]  }
0x1c5: {  	v1 =	vmul.f32 v1, v3  }
0x1c6: {  	v3 =	vld [tilespmem:s28+$0x9E80]  }
0x1c7: {  	[tilespmem:s28+$0x4E70] =	vst v1  }
0x1c8: {  	v1 =	vld [tilespmem:$0xC620]  }
0x1c9: {  	v2 =	vadd.f32 v2, v4;
	_ =	sdelay $0x1  }
0x1ca: {  	v2 =	vmul.f32 v2, v3;
	_ =	sdelay $0x1  }
0x1cb: {  	v1 =	vadd.f32 v1, v2  }
0x1cc: {  	v2 =	vld [tilespmem:s28+$0x7690]  }
0x1cd: {  	v1 =	vmax.f32 v1, $0.0e+00;
	v4 =	vld [tilespmem:s28+$0x4E90]  }
0x1ce: {  	v3 =	vmul.f32 v1, v3  }
0x1cf: {  	v1 =	vld [tilespmem:s28+$0x9E90]  }
0x1d0: {  	[tilespmem:s28+$0x4E80] =	vst v3  }
0x1d1: {  	v3 =	vld [tilespmem:$0xC630]  }
0x1d2: {  	v2 =	vadd.f32 v2, v4  }
.Ltmp3:
0x1d3: {  	(pc) =	sbr.rel @p0 .LBB2_4-.Ltmp3, $3  }
0x1d4: {  	v2 =	vmul.f32 v2, v1;
	_ =	sdelay $0x1  }
0x1d5: {  	s14 =	sshra.s32 s13, $0x2;
	v3 =	vadd.f32 v3, v2  }
0x1d6: {  	s13 =	sadd.s32 $0x200, s13;
	v2 =	vld [tilespmem:s14+$0x7620]  }
0x1d7: {  	v4 =	vld [tilespmem:s14+$0x4E20];
	v3 =	vmax.f32 v3, $0.0e+00  }
0x1d8: {  	v1 =	vmul.f32 v3, v1  }
0x1d9: {  	v3 =	vld [tilespmem:s14+$0x9E20]  }
0x1da: {  	[tilespmem:s28+$0x4E90] =	vst v1  }
0x1db: {  	v1 =	vld [tilespmem:$0xC620]  }
0x1dc: {  	v2 =	vadd.f32 v2, v4;
	_ =	sdelay $0x1  }
0x1dd: {  	v2 =	vmul.f32 v2, v3;
	_ =	sdelay $0x1  }
0x1de: {  	v1 =	vadd.f32 v1, v2  }
0x1df: {  	v4 =	vld [tilespmem:s14+$0x4E30]  }
0x1e0: {  	v2 =	vld [tilespmem:s14+$0x7630];
	v1 =	vmax.f32 v1, $0.0e+00  }
0x1e1: {  	v1 =	vmul.f32 v1, v3  }
0x1e2: {  	v3 =	vld [tilespmem:s14+$0x9E30]  }
0x1e3: {  	[tilespmem:s14+$0x4E20] =	vst v1  }
0x1e4: {  	v1 =	vld [tilespmem:$0xC630]  }
0x1e5: {  	v2 =	vadd.f32 v2, v4;
	_ =	sdelay $0x1  }
0x1e6: {  	v2 =	vmul.f32 v2, v3;
	_ =	sdelay $0x1  }
0x1e7: {  	v1 =	vadd.f32 v1, v2  }
0x1e8: {  	v4 =	vld [tilespmem:s14+$0x4E40]  }
0x1e9: {  	v2 =	vld [tilespmem:s14+$0x7640];
	v1 =	vmax.f32 v1, $0.0e+00  }
0x1ea: {  	v1 =	vmul.f32 v1, v3  }
0x1eb: {  	v3 =	vld [tilespmem:s14+$0x9E40]  }
0x1ec: {  	[tilespmem:s14+$0x4E30] =	vst v1  }
0x1ed: {  	v1 =	vld [tilespmem:$0xC620]  }
0x1ee: {  	v2 =	vadd.f32 v2, v4;
	_ =	sdelay $0x1  }
0x1ef: {  	v2 =	vmul.f32 v2, v3;
	_ =	sdelay $0x1  }
0x1f0: {  	v1 =	vadd.f32 v1, v2  }
0x1f1: {  	v4 =	vld [tilespmem:s14+$0x4E50]  }
0x1f2: {  	v2 =	vld [tilespmem:s14+$0x7650];
	v1 =	vmax.f32 v1, $0.0e+00  }
0x1f3: {  	v1 =	vmul.f32 v1, v3  }
0x1f4: {  	v3 =	vld [tilespmem:s14+$0x9E50]  }
0x1f5: {  	[tilespmem:s14+$0x4E40] =	vst v1  }
0x1f6: {  	v1 =	vld [tilespmem:$0xC630]  }
0x1f7: {  	v2 =	vadd.f32 v2, v4;
	_ =	sdelay $0x1  }
0x1f8: {  	v2 =	vmul.f32 v2, v3;
	_ =	sdelay $0x1  }
0x1f9: {  	v1 =	vadd.f32 v1, v2  }
0x1fa: {  	v4 =	vld [tilespmem:s14+$0x4E60]  }
0x1fb: {  	v2 =	vld [tilespmem:s14+$0x7660];
	v1 =	vmax.f32 v1, $0.0e+00  }
0x1fc: {  	v1 =	vmul.f32 v1, v3  }
0x1fd: {  	v3 =	vld [tilespmem:s14+$0x9E60]  }
0x1fe: {  	[tilespmem:s14+$0x4E50] =	vst v1  }
0x1ff: {  	v1 =	vld [tilespmem:$0xC620]  }
0x200: {  	v2 =	vadd.f32 v2, v4;
	_ =	sdelay $0x1  }
0x201: {  	v2 =	vmul.f32 v2, v3;
	_ =	sdelay $0x1  }
0x202: {  	v1 =	vadd.f32 v1, v2  }
0x203: {  	v4 =	vld [tilespmem:s14+$0x4E70]  }
0x204: {  	v2 =	vld [tilespmem:s14+$0x7670];
	v1 =	vmax.f32 v1, $0.0e+00  }
0x205: {  	v1 =	vmul.f32 v1, v3  }
0x206: {  	v3 =	vld [tilespmem:s14+$0x9E70]  }
0x207: {  	[tilespmem:s14+$0x4E60] =	vst v1  }
0x208: {  	v1 =	vld [tilespmem:$0xC630]  }
0x209: {  	v2 =	vadd.f32 v2, v4;
	_ =	sdelay $0x1  }
0x20a: {  	v2 =	vmul.f32 v2, v3;
	_ =	sdelay $0x1  }
0x20b: {  	v1 =	vadd.f32 v1, v2  }
0x20c: {  	v4 =	vld [tilespmem:s14+$0x4E80]  }
0x20d: {  	v2 =	vld [tilespmem:s14+$0x7680];
	v1 =	vmax.f32 v1, $0.0e+00  }
0x20e: {  	v1 =	vmul.f32 v1, v3  }
0x20f: {  	v3 =	vld [tilespmem:s14+$0x9E80]  }
0x210: {  	[tilespmem:s14+$0x4E70] =	vst v1  }
0x211: {  	v1 =	vld [tilespmem:$0xC620]  }
0x212: {  	v2 =	vadd.f32 v2, v4;
	_ =	sdelay $0x1  }
0x213: {  	v2 =	vmul.f32 v2, v3;
	_ =	sdelay $0x1  }
0x214: {  	v1 =	vadd.f32 v1, v2  }
0x215: {  	v4 =	vld [tilespmem:s14+$0x4E90]  }
0x216: {  	v2 =	vld [tilespmem:s14+$0x7690];
	v1 =	vmax.f32 v1, $0.0e+00  }
0x217: {  	v1 =	vmul.f32 v1, v3  }
0x218: {  	v3 =	vld [tilespmem:s14+$0x9E90]  }
0x219: {  	[tilespmem:s14+$0x4E80] =	vst v1  }
0x21a: {  	v1 =	vld [tilespmem:$0xC630]  }
0x21b: {  	v2 =	vadd.f32 v2, v4;
	_ =	sdelay $0x1  }
0x21c: {  	v2 =	vmul.f32 v2, v3;
	_ =	sdelay $0x1  }
0x21d: {  	v1 =	vadd.f32 v1, v2;
	_ =	sdelay $0x1  }
0x21e: {  	v1 =	vmax.f32 v1, $0.0e+00  }
0x21f: {  	v1 =	vmul.f32 v1, v3;
	_ =	sdelay $0x1  }
0x220: {  	s13 =	simm.s32 $0x0;
	s11 =	rddreg [dreg:$0xc];
	[tilespmem:s14+$0x4E90] =	vst v1  }
0x221: {  	[hbm4b:s11+s13] =	stream.linear.scatter [tilespmem:s25], [sflag:$0xD], $0x2800, $0x200038;
	[tilespmem:$0x17640] =	vst v63  }
0x222: {  	_ =	swait.ge [sflag:s21], $0x2800  }
0x223: {  	[sflag:s21] =	ssyncset.done $0x0  }
0x224: {  	[sflag:s21] =	ssyncadd.s32 $0xFFFFD800  }
0x225: {  	s16 =	stileid.u32;
	_ =	strace $0x90000050  }
0x226: {  	s17 =	sshll.u32 s16, $0x6;
	s18 =	rddreg [dreg:$0xd]  }
0x227: {  	s13 =	sor.u32 $0x1C0D, s17;
	s19 =	rddreg [dreg:$0xe];
	s28 =	sshrl.u32 s18, $0x3  }
0x228: {  	[spmem:s28], [sflag:s13] =	dma.local [hbm:s19], $0xA00  }
0x229: {  	_ =	swait.ge [sflag:s21], $0xA00  }
0x22a: {  	[sflag:s21] =	ssyncset.done $0x0  }
0x22b: {  	[sflag:s21] =	ssyncadd.s32 $0xFFFFF600  }
0x22c: {  	_ =	swait.ge [sflag:s1], $0x2710  }
0x22d: {  	[sflag:s1] =	ssyncset.done $0x0  }
0x22e: {  	[sflag:s1] =	ssyncadd.s32 $0xFFFFD8F0  }
0x22f: {  	_ =	swait.ge [sflag:s2], $0x2710  }
0x230: {  	[sflag:s2] =	ssyncset.done $0x0  }
0x231: {  	s14 =	simm.s32 $0x0;
	[sflag:s2] =	ssyncadd.s32 $0xFFFFD8F0  }
0x232: {  	v4 =	vld [tilespmem:s14+$0x0]  }
0x233: {  	v3 =	vld [tilespmem:s14+$0x10]  }
0x234: {  	v2 =	vld [tilespmem:s14+$0x20]  }
0x235: {  	s15 =	simm.s32 $0x140;
	v1 =	vld [tilespmem:s14+$0x30]  }
.LBB2_6:
0x236: {  	p0 =	sne.s32 s15, $0x9B00;
	v5 =	vld [tilespmem:s14+$0x40]  }
0x237: {  	v4 =	vadd.s32 v0, v4  }
.Ltmp4:
0x238: {  	s16 =	sshra.s32 s15, $0x2;
	[tilespmem:s14+$0x0] =	vst v4;
	v3 =	vadd.s32 v0, v3;
	(pc) =	sbr.rel @p0 .LBB2_6-.Ltmp4, $4  }
0x239: {  	v4 =	vld [tilespmem:s16+$0x0];
	[tilespmem:s14+$0x10] =	vst v3;
	v2 =	vadd.s32 v0, v2  }
0x23a: {  	v3 =	vld [tilespmem:s16+$0x10];
	[tilespmem:s14+$0x20] =	vst v2;
	v1 =	vadd.s32 v0, v1  }
0x23b: {  	v2 =	vld [tilespmem:s16+$0x20];
	[tilespmem:s14+$0x30] =	vst v1;
	v5 =	vadd.s32 v0, v5  }
0x23c: {  	s15 =	sadd.s32 $0x140, s15;
	v1 =	vld [tilespmem:s16+$0x30];
	[tilespmem:s14+$0x40] =	vst v5;
	s14 =	smov.u32 s16  }
0x23d: {  	v5 =	vld [tilespmem:s14+$0x40]  }
0x23e: {  	v4 =	vadd.s32 v0, v4  }
0x23f: {  	[tilespmem:s14+$0x0] =	vst v4;
	v3 =	vadd.s32 v0, v3  }
0x240: {  	[tilespmem:s14+$0x10] =	vst v3;
	v2 =	vadd.s32 v0, v2  }
0x241: {  	[tilespmem:s14+$0x20] =	vst v2;
	v1 =	vadd.s32 v0, v1  }
0x242: {  	[tilespmem:s14+$0x30] =	vst v1;
	v1 =	vadd.s32 v0, v5  }
0x243: {  	[tilespmem:s14+$0x40] =	vst v1  }
0x244: {  	[bflag:$0x0] =	sbarrier.arrive $0xFFFF  }
0x245: {  	_ =	strace $0x80000051  }
0x246: {  	[tilespmem:s20], [sflag:$0x1] =	stream.indirect.gather [hbm4b:s5+s24], $0x20, s4, s24, $0x2000b8;
	[tilespmem:$0x17640] =	vst v63  }
0x247: {  	s11 =	simm.s32 $0xD640  }
0x248: {  	[tilespmem:s11], [sflag:$0x2] =	stream.indirect.gather [hbm4b:s5+s24], $0x20, s24, s24, $0x2000b8;
	[tilespmem:$0x17640] =	vst v63  }
0x249: {  	s15 =	simm.s32 $0xE640;
	s14 =	simm.s32 $0x100  }
0x24a: {  	[tilespmem:s15], [sflag:$0x3] =	stream.indirect.gather [hbm4b:s5+s24], $0x20, s14, s24, $0x2000b8;
	[tilespmem:$0x17640] =	vst v63  }
.Ltmp5:
0x24b: {  	s16 =	simm.s32 $0x180;
	(pc) =	sbr.rel .LBB2_8-.Ltmp5, $4  }
0x24c: {  	s17 =	simm.s32 $0xF640;
	s18 =	simm.s32 $0x200;
	s19 =	simm.s32 $0x10640  }
0x24d: {  	[tilespmem:s17], [sflag:$0x4] =	stream.indirect.gather [hbm4b:s5+s24], $0x20, s16, s24, $0x2000b8;
	[tilespmem:$0x17640] =	vst v63  }
0x24e: {  	s14 =	simm.s32 $0x280;
	s15 =	simm.s32 $0x2710;
	s16 =	simm.s32 $0xFFFFFFFF  }
0x24f: {  	[tilespmem:s19], [sflag:$0x5] =	stream.indirect.gather [hbm4b:s5+s24], $0x20, s18, s24, $0x2000b8;
	[tilespmem:$0x17640] =	vst v63  }
.LBB2_9:
0x250: {  	s11 =	sadd.s32 $0x7, s17  }
0x251: {  	_ =	swait.ge [sflag:s11], $0x1000  }
0x252: {  	[sflag:s11] =	ssyncset.done $0x0  }
0x253: {  	[sflag:s11] =	ssyncadd.s32 $0xFFFFF000  }
.LBB2_11:
0x254: {  	s11 =	sshll.u32 s17, $0xC  }
0x255: {  	s19 =	sadd.s32 $0x1, s17;
	s11 =	sadd.s32 $0xC640, s11  }
0x256: {  	[tilespmem:s11], [sflag:s19] =	stream.indirect.gather [hbm4b:s5+s24], $0x20, s14, s24, $0x2000b8;
	[tilespmem:$0x17640] =	vst v63  }
.LBB2_12:
0x257: {  	p0 =	sne.s32 s16, $0x4D  }
.Ltmp6:
0x258: {  	_ = 	snop;
	(pc) =	sbr.rel @!p0 .LBB2_13-.Ltmp6, $2  }
0x259: {  	_ =	sdelay $0x2  }
0x25a: {  	s14 =	sadd.s32 $0x80, s14;
	s15 =	sadd.s32 $0x80, s15  }
.LBB2_8:
0x25b: {  	s18 =	smul.u32 $0xAB, s16;
	_ =	sdelay $0x1  }
0x25c: {  	s17 =	smov.u32 s16;
	s16 =	sadd.s32 $0xAB, s18  }
0x25d: {  	s16 =	sshrl.u32 s16, $0xA  }
0x25e: {  	s16 =	sand.u32 $0x3F, s16  }
0x25f: {  	s19 =	smul.u32 $0x6, s16  }
0x260: {  	s16 =	sadd.s32 $0x1, s17  }
0x261: {  	s19 =	ssub.s32 s16, s19  }
0x262: {  	s19 =	sand.u32 $0xFF, s19  }
0x263: {  	s18 =	sadd.s32 $0x402, s18;
	s11 =	sadd.s32 $0x1, s19  }
0x264: {  	s18 =	sshrl.u32 s18, $0xA;
	_ =	swait.ge [sflag:s11], $0x1000  }
0x265: {  	p0 =	sgt.u32 s17, $0x47;
	s18 =	sand.u32 $0x3F, s18;
	[sflag:s11] =	ssyncset.done $0x0  }
0x266: {  	s18 =	smul.u32 $0x6, s18;
	[sflag:s11] =	ssyncadd.s32 $0xFFFFF000;
	s11 =	sshll.u32 s19, $0xC  }
.Ltmp7:
0x267: {  	s19 =	sadd.s32 $0x7, s19;
	s11 =	sadd.s32 $0xC640, s11;
	(pc) =	sbr.rel @!p0 .LBB2_9-.Ltmp7, $4  }
0x268: {  	[spmem:s3] =	stream.indirect.scatter.add.f32 [tilespmem:s11], [sflag:s19], $0x20, s15, s24, $0x2000b8;
	[tilespmem:$0x17640] =	vst v63  }
0x269: {  	s19 =	ssub.s32 s17, s18  }
0x26a: {  	s11 =	sadd.s32 $0x6, s19  }
0x26b: {  	s17 =	sand.u32 $0xFF, s11  }
0x26c: {  	p0 =	sgt.u32 s16, $0x48  }
.Ltmp8:
0x26d: {  	_ = 	snop;
	(pc) =	sbr.rel @p0 .LBB2_12-.Ltmp8, $4  }
.Ltmp9:
0x26e: {  	_ = 	snop;
	(pc) =	sbr.rel @!p0 .LBB2_11-.Ltmp9, $4  }
0x26f: {  	_ = 	snop  }
0x270: {  	_ = 	snop  }
0x271: {  	_ = 	snop  }
0x272: {  	_ = 	snop  }
.LBB2_14:
0x273: {  	_ =	sfence.sel $0x180000  }
0x274: {  	[bflag:$0x0] =	sbarrier.arrive $0xFFFF  }
0x275: {  	_ =	strace $0x9000004F  }
0x276: {  	s0 =	stileid.u32;
	[bflag:$0x2] =	sbarrier.arrive $0xFFFF  }
0x277: {  	p0 =	sne.s32 s0, $0x0;
	s0 =	rddreg [dreg:$0x3]  }
0x278: {  	s0 =	sadd.s32 @!p0 $0x100000, s0  }
0x279: {  	[sflag:s0] =	ssyncadd.tile.s32 @!p0 $0x1;
	_ =	shalt  }
.Lfunc_end2:
_tile_overlayer_lowered:
.L_overlay_start_2:
0x27a: {  	(tag) =	ssettag $0x2  }
0x27b: {  	s0 =	rddreg [dreg:$0x0];
	s2 =	stileid.u32  }
0x27c: {  	s1 =	rddreg [dreg:$0x1];
	p0 =	sne.s32 s2, $0x0  }
0x27d: {  	s3 =	rddreg [dreg:$0x2];
	[bflag:$0x3] =	sbarrier.arrive $0xFFFF;
	s2 =	simm.s32 @!p0 $0x1C0D  }
0x27e: {  	[timem:s3], [sflag:s2] =	dma.local @!p0 [hbm:s0], s1  }
0x27f: {  	s0 =	simm.s32 @!p0 $0xD  }
0x280: {  	_ =	swait.ge @!p0 [sflag:s0], s1  }
0x281: {  	s1 =	ssub.s32 @!p0 $0x0, s1;
	[sflag:s0] =	ssyncset.done @!p0 $0x0  }
0x282: {  	[sflag:s0] =	ssyncadd.s32 @!p0 s1  }
0x283: {  	[bflag:$0x3] =	sbarrier.arrive $0xFFFF  }
0x284: {  	_ =	shalt  }

</sc_bundles>
